<compile_context>
chip_gen: v7x
topology: tpu7x:2x2x1
jax: 0.10.2.dev20260603
libtpu: 0.0.44.dev20260713+nightly
codegen_flags: <defaults>
</compile_context>

<pallas_src>
import functools

import jax
import jax.numpy as jnp
from jax import lax
from jax.experimental import pallas as pl
from jax.experimental.pallas import tpu as pltpu
from jax.experimental.pallas import tpu_sc as plsc

N = 10000
E = 320000
D = 128
NC = 2
NS = 16
NW = NC * NS
EPW = E // NW
K = 80
NBLK = EPW // K
NBUF = 3
W = 25
WK = W * K
NCHUNK = NBLK // W
CP = 624
REM = N - CP * NS

_mesh = plsc.VectorSubcoreMesh(core_axis_name="c", subcore_axis_name="s")
_sc_params = pltpu.CompilerParams(needs_layout_passes=False)



def _hist_body(col_hbm, hist_out, col_v, hist_v):
    c = lax.axis_index("c")
    s = lax.axis_index("s")
    wid = c * NS + s
    pltpu.sync_copy(col_hbm.at[wid], col_v)

    def zero(i, carry):
        hist_v[pl.ds(pl.multiple_of(i * 16, 16), 16)] = jnp.zeros(
            (16,), jnp.float32)
        return carry
    lax.fori_loop(0, N // 16, zero, 0)

    ones = jnp.ones((16,), jnp.float32)

    def body(i, carry):
        cv = col_v[pl.ds(pl.multiple_of(i * 16, 16), 16)]
        plsc.addupdate_scatter(hist_v, [cv], ones)
        return carry
    lax.fori_loop(0, EPW // 16, body, 0)
    pltpu.sync_copy(hist_v, hist_out.at[wid])


_hist_kernel = functools.partial(
    pl.kernel,
    out_type=jax.ShapeDtypeStruct((NW, N), jnp.float32),
    mesh=_mesh,
    compiler_params=_sc_params,
    scratch_types=[
        pltpu.VMEM((EPW,), jnp.int32),
        pltpu.VMEM((N,), jnp.float32),
    ],
)(_hist_body)



def _enc_body(x_ref, w_ref, b_ref, hist_ref, hs_ref, dis_ref):
    deg = jnp.sum(hist_ref[...], axis=0) + 1.0
    dis = deg ** -0.5
    h = lax.dot_general(x_ref[...], w_ref[...],
                        (((1,), (1,)), ((), ())),
                        precision=lax.Precision.HIGHEST,
                        preferred_element_type=jnp.float32)
    h = jnp.maximum(h + b_ref[...], 0.0)
    hs_ref[...] = h * dis[:, None]
    dis_ref[...] = dis[:, None]


def _enc(x, w, b, hist):
    return pl.pallas_call(
        _enc_body,
        out_shape=(jax.ShapeDtypeStruct((N, D), jnp.float32),
                   jax.ShapeDtypeStruct((N, 1), jnp.float32)),
    )(x, w, b, hist)



def _scat_body(hs_hbm, idx_hbm, zero_hbm, out_hbm,
               idx_v, rows_v, acc, gsems, ssems, isem):
    c = lax.axis_index("c")
    s = lax.axis_index("s")
    wid = c * NS + s
    base = s * CP
    pltpu.sync_copy(zero_hbm, rows_v.at[NBUF - 1])

    def _chunk_fire(ch, sync=False):
        r = (wid * NCHUNK + ch) * 2
        p = (ch % 2) * 2
        if sync:
            pltpu.sync_copy(idx_hbm.at[r], idx_v.at[p])
            pltpu.sync_copy(idx_hbm.at[r + 1], idx_v.at[p + 1])
        else:
            pltpu.async_copy(idx_hbm.at[r], idx_v.at[p], isem)
            pltpu.async_copy(idx_hbm.at[r + 1], idx_v.at[p + 1], isem)

    def _chunk_wait(ch):
        r = (wid * NCHUNK + ch) * 2
        p = (ch % 2) * 2
        pltpu.make_async_copy(idx_hbm.at[r], idx_v.at[p], isem).wait()
        pltpu.make_async_copy(idx_hbm.at[r + 1], idx_v.at[p + 1], isem).wait()

    _chunk_fire(0, sync=True)
    _chunk_fire(1)

    def _rowidx(j):
        return idx_v.at[((j // W) % 2) * 2, j % W]

    def _colidx(j):
        return idx_v.at[((j // W) % 2) * 2 + 1, j % W]

    def _gfire(j, b):
        pltpu.async_copy(hs_hbm.at[_rowidx(j)], rows_v.at[b], gsems.at[b])

    def _gwait(j, b):
        pltpu.make_async_copy(hs_hbm.at[_rowidx(j)], rows_v.at[b],
                              gsems.at[b]).wait()

    def _sfire(j, b):
        pltpu.async_copy(rows_v.at[b], acc.at[_colidx(j)], ssems.at[b],
                         add=True)

    def _swait(j, b):
        pltpu.make_async_copy(rows_v.at[b], acc.at[_colidx(j)],
                              ssems.at[b]).wait()

    def _visit(j, b):
        _gwait(j, b)
        _sfire(j, b)
        bp = (b + NBUF - 1) % NBUF

        @pl.when(j >= 1)
        def _():
            _swait(j - 1, bp)

        jf = j + NBUF - 1

        @pl.when(jnp.logical_and(jf % W == 0, jf < NBLK))
        def _():
            _chunk_wait(jf // W)

        @pl.when(jf < NBLK)
        def _():
            _gfire(jf, bp)

        @pl.when(jnp.logical_and(
            j % W == 1,
            jnp.logical_and(j // W >= 1, j // W <= NCHUNK - 2)))
        def _():
            _chunk_fire(j // W + 1)

    for b in range(NBUF - 1):
        _gfire(b, b)
    nz = CP // K
    rz = CP - nz * K

    def _zbody(i, carry):
        pltpu.sync_copy(rows_v.at[NBUF - 1],
                        acc.at[pl.ds(base + i * K, K)])
        return carry
    lax.fori_loop(0, nz, _zbody, 0)
    pltpu.sync_copy(rows_v.at[NBUF - 1, pl.ds(0, rz)],
                    acc.at[pl.ds(base + nz * K, rz)])

    @pl.when(s == 0)
    def _():
        pltpu.sync_copy(rows_v.at[NBUF - 1, pl.ds(0, REM)],
                        acc.at[pl.ds(CP * NS, REM)])
    plsc.subcore_barrier()

    def group(g, carry):
        for b in range(NBUF):
            _visit(g * NBUF + b, b)
        return carry
    nfull = (NBLK // NBUF) * NBUF
    lax.fori_loop(0, NBLK // NBUF, group, 0)
    for jt in range(nfull, NBLK):
        _visit(jnp.int32(jt), jt % NBUF)
    _swait(jnp.int32(NBLK - 1), (NBLK - 1) % NBUF)

    plsc.subcore_barrier()
    pltpu.sync_copy(acc.at[pl.ds(base, CP)],
                    out_hbm.at[c, pl.ds(base, CP)])

    @pl.when(s == 0)
    def _():
        pltpu.sync_copy(acc.at[pl.ds(CP * NS, REM)],
                        out_hbm.at[c, pl.ds(CP * NS, REM)])


_scat_kernel = functools.partial(
    pl.kernel,
    out_type=jax.ShapeDtypeStruct((NC, N, D), jnp.float32),
    mesh=_mesh,
    compiler_params=_sc_params,
    scratch_types=[
        pltpu.VMEM((4, W, K), jnp.int32),
        pltpu.VMEM((NBUF, K, D), jnp.float32),
        pltpu.VMEM_SHARED((N, D), jnp.float32),
        pltpu.SemaphoreType.DMA((NBUF,)),
        pltpu.SemaphoreType.DMA((NBUF,)),
        pltpu.SemaphoreType.DMA,
    ],
)(_scat_body)



def _dec_body(p_ref, hs_ref, dis_ref, gb_ref, w_ref, b_ref, y_ref):
    m = (p_ref[0] + p_ref[1] + hs_ref[...]) * dis_ref[...] + gb_ref[...]
    y = lax.dot_general(m, w_ref[...], (((1,), (1,)), ((), ())),
                        precision=lax.Precision.HIGHEST,
                        preferred_element_type=jnp.float32)
    y_ref[...] = jax.nn.sigmoid(y + b_ref[...])


def _dec(p, hs, dis, gb, w, b):
    return pl.pallas_call(
        _dec_body,
        out_shape=jax.ShapeDtypeStruct((N, D), jnp.float32),
    )(p, hs, dis, gb, w, b)



def kernel(x, edge_index, W_enc, b_enc, W_dec, b_dec, gcn_bias):
    row = edge_index[0]
    col = edge_index[1]
    col_flat = col.reshape(NW, EPW)
    idx3 = jnp.concatenate(
        [row.reshape(NW, NCHUNK, 1, W, K), col.reshape(NW, NCHUNK, 1, W, K)],
        axis=2).reshape(NW * NCHUNK * 2, W, K)

    hist = _hist_kernel(col_flat)
    hs, dis = _enc(x, W_enc, b_enc.reshape(1, D), hist)
    partials = _scat_kernel(hs, idx3, jnp.zeros((K, D), jnp.float32))
    return _dec(partials, hs, dis, gcn_bias.reshape(1, D), W_dec,
                b_dec.reshape(1, D))

# --- scband reference (transcript-rebuilt; emitter-appended) ---
"""Pipeline reference for scband-autoencoder-36464272343198 (READ-ONLY COPY).

The authoritative reference and input builder live on the scoring server;
editing this copy changes nothing except your own understanding.
"""

import jax, jax.numpy as jnp
import numpy as np

N = 10000
E = 320000
D = 128  # input_size == hidden_size1


def setup_inputs(seed: int = 0) -> dict:
    key = jax.random.key(seed)
    ks = jax.random.split(key, 8)
    x = jax.random.normal(ks[0], (N, D), dtype=jnp.float32)
    edge_index = jax.random.randint(ks[1], (2, E), 0, N, dtype=jnp.int32)
    # encoder Linear(input_size, hidden_size1)
    W_enc = jax.random.normal(ks[2], (D, D), dtype=jnp.float32) * (1.0 / np.sqrt(D))
    b_enc = jax.random.normal(ks[3], (D,), dtype=jnp.float32) * 0.01
    # decoder Linear(hidden_size1, input_size)
    W_dec = jax.random.normal(ks[4], (D, D), dtype=jnp.float32) * (1.0 / np.sqrt(D))
    b_dec = jax.random.normal(ks[5], (D,), dtype=jnp.float32) * 0.01
    # GCNConv: lin weight frozen to identity; bias reset to zero
    gcn_bias = jnp.zeros((D,), dtype=jnp.float32)
    return {"x": x, "edge_index": edge_index, "W_enc": W_enc, "b_enc": b_enc,
            "W_dec": W_dec, "b_dec": b_dec, "gcn_bias": gcn_bias}


def _gcn(h, edge_index, gcn_bias):
    n = h.shape[0]
    loops = jnp.arange(n, dtype=edge_index.dtype)
    ei = jnp.concatenate([edge_index, jnp.stack([loops, loops], axis=0)], axis=1)
    # lin with frozen identity weight (no-op mathematically, kept faithful)
    h = h @ jnp.eye(D, dtype=h.dtype)
    row, col = ei[0], ei[1]
    deg = jax.ops.segment_sum(jnp.ones(ei.shape[1], dtype=h.dtype), col, num_segments=n)
    deg_inv_sqrt = jnp.where(deg > 0, deg ** (-0.5), 0.0)
    norm = deg_inv_sqrt[row] * deg_inv_sqrt[col]
    msgs = norm[:, None] * h[row]
    out = jax.ops.segment_sum(msgs, col, num_segments=n)
    return out + gcn_bias


def reference(x, edge_index, W_enc, b_enc, W_dec, b_dec, gcn_bias):
    encoded = jax.nn.relu(x @ W_enc.T + b_enc)
    messaged = _gcn(encoded, edge_index, gcn_bias)
    decoded = jax.nn.sigmoid(messaged @ W_dec.T + b_dec)
    return decoded

if __name__ == "__main__":
    import jax
    _d = setup_inputs()
    print(jax.jit(kernel)(*tuple(_d.values())))

</pallas_src>

<mosaic_0001>
#map = affine_map<(d0, d1) -> (0, 0)>
module attributes {stable_mosaic.version = 14 : i64} {
  func.func @_hist_body(%arg0: i32, %arg1: i32, %arg2: memref<32x10000xi32, #tpu.memory_space<hbm>>, %arg3: memref<32x10000xf32, #tpu.memory_space<hbm>>, %arg4: memref<10000xi32, #tpu.memory_space<vmem>>, %arg5: memref<10000xf32, #tpu.memory_space<vmem>>) attributes {dimension_semantics = [#tpu.dimension_semantics<core_parallel>, #tpu.dimension_semantics<subcore_parallel>], iteration_bounds = array<i64: 2, 16>, scalar_prefetch = 0 : i64, scratch_operands = 2 : i64, tpu.core_type = #tpu.core_type<sc_vector_subcore>, window_params = [{transform_indices = #map}, {transform_indices = #map}]} {
    %mul3A = arith.constant 16 : i32
    %mul3A_0 = arith.muli %arg0, %mul3A : i32
    %add3A = arith.addi %mul3A_0, %arg1 : i32
    "tpu.region"() ({
      %run_scoped3A = tpu.sem_alloc : memref<!tpu.dma_semaphore, #tpu.memory_space<semaphore_mem>>
      %dma_start3A = arith.constant 0 : i32
      %dma_start3A_13 = tpu.memref_slice %arg2[%add3A, %dma_start3A] : memref<32x10000xi32, #tpu.memory_space<hbm>> -> memref<1x10000xi32, #tpu.memory_space<hbm>>
      %dma_start3A_14 = tpu.memref_squeeze %dma_start3A_13 : memref<1x10000xi32, #tpu.memory_space<hbm>> -> memref<10000xi32, #tpu.memory_space<hbm>>
      %dma_start3A_15 = arith.constant 0 : i32
      %dma_start3A_16 = tpu.memref_slice %arg2[%add3A, %dma_start3A_15] : memref<32x10000xi32, #tpu.memory_space<hbm>> -> memref<1x10000xi32, #tpu.memory_space<hbm>>
      %dma_start3A_17 = tpu.memref_squeeze %dma_start3A_16 : memref<1x10000xi32, #tpu.memory_space<hbm>> -> memref<10000xi32, #tpu.memory_space<hbm>>
      tpu.enqueue_dma source(%dma_start3A_17 : memref<10000xi32, #tpu.memory_space<hbm>>) target(%arg4 : memref<10000xi32, #tpu.memory_space<vmem>>) target_semaphore(%run_scoped3A : memref<!tpu.dma_semaphore, #tpu.memory_space<semaphore_mem>>)
      %dma_wait3A = arith.constant 0 : i32
      %dma_wait3A_18 = tpu.memref_slice %arg2[%add3A, %dma_wait3A] : memref<32x10000xi32, #tpu.memory_space<hbm>> -> memref<1x10000xi32, #tpu.memory_space<hbm>>
      %dma_wait3A_19 = tpu.memref_squeeze %dma_wait3A_18 : memref<1x10000xi32, #tpu.memory_space<hbm>> -> memref<10000xi32, #tpu.memory_space<hbm>>
      %dma_wait3A_20 = arith.constant 0 : i32
      %dma_wait3A_21 = tpu.memref_slice %arg2[%add3A, %dma_wait3A_20] : memref<32x10000xi32, #tpu.memory_space<hbm>> -> memref<1x10000xi32, #tpu.memory_space<hbm>>
      %dma_wait3A_22 = tpu.memref_squeeze %dma_wait3A_21 : memref<1x10000xi32, #tpu.memory_space<hbm>> -> memref<10000xi32, #tpu.memory_space<hbm>>
      tpu.wait_dma2 semaphore(%run_scoped3A : memref<!tpu.dma_semaphore, #tpu.memory_space<semaphore_mem>>) src(%dma_wait3A_22 : memref<10000xi32, #tpu.memory_space<hbm>>) dst(%arg4 : memref<10000xi32, #tpu.memory_space<vmem>>)
      tpu.yield
    }) : () -> ()
    %scan3A = arith.constant 0 : i32
    %scan3A_1 = arith.constant 0 : i32
    %scan3A_2 = arith.constant 625 : i32
    %scan3A_3 = arith.addi %scan3A_1, %scan3A_2 : i32
    %scan3A_4 = arith.constant 1 : i32
    scf.for %scan3A_13 = %scan3A_1 to %scan3A_3 step %scan3A_4  : i32 {
      %broadcast_in_dim3A_14 = arith.constant 0.000000e+00 : f32
      %broadcast_in_dim3A_15 = vector.broadcast %broadcast_in_dim3A_14 : f32 to vector<16xf32>
      %mul3A_16 = arith.constant 16 : i32
      %mul3A_17 = arith.muli %scan3A_13, %mul3A_16 : i32
      %multiple_of3A = tpu.assume_multiple %mul3A_17, 16 : i32
      %swap3A = arith.index_cast %multiple_of3A : i32 to index
      %swap3A_18 = tpu.vector_load %arg5[%swap3A] {strides = array<i32>} : memref<10000xf32, #tpu.memory_space<vmem>>, vector<16xf32>,
      tpu.vector_store %arg5[%swap3A], %broadcast_in_dim3A_15 {strides = array<i32>} : memref<10000xf32, #tpu.memory_space<vmem>>, vector<16xf32>,
    }
    %scan3A_5 = arith.constant 625 : i32
    %broadcast_in_dim3A = arith.constant 1.000000e+00 : f32
    %broadcast_in_dim3A_6 = vector.broadcast %broadcast_in_dim3A : f32 to vector<16xf32>
    %scan3A_7 = arith.constant 0 : i32
    %scan3A_8 = arith.constant 0 : i32
    %scan3A_9 = arith.constant 625 : i32
    %scan3A_10 = arith.addi %scan3A_8, %scan3A_9 : i32
    %scan3A_11 = arith.constant 1 : i32
    scf.for %scan3A_13 = %scan3A_8 to %scan3A_10 step %scan3A_11  : i32 {
      %mul3A_14 = arith.constant 16 : i32
      %mul3A_15 = arith.muli %scan3A_13, %mul3A_14 : i32
      %multiple_of3A = tpu.assume_multiple %mul3A_15, 16 : i32
      %get3A = arith.index_cast %multiple_of3A : i32 to index
      %get3A_16 = tpu.vector_load %arg4[%get3A] {strides = array<i32>} : memref<10000xi32, #tpu.memory_space<vmem>>, vector<16xi32>,
      tpu.vector_store_idx %arg5[%get3A_16], %broadcast_in_dim3A_6 {add = true} : memref<10000xf32, #tpu.memory_space<vmem>>[vector<16xi32>], vector<16xf32>,
    }
    %scan3A_12 = arith.constant 625 : i32
    "tpu.region"() ({
      %run_scoped3A = tpu.sem_alloc : memref<!tpu.dma_semaphore, #tpu.memory_space<semaphore_mem>>
      %dma_start3A = arith.constant 0 : i32
      %dma_start3A_13 = tpu.memref_slice %arg3[%add3A, %dma_start3A] : memref<32x10000xf32, #tpu.memory_space<hbm>> -> memref<1x10000xf32, #tpu.memory_space<hbm>>
      %dma_start3A_14 = tpu.memref_squeeze %dma_start3A_13 : memref<1x10000xf32, #tpu.memory_space<hbm>> -> memref<10000xf32, #tpu.memory_space<hbm>>
      %dma_start3A_15 = arith.constant 0 : i32
      %dma_start3A_16 = tpu.memref_slice %arg3[%add3A, %dma_start3A_15] : memref<32x10000xf32, #tpu.memory_space<hbm>> -> memref<1x10000xf32, #tpu.memory_space<hbm>>
      %dma_start3A_17 = tpu.memref_squeeze %dma_start3A_16 : memref<1x10000xf32, #tpu.memory_space<hbm>> -> memref<10000xf32, #tpu.memory_space<hbm>>
      tpu.enqueue_dma source(%arg5 : memref<10000xf32, #tpu.memory_space<vmem>>) target(%dma_start3A_17 : memref<10000xf32, #tpu.memory_space<hbm>>) target_semaphore(%run_scoped3A : memref<!tpu.dma_semaphore, #tpu.memory_space<semaphore_mem>>)
      %dma_wait3A = arith.constant 0 : i32
      %dma_wait3A_18 = tpu.memref_slice %arg3[%add3A, %dma_wait3A] : memref<32x10000xf32, #tpu.memory_space<hbm>> -> memref<1x10000xf32, #tpu.memory_space<hbm>>
      %dma_wait3A_19 = tpu.memref_squeeze %dma_wait3A_18 : memref<1x10000xf32, #tpu.memory_space<hbm>> -> memref<10000xf32, #tpu.memory_space<hbm>>
      %dma_wait3A_20 = arith.constant 0 : i32
      %dma_wait3A_21 = tpu.memref_slice %arg3[%add3A, %dma_wait3A_20] : memref<32x10000xf32, #tpu.memory_space<hbm>> -> memref<1x10000xf32, #tpu.memory_space<hbm>>
      %dma_wait3A_22 = tpu.memref_squeeze %dma_wait3A_21 : memref<1x10000xf32, #tpu.memory_space<hbm>> -> memref<10000xf32, #tpu.memory_space<hbm>>
      tpu.wait_dma2 semaphore(%run_scoped3A : memref<!tpu.dma_semaphore, #tpu.memory_space<semaphore_mem>>) src(%arg5 : memref<10000xf32, #tpu.memory_space<vmem>>) dst(%dma_wait3A_22 : memref<10000xf32, #tpu.memory_space<hbm>>)
      tpu.yield
    }) : () -> ()
    return
  }
}

#map = affine_map<(d0, d1) -> (0, 0)>
#map1 = affine_map<(d0, d1) -> (0, 0, 0)>
module attributes {stable_mosaic.version = 14 : i64} {
  func.func @_scat_body(%arg0: i32, %arg1: i32, %arg2: memref<10000x128xf32, #tpu.memory_space<hbm>>, %arg3: memref<320x25x80xi32, #tpu.memory_space<hbm>>, %arg4: memref<80x128xf32, #tpu.memory_space<hbm>>, %arg5: memref<2x10000x128xf32, #tpu.memory_space<hbm>>, %arg6: memref<4x25x80xi32, #tpu.memory_space<vmem>>, %arg7: memref<3x80x128xf32, #tpu.memory_space<vmem>>, %arg8: memref<10000x128xf32, #tpu.memory_space<vmem_shared>>, %arg9: memref<3x!tpu.dma_semaphore, #tpu.memory_space<semaphore_mem>>, %arg10: memref<3x!tpu.dma_semaphore, #tpu.memory_space<semaphore_mem>>, %arg11: memref<!tpu.dma_semaphore, #tpu.memory_space<semaphore_mem>>) attributes {dimension_semantics = [#tpu.dimension_semantics<core_parallel>, #tpu.dimension_semantics<subcore_parallel>], iteration_bounds = array<i64: 2, 16>, scalar_prefetch = 0 : i64, scratch_operands = 6 : i64, tpu.core_type = #tpu.core_type<sc_vector_subcore>, window_params = [{transform_indices = #map}, {transform_indices = #map1}, {transform_indices = #map}, {transform_indices = #map1}]} {
    %mul3A = arith.constant 16 : i32
    %mul3A_0 = arith.muli %arg0, %mul3A : i32
    %add3A = arith.addi %mul3A_0, %arg1 : i32
    %mul3A_1 = arith.constant 624 : i32
    %mul3A_2 = arith.muli %arg1, %mul3A_1 : i32
    %run_scoped3A = arith.constant 2 : i32
    "tpu.region"() ({
      %run_scoped3A_712 = tpu.sem_alloc : memref<!tpu.dma_semaphore, #tpu.memory_space<semaphore_mem>>
      %dma_start3A_713 = arith.constant 0 : i32
      %dma_start3A_714 = arith.constant 0 : i32
      %dma_start3A_715 = tpu.memref_slice %arg7[%run_scoped3A, %dma_start3A_713, %dma_start3A_714] : memref<3x80x128xf32, #tpu.memory_space<vmem>> -> memref<1x80x128xf32, #tpu.memory_space<vmem>>
      %dma_start3A_716 = tpu.memref_squeeze %dma_start3A_715 : memref<1x80x128xf32, #tpu.memory_space<vmem>> -> memref<80x128xf32, #tpu.memory_space<vmem>>
      %dma_start3A_717 = arith.constant 0 : i32
      %dma_start3A_718 = arith.constant 0 : i32
      %dma_start3A_719 = tpu.memref_slice %arg7[%run_scoped3A, %dma_start3A_717, %dma_start3A_718] : memref<3x80x128xf32, #tpu.memory_space<vmem>> -> memref<1x80x128xf32, #tpu.memory_space<vmem>>
      %dma_start3A_720 = tpu.memref_squeeze %dma_start3A_719 : memref<1x80x128xf32, #tpu.memory_space<vmem>> -> memref<80x128xf32, #tpu.memory_space<vmem>>
      tpu.enqueue_dma source(%arg4 : memref<80x128xf32, #tpu.memory_space<hbm>>) target(%dma_start3A_720 : memref<80x128xf32, #tpu.memory_space<vmem>>) target_semaphore(%run_scoped3A_712 : memref<!tpu.dma_semaphore, #tpu.memory_space<semaphore_mem>>)
      %dma_wait3A_721 = arith.constant 0 : i32
      %dma_wait3A_722 = arith.constant 0 : i32
      %dma_wait3A_723 = tpu.memref_slice %arg7[%run_scoped3A, %dma_wait3A_721, %dma_wait3A_722] : memref<3x80x128xf32, #tpu.memory_space<vmem>> -> memref<1x80x128xf32, #tpu.memory_space<vmem>>
      %dma_wait3A_724 = tpu.memref_squeeze %dma_wait3A_723 : memref<1x80x128xf32, #tpu.memory_space<vmem>> -> memref<80x128xf32, #tpu.memory_space<vmem>>
      %dma_wait3A_725 = arith.constant 0 : i32
      %dma_wait3A_726 = arith.constant 0 : i32
      %dma_wait3A_727 = tpu.memref_slice %arg7[%run_scoped3A, %dma_wait3A_725, %dma_wait3A_726] : memref<3x80x128xf32, #tpu.memory_space<vmem>> -> memref<1x80x128xf32, #tpu.memory_space<vmem>>
      %dma_wait3A_728 = tpu.memref_squeeze %dma_wait3A_727 : memref<1x80x128xf32, #tpu.memory_space<vmem>> -> memref<80x128xf32, #tpu.memory_space<vmem>>
      tpu.wait_dma2 semaphore(%run_scoped3A_712 : memref<!tpu.dma_semaphore, #tpu.memory_space<semaphore_mem>>) src(%arg4 : memref<80x128xf32, #tpu.memory_space<hbm>>) dst(%dma_wait3A_728 : memref<80x128xf32, #tpu.memory_space<vmem>>)
      tpu.yield
    }) : () -> ()
    %mul3A_3 = arith.constant 5 : i32
    %mul3A_4 = arith.muli %add3A, %mul3A_3 : i32
    %add3A_5 = arith.constant 0 : i32
    %add3A_6 = arith.addi %mul3A_4, %add3A_5 : i32
    %mul3A_7 = arith.constant 2 : i32
    %mul3A_8 = arith.muli %add3A_6, %mul3A_7 : i32
    %run_scoped3A_9 = arith.constant 0 : i32
    "tpu.region"() ({
      %run_scoped3A_712 = tpu.sem_alloc : memref<!tpu.dma_semaphore, #tpu.memory_space<semaphore_mem>>
      %dma_start3A_713 = arith.constant 0 : i32
      %dma_start3A_714 = arith.constant 0 : i32
      %dma_start3A_715 = tpu.memref_slice %arg6[%run_scoped3A_9, %dma_start3A_713, %dma_start3A_714] : memref<4x25x80xi32, #tpu.memory_space<vmem>> -> memref<1x25x80xi32, #tpu.memory_space<vmem>>
      %dma_start3A_716 = tpu.memref_squeeze %dma_start3A_715 : memref<1x25x80xi32, #tpu.memory_space<vmem>> -> memref<25x80xi32, #tpu.memory_space<vmem>>
      %dma_start3A_717 = arith.constant 0 : i32
      %dma_start3A_718 = arith.constant 0 : i32
      %dma_start3A_719 = tpu.memref_slice %arg3[%mul3A_8, %dma_start3A_717, %dma_start3A_718] : memref<320x25x80xi32, #tpu.memory_space<hbm>> -> memref<1x25x80xi32, #tpu.memory_space<hbm>>
      %dma_start3A_720 = tpu.memref_squeeze %dma_start3A_719 : memref<1x25x80xi32, #tpu.memory_space<hbm>> -> memref<25x80xi32, #tpu.memory_space<hbm>>
      %dma_start3A_721 = arith.constant 0 : i32
      %dma_start3A_722 = arith.constant 0 : i32
      %dma_start3A_723 = tpu.memref_slice %arg6[%run_scoped3A_9, %dma_start3A_721, %dma_start3A_722] : memref<4x25x80xi32, #tpu.memory_space<vmem>> -> memref<1x25x80xi32, #tpu.memory_space<vmem>>
      %dma_start3A_724 = tpu.memref_squeeze %dma_start3A_723 : memref<1x25x80xi32, #tpu.memory_space<vmem>> -> memref<25x80xi32, #tpu.memory_space<vmem>>
      %dma_start3A_725 = arith.constant 0 : i32
      %dma_start3A_726 = arith.constant 0 : i32
      %dma_start3A_727 = tpu.memref_slice %arg3[%mul3A_8, %dma_start3A_725, %dma_start3A_726] : memref<320x25x80xi32, #tpu.memory_space<hbm>> -> memref<1x25x80xi32, #tpu.memory_space<hbm>>
      %dma_start3A_728 = tpu.memref_squeeze %dma_start3A_727 : memref<1x25x80xi32, #tpu.memory_space<hbm>> -> memref<25x80xi32, #tpu.memory_space<hbm>>
      tpu.enqueue_dma source(%dma_start3A_728 : memref<25x80xi32, #tpu.memory_space<hbm>>) target(%dma_start3A_724 : memref<25x80xi32, #tpu.memory_space<vmem>>) target_semaphore(%run_scoped3A_712 : memref<!tpu.dma_semaphore, #tpu.memory_space<semaphore_mem>>)
      %dma_wait3A_729 = arith.constant 0 : i32
      %dma_wait3A_730 = arith.constant 0 : i32
      %dma_wait3A_731 = tpu.memref_slice %arg6[%run_scoped3A_9, %dma_wait3A_729, %dma_wait3A_730] : memref<4x25x80xi32, #tpu.memory_space<vmem>> -> memref<1x25x80xi32, #tpu.memory_space<vmem>>
      %dma_wait3A_732 = tpu.memref_squeeze %dma_wait3A_731 : memref<1x25x80xi32, #tpu.memory_space<vmem>> -> memref<25x80xi32, #tpu.memory_space<vmem>>
      %dma_wait3A_733 = arith.constant 0 : i32
      %dma_wait3A_734 = arith.constant 0 : i32
      %dma_wait3A_735 = tpu.memref_slice %arg3[%mul3A_8, %dma_wait3A_733, %dma_wait3A_734] : memref<320x25x80xi32, #tpu.memory_space<hbm>> -> memref<1x25x80xi32, #tpu.memory_space<hbm>>
      %dma_wait3A_736 = tpu.memref_squeeze %dma_wait3A_735 : memref<1x25x80xi32, #tpu.memory_space<hbm>> -> memref<25x80xi32, #tpu.memory_space<hbm>>
      %dma_wait3A_737 = arith.constant 0 : i32
      %dma_wait3A_738 = arith.constant 0 : i32
      %dma_wait3A_739 = tpu.memref_slice %arg6[%run_scoped3A_9, %dma_wait3A_737, %dma_wait3A_738] : memref<4x25x80xi32, #tpu.memory_space<vmem>> -> memref<1x25x80xi32, #tpu.memory_space<vmem>>
      %dma_wait3A_740 = tpu.memref_squeeze %dma_wait3A_739 : memref<1x25x80xi32, #tpu.memory_space<vmem>> -> memref<25x80xi32, #tpu.memory_space<vmem>>
      %dma_wait3A_741 = arith.constant 0 : i32
      %dma_wait3A_742 = arith.constant 0 : i32
      %dma_wait3A_743 = tpu.memref_slice %arg3[%mul3A_8, %dma_wait3A_741, %dma_wait3A_742] : memref<320x25x80xi32, #tpu.memory_space<hbm>> -> memref<1x25x80xi32, #tpu.memory_space<hbm>>
      %dma_wait3A_744 = tpu.memref_squeeze %dma_wait3A_743 : memref<1x25x80xi32, #tpu.memory_space<hbm>> -> memref<25x80xi32, #tpu.memory_space<hbm>>
      tpu.wait_dma2 semaphore(%run_scoped3A_712 : memref<!tpu.dma_semaphore, #tpu.memory_space<semaphore_mem>>) src(%dma_wait3A_744 : memref<25x80xi32, #tpu.memory_space<hbm>>) dst(%dma_wait3A_740 : memref<25x80xi32, #tpu.memory_space<vmem>>)
      tpu.yield
    }) : () -> ()
    %add3A_10 = arith.constant 1 : i32
    %add3A_11 = arith.addi %mul3A_8, %add3A_10 : i32
    %run_scoped3A_12 = arith.constant 1 : i32
    "tpu.region"() ({
      %run_scoped3A_712 = tpu.sem_alloc : memref<!tpu.dma_semaphore, #tpu.memory_space<semaphore_mem>>
      %dma_start3A_713 = arith.constant 0 : i32
      %dma_start3A_714 = arith.constant 0 : i32
      %dma_start3A_715 = tpu.memref_slice %arg6[%run_scoped3A_12, %dma_start3A_713, %dma_start3A_714] : memref<4x25x80xi32, #tpu.memory_space<vmem>> -> memref<1x25x80xi32, #tpu.memory_space<vmem>>
      %dma_start3A_716 = tpu.memref_squeeze %dma_start3A_715 : memref<1x25x80xi32, #tpu.memory_space<vmem>> -> memref<25x80xi32, #tpu.memory_space<vmem>>
      %dma_start3A_717 = arith.constant 0 : i32
      %dma_start3A_718 = arith.constant 0 : i32
      %dma_start3A_719 = tpu.memref_slice %arg3[%add3A_11, %dma_start3A_717, %dma_start3A_718] : memref<320x25x80xi32, #tpu.memory_space<hbm>> -> memref<1x25x80xi32, #tpu.memory_space<hbm>>
      %dma_start3A_720 = tpu.memref_squeeze %dma_start3A_719 : memref<1x25x80xi32, #tpu.memory_space<hbm>> -> memref<25x80xi32, #tpu.memory_space<hbm>>
      %dma_start3A_721 = arith.constant 0 : i32
      %dma_start3A_722 = arith.constant 0 : i32
      %dma_start3A_723 = tpu.memref_slice %arg6[%run_scoped3A_12, %dma_start3A_721, %dma_start3A_722] : memref<4x25x80xi32, #tpu.memory_space<vmem>> -> memref<1x25x80xi32, #tpu.memory_space<vmem>>
      %dma_start3A_724 = tpu.memref_squeeze %dma_start3A_723 : memref<1x25x80xi32, #tpu.memory_space<vmem>> -> memref<25x80xi32, #tpu.memory_space<vmem>>
      %dma_start3A_725 = arith.constant 0 : i32
      %dma_start3A_726 = arith.constant 0 : i32
      %dma_start3A_727 = tpu.memref_slice %arg3[%add3A_11, %dma_start3A_725, %dma_start3A_726] : memref<320x25x80xi32, #tpu.memory_space<hbm>> -> memref<1x25x80xi32, #tpu.memory_space<hbm>>
      %dma_start3A_728 = tpu.memref_squeeze %dma_start3A_727 : memref<1x25x80xi32, #tpu.memory_space<hbm>> -> memref<25x80xi32, #tpu.memory_space<hbm>>
      tpu.enqueue_dma source(%dma_start3A_728 : memref<25x80xi32, #tpu.memory_space<hbm>>) target(%dma_start3A_724 : memref<25x80xi32, #tpu.memory_space<vmem>>) target_semaphore(%run_scoped3A_712 : memref<!tpu.dma_semaphore, #tpu.memory_space<semaphore_mem>>)
      %dma_wait3A_729 = arith.constant 0 : i32
      %dma_wait3A_730 = arith.constant 0 : i32
      %dma_wait3A_731 = tpu.memref_slice %arg6[%run_scoped3A_12, %dma_wait3A_729, %dma_wait3A_730] : memref<4x25x80xi32, #tpu.memory_space<vmem>> -> memref<1x25x80xi32, #tpu.memory_space<vmem>>
      %dma_wait3A_732 = tpu.memref_squeeze %dma_wait3A_731 : memref<1x25x80xi32, #tpu.memory_space<vmem>> -> memref<25x80xi32, #tpu.memory_space<vmem>>
      %dma_wait3A_733 = arith.constant 0 : i32
      %dma_wait3A_734 = arith.constant 0 : i32
      %dma_wait3A_735 = tpu.memref_slice %arg3[%add3A_11, %dma_wait3A_733, %dma_wait3A_734] : memref<320x25x80xi32, #tpu.memory_space<hbm>> -> memref<1x25x80xi32, #tpu.memory_space<hbm>>
      %dma_wait3A_736 = tpu.memref_squeeze %dma_wait3A_735 : memref<1x25x80xi32, #tpu.memory_space<hbm>> -> memref<25x80xi32, #tpu.memory_space<hbm>>
      %dma_wait3A_737 = arith.constant 0 : i32
      %dma_wait3A_738 = arith.constant 0 : i32
      %dma_wait3A_739 = tpu.memref_slice %arg6[%run_scoped3A_12, %dma_wait3A_737, %dma_wait3A_738] : memref<4x25x80xi32, #tpu.memory_space<vmem>> -> memref<1x25x80xi32, #tpu.memory_space<vmem>>
      %dma_wait3A_740 = tpu.memref_squeeze %dma_wait3A_739 : memref<1x25x80xi32, #tpu.memory_space<vmem>> -> memref<25x80xi32, #tpu.memory_space<vmem>>
      %dma_wait3A_741 = arith.constant 0 : i32
      %dma_wait3A_742 = arith.constant 0 : i32
      %dma_wait3A_743 = tpu.memref_slice %arg3[%add3A_11, %dma_wait3A_741, %dma_wait3A_742] : memref<320x25x80xi32, #tpu.memory_space<hbm>> -> memref<1x25x80xi32, #tpu.memory_space<hbm>>
      %dma_wait3A_744 = tpu.memref_squeeze %dma_wait3A_743 : memref<1x25x80xi32, #tpu.memory_space<hbm>> -> memref<25x80xi32, #tpu.memory_space<hbm>>
      tpu.wait_dma2 semaphore(%run_scoped3A_712 : memref<!tpu.dma_semaphore, #tpu.memory_space<semaphore_mem>>) src(%dma_wait3A_744 : memref<25x80xi32, #tpu.memory_space<hbm>>) dst(%dma_wait3A_740 : memref<25x80xi32, #tpu.memory_space<vmem>>)
      tpu.yield
    }) : () -> ()
    %mul3A_13 = arith.constant 5 : i32
    %mul3A_14 = arith.muli %add3A, %mul3A_13 : i32
    %add3A_15 = arith.constant 1 : i32
    %add3A_16 = arith.addi %mul3A_14, %add3A_15 : i32
    %mul3A_17 = arith.constant 2 : i32
    %mul3A_18 = arith.muli %add3A_16, %mul3A_17 : i32
    %dma_start3A = arith.constant 2 : i32
    %dma_start3A_19 = arith.constant 0 : i32
    %dma_start3A_20 = arith.constant 0 : i32
    %dma_start3A_21 = tpu.memref_slice %arg6[%dma_start3A, %dma_start3A_19, %dma_start3A_20] : memref<4x25x80xi32, #tpu.memory_space<vmem>> -> memref<1x25x80xi32, #tpu.memory_space<vmem>>
    %dma_start3A_22 = tpu.memref_squeeze %dma_start3A_21 : memref<1x25x80xi32, #tpu.memory_space<vmem>> -> memref<25x80xi32, #tpu.memory_space<vmem>>
    %dma_start3A_23 = arith.constant 0 : i32
    %dma_start3A_24 = arith.constant 0 : i32
    %dma_start3A_25 = tpu.memref_slice %arg3[%mul3A_18, %dma_start3A_23, %dma_start3A_24] : memref<320x25x80xi32, #tpu.memory_space<hbm>> -> memref<1x25x80xi32, #tpu.memory_space<hbm>>
    %dma_start3A_26 = tpu.memref_squeeze %dma_start3A_25 : memref<1x25x80xi32, #tpu.memory_space<hbm>> -> memref<25x80xi32, #tpu.memory_space<hbm>>
    %dma_start3A_27 = arith.constant 0 : i32
    %dma_start3A_28 = arith.constant 0 : i32
    %dma_start3A_29 = tpu.memref_slice %arg6[%dma_start3A, %dma_start3A_27, %dma_start3A_28] : memref<4x25x80xi32, #tpu.memory_space<vmem>> -> memref<1x25x80xi32, #tpu.memory_space<vmem>>
    %dma_start3A_30 = tpu.memref_squeeze %dma_start3A_29 : memref<1x25x80xi32, #tpu.memory_space<vmem>> -> memref<25x80xi32, #tpu.memory_space<vmem>>
    %dma_start3A_31 = arith.constant 0 : i32
    %dma_start3A_32 = arith.constant 0 : i32
    %dma_start3A_33 = tpu.memref_slice %arg3[%mul3A_18, %dma_start3A_31, %dma_start3A_32] : memref<320x25x80xi32, #tpu.memory_space<hbm>> -> memref<1x25x80xi32, #tpu.memory_space<hbm>>
    %dma_start3A_34 = tpu.memref_squeeze %dma_start3A_33 : memref<1x25x80xi32, #tpu.memory_space<hbm>> -> memref<25x80xi32, #tpu.memory_space<hbm>>
    tpu.enqueue_dma source(%dma_start3A_34 : memref<25x80xi32, #tpu.memory_space<hbm>>) target(%dma_start3A_30 : memref<25x80xi32, #tpu.memory_space<vmem>>) target_semaphore(%arg11 : memref<!tpu.dma_semaphore, #tpu.memory_space<semaphore_mem>>)
    %add3A_35 = arith.constant 1 : i32
    %add3A_36 = arith.addi %mul3A_18, %add3A_35 : i32
    %dma_start3A_37 = arith.constant 3 : i32
    %dma_start3A_38 = arith.constant 0 : i32
    %dma_start3A_39 = arith.constant 0 : i32
    %dma_start3A_40 = tpu.memref_slice %arg6[%dma_start3A_37, %dma_start3A_38, %dma_start3A_39] : memref<4x25x80xi32, #tpu.memory_space<vmem>> -> memref<1x25x80xi32, #tpu.memory_space<vmem>>
    %dma_start3A_41 = tpu.memref_squeeze %dma_start3A_40 : memref<1x25x80xi32, #tpu.memory_space<vmem>> -> memref<25x80xi32, #tpu.memory_space<vmem>>
    %dma_start3A_42 = arith.constant 0 : i32
    %dma_start3A_43 = arith.constant 0 : i32
    %dma_start3A_44 = tpu.memref_slice %arg3[%add3A_36, %dma_start3A_42, %dma_start3A_43] : memref<320x25x80xi32, #tpu.memory_space<hbm>> -> memref<1x25x80xi32, #tpu.memory_space<hbm>>
    %dma_start3A_45 = tpu.memref_squeeze %dma_start3A_44 : memref<1x25x80xi32, #tpu.memory_space<hbm>> -> memref<25x80xi32, #tpu.memory_space<hbm>>
    %dma_start3A_46 = arith.constant 0 : i32
    %dma_start3A_47 = arith.constant 0 : i32
    %dma_start3A_48 = tpu.memref_slice %arg6[%dma_start3A_37, %dma_start3A_46, %dma_start3A_47] : memref<4x25x80xi32, #tpu.memory_space<vmem>> -> memref<1x25x80xi32, #tpu.memory_space<vmem>>
    %dma_start3A_49 = tpu.memref_squeeze %dma_start3A_48 : memref<1x25x80xi32, #tpu.memory_space<vmem>> -> memref<25x80xi32, #tpu.memory_space<vmem>>
    %dma_start3A_50 = arith.constant 0 : i32
    %dma_start3A_51 = arith.constant 0 : i32
    %dma_start3A_52 = tpu.memref_slice %arg3[%add3A_36, %dma_start3A_50, %dma_start3A_51] : memref<320x25x80xi32, #tpu.memory_space<hbm>> -> memref<1x25x80xi32, #tpu.memory_space<hbm>>
    %dma_start3A_53 = tpu.memref_squeeze %dma_start3A_52 : memref<1x25x80xi32, #tpu.memory_space<hbm>> -> memref<25x80xi32, #tpu.memory_space<hbm>>
    tpu.enqueue_dma source(%dma_start3A_53 : memref<25x80xi32, #tpu.memory_space<hbm>>) target(%dma_start3A_49 : memref<25x80xi32, #tpu.memory_space<vmem>>) target_semaphore(%arg11 : memref<!tpu.dma_semaphore, #tpu.memory_space<semaphore_mem>>)
    %dma_start3A_54 = arith.constant 0 : i32
    %dma_start3A_55 = arith.constant 0 : i32
    %dma_start3A_56 = arith.constant 0 : i32
    %dma_start3A_57 = arith.constant 0 : i32
    %dma_start3A_58 = arith.constant 0 : i32
    %dma_start3A_59 = arith.constant 0 : i32
    %dma_start3A_60 = tpu.memref_slice %arg7[%dma_start3A_56, %dma_start3A_58, %dma_start3A_59] : memref<3x80x128xf32, #tpu.memory_space<vmem>> -> memref<1x80x128xf32, #tpu.memory_space<vmem>>
    %dma_start3A_61 = tpu.memref_squeeze %dma_start3A_60 : memref<1x80x128xf32, #tpu.memory_space<vmem>> -> memref<80x128xf32, #tpu.memory_space<vmem>>
    %dma_start3A_62 = arith.constant 0 : i32
    %dma_start3A_63 = tpu.memref_slice %arg6[%dma_start3A_54, %dma_start3A_55, %dma_start3A_62] : memref<4x25x80xi32, #tpu.memory_space<vmem>> -> memref<1x1x80xi32, #tpu.memory_space<vmem>>
    %dma_start3A_64 = tpu.memref_squeeze %dma_start3A_63 : memref<1x1x80xi32, #tpu.memory_space<vmem>> -> memref<80xi32, #tpu.memory_space<vmem>>
    %dma_start3A_65 = arith.constant 0 : i32
    %dma_start3A_66 = arith.constant 0 : i32
    %dma_start3A_67 = tpu.memref_slice %arg2[%dma_start3A_65, %dma_start3A_66] : memref<10000x128xf32, #tpu.memory_space<hbm>> -> memref<10000x128xf32, #tpu.memory_space<hbm>>
    %dma_start3A_68 = tpu.memref_slice %arg9[%dma_start3A_57] : memref<3x!tpu.dma_semaphore, #tpu.memory_space<semaphore_mem>> -> memref<1x!tpu.dma_semaphore, #tpu.memory_space<semaphore_mem>>
    %dma_start3A_69 = tpu.memref_squeeze %dma_start3A_68 : memref<1x!tpu.dma_semaphore, #tpu.memory_space<semaphore_mem>> -> memref<!tpu.dma_semaphore, #tpu.memory_space<semaphore_mem>>
    tpu.enqueue_indirect_dma source(%dma_start3A_67 : memref<10000x128xf32, #tpu.memory_space<hbm>>) target(%dma_start3A_61 : memref<80x128xf32, #tpu.memory_space<vmem>>) offsets(%dma_start3A_64 : memref<80xi32, #tpu.memory_space<vmem>>) semaphore(%dma_start3A_69 : memref<!tpu.dma_semaphore, #tpu.memory_space<semaphore_mem>>)
    %dma_start3A_70 = arith.constant 0 : i32
    %dma_start3A_71 = arith.constant 1 : i32
    %dma_start3A_72 = arith.constant 1 : i32
    %dma_start3A_73 = arith.constant 1 : i32
    %dma_start3A_74 = arith.constant 0 : i32
    %dma_start3A_75 = arith.constant 0 : i32
    %dma_start3A_76 = tpu.memref_slice %arg7[%dma_start3A_72, %dma_start3A_74, %dma_start3A_75] : memref<3x80x128xf32, #tpu.memory_space<vmem>> -> memref<1x80x128xf32, #tpu.memory_space<vmem>>
    %dma_start3A_77 = tpu.memref_squeeze %dma_start3A_76 : memref<1x80x128xf32, #tpu.memory_space<vmem>> -> memref<80x128xf32, #tpu.memory_space<vmem>>
    %dma_start3A_78 = arith.constant 0 : i32
    %dma_start3A_79 = tpu.memref_slice %arg6[%dma_start3A_70, %dma_start3A_71, %dma_start3A_78] : memref<4x25x80xi32, #tpu.memory_space<vmem>> -> memref<1x1x80xi32, #tpu.memory_space<vmem>>
    %dma_start3A_80 = tpu.memref_squeeze %dma_start3A_79 : memref<1x1x80xi32, #tpu.memory_space<vmem>> -> memref<80xi32, #tpu.memory_space<vmem>>
    %dma_start3A_81 = arith.constant 0 : i32
    %dma_start3A_82 = arith.constant 0 : i32
    %dma_start3A_83 = tpu.memref_slice %arg2[%dma_start3A_81, %dma_start3A_82] : memref<10000x128xf32, #tpu.memory_space<hbm>> -> memref<10000x128xf32, #tpu.memory_space<hbm>>
    %dma_start3A_84 = tpu.memref_slice %arg9[%dma_start3A_73] : memref<3x!tpu.dma_semaphore, #tpu.memory_space<semaphore_mem>> -> memref<1x!tpu.dma_semaphore, #tpu.memory_space<semaphore_mem>>
    %dma_start3A_85 = tpu.memref_squeeze %dma_start3A_84 : memref<1x!tpu.dma_semaphore, #tpu.memory_space<semaphore_mem>> -> memref<!tpu.dma_semaphore, #tpu.memory_space<semaphore_mem>>
    tpu.enqueue_indirect_dma source(%dma_start3A_83 : memref<10000x128xf32, #tpu.memory_space<hbm>>) target(%dma_start3A_77 : memref<80x128xf32, #tpu.memory_space<vmem>>) offsets(%dma_start3A_80 : memref<80xi32, #tpu.memory_space<vmem>>) semaphore(%dma_start3A_85 : memref<!tpu.dma_semaphore, #tpu.memory_space<semaphore_mem>>)
    %scan3A = arith.constant 0 : i32
    %scan3A_86 = arith.constant 0 : i32
    %scan3A_87 = arith.constant 7 : i32
    %scan3A_88 = arith.addi %scan3A_86, %scan3A_87 : i32
    %scan3A_89 = arith.constant 1 : i32
    scf.for %scan3A_712 = %scan3A_86 to %scan3A_88 step %scan3A_89  : i32 {
      %mul3A_713 = arith.constant 80 : i32
      %mul3A_714 = arith.muli %scan3A_712, %mul3A_713 : i32
      %add3A_715 = arith.addi %mul3A_2, %mul3A_714 : i32
      %run_scoped3A_716 = arith.constant 2 : i32
      "tpu.region"() ({
        %run_scoped3A_717 = tpu.sem_alloc : memref<!tpu.dma_semaphore, #tpu.memory_space<semaphore_mem>>
        %dma_start3A_718 = arith.constant 0 : i32
        %dma_start3A_719 = arith.constant 0 : i32
        %dma_start3A_720 = tpu.memref_slice %arg7[%run_scoped3A_716, %dma_start3A_718, %dma_start3A_719] : memref<3x80x128xf32, #tpu.memory_space<vmem>> -> memref<1x80x128xf32, #tpu.memory_space<vmem>>
        %dma_start3A_721 = tpu.memref_squeeze %dma_start3A_720 : memref<1x80x128xf32, #tpu.memory_space<vmem>> -> memref<80x128xf32, #tpu.memory_space<vmem>>
        %dma_start3A_722 = arith.constant 0 : i32
        %dma_start3A_723 = tpu.memref_slice %arg8[%add3A_715, %dma_start3A_722] : memref<10000x128xf32, #tpu.memory_space<vmem_shared>> -> memref<80x128xf32, #tpu.memory_space<vmem_shared>>
        %dma_start3A_724 = arith.constant 0 : i32
        %dma_start3A_725 = tpu.memref_slice %arg8[%add3A_715, %dma_start3A_724] : memref<10000x128xf32, #tpu.memory_space<vmem_shared>> -> memref<80x128xf32, #tpu.memory_space<vmem_shared>>
        %dma_start3A_726 = arith.constant 0 : i32
        %dma_start3A_727 = arith.constant 0 : i32
        %dma_start3A_728 = tpu.memref_slice %arg7[%run_scoped3A_716, %dma_start3A_726, %dma_start3A_727] : memref<3x80x128xf32, #tpu.memory_space<vmem>> -> memref<1x80x128xf32, #tpu.memory_space<vmem>>
        %dma_start3A_729 = tpu.memref_squeeze %dma_start3A_728 : memref<1x80x128xf32, #tpu.memory_space<vmem>> -> memref<80x128xf32, #tpu.memory_space<vmem>>
        tpu.enqueue_dma source(%dma_start3A_729 : memref<80x128xf32, #tpu.memory_space<vmem>>) target(%dma_start3A_725 : memref<80x128xf32, #tpu.memory_space<vmem_shared>>) target_semaphore(%run_scoped3A_717 : memref<!tpu.dma_semaphore, #tpu.memory_space<semaphore_mem>>)
        %dma_wait3A_730 = arith.constant 0 : i32
        %dma_wait3A_731 = arith.constant 0 : i32
        %dma_wait3A_732 = tpu.memref_slice %arg7[%run_scoped3A_716, %dma_wait3A_730, %dma_wait3A_731] : memref<3x80x128xf32, #tpu.memory_space<vmem>> -> memref<1x80x128xf32, #tpu.memory_space<vmem>>
        %dma_wait3A_733 = tpu.memref_squeeze %dma_wait3A_732 : memref<1x80x128xf32, #tpu.memory_space<vmem>> -> memref<80x128xf32, #tpu.memory_space<vmem>>
        %dma_wait3A_734 = arith.constant 0 : i32
        %dma_wait3A_735 = tpu.memref_slice %arg8[%add3A_715, %dma_wait3A_734] : memref<10000x128xf32, #tpu.memory_space<vmem_shared>> -> memref<80x128xf32, #tpu.memory_space<vmem_shared>>
        %dma_wait3A_736 = arith.constant 0 : i32
        %dma_wait3A_737 = tpu.memref_slice %arg8[%add3A_715, %dma_wait3A_736] : memref<10000x128xf32, #tpu.memory_space<vmem_shared>> -> memref<80x128xf32, #tpu.memory_space<vmem_shared>>
        %dma_wait3A_738 = arith.constant 0 : i32
        %dma_wait3A_739 = arith.constant 0 : i32
        %dma_wait3A_740 = tpu.memref_slice %arg7[%run_scoped3A_716, %dma_wait3A_738, %dma_wait3A_739] : memref<3x80x128xf32, #tpu.memory_space<vmem>> -> memref<1x80x128xf32, #tpu.memory_space<vmem>>
        %dma_wait3A_741 = tpu.memref_squeeze %dma_wait3A_740 : memref<1x80x128xf32, #tpu.memory_space<vmem>> -> memref<80x128xf32, #tpu.memory_space<vmem>>
        tpu.wait_dma2 semaphore(%run_scoped3A_717 : memref<!tpu.dma_semaphore, #tpu.memory_space<semaphore_mem>>) src(%dma_wait3A_741 : memref<80x128xf32, #tpu.memory_space<vmem>>) dst(%dma_wait3A_737 : memref<80x128xf32, #tpu.memory_space<vmem_shared>>)
        tpu.yield
      }) : () -> ()
    }
    %scan3A_90 = arith.constant 7 : i32
    %add3A_91 = arith.constant 560 : i32
    %add3A_92 = arith.addi %mul3A_2, %add3A_91 : i32
    %run_scoped3A_93 = arith.constant 2 : i32
    "tpu.region"() ({
      %run_scoped3A_712 = tpu.sem_alloc : memref<!tpu.dma_semaphore, #tpu.memory_space<semaphore_mem>>
      %dma_start3A_713 = arith.constant 0 : i32
      %dma_start3A_714 = arith.constant 0 : i32
      %dma_start3A_715 = tpu.memref_slice %arg7[%run_scoped3A_93, %dma_start3A_713, %dma_start3A_714] : memref<3x80x128xf32, #tpu.memory_space<vmem>> -> memref<1x64x128xf32, #tpu.memory_space<vmem>>
      %dma_start3A_716 = tpu.memref_squeeze %dma_start3A_715 : memref<1x64x128xf32, #tpu.memory_space<vmem>> -> memref<64x128xf32, #tpu.memory_space<vmem>>
      %dma_start3A_717 = arith.constant 0 : i32
      %dma_start3A_718 = tpu.memref_slice %arg8[%add3A_92, %dma_start3A_717] : memref<10000x128xf32, #tpu.memory_space<vmem_shared>> -> memref<64x128xf32, #tpu.memory_space<vmem_shared>>
      %dma_start3A_719 = arith.constant 0 : i32
      %dma_start3A_720 = tpu.memref_slice %arg8[%add3A_92, %dma_start3A_719] : memref<10000x128xf32, #tpu.memory_space<vmem_shared>> -> memref<64x128xf32, #tpu.memory_space<vmem_shared>>
      %dma_start3A_721 = arith.constant 0 : i32
      %dma_start3A_722 = arith.constant 0 : i32
      %dma_start3A_723 = tpu.memref_slice %arg7[%run_scoped3A_93, %dma_start3A_721, %dma_start3A_722] : memref<3x80x128xf32, #tpu.memory_space<vmem>> -> memref<1x64x128xf32, #tpu.memory_space<vmem>>
      %dma_start3A_724 = tpu.memref_squeeze %dma_start3A_723 : memref<1x64x128xf32, #tpu.memory_space<vmem>> -> memref<64x128xf32, #tpu.memory_space<vmem>>
      tpu.enqueue_dma source(%dma_start3A_724 : memref<64x128xf32, #tpu.memory_space<vmem>>) target(%dma_start3A_720 : memref<64x128xf32, #tpu.memory_space<vmem_shared>>) target_semaphore(%run_scoped3A_712 : memref<!tpu.dma_semaphore, #tpu.memory_space<semaphore_mem>>)
      %dma_wait3A_725 = arith.constant 0 : i32
      %dma_wait3A_726 = arith.constant 0 : i32
      %dma_wait3A_727 = tpu.memref_slice %arg7[%run_scoped3A_93, %dma_wait3A_725, %dma_wait3A_726] : memref<3x80x128xf32, #tpu.memory_space<vmem>> -> memref<1x64x128xf32, #tpu.memory_space<vmem>>
      %dma_wait3A_728 = tpu.memref_squeeze %dma_wait3A_727 : memref<1x64x128xf32, #tpu.memory_space<vmem>> -> memref<64x128xf32, #tpu.memory_space<vmem>>
      %dma_wait3A_729 = arith.constant 0 : i32
      %dma_wait3A_730 = tpu.memref_slice %arg8[%add3A_92, %dma_wait3A_729] : memref<10000x128xf32, #tpu.memory_space<vmem_shared>> -> memref<64x128xf32, #tpu.memory_space<vmem_shared>>
      %dma_wait3A_731 = arith.constant 0 : i32
      %dma_wait3A_732 = tpu.memref_slice %arg8[%add3A_92, %dma_wait3A_731] : memref<10000x128xf32, #tpu.memory_space<vmem_shared>> -> memref<64x128xf32, #tpu.memory_space<vmem_shared>>
      %dma_wait3A_733 = arith.constant 0 : i32
      %dma_wait3A_734 = arith.constant 0 : i32
      %dma_wait3A_735 = tpu.memref_slice %arg7[%run_scoped3A_93, %dma_wait3A_733, %dma_wait3A_734] : memref<3x80x128xf32, #tpu.memory_space<vmem>> -> memref<1x64x128xf32, #tpu.memory_space<vmem>>
      %dma_wait3A_736 = tpu.memref_squeeze %dma_wait3A_735 : memref<1x64x128xf32, #tpu.memory_space<vmem>> -> memref<64x128xf32, #tpu.memory_space<vmem>>
      tpu.wait_dma2 semaphore(%run_scoped3A_712 : memref<!tpu.dma_semaphore, #tpu.memory_space<semaphore_mem>>) src(%dma_wait3A_736 : memref<64x128xf32, #tpu.memory_space<vmem>>) dst(%dma_wait3A_732 : memref<64x128xf32, #tpu.memory_space<vmem_shared>>)
      tpu.yield
    }) : () -> ()
    %eq3A = arith.constant 0 : i32
    %eq3A_94 = arith.cmpi eq, %arg1, %eq3A : i32
    %convert_element_type3A = arith.extui %eq3A_94 : i1 to i32
    %cond3A = arith.constant 0 : i32
    %cond3A_95 = arith.cmpi ne, %convert_element_type3A, %cond3A : i32
    scf.if %cond3A_95 {
      %run_scoped3A_712 = arith.constant 2 : i32
      "tpu.region"() ({
        %run_scoped3A_713 = tpu.sem_alloc : memref<!tpu.dma_semaphore, #tpu.memory_space<semaphore_mem>>
        %dma_start3A_714 = arith.constant 0 : i32
        %dma_start3A_715 = arith.constant 0 : i32
        %dma_start3A_716 = tpu.memref_slice %arg7[%run_scoped3A_712, %dma_start3A_714, %dma_start3A_715] : memref<3x80x128xf32, #tpu.memory_space<vmem>> -> memref<1x16x128xf32, #tpu.memory_space<vmem>>
        %dma_start3A_717 = tpu.memref_squeeze %dma_start3A_716 : memref<1x16x128xf32, #tpu.memory_space<vmem>> -> memref<16x128xf32, #tpu.memory_space<vmem>>
        %dma_start3A_718 = arith.constant 9984 : i32
        %dma_start3A_719 = arith.constant 0 : i32
        %dma_start3A_720 = tpu.memref_slice %arg8[%dma_start3A_718, %dma_start3A_719] : memref<10000x128xf32, #tpu.memory_space<vmem_shared>> -> memref<16x128xf32, #tpu.memory_space<vmem_shared>>
        %dma_start3A_721 = arith.constant 9984 : i32
        %dma_start3A_722 = arith.constant 0 : i32
        %dma_start3A_723 = tpu.memref_slice %arg8[%dma_start3A_721, %dma_start3A_722] : memref<10000x128xf32, #tpu.memory_space<vmem_shared>> -> memref<16x128xf32, #tpu.memory_space<vmem_shared>>
        %dma_start3A_724 = arith.constant 0 : i32
        %dma_start3A_725 = arith.constant 0 : i32
        %dma_start3A_726 = tpu.memref_slice %arg7[%run_scoped3A_712, %dma_start3A_724, %dma_start3A_725] : memref<3x80x128xf32, #tpu.memory_space<vmem>> -> memref<1x16x128xf32, #tpu.memory_space<vmem>>
        %dma_start3A_727 = tpu.memref_squeeze %dma_start3A_726 : memref<1x16x128xf32, #tpu.memory_space<vmem>> -> memref<16x128xf32, #tpu.memory_space<vmem>>
        tpu.enqueue_dma source(%dma_start3A_727 : memref<16x128xf32, #tpu.memory_space<vmem>>) target(%dma_start3A_723 : memref<16x128xf32, #tpu.memory_space<vmem_shared>>) target_semaphore(%run_scoped3A_713 : memref<!tpu.dma_semaphore, #tpu.memory_space<semaphore_mem>>)
        %dma_wait3A_728 = arith.constant 0 : i32
        %dma_wait3A_729 = arith.constant 0 : i32
        %dma_wait3A_730 = tpu.memref_slice %arg7[%run_scoped3A_712, %dma_wait3A_728, %dma_wait3A_729] : memref<3x80x128xf32, #tpu.memory_space<vmem>> -> memref<1x16x128xf32, #tpu.memory_space<vmem>>
        %dma_wait3A_731 = tpu.memref_squeeze %dma_wait3A_730 : memref<1x16x128xf32, #tpu.memory_space<vmem>> -> memref<16x128xf32, #tpu.memory_space<vmem>>
        %dma_wait3A_732 = arith.constant 9984 : i32
        %dma_wait3A_733 = arith.constant 0 : i32
        %dma_wait3A_734 = tpu.memref_slice %arg8[%dma_wait3A_732, %dma_wait3A_733] : memref<10000x128xf32, #tpu.memory_space<vmem_shared>> -> memref<16x128xf32, #tpu.memory_space<vmem_shared>>
        %dma_wait3A_735 = arith.constant 9984 : i32
        %dma_wait3A_736 = arith.constant 0 : i32
        %dma_wait3A_737 = tpu.memref_slice %arg8[%dma_wait3A_735, %dma_wait3A_736] : memref<10000x128xf32, #tpu.memory_space<vmem_shared>> -> memref<16x128xf32, #tpu.memory_space<vmem_shared>>
        %dma_wait3A_738 = arith.constant 0 : i32
        %dma_wait3A_739 = arith.constant 0 : i32
        %dma_wait3A_740 = tpu.memref_slice %arg7[%run_scoped3A_712, %dma_wait3A_738, %dma_wait3A_739] : memref<3x80x128xf32, #tpu.memory_space<vmem>> -> memref<1x16x128xf32, #tpu.memory_space<vmem>>
        %dma_wait3A_741 = tpu.memref_squeeze %dma_wait3A_740 : memref<1x16x128xf32, #tpu.memory_space<vmem>> -> memref<16x128xf32, #tpu.memory_space<vmem>>
        tpu.wait_dma2 semaphore(%run_scoped3A_713 : memref<!tpu.dma_semaphore, #tpu.memory_space<semaphore_mem>>) src(%dma_wait3A_741 : memref<16x128xf32, #tpu.memory_space<vmem>>) dst(%dma_wait3A_737 : memref<16x128xf32, #tpu.memory_space<vmem_shared>>)
        tpu.yield
      }) : () -> ()
    } else {
    }
    %barrier3A = arith.constant 0 : index
    tpu.barrier barrier_id(%barrier3A)
    %scan3A_96 = arith.constant 0 : i32
    %scan3A_97 = arith.constant 0 : i32
    %scan3A_98 = arith.constant 41 : i32
    %scan3A_99 = arith.addi %scan3A_97, %scan3A_98 : i32
    %scan3A_100 = arith.constant 1 : i32
    scf.for %scan3A_712 = %scan3A_97 to %scan3A_99 step %scan3A_100  : i32 {
      %mul3A_713 = arith.constant 3 : i32
      %mul3A_714 = arith.muli %scan3A_712, %mul3A_713 : i32
      %add3A_715 = arith.constant 0 : i32
      %add3A_716 = arith.addi %mul3A_714, %add3A_715 : i32
      %jit3A_717 = arith.constant 25 : i32
      %div3A_718 = arith.divsi %add3A_716, %jit3A_717 : i32
      %sign3A_719 = arith.constant 0 : i32
      %sign3A_720 = arith.cmpi sgt, %add3A_716, %sign3A_719 : i32
      %sign3A_721 = arith.extui %sign3A_720 : i1 to i32
      %sign3A_722 = arith.constant 0 : i32
      %sign3A_723 = arith.cmpi slt, %add3A_716, %sign3A_722 : i32
      %sign3A_724 = arith.extui %sign3A_723 : i1 to i32
      %sign3A_725 = arith.subi %sign3A_721, %sign3A_724 : i32
      %sign3A_726 = arith.constant 0 : i32
      %sign3A_727 = arith.cmpi sgt, %jit3A_717, %sign3A_726 : i32
      %sign3A_728 = arith.extui %sign3A_727 : i1 to i32
      %sign3A_729 = arith.constant 0 : i32
      %sign3A_730 = arith.cmpi slt, %jit3A_717, %sign3A_729 : i32
      %sign3A_731 = arith.extui %sign3A_730 : i1 to i32
      %sign3A_732 = arith.subi %sign3A_728, %sign3A_731 : i32
      %ne3A_733 = arith.cmpi ne, %sign3A_725, %sign3A_732 : i32
      %rem3A_734 = arith.remsi %add3A_716, %jit3A_717 : i32
      %ne3A_735 = arith.constant 0 : i32
      %ne3A_736 = arith.cmpi ne, %rem3A_734, %ne3A_735 : i32
      %and3A_737 = arith.andi %ne3A_733, %ne3A_736 : i1
      %sub3A_738 = arith.constant 1 : i32
      %sub3A_739 = arith.subi %div3A_718, %sub3A_738 : i32
      %select_n3A_740 = arith.select %and3A_737, %sub3A_739, %div3A_718 : i32
      %jit3A_741 = arith.constant 2 : i32
      %eq3A_742 = arith.constant 0 : i32
      %eq3A_743 = arith.cmpi eq, %jit3A_741, %eq3A_742 : i32
      %jit3A_744 = arith.constant 1 : i32
      %select_n3A_745 = arith.select %eq3A_743, %jit3A_744, %jit3A_741 : i32
      %rem3A_746 = arith.remsi %select_n3A_740, %select_n3A_745 : i32
      %ne3A_747 = arith.constant 0 : i32
      %ne3A_748 = arith.cmpi ne, %rem3A_746, %ne3A_747 : i32
      %lt3A_749 = arith.constant 0 : i32
      %lt3A_750 = arith.cmpi slt, %rem3A_746, %lt3A_749 : i32
      %lt3A_751 = arith.constant 0 : i32
      %lt3A_752 = arith.cmpi slt, %select_n3A_745, %lt3A_751 : i32
      %ne3A_753 = arith.xori %lt3A_750, %lt3A_752 : i1
      %and3A_754 = arith.andi %ne3A_753, %ne3A_748 : i1
      %add3A_755 = arith.addi %rem3A_746, %select_n3A_745 : i32
      %select_n3A_756 = arith.select %and3A_754, %add3A_755, %rem3A_746 : i32
      %mul3A_757 = arith.constant 2 : i32
      %mul3A_758 = arith.muli %select_n3A_756, %mul3A_757 : i32
      %jit3A_759 = arith.constant 25 : i32
      %eq3A_760 = arith.constant 0 : i32
      %eq3A_761 = arith.cmpi eq, %jit3A_759, %eq3A_760 : i32
      %jit3A_762 = arith.constant 1 : i32
      %select_n3A_763 = arith.select %eq3A_761, %jit3A_762, %jit3A_759 : i32
      %rem3A_764 = arith.remsi %add3A_716, %select_n3A_763 : i32
      %ne3A_765 = arith.constant 0 : i32
      %ne3A_766 = arith.cmpi ne, %rem3A_764, %ne3A_765 : i32
      %lt3A_767 = arith.constant 0 : i32
      %lt3A_768 = arith.cmpi slt, %rem3A_764, %lt3A_767 : i32
      %lt3A_769 = arith.constant 0 : i32
      %lt3A_770 = arith.cmpi slt, %select_n3A_763, %lt3A_769 : i32
      %ne3A_771 = arith.xori %lt3A_768, %lt3A_770 : i1
      %and3A_772 = arith.andi %ne3A_771, %ne3A_766 : i1
      %add3A_773 = arith.addi %rem3A_764, %select_n3A_763 : i32
      %select_n3A_774 = arith.select %and3A_772, %add3A_773, %rem3A_764 : i32
      %dma_wait3A_775 = arith.constant 0 : i32
      %dma_wait3A_776 = arith.constant 0 : i32
      %dma_wait3A_777 = arith.constant 0 : i32
      %dma_wait3A_778 = arith.constant 0 : i32
      %dma_wait3A_779 = tpu.memref_slice %arg7[%dma_wait3A_775, %dma_wait3A_777, %dma_wait3A_778] : memref<3x80x128xf32, #tpu.memory_space<vmem>> -> memref<1x80x128xf32, #tpu.memory_space<vmem>>
      %dma_wait3A_780 = tpu.memref_squeeze %dma_wait3A_779 : memref<1x80x128xf32, #tpu.memory_space<vmem>> -> memref<80x128xf32, #tpu.memory_space<vmem>>
      %dma_wait3A_781 = arith.constant 0 : i32
      %dma_wait3A_782 = tpu.memref_slice %arg6[%mul3A_758, %select_n3A_774, %dma_wait3A_781] : memref<4x25x80xi32, #tpu.memory_space<vmem>> -> memref<1x1x80xi32, #tpu.memory_space<vmem>>
      %dma_wait3A_783 = tpu.memref_squeeze %dma_wait3A_782 : memref<1x1x80xi32, #tpu.memory_space<vmem>> -> memref<80xi32, #tpu.memory_space<vmem>>
      %dma_wait3A_784 = arith.constant 0 : i32
      %dma_wait3A_785 = arith.constant 0 : i32
      %dma_wait3A_786 = tpu.memref_slice %arg2[%dma_wait3A_784, %dma_wait3A_785] : memref<10000x128xf32, #tpu.memory_space<hbm>> -> memref<10000x128xf32, #tpu.memory_space<hbm>>
      %dma_wait3A_787 = tpu.memref_slice %arg9[%dma_wait3A_776] : memref<3x!tpu.dma_semaphore, #tpu.memory_space<semaphore_mem>> -> memref<1x!tpu.dma_semaphore, #tpu.memory_space<semaphore_mem>>
      %dma_wait3A_788 = tpu.memref_squeeze %dma_wait3A_787 : memref<1x!tpu.dma_semaphore, #tpu.memory_space<semaphore_mem>> -> memref<!tpu.dma_semaphore, #tpu.memory_space<semaphore_mem>>
      tpu.wait_indirect_dma semaphore(%dma_wait3A_788 : memref<!tpu.dma_semaphore, #tpu.memory_space<semaphore_mem>>) src(%dma_wait3A_786 : memref<10000x128xf32, #tpu.memory_space<hbm>>) dst(%dma_wait3A_780 : memref<80x128xf32, #tpu.memory_space<vmem>>)
      %jit3A_789 = arith.constant 25 : i32
      %div3A_790 = arith.divsi %add3A_716, %jit3A_789 : i32
      %sign3A_791 = arith.constant 0 : i32
      %sign3A_792 = arith.cmpi sgt, %add3A_716, %sign3A_791 : i32
      %sign3A_793 = arith.extui %sign3A_792 : i1 to i32
      %sign3A_794 = arith.constant 0 : i32
      %sign3A_795 = arith.cmpi slt, %add3A_716, %sign3A_794 : i32
      %sign3A_796 = arith.extui %sign3A_795 : i1 to i32
      %sign3A_797 = arith.subi %sign3A_793, %sign3A_796 : i32
      %sign3A_798 = arith.constant 0 : i32
      %sign3A_799 = arith.cmpi sgt, %jit3A_789, %sign3A_798 : i32
      %sign3A_800 = arith.extui %sign3A_799 : i1 to i32
      %sign3A_801 = arith.constant 0 : i32
      %sign3A_802 = arith.cmpi slt, %jit3A_789, %sign3A_801 : i32
      %sign3A_803 = arith.extui %sign3A_802 : i1 to i32
      %sign3A_804 = arith.subi %sign3A_800, %sign3A_803 : i32
      %ne3A_805 = arith.cmpi ne, %sign3A_797, %sign3A_804 : i32
      %rem3A_806 = arith.remsi %add3A_716, %jit3A_789 : i32
      %ne3A_807 = arith.constant 0 : i32
      %ne3A_808 = arith.cmpi ne, %rem3A_806, %ne3A_807 : i32
      %and3A_809 = arith.andi %ne3A_805, %ne3A_808 : i1
      %sub3A_810 = arith.constant 1 : i32
      %sub3A_811 = arith.subi %div3A_790, %sub3A_810 : i32
      %select_n3A_812 = arith.select %and3A_809, %sub3A_811, %div3A_790 : i32
      %jit3A_813 = arith.constant 2 : i32
      %eq3A_814 = arith.constant 0 : i32
      %eq3A_815 = arith.cmpi eq, %jit3A_813, %eq3A_814 : i32
      %jit3A_816 = arith.constant 1 : i32
      %select_n3A_817 = arith.select %eq3A_815, %jit3A_816, %jit3A_813 : i32
      %rem3A_818 = arith.remsi %select_n3A_812, %select_n3A_817 : i32
      %ne3A_819 = arith.constant 0 : i32
      %ne3A_820 = arith.cmpi ne, %rem3A_818, %ne3A_819 : i32
      %lt3A_821 = arith.constant 0 : i32
      %lt3A_822 = arith.cmpi slt, %rem3A_818, %lt3A_821 : i32
      %lt3A_823 = arith.constant 0 : i32
      %lt3A_824 = arith.cmpi slt, %select_n3A_817, %lt3A_823 : i32
      %ne3A_825 = arith.xori %lt3A_822, %lt3A_824 : i1
      %and3A_826 = arith.andi %ne3A_825, %ne3A_820 : i1
      %add3A_827 = arith.addi %rem3A_818, %select_n3A_817 : i32
      %select_n3A_828 = arith.select %and3A_826, %add3A_827, %rem3A_818 : i32
      %mul3A_829 = arith.constant 2 : i32
      %mul3A_830 = arith.muli %select_n3A_828, %mul3A_829 : i32
      %add3A_831 = arith.constant 1 : i32
      %add3A_832 = arith.addi %mul3A_830, %add3A_831 : i32
      %jit3A_833 = arith.constant 25 : i32
      %eq3A_834 = arith.constant 0 : i32
      %eq3A_835 = arith.cmpi eq, %jit3A_833, %eq3A_834 : i32
      %jit3A_836 = arith.constant 1 : i32
      %select_n3A_837 = arith.select %eq3A_835, %jit3A_836, %jit3A_833 : i32
      %rem3A_838 = arith.remsi %add3A_716, %select_n3A_837 : i32
      %ne3A_839 = arith.constant 0 : i32
      %ne3A_840 = arith.cmpi ne, %rem3A_838, %ne3A_839 : i32
      %lt3A_841 = arith.constant 0 : i32
      %lt3A_842 = arith.cmpi slt, %rem3A_838, %lt3A_841 : i32
      %lt3A_843 = arith.constant 0 : i32
      %lt3A_844 = arith.cmpi slt, %select_n3A_837, %lt3A_843 : i32
      %ne3A_845 = arith.xori %lt3A_842, %lt3A_844 : i1
      %and3A_846 = arith.andi %ne3A_845, %ne3A_840 : i1
      %add3A_847 = arith.addi %rem3A_838, %select_n3A_837 : i32
      %select_n3A_848 = arith.select %and3A_846, %add3A_847, %rem3A_838 : i32
      %dma_start3A_849 = arith.constant 0 : i32
      %dma_start3A_850 = arith.constant 0 : i32
      %dma_start3A_851 = arith.constant 0 : i32
      %dma_start3A_852 = arith.constant 0 : i32
      %dma_start3A_853 = tpu.memref_slice %arg7[%dma_start3A_849, %dma_start3A_851, %dma_start3A_852] : memref<3x80x128xf32, #tpu.memory_space<vmem>> -> memref<1x80x128xf32, #tpu.memory_space<vmem>>
      %dma_start3A_854 = tpu.memref_squeeze %dma_start3A_853 : memref<1x80x128xf32, #tpu.memory_space<vmem>> -> memref<80x128xf32, #tpu.memory_space<vmem>>
      %dma_start3A_855 = arith.constant 0 : i32
      %dma_start3A_856 = tpu.memref_slice %arg6[%add3A_832, %select_n3A_848, %dma_start3A_855] : memref<4x25x80xi32, #tpu.memory_space<vmem>> -> memref<1x1x80xi32, #tpu.memory_space<vmem>>
      %dma_start3A_857 = tpu.memref_squeeze %dma_start3A_856 : memref<1x1x80xi32, #tpu.memory_space<vmem>> -> memref<80xi32, #tpu.memory_space<vmem>>
      %dma_start3A_858 = arith.constant 0 : i32
      %dma_start3A_859 = arith.constant 0 : i32
      %dma_start3A_860 = tpu.memref_slice %arg8[%dma_start3A_858, %dma_start3A_859] : memref<10000x128xf32, #tpu.memory_space<vmem_shared>> -> memref<10000x128xf32, #tpu.memory_space<vmem_shared>>
      %dma_start3A_861 = tpu.memref_slice %arg10[%dma_start3A_850] : memref<3x!tpu.dma_semaphore, #tpu.memory_space<semaphore_mem>> -> memref<1x!tpu.dma_semaphore, #tpu.memory_space<semaphore_mem>>
      %dma_start3A_862 = tpu.memref_squeeze %dma_start3A_861 : memref<1x!tpu.dma_semaphore, #tpu.memory_space<semaphore_mem>> -> memref<!tpu.dma_semaphore, #tpu.memory_space<semaphore_mem>>
      tpu.enqueue_indirect_dma source(%dma_start3A_854 : memref<80x128xf32, #tpu.memory_space<vmem>>) target(%dma_start3A_860 : memref<10000x128xf32, #tpu.memory_space<vmem_shared>>) offsets(%dma_start3A_857 : memref<80xi32, #tpu.memory_space<vmem>>) semaphore(%dma_start3A_862 : memref<!tpu.dma_semaphore, #tpu.memory_space<semaphore_mem>>) {add = true}
      %ge3A_863 = arith.constant 1 : i32
      %ge3A_864 = arith.cmpi sge, %add3A_716, %ge3A_863 : i32
      %convert_element_type3A_865 = arith.extui %ge3A_864 : i1 to i32
      %cond3A_866 = arith.constant 0 : i32
      %cond3A_867 = arith.cmpi ne, %convert_element_type3A_865, %cond3A_866 : i32
      scf.if %cond3A_867 {
        %sub3A_1502 = arith.constant 1 : i32
        %sub3A_1503 = arith.subi %add3A_716, %sub3A_1502 : i32
        %jit3A_1504 = arith.constant 25 : i32
        %div3A_1505 = arith.divsi %sub3A_1503, %jit3A_1504 : i32
        %sign3A_1506 = arith.constant 0 : i32
        %sign3A_1507 = arith.cmpi sgt, %sub3A_1503, %sign3A_1506 : i32
        %sign3A_1508 = arith.extui %sign3A_1507 : i1 to i32
        %sign3A_1509 = arith.constant 0 : i32
        %sign3A_1510 = arith.cmpi slt, %sub3A_1503, %sign3A_1509 : i32
        %sign3A_1511 = arith.extui %sign3A_1510 : i1 to i32
        %sign3A_1512 = arith.subi %sign3A_1508, %sign3A_1511 : i32
        %sign3A_1513 = arith.constant 0 : i32
        %sign3A_1514 = arith.cmpi sgt, %jit3A_1504, %sign3A_1513 : i32
        %sign3A_1515 = arith.extui %sign3A_1514 : i1 to i32
        %sign3A_1516 = arith.constant 0 : i32
        %sign3A_1517 = arith.cmpi slt, %jit3A_1504, %sign3A_1516 : i32
        %sign3A_1518 = arith.extui %sign3A_1517 : i1 to i32
        %sign3A_1519 = arith.subi %sign3A_1515, %sign3A_1518 : i32
        %ne3A_1520 = arith.cmpi ne, %sign3A_1512, %sign3A_1519 : i32
        %rem3A_1521 = arith.remsi %sub3A_1503, %jit3A_1504 : i32
        %ne3A_1522 = arith.constant 0 : i32
        %ne3A_1523 = arith.cmpi ne, %rem3A_1521, %ne3A_1522 : i32
        %and3A_1524 = arith.andi %ne3A_1520, %ne3A_1523 : i1
        %sub3A_1525 = arith.constant 1 : i32
        %sub3A_1526 = arith.subi %div3A_1505, %sub3A_1525 : i32
        %select_n3A_1527 = arith.select %and3A_1524, %sub3A_1526, %div3A_1505 : i32
        %jit3A_1528 = arith.constant 2 : i32
        %eq3A_1529 = arith.constant 0 : i32
        %eq3A_1530 = arith.cmpi eq, %jit3A_1528, %eq3A_1529 : i32
        %jit3A_1531 = arith.constant 1 : i32
        %select_n3A_1532 = arith.select %eq3A_1530, %jit3A_1531, %jit3A_1528 : i32
        %rem3A_1533 = arith.remsi %select_n3A_1527, %select_n3A_1532 : i32
        %ne3A_1534 = arith.constant 0 : i32
        %ne3A_1535 = arith.cmpi ne, %rem3A_1533, %ne3A_1534 : i32
        %lt3A_1536 = arith.constant 0 : i32
        %lt3A_1537 = arith.cmpi slt, %rem3A_1533, %lt3A_1536 : i32
        %lt3A_1538 = arith.constant 0 : i32
        %lt3A_1539 = arith.cmpi slt, %select_n3A_1532, %lt3A_1538 : i32
        %ne3A_1540 = arith.xori %lt3A_1537, %lt3A_1539 : i1
        %and3A_1541 = arith.andi %ne3A_1540, %ne3A_1535 : i1
        %add3A_1542 = arith.addi %rem3A_1533, %select_n3A_1532 : i32
        %select_n3A_1543 = arith.select %and3A_1541, %add3A_1542, %rem3A_1533 : i32
        %mul3A_1544 = arith.constant 2 : i32
        %mul3A_1545 = arith.muli %select_n3A_1543, %mul3A_1544 : i32
        %add3A_1546 = arith.constant 1 : i32
        %add3A_1547 = arith.addi %mul3A_1545, %add3A_1546 : i32
        %jit3A_1548 = arith.constant 25 : i32
        %eq3A_1549 = arith.constant 0 : i32
        %eq3A_1550 = arith.cmpi eq, %jit3A_1548, %eq3A_1549 : i32
        %jit3A_1551 = arith.constant 1 : i32
        %select_n3A_1552 = arith.select %eq3A_1550, %jit3A_1551, %jit3A_1548 : i32
        %rem3A_1553 = arith.remsi %sub3A_1503, %select_n3A_1552 : i32
        %ne3A_1554 = arith.constant 0 : i32
        %ne3A_1555 = arith.cmpi ne, %rem3A_1553, %ne3A_1554 : i32
        %lt3A_1556 = arith.constant 0 : i32
        %lt3A_1557 = arith.cmpi slt, %rem3A_1553, %lt3A_1556 : i32
        %lt3A_1558 = arith.constant 0 : i32
        %lt3A_1559 = arith.cmpi slt, %select_n3A_1552, %lt3A_1558 : i32
        %ne3A_1560 = arith.xori %lt3A_1557, %lt3A_1559 : i1
        %and3A_1561 = arith.andi %ne3A_1560, %ne3A_1555 : i1
        %add3A_1562 = arith.addi %rem3A_1553, %select_n3A_1552 : i32
        %select_n3A_1563 = arith.select %and3A_1561, %add3A_1562, %rem3A_1553 : i32
        %dma_wait3A_1564 = arith.constant 2 : i32
        %dma_wait3A_1565 = arith.constant 2 : i32
        %dma_wait3A_1566 = arith.constant 0 : i32
        %dma_wait3A_1567 = arith.constant 0 : i32
        %dma_wait3A_1568 = tpu.memref_slice %arg7[%dma_wait3A_1564, %dma_wait3A_1566, %dma_wait3A_1567] : memref<3x80x128xf32, #tpu.memory_space<vmem>> -> memref<1x80x128xf32, #tpu.memory_space<vmem>>
        %dma_wait3A_1569 = tpu.memref_squeeze %dma_wait3A_1568 : memref<1x80x128xf32, #tpu.memory_space<vmem>> -> memref<80x128xf32, #tpu.memory_space<vmem>>
        %dma_wait3A_1570 = arith.constant 0 : i32
        %dma_wait3A_1571 = tpu.memref_slice %arg6[%add3A_1547, %select_n3A_1563, %dma_wait3A_1570] : memref<4x25x80xi32, #tpu.memory_space<vmem>> -> memref<1x1x80xi32, #tpu.memory_space<vmem>>
        %dma_wait3A_1572 = tpu.memref_squeeze %dma_wait3A_1571 : memref<1x1x80xi32, #tpu.memory_space<vmem>> -> memref<80xi32, #tpu.memory_space<vmem>>
        %dma_wait3A_1573 = arith.constant 0 : i32
        %dma_wait3A_1574 = arith.constant 0 : i32
        %dma_wait3A_1575 = tpu.memref_slice %arg8[%dma_wait3A_1573, %dma_wait3A_1574] : memref<10000x128xf32, #tpu.memory_space<vmem_shared>> -> memref<10000x128xf32, #tpu.memory_space<vmem_shared>>
        %dma_wait3A_1576 = tpu.memref_slice %arg10[%dma_wait3A_1565] : memref<3x!tpu.dma_semaphore, #tpu.memory_space<semaphore_mem>> -> memref<1x!tpu.dma_semaphore, #tpu.memory_space<semaphore_mem>>
        %dma_wait3A_1577 = tpu.memref_squeeze %dma_wait3A_1576 : memref<1x!tpu.dma_semaphore, #tpu.memory_space<semaphore_mem>> -> memref<!tpu.dma_semaphore, #tpu.memory_space<semaphore_mem>>
        tpu.wait_indirect_dma semaphore(%dma_wait3A_1577 : memref<!tpu.dma_semaphore, #tpu.memory_space<semaphore_mem>>) src(%dma_wait3A_1569 : memref<80x128xf32, #tpu.memory_space<vmem>>) dst(%dma_wait3A_1575 : memref<10000x128xf32, #tpu.memory_space<vmem_shared>>)
      } else {
      }
      %add3A_868 = arith.constant 3 : i32
      %add3A_869 = arith.addi %add3A_716, %add3A_868 : i32
      %sub3A_870 = arith.constant 1 : i32
      %sub3A_871 = arith.subi %add3A_869, %sub3A_870 : i32
      %jit3A_872 = arith.constant 25 : i32
      %eq3A_873 = arith.constant 0 : i32
      %eq3A_874 = arith.cmpi eq, %jit3A_872, %eq3A_873 : i32
      %jit3A_875 = arith.constant 1 : i32
      %select_n3A_876 = arith.select %eq3A_874, %jit3A_875, %jit3A_872 : i32
      %rem3A_877 = arith.remsi %sub3A_871, %select_n3A_876 : i32
      %ne3A_878 = arith.constant 0 : i32
      %ne3A_879 = arith.cmpi ne, %rem3A_877, %ne3A_878 : i32
      %lt3A_880 = arith.constant 0 : i32
      %lt3A_881 = arith.cmpi slt, %rem3A_877, %lt3A_880 : i32
      %lt3A_882 = arith.constant 0 : i32
      %lt3A_883 = arith.cmpi slt, %select_n3A_876, %lt3A_882 : i32
      %ne3A_884 = arith.xori %lt3A_881, %lt3A_883 : i1
      %and3A_885 = arith.andi %ne3A_884, %ne3A_879 : i1
      %add3A_886 = arith.addi %rem3A_877, %select_n3A_876 : i32
      %select_n3A_887 = arith.select %and3A_885, %add3A_886, %rem3A_877 : i32
      %eq3A_888 = arith.constant 0 : i32
      %eq3A_889 = arith.cmpi eq, %select_n3A_887, %eq3A_888 : i32
      %lt3A_890 = arith.constant 125 : i32
      %lt3A_891 = arith.cmpi slt, %sub3A_871, %lt3A_890 : i32
      %and3A_892 = arith.andi %eq3A_889, %lt3A_891 : i1
      %convert_element_type3A_893 = arith.extui %and3A_892 : i1 to i32
      %cond3A_894 = arith.constant 0 : i32
      %cond3A_895 = arith.cmpi ne, %convert_element_type3A_893, %cond3A_894 : i32
      scf.if %cond3A_895 {
        %jit3A_1502 = arith.constant 25 : i32
        %div3A_1503 = arith.divsi %sub3A_871, %jit3A_1502 : i32
        %sign3A_1504 = arith.constant 0 : i32
        %sign3A_1505 = arith.cmpi sgt, %sub3A_871, %sign3A_1504 : i32
        %sign3A_1506 = arith.extui %sign3A_1505 : i1 to i32
        %sign3A_1507 = arith.constant 0 : i32
        %sign3A_1508 = arith.cmpi slt, %sub3A_871, %sign3A_1507 : i32
        %sign3A_1509 = arith.extui %sign3A_1508 : i1 to i32
        %sign3A_1510 = arith.subi %sign3A_1506, %sign3A_1509 : i32
        %sign3A_1511 = arith.constant 0 : i32
        %sign3A_1512 = arith.cmpi sgt, %jit3A_1502, %sign3A_1511 : i32
        %sign3A_1513 = arith.extui %sign3A_1512 : i1 to i32
        %sign3A_1514 = arith.constant 0 : i32
        %sign3A_1515 = arith.cmpi slt, %jit3A_1502, %sign3A_1514 : i32
        %sign3A_1516 = arith.extui %sign3A_1515 : i1 to i32
        %sign3A_1517 = arith.subi %sign3A_1513, %sign3A_1516 : i32
        %ne3A_1518 = arith.cmpi ne, %sign3A_1510, %sign3A_1517 : i32
        %rem3A_1519 = arith.remsi %sub3A_871, %jit3A_1502 : i32
        %ne3A_1520 = arith.constant 0 : i32
        %ne3A_1521 = arith.cmpi ne, %rem3A_1519, %ne3A_1520 : i32
        %and3A_1522 = arith.andi %ne3A_1518, %ne3A_1521 : i1
        %sub3A_1523 = arith.constant 1 : i32
        %sub3A_1524 = arith.subi %div3A_1503, %sub3A_1523 : i32
        %select_n3A_1525 = arith.select %and3A_1522, %sub3A_1524, %div3A_1503 : i32
        %mul3A_1526 = arith.constant 5 : i32
        %mul3A_1527 = arith.muli %add3A, %mul3A_1526 : i32
        %add3A_1528 = arith.addi %mul3A_1527, %select_n3A_1525 : i32
        %mul3A_1529 = arith.constant 2 : i32
        %mul3A_1530 = arith.muli %add3A_1528, %mul3A_1529 : i32
        %jit3A_1531 = arith.constant 2 : i32
        %eq3A_1532 = arith.constant 0 : i32
        %eq3A_1533 = arith.cmpi eq, %jit3A_1531, %eq3A_1532 : i32
        %jit3A_1534 = arith.constant 1 : i32
        %select_n3A_1535 = arith.select %eq3A_1533, %jit3A_1534, %jit3A_1531 : i32
        %rem3A_1536 = arith.remsi %select_n3A_1525, %select_n3A_1535 : i32
        %ne3A_1537 = arith.constant 0 : i32
        %ne3A_1538 = arith.cmpi ne, %rem3A_1536, %ne3A_1537 : i32
        %lt3A_1539 = arith.constant 0 : i32
        %lt3A_1540 = arith.cmpi slt, %rem3A_1536, %lt3A_1539 : i32
        %lt3A_1541 = arith.constant 0 : i32
        %lt3A_1542 = arith.cmpi slt, %select_n3A_1535, %lt3A_1541 : i32
        %ne3A_1543 = arith.xori %lt3A_1540, %lt3A_1542 : i1
        %and3A_1544 = arith.andi %ne3A_1543, %ne3A_1538 : i1
        %add3A_1545 = arith.addi %rem3A_1536, %select_n3A_1535 : i32
        %select_n3A_1546 = arith.select %and3A_1544, %add3A_1545, %rem3A_1536 : i32
        %mul3A_1547 = arith.constant 2 : i32
        %mul3A_1548 = arith.muli %select_n3A_1546, %mul3A_1547 : i32
        %dma_wait3A_1549 = arith.constant 0 : i32
        %dma_wait3A_1550 = arith.constant 0 : i32
        %dma_wait3A_1551 = tpu.memref_slice %arg6[%mul3A_1548, %dma_wait3A_1549, %dma_wait3A_1550] : memref<4x25x80xi32, #tpu.memory_space<vmem>> -> memref<1x25x80xi32, #tpu.memory_space<vmem>>
        %dma_wait3A_1552 = tpu.memref_squeeze %dma_wait3A_1551 : memref<1x25x80xi32, #tpu.memory_space<vmem>> -> memref<25x80xi32, #tpu.memory_space<vmem>>
        %dma_wait3A_1553 = arith.constant 0 : i32
        %dma_wait3A_1554 = arith.constant 0 : i32
        %dma_wait3A_1555 = tpu.memref_slice %arg3[%mul3A_1530, %dma_wait3A_1553, %dma_wait3A_1554] : memref<320x25x80xi32, #tpu.memory_space<hbm>> -> memref<1x25x80xi32, #tpu.memory_space<hbm>>
        %dma_wait3A_1556 = tpu.memref_squeeze %dma_wait3A_1555 : memref<1x25x80xi32, #tpu.memory_space<hbm>> -> memref<25x80xi32, #tpu.memory_space<hbm>>
        %dma_wait3A_1557 = arith.constant 0 : i32
        %dma_wait3A_1558 = arith.constant 0 : i32
        %dma_wait3A_1559 = tpu.memref_slice %arg6[%mul3A_1548, %dma_wait3A_1557, %dma_wait3A_1558] : memref<4x25x80xi32, #tpu.memory_space<vmem>> -> memref<1x25x80xi32, #tpu.memory_space<vmem>>
        %dma_wait3A_1560 = tpu.memref_squeeze %dma_wait3A_1559 : memref<1x25x80xi32, #tpu.memory_space<vmem>> -> memref<25x80xi32, #tpu.memory_space<vmem>>
        %dma_wait3A_1561 = arith.constant 0 : i32
        %dma_wait3A_1562 = arith.constant 0 : i32
        %dma_wait3A_1563 = tpu.memref_slice %arg3[%mul3A_1530, %dma_wait3A_1561, %dma_wait3A_1562] : memref<320x25x80xi32, #tpu.memory_space<hbm>> -> memref<1x25x80xi32, #tpu.memory_space<hbm>>
        %dma_wait3A_1564 = tpu.memref_squeeze %dma_wait3A_1563 : memref<1x25x80xi32, #tpu.memory_space<hbm>> -> memref<25x80xi32, #tpu.memory_space<hbm>>
        tpu.wait_dma2 semaphore(%arg11 : memref<!tpu.dma_semaphore, #tpu.memory_space<semaphore_mem>>) src(%dma_wait3A_1564 : memref<25x80xi32, #tpu.memory_space<hbm>>) dst(%dma_wait3A_1560 : memref<25x80xi32, #tpu.memory_space<vmem>>)
        %add3A_1565 = arith.constant 1 : i32
        %add3A_1566 = arith.addi %mul3A_1530, %add3A_1565 : i32
        %add3A_1567 = arith.constant 1 : i32
        %add3A_1568 = arith.addi %mul3A_1548, %add3A_1567 : i32
        %dma_wait3A_1569 = arith.constant 0 : i32
        %dma_wait3A_1570 = arith.constant 0 : i32
        %dma_wait3A_1571 = tpu.memref_slice %arg6[%add3A_1568, %dma_wait3A_1569, %dma_wait3A_1570] : memref<4x25x80xi32, #tpu.memory_space<vmem>> -> memref<1x25x80xi32, #tpu.memory_space<vmem>>
        %dma_wait3A_1572 = tpu.memref_squeeze %dma_wait3A_1571 : memref<1x25x80xi32, #tpu.memory_space<vmem>> -> memref<25x80xi32, #tpu.memory_space<vmem>>
        %dma_wait3A_1573 = arith.constant 0 : i32
        %dma_wait3A_1574 = arith.constant 0 : i32
        %dma_wait3A_1575 = tpu.memref_slice %arg3[%add3A_1566, %dma_wait3A_1573, %dma_wait3A_1574] : memref<320x25x80xi32, #tpu.memory_space<hbm>> -> memref<1x25x80xi32, #tpu.memory_space<hbm>>
        %dma_wait3A_1576 = tpu.memref_squeeze %dma_wait3A_1575 : memref<1x25x80xi32, #tpu.memory_space<hbm>> -> memref<25x80xi32, #tpu.memory_space<hbm>>
        %dma_wait3A_1577 = arith.constant 0 : i32
        %dma_wait3A_1578 = arith.constant 0 : i32
        %dma_wait3A_1579 = tpu.memref_slice %arg6[%add3A_1568, %dma_wait3A_1577, %dma_wait3A_1578] : memref<4x25x80xi32, #tpu.memory_space<vmem>> -> memref<1x25x80xi32, #tpu.memory_space<vmem>>
        %dma_wait3A_1580 = tpu.memref_squeeze %dma_wait3A_1579 : memref<1x25x80xi32, #tpu.memory_space<vmem>> -> memref<25x80xi32, #tpu.memory_space<vmem>>
        %dma_wait3A_1581 = arith.constant 0 : i32
        %dma_wait3A_1582 = arith.constant 0 : i32
        %dma_wait3A_1583 = tpu.memref_slice %arg3[%add3A_1566, %dma_wait3A_1581, %dma_wait3A_1582] : memref<320x25x80xi32, #tpu.memory_space<hbm>> -> memref<1x25x80xi32, #tpu.memory_space<hbm>>
        %dma_wait3A_1584 = tpu.memref_squeeze %dma_wait3A_1583 : memref<1x25x80xi32, #tpu.memory_space<hbm>> -> memref<25x80xi32, #tpu.memory_space<hbm>>
        tpu.wait_dma2 semaphore(%arg11 : memref<!tpu.dma_semaphore, #tpu.memory_space<semaphore_mem>>) src(%dma_wait3A_1584 : memref<25x80xi32, #tpu.memory_space<hbm>>) dst(%dma_wait3A_1580 : memref<25x80xi32, #tpu.memory_space<vmem>>)
      } else {
      }
      %lt3A_896 = arith.constant 125 : i32
      %lt3A_897 = arith.cmpi slt, %sub3A_871, %lt3A_896 : i32
      %convert_element_type3A_898 = arith.extui %lt3A_897 : i1 to i32
      %cond3A_899 = arith.constant 0 : i32
      %cond3A_900 = arith.cmpi ne, %convert_element_type3A_898, %cond3A_899 : i32
      scf.if %cond3A_900 {
        %jit3A_1502 = arith.constant 25 : i32
        %div3A_1503 = arith.divsi %sub3A_871, %jit3A_1502 : i32
        %sign3A_1504 = arith.constant 0 : i32
        %sign3A_1505 = arith.cmpi sgt, %sub3A_871, %sign3A_1504 : i32
        %sign3A_1506 = arith.extui %sign3A_1505 : i1 to i32
        %sign3A_1507 = arith.constant 0 : i32
        %sign3A_1508 = arith.cmpi slt, %sub3A_871, %sign3A_1507 : i32
        %sign3A_1509 = arith.extui %sign3A_1508 : i1 to i32
        %sign3A_1510 = arith.subi %sign3A_1506, %sign3A_1509 : i32
        %sign3A_1511 = arith.constant 0 : i32
        %sign3A_1512 = arith.cmpi sgt, %jit3A_1502, %sign3A_1511 : i32
        %sign3A_1513 = arith.extui %sign3A_1512 : i1 to i32
        %sign3A_1514 = arith.constant 0 : i32
        %sign3A_1515 = arith.cmpi slt, %jit3A_1502, %sign3A_1514 : i32
        %sign3A_1516 = arith.extui %sign3A_1515 : i1 to i32
        %sign3A_1517 = arith.subi %sign3A_1513, %sign3A_1516 : i32
        %ne3A_1518 = arith.cmpi ne, %sign3A_1510, %sign3A_1517 : i32
        %rem3A_1519 = arith.remsi %sub3A_871, %jit3A_1502 : i32
        %ne3A_1520 = arith.constant 0 : i32
        %ne3A_1521 = arith.cmpi ne, %rem3A_1519, %ne3A_1520 : i32
        %and3A_1522 = arith.andi %ne3A_1518, %ne3A_1521 : i1
        %sub3A_1523 = arith.constant 1 : i32
        %sub3A_1524 = arith.subi %div3A_1503, %sub3A_1523 : i32
        %select_n3A_1525 = arith.select %and3A_1522, %sub3A_1524, %div3A_1503 : i32
        %jit3A_1526 = arith.constant 2 : i32
        %eq3A_1527 = arith.constant 0 : i32
        %eq3A_1528 = arith.cmpi eq, %jit3A_1526, %eq3A_1527 : i32
        %jit3A_1529 = arith.constant 1 : i32
        %select_n3A_1530 = arith.select %eq3A_1528, %jit3A_1529, %jit3A_1526 : i32
        %rem3A_1531 = arith.remsi %select_n3A_1525, %select_n3A_1530 : i32
        %ne3A_1532 = arith.constant 0 : i32
        %ne3A_1533 = arith.cmpi ne, %rem3A_1531, %ne3A_1532 : i32
        %lt3A_1534 = arith.constant 0 : i32
        %lt3A_1535 = arith.cmpi slt, %rem3A_1531, %lt3A_1534 : i32
        %lt3A_1536 = arith.constant 0 : i32
        %lt3A_1537 = arith.cmpi slt, %select_n3A_1530, %lt3A_1536 : i32
        %ne3A_1538 = arith.xori %lt3A_1535, %lt3A_1537 : i1
        %and3A_1539 = arith.andi %ne3A_1538, %ne3A_1533 : i1
        %add3A_1540 = arith.addi %rem3A_1531, %select_n3A_1530 : i32
        %select_n3A_1541 = arith.select %and3A_1539, %add3A_1540, %rem3A_1531 : i32
        %mul3A_1542 = arith.constant 2 : i32
        %mul3A_1543 = arith.muli %select_n3A_1541, %mul3A_1542 : i32
        %jit3A_1544 = arith.constant 25 : i32
        %eq3A_1545 = arith.constant 0 : i32
        %eq3A_1546 = arith.cmpi eq, %jit3A_1544, %eq3A_1545 : i32
        %jit3A_1547 = arith.constant 1 : i32
        %select_n3A_1548 = arith.select %eq3A_1546, %jit3A_1547, %jit3A_1544 : i32
        %rem3A_1549 = arith.remsi %sub3A_871, %select_n3A_1548 : i32
        %ne3A_1550 = arith.constant 0 : i32
        %ne3A_1551 = arith.cmpi ne, %rem3A_1549, %ne3A_1550 : i32
        %lt3A_1552 = arith.constant 0 : i32
        %lt3A_1553 = arith.cmpi slt, %rem3A_1549, %lt3A_1552 : i32
        %lt3A_1554 = arith.constant 0 : i32
        %lt3A_1555 = arith.cmpi slt, %select_n3A_1548, %lt3A_1554 : i32
        %ne3A_1556 = arith.xori %lt3A_1553, %lt3A_1555 : i1
        %and3A_1557 = arith.andi %ne3A_1556, %ne3A_1551 : i1
        %add3A_1558 = arith.addi %rem3A_1549, %select_n3A_1548 : i32
        %select_n3A_1559 = arith.select %and3A_1557, %add3A_1558, %rem3A_1549 : i32
        %dma_start3A_1560 = arith.constant 2 : i32
        %dma_start3A_1561 = arith.constant 2 : i32
        %dma_start3A_1562 = arith.constant 0 : i32
        %dma_start3A_1563 = arith.constant 0 : i32
        %dma_start3A_1564 = tpu.memref_slice %arg7[%dma_start3A_1560, %dma_start3A_1562, %dma_start3A_1563] : memref<3x80x128xf32, #tpu.memory_space<vmem>> -> memref<1x80x128xf32, #tpu.memory_space<vmem>>
        %dma_start3A_1565 = tpu.memref_squeeze %dma_start3A_1564 : memref<1x80x128xf32, #tpu.memory_space<vmem>> -> memref<80x128xf32, #tpu.memory_space<vmem>>
        %dma_start3A_1566 = arith.constant 0 : i32
        %dma_start3A_1567 = tpu.memref_slice %arg6[%mul3A_1543, %select_n3A_1559, %dma_start3A_1566] : memref<4x25x80xi32, #tpu.memory_space<vmem>> -> memref<1x1x80xi32, #tpu.memory_space<vmem>>
        %dma_start3A_1568 = tpu.memref_squeeze %dma_start3A_1567 : memref<1x1x80xi32, #tpu.memory_space<vmem>> -> memref<80xi32, #tpu.memory_space<vmem>>
        %dma_start3A_1569 = arith.constant 0 : i32
        %dma_start3A_1570 = arith.constant 0 : i32
        %dma_start3A_1571 = tpu.memref_slice %arg2[%dma_start3A_1569, %dma_start3A_1570] : memref<10000x128xf32, #tpu.memory_space<hbm>> -> memref<10000x128xf32, #tpu.memory_space<hbm>>
        %dma_start3A_1572 = tpu.memref_slice %arg9[%dma_start3A_1561] : memref<3x!tpu.dma_semaphore, #tpu.memory_space<semaphore_mem>> -> memref<1x!tpu.dma_semaphore, #tpu.memory_space<semaphore_mem>>
        %dma_start3A_1573 = tpu.memref_squeeze %dma_start3A_1572 : memref<1x!tpu.dma_semaphore, #tpu.memory_space<semaphore_mem>> -> memref<!tpu.dma_semaphore, #tpu.memory_space<semaphore_mem>>
        tpu.enqueue_indirect_dma source(%dma_start3A_1571 : memref<10000x128xf32, #tpu.memory_space<hbm>>) target(%dma_start3A_1565 : memref<80x128xf32, #tpu.memory_space<vmem>>) offsets(%dma_start3A_1568 : memref<80xi32, #tpu.memory_space<vmem>>) semaphore(%dma_start3A_1573 : memref<!tpu.dma_semaphore, #tpu.memory_space<semaphore_mem>>)
      } else {
      }
      %jit3A_901 = arith.constant 25 : i32
      %eq3A_902 = arith.constant 0 : i32
      %eq3A_903 = arith.cmpi eq, %jit3A_901, %eq3A_902 : i32
      %jit3A_904 = arith.constant 1 : i32
      %select_n3A_905 = arith.select %eq3A_903, %jit3A_904, %jit3A_901 : i32
      %rem3A_906 = arith.remsi %add3A_716, %select_n3A_905 : i32
      %ne3A_907 = arith.constant 0 : i32
      %ne3A_908 = arith.cmpi ne, %rem3A_906, %ne3A_907 : i32
      %lt3A_909 = arith.constant 0 : i32
      %lt3A_910 = arith.cmpi slt, %rem3A_906, %lt3A_909 : i32
      %lt3A_911 = arith.constant 0 : i32
      %lt3A_912 = arith.cmpi slt, %select_n3A_905, %lt3A_911 : i32
      %ne3A_913 = arith.xori %lt3A_910, %lt3A_912 : i1
      %and3A_914 = arith.andi %ne3A_913, %ne3A_908 : i1
      %add3A_915 = arith.addi %rem3A_906, %select_n3A_905 : i32
      %select_n3A_916 = arith.select %and3A_914, %add3A_915, %rem3A_906 : i32
      %eq3A_917 = arith.constant 1 : i32
      %eq3A_918 = arith.cmpi eq, %select_n3A_916, %eq3A_917 : i32
      %jit3A_919 = arith.constant 25 : i32
      %div3A_920 = arith.divsi %add3A_716, %jit3A_919 : i32
      %sign3A_921 = arith.constant 0 : i32
      %sign3A_922 = arith.cmpi sgt, %add3A_716, %sign3A_921 : i32
      %sign3A_923 = arith.extui %sign3A_922 : i1 to i32
      %sign3A_924 = arith.constant 0 : i32
      %sign3A_925 = arith.cmpi slt, %add3A_716, %sign3A_924 : i32
      %sign3A_926 = arith.extui %sign3A_925 : i1 to i32
      %sign3A_927 = arith.subi %sign3A_923, %sign3A_926 : i32
      %sign3A_928 = arith.constant 0 : i32
      %sign3A_929 = arith.cmpi sgt, %jit3A_919, %sign3A_928 : i32
      %sign3A_930 = arith.extui %sign3A_929 : i1 to i32
      %sign3A_931 = arith.constant 0 : i32
      %sign3A_932 = arith.cmpi slt, %jit3A_919, %sign3A_931 : i32
      %sign3A_933 = arith.extui %sign3A_932 : i1 to i32
      %sign3A_934 = arith.subi %sign3A_930, %sign3A_933 : i32
      %ne3A_935 = arith.cmpi ne, %sign3A_927, %sign3A_934 : i32
      %rem3A_936 = arith.remsi %add3A_716, %jit3A_919 : i32
      %ne3A_937 = arith.constant 0 : i32
      %ne3A_938 = arith.cmpi ne, %rem3A_936, %ne3A_937 : i32
      %and3A_939 = arith.andi %ne3A_935, %ne3A_938 : i1
      %sub3A_940 = arith.constant 1 : i32
      %sub3A_941 = arith.subi %div3A_920, %sub3A_940 : i32
      %select_n3A_942 = arith.select %and3A_939, %sub3A_941, %div3A_920 : i32
      %ge3A_943 = arith.constant 1 : i32
      %ge3A_944 = arith.cmpi sge, %select_n3A_942, %ge3A_943 : i32
      %jit3A_945 = arith.constant 25 : i32
      %div3A_946 = arith.divsi %add3A_716, %jit3A_945 : i32
      %sign3A_947 = arith.constant 0 : i32
      %sign3A_948 = arith.cmpi sgt, %add3A_716, %sign3A_947 : i32
      %sign3A_949 = arith.extui %sign3A_948 : i1 to i32
      %sign3A_950 = arith.constant 0 : i32
      %sign3A_951 = arith.cmpi slt, %add3A_716, %sign3A_950 : i32
      %sign3A_952 = arith.extui %sign3A_951 : i1 to i32
      %sign3A_953 = arith.subi %sign3A_949, %sign3A_952 : i32
      %sign3A_954 = arith.constant 0 : i32
      %sign3A_955 = arith.cmpi sgt, %jit3A_945, %sign3A_954 : i32
      %sign3A_956 = arith.extui %sign3A_955 : i1 to i32
      %sign3A_957 = arith.constant 0 : i32
      %sign3A_958 = arith.cmpi slt, %jit3A_945, %sign3A_957 : i32
      %sign3A_959 = arith.extui %sign3A_958 : i1 to i32
      %sign3A_960 = arith.subi %sign3A_956, %sign3A_959 : i32
      %ne3A_961 = arith.cmpi ne, %sign3A_953, %sign3A_960 : i32
      %rem3A_962 = arith.remsi %add3A_716, %jit3A_945 : i32
      %ne3A_963 = arith.constant 0 : i32
      %ne3A_964 = arith.cmpi ne, %rem3A_962, %ne3A_963 : i32
      %and3A_965 = arith.andi %ne3A_961, %ne3A_964 : i1
      %sub3A_966 = arith.constant 1 : i32
      %sub3A_967 = arith.subi %div3A_946, %sub3A_966 : i32
      %select_n3A_968 = arith.select %and3A_965, %sub3A_967, %div3A_946 : i32
      %le3A_969 = arith.constant 3 : i32
      %le3A_970 = arith.cmpi sle, %select_n3A_968, %le3A_969 : i32
      %and3A_971 = arith.andi %ge3A_944, %le3A_970 : i1
      %and3A_972 = arith.andi %eq3A_918, %and3A_971 : i1
      %convert_element_type3A_973 = arith.extui %and3A_972 : i1 to i32
      %cond3A_974 = arith.constant 0 : i32
      %cond3A_975 = arith.cmpi ne, %convert_element_type3A_973, %cond3A_974 : i32
      scf.if %cond3A_975 {
        %jit3A_1502 = arith.constant 25 : i32
        %div3A_1503 = arith.divsi %add3A_716, %jit3A_1502 : i32
        %sign3A_1504 = arith.constant 0 : i32
        %sign3A_1505 = arith.cmpi sgt, %add3A_716, %sign3A_1504 : i32
        %sign3A_1506 = arith.extui %sign3A_1505 : i1 to i32
        %sign3A_1507 = arith.constant 0 : i32
        %sign3A_1508 = arith.cmpi slt, %add3A_716, %sign3A_1507 : i32
        %sign3A_1509 = arith.extui %sign3A_1508 : i1 to i32
        %sign3A_1510 = arith.subi %sign3A_1506, %sign3A_1509 : i32
        %sign3A_1511 = arith.constant 0 : i32
        %sign3A_1512 = arith.cmpi sgt, %jit3A_1502, %sign3A_1511 : i32
        %sign3A_1513 = arith.extui %sign3A_1512 : i1 to i32
        %sign3A_1514 = arith.constant 0 : i32
        %sign3A_1515 = arith.cmpi slt, %jit3A_1502, %sign3A_1514 : i32
        %sign3A_1516 = arith.extui %sign3A_1515 : i1 to i32
        %sign3A_1517 = arith.subi %sign3A_1513, %sign3A_1516 : i32
        %ne3A_1518 = arith.cmpi ne, %sign3A_1510, %sign3A_1517 : i32
        %rem3A_1519 = arith.remsi %add3A_716, %jit3A_1502 : i32
        %ne3A_1520 = arith.constant 0 : i32
        %ne3A_1521 = arith.cmpi ne, %rem3A_1519, %ne3A_1520 : i32
        %and3A_1522 = arith.andi %ne3A_1518, %ne3A_1521 : i1
        %sub3A_1523 = arith.constant 1 : i32
        %sub3A_1524 = arith.subi %div3A_1503, %sub3A_1523 : i32
        %select_n3A_1525 = arith.select %and3A_1522, %sub3A_1524, %div3A_1503 : i32
        %add3A_1526 = arith.constant 1 : i32
        %add3A_1527 = arith.addi %select_n3A_1525, %add3A_1526 : i32
        %mul3A_1528 = arith.constant 5 : i32
        %mul3A_1529 = arith.muli %add3A, %mul3A_1528 : i32
        %add3A_1530 = arith.addi %mul3A_1529, %add3A_1527 : i32
        %mul3A_1531 = arith.constant 2 : i32
        %mul3A_1532 = arith.muli %add3A_1530, %mul3A_1531 : i32
        %jit3A_1533 = arith.constant 2 : i32
        %eq3A_1534 = arith.constant 0 : i32
        %eq3A_1535 = arith.cmpi eq, %jit3A_1533, %eq3A_1534 : i32
        %jit3A_1536 = arith.constant 1 : i32
        %select_n3A_1537 = arith.select %eq3A_1535, %jit3A_1536, %jit3A_1533 : i32
        %rem3A_1538 = arith.remsi %add3A_1527, %select_n3A_1537 : i32
        %ne3A_1539 = arith.constant 0 : i32
        %ne3A_1540 = arith.cmpi ne, %rem3A_1538, %ne3A_1539 : i32
        %lt3A_1541 = arith.constant 0 : i32
        %lt3A_1542 = arith.cmpi slt, %rem3A_1538, %lt3A_1541 : i32
        %lt3A_1543 = arith.constant 0 : i32
        %lt3A_1544 = arith.cmpi slt, %select_n3A_1537, %lt3A_1543 : i32
        %ne3A_1545 = arith.xori %lt3A_1542, %lt3A_1544 : i1
        %and3A_1546 = arith.andi %ne3A_1545, %ne3A_1540 : i1
        %add3A_1547 = arith.addi %rem3A_1538, %select_n3A_1537 : i32
        %select_n3A_1548 = arith.select %and3A_1546, %add3A_1547, %rem3A_1538 : i32
        %mul3A_1549 = arith.constant 2 : i32
        %mul3A_1550 = arith.muli %select_n3A_1548, %mul3A_1549 : i32
        %dma_start3A_1551 = arith.constant 0 : i32
        %dma_start3A_1552 = arith.constant 0 : i32
        %dma_start3A_1553 = tpu.memref_slice %arg6[%mul3A_1550, %dma_start3A_1551, %dma_start3A_1552] : memref<4x25x80xi32, #tpu.memory_space<vmem>> -> memref<1x25x80xi32, #tpu.memory_space<vmem>>
        %dma_start3A_1554 = tpu.memref_squeeze %dma_start3A_1553 : memref<1x25x80xi32, #tpu.memory_space<vmem>> -> memref<25x80xi32, #tpu.memory_space<vmem>>
        %dma_start3A_1555 = arith.constant 0 : i32
        %dma_start3A_1556 = arith.constant 0 : i32
        %dma_start3A_1557 = tpu.memref_slice %arg3[%mul3A_1532, %dma_start3A_1555, %dma_start3A_1556] : memref<320x25x80xi32, #tpu.memory_space<hbm>> -> memref<1x25x80xi32, #tpu.memory_space<hbm>>
        %dma_start3A_1558 = tpu.memref_squeeze %dma_start3A_1557 : memref<1x25x80xi32, #tpu.memory_space<hbm>> -> memref<25x80xi32, #tpu.memory_space<hbm>>
        %dma_start3A_1559 = arith.constant 0 : i32
        %dma_start3A_1560 = arith.constant 0 : i32
        %dma_start3A_1561 = tpu.memref_slice %arg6[%mul3A_1550, %dma_start3A_1559, %dma_start3A_1560] : memref<4x25x80xi32, #tpu.memory_space<vmem>> -> memref<1x25x80xi32, #tpu.memory_space<vmem>>
        %dma_start3A_1562 = tpu.memref_squeeze %dma_start3A_1561 : memref<1x25x80xi32, #tpu.memory_space<vmem>> -> memref<25x80xi32, #tpu.memory_space<vmem>>
        %dma_start3A_1563 = arith.constant 0 : i32
        %dma_start3A_1564 = arith.constant 0 : i32
        %dma_start3A_1565 = tpu.memref_slice %arg3[%mul3A_1532, %dma_start3A_1563, %dma_start3A_1564] : memref<320x25x80xi32, #tpu.memory_space<hbm>> -> memref<1x25x80xi32, #tpu.memory_space<hbm>>
        %dma_start3A_1566 = tpu.memref_squeeze %dma_start3A_1565 : memref<1x25x80xi32, #tpu.memory_space<hbm>> -> memref<25x80xi32, #tpu.memory_space<hbm>>
        tpu.enqueue_dma source(%dma_start3A_1566 : memref<25x80xi32, #tpu.memory_space<hbm>>) target(%dma_start3A_1562 : memref<25x80xi32, #tpu.memory_space<vmem>>) target_semaphore(%arg11 : memref<!tpu.dma_semaphore, #tpu.memory_space<semaphore_mem>>)
        %add3A_1567 = arith.constant 1 : i32
        %add3A_1568 = arith.addi %mul3A_1532, %add3A_1567 : i32
        %add3A_1569 = arith.constant 1 : i32
        %add3A_1570 = arith.addi %mul3A_1550, %add3A_1569 : i32
        %dma_start3A_1571 = arith.constant 0 : i32
        %dma_start3A_1572 = arith.constant 0 : i32
        %dma_start3A_1573 = tpu.memref_slice %arg6[%add3A_1570, %dma_start3A_1571, %dma_start3A_1572] : memref<4x25x80xi32, #tpu.memory_space<vmem>> -> memref<1x25x80xi32, #tpu.memory_space<vmem>>
        %dma_start3A_1574 = tpu.memref_squeeze %dma_start3A_1573 : memref<1x25x80xi32, #tpu.memory_space<vmem>> -> memref<25x80xi32, #tpu.memory_space<vmem>>
        %dma_start3A_1575 = arith.constant 0 : i32
        %dma_start3A_1576 = arith.constant 0 : i32
        %dma_start3A_1577 = tpu.memref_slice %arg3[%add3A_1568, %dma_start3A_1575, %dma_start3A_1576] : memref<320x25x80xi32, #tpu.memory_space<hbm>> -> memref<1x25x80xi32, #tpu.memory_space<hbm>>
        %dma_start3A_1578 = tpu.memref_squeeze %dma_start3A_1577 : memref<1x25x80xi32, #tpu.memory_space<hbm>> -> memref<25x80xi32, #tpu.memory_space<hbm>>
        %dma_start3A_1579 = arith.constant 0 : i32
        %dma_start3A_1580 = arith.constant 0 : i32
        %dma_start3A_1581 = tpu.memref_slice %arg6[%add3A_1570, %dma_start3A_1579, %dma_start3A_1580] : memref<4x25x80xi32, #tpu.memory_space<vmem>> -> memref<1x25x80xi32, #tpu.memory_space<vmem>>
        %dma_start3A_1582 = tpu.memref_squeeze %dma_start3A_1581 : memref<1x25x80xi32, #tpu.memory_space<vmem>> -> memref<25x80xi32, #tpu.memory_space<vmem>>
        %dma_start3A_1583 = arith.constant 0 : i32
        %dma_start3A_1584 = arith.constant 0 : i32
        %dma_start3A_1585 = tpu.memref_slice %arg3[%add3A_1568, %dma_start3A_1583, %dma_start3A_1584] : memref<320x25x80xi32, #tpu.memory_space<hbm>> -> memref<1x25x80xi32, #tpu.memory_space<hbm>>
        %dma_start3A_1586 = tpu.memref_squeeze %dma_start3A_1585 : memref<1x25x80xi32, #tpu.memory_space<hbm>> -> memref<25x80xi32, #tpu.memory_space<hbm>>
        tpu.enqueue_dma source(%dma_start3A_1586 : memref<25x80xi32, #tpu.memory_space<hbm>>) target(%dma_start3A_1582 : memref<25x80xi32, #tpu.memory_space<vmem>>) target_semaphore(%arg11 : memref<!tpu.dma_semaphore, #tpu.memory_space<semaphore_mem>>)
      } else {
      }
      %mul3A_976 = arith.constant 3 : i32
      %mul3A_977 = arith.muli %scan3A_712, %mul3A_976 : i32
      %add3A_978 = arith.constant 1 : i32
      %add3A_979 = arith.addi %mul3A_977, %add3A_978 : i32
      %jit3A_980 = arith.constant 25 : i32
      %div3A_981 = arith.divsi %add3A_979, %jit3A_980 : i32
      %sign3A_982 = arith.constant 0 : i32
      %sign3A_983 = arith.cmpi sgt, %add3A_979, %sign3A_982 : i32
      %sign3A_984 = arith.extui %sign3A_983 : i1 to i32
      %sign3A_985 = arith.constant 0 : i32
      %sign3A_986 = arith.cmpi slt, %add3A_979, %sign3A_985 : i32
      %sign3A_987 = arith.extui %sign3A_986 : i1 to i32
      %sign3A_988 = arith.subi %sign3A_984, %sign3A_987 : i32
      %sign3A_989 = arith.constant 0 : i32
      %sign3A_990 = arith.cmpi sgt, %jit3A_980, %sign3A_989 : i32
      %sign3A_991 = arith.extui %sign3A_990 : i1 to i32
      %sign3A_992 = arith.constant 0 : i32
      %sign3A_993 = arith.cmpi slt, %jit3A_980, %sign3A_992 : i32
      %sign3A_994 = arith.extui %sign3A_993 : i1 to i32
      %sign3A_995 = arith.subi %sign3A_991, %sign3A_994 : i32
      %ne3A_996 = arith.cmpi ne, %sign3A_988, %sign3A_995 : i32
      %rem3A_997 = arith.remsi %add3A_979, %jit3A_980 : i32
      %ne3A_998 = arith.constant 0 : i32
      %ne3A_999 = arith.cmpi ne, %rem3A_997, %ne3A_998 : i32
      %and3A_1000 = arith.andi %ne3A_996, %ne3A_999 : i1
      %sub3A_1001 = arith.constant 1 : i32
      %sub3A_1002 = arith.subi %div3A_981, %sub3A_1001 : i32
      %select_n3A_1003 = arith.select %and3A_1000, %sub3A_1002, %div3A_981 : i32
      %jit3A_1004 = arith.constant 2 : i32
      %eq3A_1005 = arith.constant 0 : i32
      %eq3A_1006 = arith.cmpi eq, %jit3A_1004, %eq3A_1005 : i32
      %jit3A_1007 = arith.constant 1 : i32
      %select_n3A_1008 = arith.select %eq3A_1006, %jit3A_1007, %jit3A_1004 : i32
      %rem3A_1009 = arith.remsi %select_n3A_1003, %select_n3A_1008 : i32
      %ne3A_1010 = arith.constant 0 : i32
      %ne3A_1011 = arith.cmpi ne, %rem3A_1009, %ne3A_1010 : i32
      %lt3A_1012 = arith.constant 0 : i32
      %lt3A_1013 = arith.cmpi slt, %rem3A_1009, %lt3A_1012 : i32
      %lt3A_1014 = arith.constant 0 : i32
      %lt3A_1015 = arith.cmpi slt, %select_n3A_1008, %lt3A_1014 : i32
      %ne3A_1016 = arith.xori %lt3A_1013, %lt3A_1015 : i1
      %and3A_1017 = arith.andi %ne3A_1016, %ne3A_1011 : i1
      %add3A_1018 = arith.addi %rem3A_1009, %select_n3A_1008 : i32
      %select_n3A_1019 = arith.select %and3A_1017, %add3A_1018, %rem3A_1009 : i32
      %mul3A_1020 = arith.constant 2 : i32
      %mul3A_1021 = arith.muli %select_n3A_1019, %mul3A_1020 : i32
      %jit3A_1022 = arith.constant 25 : i32
      %eq3A_1023 = arith.constant 0 : i32
      %eq3A_1024 = arith.cmpi eq, %jit3A_1022, %eq3A_1023 : i32
      %jit3A_1025 = arith.constant 1 : i32
      %select_n3A_1026 = arith.select %eq3A_1024, %jit3A_1025, %jit3A_1022 : i32
      %rem3A_1027 = arith.remsi %add3A_979, %select_n3A_1026 : i32
      %ne3A_1028 = arith.constant 0 : i32
      %ne3A_1029 = arith.cmpi ne, %rem3A_1027, %ne3A_1028 : i32
      %lt3A_1030 = arith.constant 0 : i32
      %lt3A_1031 = arith.cmpi slt, %rem3A_1027, %lt3A_1030 : i32
      %lt3A_1032 = arith.constant 0 : i32
      %lt3A_1033 = arith.cmpi slt, %select_n3A_1026, %lt3A_1032 : i32
      %ne3A_1034 = arith.xori %lt3A_1031, %lt3A_1033 : i1
      %and3A_1035 = arith.andi %ne3A_1034, %ne3A_1029 : i1
      %add3A_1036 = arith.addi %rem3A_1027, %select_n3A_1026 : i32
      %select_n3A_1037 = arith.select %and3A_1035, %add3A_1036, %rem3A_1027 : i32
      %dma_wait3A_1038 = arith.constant 1 : i32
      %dma_wait3A_1039 = arith.constant 1 : i32
      %dma_wait3A_1040 = arith.constant 0 : i32
      %dma_wait3A_1041 = arith.constant 0 : i32
      %dma_wait3A_1042 = tpu.memref_slice %arg7[%dma_wait3A_1038, %dma_wait3A_1040, %dma_wait3A_1041] : memref<3x80x128xf32, #tpu.memory_space<vmem>> -> memref<1x80x128xf32, #tpu.memory_space<vmem>>
      %dma_wait3A_1043 = tpu.memref_squeeze %dma_wait3A_1042 : memref<1x80x128xf32, #tpu.memory_space<vmem>> -> memref<80x128xf32, #tpu.memory_space<vmem>>
      %dma_wait3A_1044 = arith.constant 0 : i32
      %dma_wait3A_1045 = tpu.memref_slice %arg6[%mul3A_1021, %select_n3A_1037, %dma_wait3A_1044] : memref<4x25x80xi32, #tpu.memory_space<vmem>> -> memref<1x1x80xi32, #tpu.memory_space<vmem>>
      %dma_wait3A_1046 = tpu.memref_squeeze %dma_wait3A_1045 : memref<1x1x80xi32, #tpu.memory_space<vmem>> -> memref<80xi32, #tpu.memory_space<vmem>>
      %dma_wait3A_1047 = arith.constant 0 : i32
      %dma_wait3A_1048 = arith.constant 0 : i32
      %dma_wait3A_1049 = tpu.memref_slice %arg2[%dma_wait3A_1047, %dma_wait3A_1048] : memref<10000x128xf32, #tpu.memory_space<hbm>> -> memref<10000x128xf32, #tpu.memory_space<hbm>>
      %dma_wait3A_1050 = tpu.memref_slice %arg9[%dma_wait3A_1039] : memref<3x!tpu.dma_semaphore, #tpu.memory_space<semaphore_mem>> -> memref<1x!tpu.dma_semaphore, #tpu.memory_space<semaphore_mem>>
      %dma_wait3A_1051 = tpu.memref_squeeze %dma_wait3A_1050 : memref<1x!tpu.dma_semaphore, #tpu.memory_space<semaphore_mem>> -> memref<!tpu.dma_semaphore, #tpu.memory_space<semaphore_mem>>
      tpu.wait_indirect_dma semaphore(%dma_wait3A_1051 : memref<!tpu.dma_semaphore, #tpu.memory_space<semaphore_mem>>) src(%dma_wait3A_1049 : memref<10000x128xf32, #tpu.memory_space<hbm>>) dst(%dma_wait3A_1043 : memref<80x128xf32, #tpu.memory_space<vmem>>)
      %jit3A_1052 = arith.constant 25 : i32
      %div3A_1053 = arith.divsi %add3A_979, %jit3A_1052 : i32
      %sign3A_1054 = arith.constant 0 : i32
      %sign3A_1055 = arith.cmpi sgt, %add3A_979, %sign3A_1054 : i32
      %sign3A_1056 = arith.extui %sign3A_1055 : i1 to i32
      %sign3A_1057 = arith.constant 0 : i32
      %sign3A_1058 = arith.cmpi slt, %add3A_979, %sign3A_1057 : i32
      %sign3A_1059 = arith.extui %sign3A_1058 : i1 to i32
      %sign3A_1060 = arith.subi %sign3A_1056, %sign3A_1059 : i32
      %sign3A_1061 = arith.constant 0 : i32
      %sign3A_1062 = arith.cmpi sgt, %jit3A_1052, %sign3A_1061 : i32
      %sign3A_1063 = arith.extui %sign3A_1062 : i1 to i32
      %sign3A_1064 = arith.constant 0 : i32
      %sign3A_1065 = arith.cmpi slt, %jit3A_1052, %sign3A_1064 : i32
      %sign3A_1066 = arith.extui %sign3A_1065 : i1 to i32
      %sign3A_1067 = arith.subi %sign3A_1063, %sign3A_1066 : i32
      %ne3A_1068 = arith.cmpi ne, %sign3A_1060, %sign3A_1067 : i32
      %rem3A_1069 = arith.remsi %add3A_979, %jit3A_1052 : i32
      %ne3A_1070 = arith.constant 0 : i32
      %ne3A_1071 = arith.cmpi ne, %rem3A_1069, %ne3A_1070 : i32
      %and3A_1072 = arith.andi %ne3A_1068, %ne3A_1071 : i1
      %sub3A_1073 = arith.constant 1 : i32
      %sub3A_1074 = arith.subi %div3A_1053, %sub3A_1073 : i32
      %select_n3A_1075 = arith.select %and3A_1072, %sub3A_1074, %div3A_1053 : i32
      %jit3A_1076 = arith.constant 2 : i32
      %eq3A_1077 = arith.constant 0 : i32
      %eq3A_1078 = arith.cmpi eq, %jit3A_1076, %eq3A_1077 : i32
      %jit3A_1079 = arith.constant 1 : i32
      %select_n3A_1080 = arith.select %eq3A_1078, %jit3A_1079, %jit3A_1076 : i32
      %rem3A_1081 = arith.remsi %select_n3A_1075, %select_n3A_1080 : i32
      %ne3A_1082 = arith.constant 0 : i32
      %ne3A_1083 = arith.cmpi ne, %rem3A_1081, %ne3A_1082 : i32
      %lt3A_1084 = arith.constant 0 : i32
      %lt3A_1085 = arith.cmpi slt, %rem3A_1081, %lt3A_1084 : i32
      %lt3A_1086 = arith.constant 0 : i32
      %lt3A_1087 = arith.cmpi slt, %select_n3A_1080, %lt3A_1086 : i32
      %ne3A_1088 = arith.xori %lt3A_1085, %lt3A_1087 : i1
      %and3A_1089 = arith.andi %ne3A_1088, %ne3A_1083 : i1
      %add3A_1090 = arith.addi %rem3A_1081, %select_n3A_1080 : i32
      %select_n3A_1091 = arith.select %and3A_1089, %add3A_1090, %rem3A_1081 : i32
      %mul3A_1092 = arith.constant 2 : i32
      %mul3A_1093 = arith.muli %select_n3A_1091, %mul3A_1092 : i32
      %add3A_1094 = arith.constant 1 : i32
      %add3A_1095 = arith.addi %mul3A_1093, %add3A_1094 : i32
      %jit3A_1096 = arith.constant 25 : i32
      %eq3A_1097 = arith.constant 0 : i32
      %eq3A_1098 = arith.cmpi eq, %jit3A_1096, %eq3A_1097 : i32
      %jit3A_1099 = arith.constant 1 : i32
      %select_n3A_1100 = arith.select %eq3A_1098, %jit3A_1099, %jit3A_1096 : i32
      %rem3A_1101 = arith.remsi %add3A_979, %select_n3A_1100 : i32
      %ne3A_1102 = arith.constant 0 : i32
      %ne3A_1103 = arith.cmpi ne, %rem3A_1101, %ne3A_1102 : i32
      %lt3A_1104 = arith.constant 0 : i32
      %lt3A_1105 = arith.cmpi slt, %rem3A_1101, %lt3A_1104 : i32
      %lt3A_1106 = arith.constant 0 : i32
      %lt3A_1107 = arith.cmpi slt, %select_n3A_1100, %lt3A_1106 : i32
      %ne3A_1108 = arith.xori %lt3A_1105, %lt3A_1107 : i1
      %and3A_1109 = arith.andi %ne3A_1108, %ne3A_1103 : i1
      %add3A_1110 = arith.addi %rem3A_1101, %select_n3A_1100 : i32
      %select_n3A_1111 = arith.select %and3A_1109, %add3A_1110, %rem3A_1101 : i32
      %dma_start3A_1112 = arith.constant 1 : i32
      %dma_start3A_1113 = arith.constant 1 : i32
      %dma_start3A_1114 = arith.constant 0 : i32
      %dma_start3A_1115 = arith.constant 0 : i32
      %dma_start3A_1116 = tpu.memref_slice %arg7[%dma_start3A_1112, %dma_start3A_1114, %dma_start3A_1115] : memref<3x80x128xf32, #tpu.memory_space<vmem>> -> memref<1x80x128xf32, #tpu.memory_space<vmem>>
      %dma_start3A_1117 = tpu.memref_squeeze %dma_start3A_1116 : memref<1x80x128xf32, #tpu.memory_space<vmem>> -> memref<80x128xf32, #tpu.memory_space<vmem>>
      %dma_start3A_1118 = arith.constant 0 : i32
      %dma_start3A_1119 = tpu.memref_slice %arg6[%add3A_1095, %select_n3A_1111, %dma_start3A_1118] : memref<4x25x80xi32, #tpu.memory_space<vmem>> -> memref<1x1x80xi32, #tpu.memory_space<vmem>>
      %dma_start3A_1120 = tpu.memref_squeeze %dma_start3A_1119 : memref<1x1x80xi32, #tpu.memory_space<vmem>> -> memref<80xi32, #tpu.memory_space<vmem>>
      %dma_start3A_1121 = arith.constant 0 : i32
      %dma_start3A_1122 = arith.constant 0 : i32
      %dma_start3A_1123 = tpu.memref_slice %arg8[%dma_start3A_1121, %dma_start3A_1122] : memref<10000x128xf32, #tpu.memory_space<vmem_shared>> -> memref<10000x128xf32, #tpu.memory_space<vmem_shared>>
      %dma_start3A_1124 = tpu.memref_slice %arg10[%dma_start3A_1113] : memref<3x!tpu.dma_semaphore, #tpu.memory_space<semaphore_mem>> -> memref<1x!tpu.dma_semaphore, #tpu.memory_space<semaphore_mem>>
      %dma_start3A_1125 = tpu.memref_squeeze %dma_start3A_1124 : memref<1x!tpu.dma_semaphore, #tpu.memory_space<semaphore_mem>> -> memref<!tpu.dma_semaphore, #tpu.memory_space<semaphore_mem>>
      tpu.enqueue_indirect_dma source(%dma_start3A_1117 : memref<80x128xf32, #tpu.memory_space<vmem>>) target(%dma_start3A_1123 : memref<10000x128xf32, #tpu.memory_space<vmem_shared>>) offsets(%dma_start3A_1120 : memref<80xi32, #tpu.memory_space<vmem>>) semaphore(%dma_start3A_1125 : memref<!tpu.dma_semaphore, #tpu.memory_space<semaphore_mem>>) {add = true}
      %ge3A_1126 = arith.constant 1 : i32
      %ge3A_1127 = arith.cmpi sge, %add3A_979, %ge3A_1126 : i32
      %convert_element_type3A_1128 = arith.extui %ge3A_1127 : i1 to i32
      %cond3A_1129 = arith.constant 0 : i32
      %cond3A_1130 = arith.cmpi ne, %convert_element_type3A_1128, %cond3A_1129 : i32
      scf.if %cond3A_1130 {
        %sub3A_1502 = arith.constant 1 : i32
        %sub3A_1503 = arith.subi %add3A_979, %sub3A_1502 : i32
        %jit3A_1504 = arith.constant 25 : i32
        %div3A_1505 = arith.divsi %sub3A_1503, %jit3A_1504 : i32
        %sign3A_1506 = arith.constant 0 : i32
        %sign3A_1507 = arith.cmpi sgt, %sub3A_1503, %sign3A_1506 : i32
        %sign3A_1508 = arith.extui %sign3A_1507 : i1 to i32
        %sign3A_1509 = arith.constant 0 : i32
        %sign3A_1510 = arith.cmpi slt, %sub3A_1503, %sign3A_1509 : i32
        %sign3A_1511 = arith.extui %sign3A_1510 : i1 to i32
        %sign3A_1512 = arith.subi %sign3A_1508, %sign3A_1511 : i32
        %sign3A_1513 = arith.constant 0 : i32
        %sign3A_1514 = arith.cmpi sgt, %jit3A_1504, %sign3A_1513 : i32
        %sign3A_1515 = arith.extui %sign3A_1514 : i1 to i32
        %sign3A_1516 = arith.constant 0 : i32
        %sign3A_1517 = arith.cmpi slt, %jit3A_1504, %sign3A_1516 : i32
        %sign3A_1518 = arith.extui %sign3A_1517 : i1 to i32
        %sign3A_1519 = arith.subi %sign3A_1515, %sign3A_1518 : i32
        %ne3A_1520 = arith.cmpi ne, %sign3A_1512, %sign3A_1519 : i32
        %rem3A_1521 = arith.remsi %sub3A_1503, %jit3A_1504 : i32
        %ne3A_1522 = arith.constant 0 : i32
        %ne3A_1523 = arith.cmpi ne, %rem3A_1521, %ne3A_1522 : i32
        %and3A_1524 = arith.andi %ne3A_1520, %ne3A_1523 : i1
        %sub3A_1525 = arith.constant 1 : i32
        %sub3A_1526 = arith.subi %div3A_1505, %sub3A_1525 : i32
        %select_n3A_1527 = arith.select %and3A_1524, %sub3A_1526, %div3A_1505 : i32
        %jit3A_1528 = arith.constant 2 : i32
        %eq3A_1529 = arith.constant 0 : i32
        %eq3A_1530 = arith.cmpi eq, %jit3A_1528, %eq3A_1529 : i32
        %jit3A_1531 = arith.constant 1 : i32
        %select_n3A_1532 = arith.select %eq3A_1530, %jit3A_1531, %jit3A_1528 : i32
        %rem3A_1533 = arith.remsi %select_n3A_1527, %select_n3A_1532 : i32
        %ne3A_1534 = arith.constant 0 : i32
        %ne3A_1535 = arith.cmpi ne, %rem3A_1533, %ne3A_1534 : i32
        %lt3A_1536 = arith.constant 0 : i32
        %lt3A_1537 = arith.cmpi slt, %rem3A_1533, %lt3A_1536 : i32
        %lt3A_1538 = arith.constant 0 : i32
        %lt3A_1539 = arith.cmpi slt, %select_n3A_1532, %lt3A_1538 : i32
        %ne3A_1540 = arith.xori %lt3A_1537, %lt3A_1539 : i1
        %and3A_1541 = arith.andi %ne3A_1540, %ne3A_1535 : i1
        %add3A_1542 = arith.addi %rem3A_1533, %select_n3A_1532 : i32
        %select_n3A_1543 = arith.select %and3A_1541, %add3A_1542, %rem3A_1533 : i32
        %mul3A_1544 = arith.constant 2 : i32
        %mul3A_1545 = arith.muli %select_n3A_1543, %mul3A_1544 : i32
        %add3A_1546 = arith.constant 1 : i32
        %add3A_1547 = arith.addi %mul3A_1545, %add3A_1546 : i32
        %jit3A_1548 = arith.constant 25 : i32
        %eq3A_1549 = arith.constant 0 : i32
        %eq3A_1550 = arith.cmpi eq, %jit3A_1548, %eq3A_1549 : i32
        %jit3A_1551 = arith.constant 1 : i32
        %select_n3A_1552 = arith.select %eq3A_1550, %jit3A_1551, %jit3A_1548 : i32
        %rem3A_1553 = arith.remsi %sub3A_1503, %select_n3A_1552 : i32
        %ne3A_1554 = arith.constant 0 : i32
        %ne3A_1555 = arith.cmpi ne, %rem3A_1553, %ne3A_1554 : i32
        %lt3A_1556 = arith.constant 0 : i32
        %lt3A_1557 = arith.cmpi slt, %rem3A_1553, %lt3A_1556 : i32
        %lt3A_1558 = arith.constant 0 : i32
        %lt3A_1559 = arith.cmpi slt, %select_n3A_1552, %lt3A_1558 : i32
        %ne3A_1560 = arith.xori %lt3A_1557, %lt3A_1559 : i1
        %and3A_1561 = arith.andi %ne3A_1560, %ne3A_1555 : i1
        %add3A_1562 = arith.addi %rem3A_1553, %select_n3A_1552 : i32
        %select_n3A_1563 = arith.select %and3A_1561, %add3A_1562, %rem3A_1553 : i32
        %dma_wait3A_1564 = arith.constant 0 : i32
        %dma_wait3A_1565 = arith.constant 0 : i32
        %dma_wait3A_1566 = arith.constant 0 : i32
        %dma_wait3A_1567 = arith.constant 0 : i32
        %dma_wait3A_1568 = tpu.memref_slice %arg7[%dma_wait3A_1564, %dma_wait3A_1566, %dma_wait3A_1567] : memref<3x80x128xf32, #tpu.memory_space<vmem>> -> memref<1x80x128xf32, #tpu.memory_space<vmem>>
        %dma_wait3A_1569 = tpu.memref_squeeze %dma_wait3A_1568 : memref<1x80x128xf32, #tpu.memory_space<vmem>> -> memref<80x128xf32, #tpu.memory_space<vmem>>
        %dma_wait3A_1570 = arith.constant 0 : i32
        %dma_wait3A_1571 = tpu.memref_slice %arg6[%add3A_1547, %select_n3A_1563, %dma_wait3A_1570] : memref<4x25x80xi32, #tpu.memory_space<vmem>> -> memref<1x1x80xi32, #tpu.memory_space<vmem>>
        %dma_wait3A_1572 = tpu.memref_squeeze %dma_wait3A_1571 : memref<1x1x80xi32, #tpu.memory_space<vmem>> -> memref<80xi32, #tpu.memory_space<vmem>>
        %dma_wait3A_1573 = arith.constant 0 : i32
        %dma_wait3A_1574 = arith.constant 0 : i32
        %dma_wait3A_1575 = tpu.memref_slice %arg8[%dma_wait3A_1573, %dma_wait3A_1574] : memref<10000x128xf32, #tpu.memory_space<vmem_shared>> -> memref<10000x128xf32, #tpu.memory_space<vmem_shared>>
        %dma_wait3A_1576 = tpu.memref_slice %arg10[%dma_wait3A_1565] : memref<3x!tpu.dma_semaphore, #tpu.memory_space<semaphore_mem>> -> memref<1x!tpu.dma_semaphore, #tpu.memory_space<semaphore_mem>>
        %dma_wait3A_1577 = tpu.memref_squeeze %dma_wait3A_1576 : memref<1x!tpu.dma_semaphore, #tpu.memory_space<semaphore_mem>> -> memref<!tpu.dma_semaphore, #tpu.memory_space<semaphore_mem>>
        tpu.wait_indirect_dma semaphore(%dma_wait3A_1577 : memref<!tpu.dma_semaphore, #tpu.memory_space<semaphore_mem>>) src(%dma_wait3A_1569 : memref<80x128xf32, #tpu.memory_space<vmem>>) dst(%dma_wait3A_1575 : memref<10000x128xf32, #tpu.memory_space<vmem_shared>>)
      } else {
      }
      %add3A_1131 = arith.constant 3 : i32
      %add3A_1132 = arith.addi %add3A_979, %add3A_1131 : i32
      %sub3A_1133 = arith.constant 1 : i32
      %sub3A_1134 = arith.subi %add3A_1132, %sub3A_1133 : i32
      %jit3A_1135 = arith.constant 25 : i32
      %eq3A_1136 = arith.constant 0 : i32
      %eq3A_1137 = arith.cmpi eq, %jit3A_1135, %eq3A_1136 : i32
      %jit3A_1138 = arith.constant 1 : i32
      %select_n3A_1139 = arith.select %eq3A_1137, %jit3A_1138, %jit3A_1135 : i32
      %rem3A_1140 = arith.remsi %sub3A_1134, %select_n3A_1139 : i32
      %ne3A_1141 = arith.constant 0 : i32
      %ne3A_1142 = arith.cmpi ne, %rem3A_1140, %ne3A_1141 : i32
      %lt3A_1143 = arith.constant 0 : i32
      %lt3A_1144 = arith.cmpi slt, %rem3A_1140, %lt3A_1143 : i32
      %lt3A_1145 = arith.constant 0 : i32
      %lt3A_1146 = arith.cmpi slt, %select_n3A_1139, %lt3A_1145 : i32
      %ne3A_1147 = arith.xori %lt3A_1144, %lt3A_1146 : i1
      %and3A_1148 = arith.andi %ne3A_1147, %ne3A_1142 : i1
      %add3A_1149 = arith.addi %rem3A_1140, %select_n3A_1139 : i32
      %select_n3A_1150 = arith.select %and3A_1148, %add3A_1149, %rem3A_1140 : i32
      %eq3A_1151 = arith.constant 0 : i32
      %eq3A_1152 = arith.cmpi eq, %select_n3A_1150, %eq3A_1151 : i32
      %lt3A_1153 = arith.constant 125 : i32
      %lt3A_1154 = arith.cmpi slt, %sub3A_1134, %lt3A_1153 : i32
      %and3A_1155 = arith.andi %eq3A_1152, %lt3A_1154 : i1
      %convert_element_type3A_1156 = arith.extui %and3A_1155 : i1 to i32
      %cond3A_1157 = arith.constant 0 : i32
      %cond3A_1158 = arith.cmpi ne, %convert_element_type3A_1156, %cond3A_1157 : i32
      scf.if %cond3A_1158 {
        %jit3A_1502 = arith.constant 25 : i32
        %div3A_1503 = arith.divsi %sub3A_1134, %jit3A_1502 : i32
        %sign3A_1504 = arith.constant 0 : i32
        %sign3A_1505 = arith.cmpi sgt, %sub3A_1134, %sign3A_1504 : i32
        %sign3A_1506 = arith.extui %sign3A_1505 : i1 to i32
        %sign3A_1507 = arith.constant 0 : i32
        %sign3A_1508 = arith.cmpi slt, %sub3A_1134, %sign3A_1507 : i32
        %sign3A_1509 = arith.extui %sign3A_1508 : i1 to i32
        %sign3A_1510 = arith.subi %sign3A_1506, %sign3A_1509 : i32
        %sign3A_1511 = arith.constant 0 : i32
        %sign3A_1512 = arith.cmpi sgt, %jit3A_1502, %sign3A_1511 : i32
        %sign3A_1513 = arith.extui %sign3A_1512 : i1 to i32
        %sign3A_1514 = arith.constant 0 : i32
        %sign3A_1515 = arith.cmpi slt, %jit3A_1502, %sign3A_1514 : i32
        %sign3A_1516 = arith.extui %sign3A_1515 : i1 to i32
        %sign3A_1517 = arith.subi %sign3A_1513, %sign3A_1516 : i32
        %ne3A_1518 = arith.cmpi ne, %sign3A_1510, %sign3A_1517 : i32
        %rem3A_1519 = arith.remsi %sub3A_1134, %jit3A_1502 : i32
        %ne3A_1520 = arith.constant 0 : i32
        %ne3A_1521 = arith.cmpi ne, %rem3A_1519, %ne3A_1520 : i32
        %and3A_1522 = arith.andi %ne3A_1518, %ne3A_1521 : i1
        %sub3A_1523 = arith.constant 1 : i32
        %sub3A_1524 = arith.subi %div3A_1503, %sub3A_1523 : i32
        %select_n3A_1525 = arith.select %and3A_1522, %sub3A_1524, %div3A_1503 : i32
        %mul3A_1526 = arith.constant 5 : i32
        %mul3A_1527 = arith.muli %add3A, %mul3A_1526 : i32
        %add3A_1528 = arith.addi %mul3A_1527, %select_n3A_1525 : i32
        %mul3A_1529 = arith.constant 2 : i32
        %mul3A_1530 = arith.muli %add3A_1528, %mul3A_1529 : i32
        %jit3A_1531 = arith.constant 2 : i32
        %eq3A_1532 = arith.constant 0 : i32
        %eq3A_1533 = arith.cmpi eq, %jit3A_1531, %eq3A_1532 : i32
        %jit3A_1534 = arith.constant 1 : i32
        %select_n3A_1535 = arith.select %eq3A_1533, %jit3A_1534, %jit3A_1531 : i32
        %rem3A_1536 = arith.remsi %select_n3A_1525, %select_n3A_1535 : i32
        %ne3A_1537 = arith.constant 0 : i32
        %ne3A_1538 = arith.cmpi ne, %rem3A_1536, %ne3A_1537 : i32
        %lt3A_1539 = arith.constant 0 : i32
        %lt3A_1540 = arith.cmpi slt, %rem3A_1536, %lt3A_1539 : i32
        %lt3A_1541 = arith.constant 0 : i32
        %lt3A_1542 = arith.cmpi slt, %select_n3A_1535, %lt3A_1541 : i32
        %ne3A_1543 = arith.xori %lt3A_1540, %lt3A_1542 : i1
        %and3A_1544 = arith.andi %ne3A_1543, %ne3A_1538 : i1
        %add3A_1545 = arith.addi %rem3A_1536, %select_n3A_1535 : i32
        %select_n3A_1546 = arith.select %and3A_1544, %add3A_1545, %rem3A_1536 : i32
        %mul3A_1547 = arith.constant 2 : i32
        %mul3A_1548 = arith.muli %select_n3A_1546, %mul3A_1547 : i32
        %dma_wait3A_1549 = arith.constant 0 : i32
        %dma_wait3A_1550 = arith.constant 0 : i32
        %dma_wait3A_1551 = tpu.memref_slice %arg6[%mul3A_1548, %dma_wait3A_1549, %dma_wait3A_1550] : memref<4x25x80xi32, #tpu.memory_space<vmem>> -> memref<1x25x80xi32, #tpu.memory_space<vmem>>
        %dma_wait3A_1552 = tpu.memref_squeeze %dma_wait3A_1551 : memref<1x25x80xi32, #tpu.memory_space<vmem>> -> memref<25x80xi32, #tpu.memory_space<vmem>>
        %dma_wait3A_1553 = arith.constant 0 : i32
        %dma_wait3A_1554 = arith.constant 0 : i32
        %dma_wait3A_1555 = tpu.memref_slice %arg3[%mul3A_1530, %dma_wait3A_1553, %dma_wait3A_1554] : memref<320x25x80xi32, #tpu.memory_space<hbm>> -> memref<1x25x80xi32, #tpu.memory_space<hbm>>
        %dma_wait3A_1556 = tpu.memref_squeeze %dma_wait3A_1555 : memref<1x25x80xi32, #tpu.memory_space<hbm>> -> memref<25x80xi32, #tpu.memory_space<hbm>>
        %dma_wait3A_1557 = arith.constant 0 : i32
        %dma_wait3A_1558 = arith.constant 0 : i32
        %dma_wait3A_1559 = tpu.memref_slice %arg6[%mul3A_1548, %dma_wait3A_1557, %dma_wait3A_1558] : memref<4x25x80xi32, #tpu.memory_space<vmem>> -> memref<1x25x80xi32, #tpu.memory_space<vmem>>
        %dma_wait3A_1560 = tpu.memref_squeeze %dma_wait3A_1559 : memref<1x25x80xi32, #tpu.memory_space<vmem>> -> memref<25x80xi32, #tpu.memory_space<vmem>>
        %dma_wait3A_1561 = arith.constant 0 : i32
        %dma_wait3A_1562 = arith.constant 0 : i32
        %dma_wait3A_1563 = tpu.memref_slice %arg3[%mul3A_1530, %dma_wait3A_1561, %dma_wait3A_1562] : memref<320x25x80xi32, #tpu.memory_space<hbm>> -> memref<1x25x80xi32, #tpu.memory_space<hbm>>
        %dma_wait3A_1564 = tpu.memref_squeeze %dma_wait3A_1563 : memref<1x25x80xi32, #tpu.memory_space<hbm>> -> memref<25x80xi32, #tpu.memory_space<hbm>>
        tpu.wait_dma2 semaphore(%arg11 : memref<!tpu.dma_semaphore, #tpu.memory_space<semaphore_mem>>) src(%dma_wait3A_1564 : memref<25x80xi32, #tpu.memory_space<hbm>>) dst(%dma_wait3A_1560 : memref<25x80xi32, #tpu.memory_space<vmem>>)
        %add3A_1565 = arith.constant 1 : i32
        %add3A_1566 = arith.addi %mul3A_1530, %add3A_1565 : i32
        %add3A_1567 = arith.constant 1 : i32
        %add3A_1568 = arith.addi %mul3A_1548, %add3A_1567 : i32
        %dma_wait3A_1569 = arith.constant 0 : i32
        %dma_wait3A_1570 = arith.constant 0 : i32
        %dma_wait3A_1571 = tpu.memref_slice %arg6[%add3A_1568, %dma_wait3A_1569, %dma_wait3A_1570] : memref<4x25x80xi32, #tpu.memory_space<vmem>> -> memref<1x25x80xi32, #tpu.memory_space<vmem>>
        %dma_wait3A_1572 = tpu.memref_squeeze %dma_wait3A_1571 : memref<1x25x80xi32, #tpu.memory_space<vmem>> -> memref<25x80xi32, #tpu.memory_space<vmem>>
        %dma_wait3A_1573 = arith.constant 0 : i32
        %dma_wait3A_1574 = arith.constant 0 : i32
        %dma_wait3A_1575 = tpu.memref_slice %arg3[%add3A_1566, %dma_wait3A_1573, %dma_wait3A_1574] : memref<320x25x80xi32, #tpu.memory_space<hbm>> -> memref<1x25x80xi32, #tpu.memory_space<hbm>>
        %dma_wait3A_1576 = tpu.memref_squeeze %dma_wait3A_1575 : memref<1x25x80xi32, #tpu.memory_space<hbm>> -> memref<25x80xi32, #tpu.memory_space<hbm>>
        %dma_wait3A_1577 = arith.constant 0 : i32
        %dma_wait3A_1578 = arith.constant 0 : i32
        %dma_wait3A_1579 = tpu.memref_slice %arg6[%add3A_1568, %dma_wait3A_1577, %dma_wait3A_1578] : memref<4x25x80xi32, #tpu.memory_space<vmem>> -> memref<1x25x80xi32, #tpu.memory_space<vmem>>
        %dma_wait3A_1580 = tpu.memref_squeeze %dma_wait3A_1579 : memref<1x25x80xi32, #tpu.memory_space<vmem>> -> memref<25x80xi32, #tpu.memory_space<vmem>>
        %dma_wait3A_1581 = arith.constant 0 : i32
        %dma_wait3A_1582 = arith.constant 0 : i32
        %dma_wait3A_1583 = tpu.memref_slice %arg3[%add3A_1566, %dma_wait3A_1581, %dma_wait3A_1582] : memref<320x25x80xi32, #tpu.memory_space<hbm>> -> memref<1x25x80xi32, #tpu.memory_space<hbm>>
        %dma_wait3A_1584 = tpu.memref_squeeze %dma_wait3A_1583 : memref<1x25x80xi32, #tpu.memory_space<hbm>> -> memref<25x80xi32, #tpu.memory_space<hbm>>
        tpu.wait_dma2 semaphore(%arg11 : memref<!tpu.dma_semaphore, #tpu.memory_space<semaphore_mem>>) src(%dma_wait3A_1584 : memref<25x80xi32, #tpu.memory_space<hbm>>) dst(%dma_wait3A_1580 : memref<25x80xi32, #tpu.memory_space<vmem>>)
      } else {
      }
      %lt3A_1159 = arith.constant 125 : i32
      %lt3A_1160 = arith.cmpi slt, %sub3A_1134, %lt3A_1159 : i32
      %convert_element_type3A_1161 = arith.extui %lt3A_1160 : i1 to i32
      %cond3A_1162 = arith.constant 0 : i32
      %cond3A_1163 = arith.cmpi ne, %convert_element_type3A_1161, %cond3A_1162 : i32
      scf.if %cond3A_1163 {
        %jit3A_1502 = arith.constant 25 : i32
        %div3A_1503 = arith.divsi %sub3A_1134, %jit3A_1502 : i32
        %sign3A_1504 = arith.constant 0 : i32
        %sign3A_1505 = arith.cmpi sgt, %sub3A_1134, %sign3A_1504 : i32
        %sign3A_1506 = arith.extui %sign3A_1505 : i1 to i32
        %sign3A_1507 = arith.constant 0 : i32
        %sign3A_1508 = arith.cmpi slt, %sub3A_1134, %sign3A_1507 : i32
        %sign3A_1509 = arith.extui %sign3A_1508 : i1 to i32
        %sign3A_1510 = arith.subi %sign3A_1506, %sign3A_1509 : i32
        %sign3A_1511 = arith.constant 0 : i32
        %sign3A_1512 = arith.cmpi sgt, %jit3A_1502, %sign3A_1511 : i32
        %sign3A_1513 = arith.extui %sign3A_1512 : i1 to i32
        %sign3A_1514 = arith.constant 0 : i32
        %sign3A_1515 = arith.cmpi slt, %jit3A_1502, %sign3A_1514 : i32
        %sign3A_1516 = arith.extui %sign3A_1515 : i1 to i32
        %sign3A_1517 = arith.subi %sign3A_1513, %sign3A_1516 : i32
        %ne3A_1518 = arith.cmpi ne, %sign3A_1510, %sign3A_1517 : i32
        %rem3A_1519 = arith.remsi %sub3A_1134, %jit3A_1502 : i32
        %ne3A_1520 = arith.constant 0 : i32
        %ne3A_1521 = arith.cmpi ne, %rem3A_1519, %ne3A_1520 : i32
        %and3A_1522 = arith.andi %ne3A_1518, %ne3A_1521 : i1
        %sub3A_1523 = arith.constant 1 : i32
        %sub3A_1524 = arith.subi %div3A_1503, %sub3A_1523 : i32
        %select_n3A_1525 = arith.select %and3A_1522, %sub3A_1524, %div3A_1503 : i32
        %jit3A_1526 = arith.constant 2 : i32
        %eq3A_1527 = arith.constant 0 : i32
        %eq3A_1528 = arith.cmpi eq, %jit3A_1526, %eq3A_1527 : i32
        %jit3A_1529 = arith.constant 1 : i32
        %select_n3A_1530 = arith.select %eq3A_1528, %jit3A_1529, %jit3A_1526 : i32
        %rem3A_1531 = arith.remsi %select_n3A_1525, %select_n3A_1530 : i32
        %ne3A_1532 = arith.constant 0 : i32
        %ne3A_1533 = arith.cmpi ne, %rem3A_1531, %ne3A_1532 : i32
        %lt3A_1534 = arith.constant 0 : i32
        %lt3A_1535 = arith.cmpi slt, %rem3A_1531, %lt3A_1534 : i32
        %lt3A_1536 = arith.constant 0 : i32
        %lt3A_1537 = arith.cmpi slt, %select_n3A_1530, %lt3A_1536 : i32
        %ne3A_1538 = arith.xori %lt3A_1535, %lt3A_1537 : i1
        %and3A_1539 = arith.andi %ne3A_1538, %ne3A_1533 : i1
        %add3A_1540 = arith.addi %rem3A_1531, %select_n3A_1530 : i32
        %select_n3A_1541 = arith.select %and3A_1539, %add3A_1540, %rem3A_1531 : i32
        %mul3A_1542 = arith.constant 2 : i32
        %mul3A_1543 = arith.muli %select_n3A_1541, %mul3A_1542 : i32
        %jit3A_1544 = arith.constant 25 : i32
        %eq3A_1545 = arith.constant 0 : i32
        %eq3A_1546 = arith.cmpi eq, %jit3A_1544, %eq3A_1545 : i32
        %jit3A_1547 = arith.constant 1 : i32
        %select_n3A_1548 = arith.select %eq3A_1546, %jit3A_1547, %jit3A_1544 : i32
        %rem3A_1549 = arith.remsi %sub3A_1134, %select_n3A_1548 : i32
        %ne3A_1550 = arith.constant 0 : i32
        %ne3A_1551 = arith.cmpi ne, %rem3A_1549, %ne3A_1550 : i32
        %lt3A_1552 = arith.constant 0 : i32
        %lt3A_1553 = arith.cmpi slt, %rem3A_1549, %lt3A_1552 : i32
        %lt3A_1554 = arith.constant 0 : i32
        %lt3A_1555 = arith.cmpi slt, %select_n3A_1548, %lt3A_1554 : i32
        %ne3A_1556 = arith.xori %lt3A_1553, %lt3A_1555 : i1
        %and3A_1557 = arith.andi %ne3A_1556, %ne3A_1551 : i1
        %add3A_1558 = arith.addi %rem3A_1549, %select_n3A_1548 : i32
        %select_n3A_1559 = arith.select %and3A_1557, %add3A_1558, %rem3A_1549 : i32
        %dma_start3A_1560 = arith.constant 0 : i32
        %dma_start3A_1561 = arith.constant 0 : i32
        %dma_start3A_1562 = arith.constant 0 : i32
        %dma_start3A_1563 = arith.constant 0 : i32
        %dma_start3A_1564 = tpu.memref_slice %arg7[%dma_start3A_1560, %dma_start3A_1562, %dma_start3A_1563] : memref<3x80x128xf32, #tpu.memory_space<vmem>> -> memref<1x80x128xf32, #tpu.memory_space<vmem>>
        %dma_start3A_1565 = tpu.memref_squeeze %dma_start3A_1564 : memref<1x80x128xf32, #tpu.memory_space<vmem>> -> memref<80x128xf32, #tpu.memory_space<vmem>>
        %dma_start3A_1566 = arith.constant 0 : i32
        %dma_start3A_1567 = tpu.memref_slice %arg6[%mul3A_1543, %select_n3A_1559, %dma_start3A_1566] : memref<4x25x80xi32, #tpu.memory_space<vmem>> -> memref<1x1x80xi32, #tpu.memory_space<vmem>>
        %dma_start3A_1568 = tpu.memref_squeeze %dma_start3A_1567 : memref<1x1x80xi32, #tpu.memory_space<vmem>> -> memref<80xi32, #tpu.memory_space<vmem>>
        %dma_start3A_1569 = arith.constant 0 : i32
        %dma_start3A_1570 = arith.constant 0 : i32
        %dma_start3A_1571 = tpu.memref_slice %arg2[%dma_start3A_1569, %dma_start3A_1570] : memref<10000x128xf32, #tpu.memory_space<hbm>> -> memref<10000x128xf32, #tpu.memory_space<hbm>>
        %dma_start3A_1572 = tpu.memref_slice %arg9[%dma_start3A_1561] : memref<3x!tpu.dma_semaphore, #tpu.memory_space<semaphore_mem>> -> memref<1x!tpu.dma_semaphore, #tpu.memory_space<semaphore_mem>>
        %dma_start3A_1573 = tpu.memref_squeeze %dma_start3A_1572 : memref<1x!tpu.dma_semaphore, #tpu.memory_space<semaphore_mem>> -> memref<!tpu.dma_semaphore, #tpu.memory_space<semaphore_mem>>
        tpu.enqueue_indirect_dma source(%dma_start3A_1571 : memref<10000x128xf32, #tpu.memory_space<hbm>>) target(%dma_start3A_1565 : memref<80x128xf32, #tpu.memory_space<vmem>>) offsets(%dma_start3A_1568 : memref<80xi32, #tpu.memory_space<vmem>>) semaphore(%dma_start3A_1573 : memref<!tpu.dma_semaphore, #tpu.memory_space<semaphore_mem>>)
      } else {
      }
      %jit3A_1164 = arith.constant 25 : i32
      %eq3A_1165 = arith.constant 0 : i32
      %eq3A_1166 = arith.cmpi eq, %jit3A_1164, %eq3A_1165 : i32
      %jit3A_1167 = arith.constant 1 : i32
      %select_n3A_1168 = arith.select %eq3A_1166, %jit3A_1167, %jit3A_1164 : i32
      %rem3A_1169 = arith.remsi %add3A_979, %select_n3A_1168 : i32
      %ne3A_1170 = arith.constant 0 : i32
      %ne3A_1171 = arith.cmpi ne, %rem3A_1169, %ne3A_1170 : i32
      %lt3A_1172 = arith.constant 0 : i32
      %lt3A_1173 = arith.cmpi slt, %rem3A_1169, %lt3A_1172 : i32
      %lt3A_1174 = arith.constant 0 : i32
      %lt3A_1175 = arith.cmpi slt, %select_n3A_1168, %lt3A_1174 : i32
      %ne3A_1176 = arith.xori %lt3A_1173, %lt3A_1175 : i1
      %and3A_1177 = arith.andi %ne3A_1176, %ne3A_1171 : i1
      %add3A_1178 = arith.addi %rem3A_1169, %select_n3A_1168 : i32
      %select_n3A_1179 = arith.select %and3A_1177, %add3A_1178, %rem3A_1169 : i32
      %eq3A_1180 = arith.constant 1 : i32
      %eq3A_1181 = arith.cmpi eq, %select_n3A_1179, %eq3A_1180 : i32
      %jit3A_1182 = arith.constant 25 : i32
      %div3A_1183 = arith.divsi %add3A_979, %jit3A_1182 : i32
      %sign3A_1184 = arith.constant 0 : i32
      %sign3A_1185 = arith.cmpi sgt, %add3A_979, %sign3A_1184 : i32
      %sign3A_1186 = arith.extui %sign3A_1185 : i1 to i32
      %sign3A_1187 = arith.constant 0 : i32
      %sign3A_1188 = arith.cmpi slt, %add3A_979, %sign3A_1187 : i32
      %sign3A_1189 = arith.extui %sign3A_1188 : i1 to i32
      %sign3A_1190 = arith.subi %sign3A_1186, %sign3A_1189 : i32
      %sign3A_1191 = arith.constant 0 : i32
      %sign3A_1192 = arith.cmpi sgt, %jit3A_1182, %sign3A_1191 : i32
      %sign3A_1193 = arith.extui %sign3A_1192 : i1 to i32
      %sign3A_1194 = arith.constant 0 : i32
      %sign3A_1195 = arith.cmpi slt, %jit3A_1182, %sign3A_1194 : i32
      %sign3A_1196 = arith.extui %sign3A_1195 : i1 to i32
      %sign3A_1197 = arith.subi %sign3A_1193, %sign3A_1196 : i32
      %ne3A_1198 = arith.cmpi ne, %sign3A_1190, %sign3A_1197 : i32
      %rem3A_1199 = arith.remsi %add3A_979, %jit3A_1182 : i32
      %ne3A_1200 = arith.constant 0 : i32
      %ne3A_1201 = arith.cmpi ne, %rem3A_1199, %ne3A_1200 : i32
      %and3A_1202 = arith.andi %ne3A_1198, %ne3A_1201 : i1
      %sub3A_1203 = arith.constant 1 : i32
      %sub3A_1204 = arith.subi %div3A_1183, %sub3A_1203 : i32
      %select_n3A_1205 = arith.select %and3A_1202, %sub3A_1204, %div3A_1183 : i32
      %ge3A_1206 = arith.constant 1 : i32
      %ge3A_1207 = arith.cmpi sge, %select_n3A_1205, %ge3A_1206 : i32
      %jit3A_1208 = arith.constant 25 : i32
      %div3A_1209 = arith.divsi %add3A_979, %jit3A_1208 : i32
      %sign3A_1210 = arith.constant 0 : i32
      %sign3A_1211 = arith.cmpi sgt, %add3A_979, %sign3A_1210 : i32
      %sign3A_1212 = arith.extui %sign3A_1211 : i1 to i32
      %sign3A_1213 = arith.constant 0 : i32
      %sign3A_1214 = arith.cmpi slt, %add3A_979, %sign3A_1213 : i32
      %sign3A_1215 = arith.extui %sign3A_1214 : i1 to i32
      %sign3A_1216 = arith.subi %sign3A_1212, %sign3A_1215 : i32
      %sign3A_1217 = arith.constant 0 : i32
      %sign3A_1218 = arith.cmpi sgt, %jit3A_1208, %sign3A_1217 : i32
      %sign3A_1219 = arith.extui %sign3A_1218 : i1 to i32
      %sign3A_1220 = arith.constant 0 : i32
      %sign3A_1221 = arith.cmpi slt, %jit3A_1208, %sign3A_1220 : i32
      %sign3A_1222 = arith.extui %sign3A_1221 : i1 to i32
      %sign3A_1223 = arith.subi %sign3A_1219, %sign3A_1222 : i32
      %ne3A_1224 = arith.cmpi ne, %sign3A_1216, %sign3A_1223 : i32
      %rem3A_1225 = arith.remsi %add3A_979, %jit3A_1208 : i32
      %ne3A_1226 = arith.constant 0 : i32
      %ne3A_1227 = arith.cmpi ne, %rem3A_1225, %ne3A_1226 : i32
      %and3A_1228 = arith.andi %ne3A_1224, %ne3A_1227 : i1
      %sub3A_1229 = arith.constant 1 : i32
      %sub3A_1230 = arith.subi %div3A_1209, %sub3A_1229 : i32
      %select_n3A_1231 = arith.select %and3A_1228, %sub3A_1230, %div3A_1209 : i32
      %le3A_1232 = arith.constant 3 : i32
      %le3A_1233 = arith.cmpi sle, %select_n3A_1231, %le3A_1232 : i32
      %and3A_1234 = arith.andi %ge3A_1207, %le3A_1233 : i1
      %and3A_1235 = arith.andi %eq3A_1181, %and3A_1234 : i1
      %convert_element_type3A_1236 = arith.extui %and3A_1235 : i1 to i32
      %cond3A_1237 = arith.constant 0 : i32
      %cond3A_1238 = arith.cmpi ne, %convert_element_type3A_1236, %cond3A_1237 : i32
      scf.if %cond3A_1238 {
        %jit3A_1502 = arith.constant 25 : i32
        %div3A_1503 = arith.divsi %add3A_979, %jit3A_1502 : i32
        %sign3A_1504 = arith.constant 0 : i32
        %sign3A_1505 = arith.cmpi sgt, %add3A_979, %sign3A_1504 : i32
        %sign3A_1506 = arith.extui %sign3A_1505 : i1 to i32
        %sign3A_1507 = arith.constant 0 : i32
        %sign3A_1508 = arith.cmpi slt, %add3A_979, %sign3A_1507 : i32
        %sign3A_1509 = arith.extui %sign3A_1508 : i1 to i32
        %sign3A_1510 = arith.subi %sign3A_1506, %sign3A_1509 : i32
        %sign3A_1511 = arith.constant 0 : i32
        %sign3A_1512 = arith.cmpi sgt, %jit3A_1502, %sign3A_1511 : i32
        %sign3A_1513 = arith.extui %sign3A_1512 : i1 to i32
        %sign3A_1514 = arith.constant 0 : i32
        %sign3A_1515 = arith.cmpi slt, %jit3A_1502, %sign3A_1514 : i32
        %sign3A_1516 = arith.extui %sign3A_1515 : i1 to i32
        %sign3A_1517 = arith.subi %sign3A_1513, %sign3A_1516 : i32
        %ne3A_1518 = arith.cmpi ne, %sign3A_1510, %sign3A_1517 : i32
        %rem3A_1519 = arith.remsi %add3A_979, %jit3A_1502 : i32
        %ne3A_1520 = arith.constant 0 : i32
        %ne3A_1521 = arith.cmpi ne, %rem3A_1519, %ne3A_1520 : i32
        %and3A_1522 = arith.andi %ne3A_1518, %ne3A_1521 : i1
        %sub3A_1523 = arith.constant 1 : i32
        %sub3A_1524 = arith.subi %div3A_1503, %sub3A_1523 : i32
        %select_n3A_1525 = arith.select %and3A_1522, %sub3A_1524, %div3A_1503 : i32
        %add3A_1526 = arith.constant 1 : i32
        %add3A_1527 = arith.addi %select_n3A_1525, %add3A_1526 : i32
        %mul3A_1528 = arith.constant 5 : i32
        %mul3A_1529 = arith.muli %add3A, %mul3A_1528 : i32
        %add3A_1530 = arith.addi %mul3A_1529, %add3A_1527 : i32
        %mul3A_1531 = arith.constant 2 : i32
        %mul3A_1532 = arith.muli %add3A_1530, %mul3A_1531 : i32
        %jit3A_1533 = arith.constant 2 : i32
        %eq3A_1534 = arith.constant 0 : i32
        %eq3A_1535 = arith.cmpi eq, %jit3A_1533, %eq3A_1534 : i32
        %jit3A_1536 = arith.constant 1 : i32
        %select_n3A_1537 = arith.select %eq3A_1535, %jit3A_1536, %jit3A_1533 : i32
        %rem3A_1538 = arith.remsi %add3A_1527, %select_n3A_1537 : i32
        %ne3A_1539 = arith.constant 0 : i32
        %ne3A_1540 = arith.cmpi ne, %rem3A_1538, %ne3A_1539 : i32
        %lt3A_1541 = arith.constant 0 : i32
        %lt3A_1542 = arith.cmpi slt, %rem3A_1538, %lt3A_1541 : i32
        %lt3A_1543 = arith.constant 0 : i32
        %lt3A_1544 = arith.cmpi slt, %select_n3A_1537, %lt3A_1543 : i32
        %ne3A_1545 = arith.xori %lt3A_1542, %lt3A_1544 : i1
        %and3A_1546 = arith.andi %ne3A_1545, %ne3A_1540 : i1
        %add3A_1547 = arith.addi %rem3A_1538, %select_n3A_1537 : i32
        %select_n3A_1548 = arith.select %and3A_1546, %add3A_1547, %rem3A_1538 : i32
        %mul3A_1549 = arith.constant 2 : i32
        %mul3A_1550 = arith.muli %select_n3A_1548, %mul3A_1549 : i32
        %dma_start3A_1551 = arith.constant 0 : i32
        %dma_start3A_1552 = arith.constant 0 : i32
        %dma_start3A_1553 = tpu.memref_slice %arg6[%mul3A_1550, %dma_start3A_1551, %dma_start3A_1552] : memref<4x25x80xi32, #tpu.memory_space<vmem>> -> memref<1x25x80xi32, #tpu.memory_space<vmem>>
        %dma_start3A_1554 = tpu.memref_squeeze %dma_start3A_1553 : memref<1x25x80xi32, #tpu.memory_space<vmem>> -> memref<25x80xi32, #tpu.memory_space<vmem>>
        %dma_start3A_1555 = arith.constant 0 : i32
        %dma_start3A_1556 = arith.constant 0 : i32
        %dma_start3A_1557 = tpu.memref_slice %arg3[%mul3A_1532, %dma_start3A_1555, %dma_start3A_1556] : memref<320x25x80xi32, #tpu.memory_space<hbm>> -> memref<1x25x80xi32, #tpu.memory_space<hbm>>
        %dma_start3A_1558 = tpu.memref_squeeze %dma_start3A_1557 : memref<1x25x80xi32, #tpu.memory_space<hbm>> -> memref<25x80xi32, #tpu.memory_space<hbm>>
        %dma_start3A_1559 = arith.constant 0 : i32
        %dma_start3A_1560 = arith.constant 0 : i32
        %dma_start3A_1561 = tpu.memref_slice %arg6[%mul3A_1550, %dma_start3A_1559, %dma_start3A_1560] : memref<4x25x80xi32, #tpu.memory_space<vmem>> -> memref<1x25x80xi32, #tpu.memory_space<vmem>>
        %dma_start3A_1562 = tpu.memref_squeeze %dma_start3A_1561 : memref<1x25x80xi32, #tpu.memory_space<vmem>> -> memref<25x80xi32, #tpu.memory_space<vmem>>
        %dma_start3A_1563 = arith.constant 0 : i32
        %dma_start3A_1564 = arith.constant 0 : i32
        %dma_start3A_1565 = tpu.memref_slice %arg3[%mul3A_1532, %dma_start3A_1563, %dma_start3A_1564] : memref<320x25x80xi32, #tpu.memory_space<hbm>> -> memref<1x25x80xi32, #tpu.memory_space<hbm>>
        %dma_start3A_1566 = tpu.memref_squeeze %dma_start3A_1565 : memref<1x25x80xi32, #tpu.memory_space<hbm>> -> memref<25x80xi32, #tpu.memory_space<hbm>>
        tpu.enqueue_dma source(%dma_start3A_1566 : memref<25x80xi32, #tpu.memory_space<hbm>>) target(%dma_start3A_1562 : memref<25x80xi32, #tpu.memory_space<vmem>>) target_semaphore(%arg11 : memref<!tpu.dma_semaphore, #tpu.memory_space<semaphore_mem>>)
        %add3A_1567 = arith.constant 1 : i32
        %add3A_1568 = arith.addi %mul3A_1532, %add3A_1567 : i32
        %add3A_1569 = arith.constant 1 : i32
        %add3A_1570 = arith.addi %mul3A_1550, %add3A_1569 : i32
        %dma_start3A_1571 = arith.constant 0 : i32
        %dma_start3A_1572 = arith.constant 0 : i32
        %dma_start3A_1573 = tpu.memref_slice %arg6[%add3A_1570, %dma_start3A_1571, %dma_start3A_1572] : memref<4x25x80xi32, #tpu.memory_space<vmem>> -> memref<1x25x80xi32, #tpu.memory_space<vmem>>
        %dma_start3A_1574 = tpu.memref_squeeze %dma_start3A_1573 : memref<1x25x80xi32, #tpu.memory_space<vmem>> -> memref<25x80xi32, #tpu.memory_space<vmem>>
        %dma_start3A_1575 = arith.constant 0 : i32
        %dma_start3A_1576 = arith.constant 0 : i32
        %dma_start3A_1577 = tpu.memref_slice %arg3[%add3A_1568, %dma_start3A_1575, %dma_start3A_1576] : memref<320x25x80xi32, #tpu.memory_space<hbm>> -> memref<1x25x80xi32, #tpu.memory_space<hbm>>
        %dma_start3A_1578 = tpu.memref_squeeze %dma_start3A_1577 : memref<1x25x80xi32, #tpu.memory_space<hbm>> -> memref<25x80xi32, #tpu.memory_space<hbm>>
        %dma_start3A_1579 = arith.constant 0 : i32
        %dma_start3A_1580 = arith.constant 0 : i32
        %dma_start3A_1581 = tpu.memref_slice %arg6[%add3A_1570, %dma_start3A_1579, %dma_start3A_1580] : memref<4x25x80xi32, #tpu.memory_space<vmem>> -> memref<1x25x80xi32, #tpu.memory_space<vmem>>
        %dma_start3A_1582 = tpu.memref_squeeze %dma_start3A_1581 : memref<1x25x80xi32, #tpu.memory_space<vmem>> -> memref<25x80xi32, #tpu.memory_space<vmem>>
        %dma_start3A_1583 = arith.constant 0 : i32
        %dma_start3A_1584 = arith.constant 0 : i32
        %dma_start3A_1585 = tpu.memref_slice %arg3[%add3A_1568, %dma_start3A_1583, %dma_start3A_1584] : memref<320x25x80xi32, #tpu.memory_space<hbm>> -> memref<1x25x80xi32, #tpu.memory_space<hbm>>
        %dma_start3A_1586 = tpu.memref_squeeze %dma_start3A_1585 : memref<1x25x80xi32, #tpu.memory_space<hbm>> -> memref<25x80xi32, #tpu.memory_space<hbm>>
        tpu.enqueue_dma source(%dma_start3A_1586 : memref<25x80xi32, #tpu.memory_space<hbm>>) target(%dma_start3A_1582 : memref<25x80xi32, #tpu.memory_space<vmem>>) target_semaphore(%arg11 : memref<!tpu.dma_semaphore, #tpu.memory_space<semaphore_mem>>)
      } else {
      }
      %mul3A_1239 = arith.constant 3 : i32
      %mul3A_1240 = arith.muli %scan3A_712, %mul3A_1239 : i32
      %add3A_1241 = arith.constant 2 : i32
      %add3A_1242 = arith.addi %mul3A_1240, %add3A_1241 : i32
      %jit3A_1243 = arith.constant 25 : i32
      %div3A_1244 = arith.divsi %add3A_1242, %jit3A_1243 : i32
      %sign3A_1245 = arith.constant 0 : i32
      %sign3A_1246 = arith.cmpi sgt, %add3A_1242, %sign3A_1245 : i32
      %sign3A_1247 = arith.extui %sign3A_1246 : i1 to i32
      %sign3A_1248 = arith.constant 0 : i32
      %sign3A_1249 = arith.cmpi slt, %add3A_1242, %sign3A_1248 : i32
      %sign3A_1250 = arith.extui %sign3A_1249 : i1 to i32
      %sign3A_1251 = arith.subi %sign3A_1247, %sign3A_1250 : i32
      %sign3A_1252 = arith.constant 0 : i32
      %sign3A_1253 = arith.cmpi sgt, %jit3A_1243, %sign3A_1252 : i32
      %sign3A_1254 = arith.extui %sign3A_1253 : i1 to i32
      %sign3A_1255 = arith.constant 0 : i32
      %sign3A_1256 = arith.cmpi slt, %jit3A_1243, %sign3A_1255 : i32
      %sign3A_1257 = arith.extui %sign3A_1256 : i1 to i32
      %sign3A_1258 = arith.subi %sign3A_1254, %sign3A_1257 : i32
      %ne3A_1259 = arith.cmpi ne, %sign3A_1251, %sign3A_1258 : i32
      %rem3A_1260 = arith.remsi %add3A_1242, %jit3A_1243 : i32
      %ne3A_1261 = arith.constant 0 : i32
      %ne3A_1262 = arith.cmpi ne, %rem3A_1260, %ne3A_1261 : i32
      %and3A_1263 = arith.andi %ne3A_1259, %ne3A_1262 : i1
      %sub3A_1264 = arith.constant 1 : i32
      %sub3A_1265 = arith.subi %div3A_1244, %sub3A_1264 : i32
      %select_n3A_1266 = arith.select %and3A_1263, %sub3A_1265, %div3A_1244 : i32
      %jit3A_1267 = arith.constant 2 : i32
      %eq3A_1268 = arith.constant 0 : i32
      %eq3A_1269 = arith.cmpi eq, %jit3A_1267, %eq3A_1268 : i32
      %jit3A_1270 = arith.constant 1 : i32
      %select_n3A_1271 = arith.select %eq3A_1269, %jit3A_1270, %jit3A_1267 : i32
      %rem3A_1272 = arith.remsi %select_n3A_1266, %select_n3A_1271 : i32
      %ne3A_1273 = arith.constant 0 : i32
      %ne3A_1274 = arith.cmpi ne, %rem3A_1272, %ne3A_1273 : i32
      %lt3A_1275 = arith.constant 0 : i32
      %lt3A_1276 = arith.cmpi slt, %rem3A_1272, %lt3A_1275 : i32
      %lt3A_1277 = arith.constant 0 : i32
      %lt3A_1278 = arith.cmpi slt, %select_n3A_1271, %lt3A_1277 : i32
      %ne3A_1279 = arith.xori %lt3A_1276, %lt3A_1278 : i1
      %and3A_1280 = arith.andi %ne3A_1279, %ne3A_1274 : i1
      %add3A_1281 = arith.addi %rem3A_1272, %select_n3A_1271 : i32
      %select_n3A_1282 = arith.select %and3A_1280, %add3A_1281, %rem3A_1272 : i32
      %mul3A_1283 = arith.constant 2 : i32
      %mul3A_1284 = arith.muli %select_n3A_1282, %mul3A_1283 : i32
      %jit3A_1285 = arith.constant 25 : i32
      %eq3A_1286 = arith.constant 0 : i32
      %eq3A_1287 = arith.cmpi eq, %jit3A_1285, %eq3A_1286 : i32
      %jit3A_1288 = arith.constant 1 : i32
      %select_n3A_1289 = arith.select %eq3A_1287, %jit3A_1288, %jit3A_1285 : i32
      %rem3A_1290 = arith.remsi %add3A_1242, %select_n3A_1289 : i32
      %ne3A_1291 = arith.constant 0 : i32
      %ne3A_1292 = arith.cmpi ne, %rem3A_1290, %ne3A_1291 : i32
      %lt3A_1293 = arith.constant 0 : i32
      %lt3A_1294 = arith.cmpi slt, %rem3A_1290, %lt3A_1293 : i32
      %lt3A_1295 = arith.constant 0 : i32
      %lt3A_1296 = arith.cmpi slt, %select_n3A_1289, %lt3A_1295 : i32
      %ne3A_1297 = arith.xori %lt3A_1294, %lt3A_1296 : i1
      %and3A_1298 = arith.andi %ne3A_1297, %ne3A_1292 : i1
      %add3A_1299 = arith.addi %rem3A_1290, %select_n3A_1289 : i32
      %select_n3A_1300 = arith.select %and3A_1298, %add3A_1299, %rem3A_1290 : i32
      %dma_wait3A_1301 = arith.constant 2 : i32
      %dma_wait3A_1302 = arith.constant 2 : i32
      %dma_wait3A_1303 = arith.constant 0 : i32
      %dma_wait3A_1304 = arith.constant 0 : i32
      %dma_wait3A_1305 = tpu.memref_slice %arg7[%dma_wait3A_1301, %dma_wait3A_1303, %dma_wait3A_1304] : memref<3x80x128xf32, #tpu.memory_space<vmem>> -> memref<1x80x128xf32, #tpu.memory_space<vmem>>
      %dma_wait3A_1306 = tpu.memref_squeeze %dma_wait3A_1305 : memref<1x80x128xf32, #tpu.memory_space<vmem>> -> memref<80x128xf32, #tpu.memory_space<vmem>>
      %dma_wait3A_1307 = arith.constant 0 : i32
      %dma_wait3A_1308 = tpu.memref_slice %arg6[%mul3A_1284, %select_n3A_1300, %dma_wait3A_1307] : memref<4x25x80xi32, #tpu.memory_space<vmem>> -> memref<1x1x80xi32, #tpu.memory_space<vmem>>
      %dma_wait3A_1309 = tpu.memref_squeeze %dma_wait3A_1308 : memref<1x1x80xi32, #tpu.memory_space<vmem>> -> memref<80xi32, #tpu.memory_space<vmem>>
      %dma_wait3A_1310 = arith.constant 0 : i32
      %dma_wait3A_1311 = arith.constant 0 : i32
      %dma_wait3A_1312 = tpu.memref_slice %arg2[%dma_wait3A_1310, %dma_wait3A_1311] : memref<10000x128xf32, #tpu.memory_space<hbm>> -> memref<10000x128xf32, #tpu.memory_space<hbm>>
      %dma_wait3A_1313 = tpu.memref_slice %arg9[%dma_wait3A_1302] : memref<3x!tpu.dma_semaphore, #tpu.memory_space<semaphore_mem>> -> memref<1x!tpu.dma_semaphore, #tpu.memory_space<semaphore_mem>>
      %dma_wait3A_1314 = tpu.memref_squeeze %dma_wait3A_1313 : memref<1x!tpu.dma_semaphore, #tpu.memory_space<semaphore_mem>> -> memref<!tpu.dma_semaphore, #tpu.memory_space<semaphore_mem>>
      tpu.wait_indirect_dma semaphore(%dma_wait3A_1314 : memref<!tpu.dma_semaphore, #tpu.memory_space<semaphore_mem>>) src(%dma_wait3A_1312 : memref<10000x128xf32, #tpu.memory_space<hbm>>) dst(%dma_wait3A_1306 : memref<80x128xf32, #tpu.memory_space<vmem>>)
      %jit3A_1315 = arith.constant 25 : i32
      %div3A_1316 = arith.divsi %add3A_1242, %jit3A_1315 : i32
      %sign3A_1317 = arith.constant 0 : i32
      %sign3A_1318 = arith.cmpi sgt, %add3A_1242, %sign3A_1317 : i32
      %sign3A_1319 = arith.extui %sign3A_1318 : i1 to i32
      %sign3A_1320 = arith.constant 0 : i32
      %sign3A_1321 = arith.cmpi slt, %add3A_1242, %sign3A_1320 : i32
      %sign3A_1322 = arith.extui %sign3A_1321 : i1 to i32
      %sign3A_1323 = arith.subi %sign3A_1319, %sign3A_1322 : i32
      %sign3A_1324 = arith.constant 0 : i32
      %sign3A_1325 = arith.cmpi sgt, %jit3A_1315, %sign3A_1324 : i32
      %sign3A_1326 = arith.extui %sign3A_1325 : i1 to i32
      %sign3A_1327 = arith.constant 0 : i32
      %sign3A_1328 = arith.cmpi slt, %jit3A_1315, %sign3A_1327 : i32
      %sign3A_1329 = arith.extui %sign3A_1328 : i1 to i32
      %sign3A_1330 = arith.subi %sign3A_1326, %sign3A_1329 : i32
      %ne3A_1331 = arith.cmpi ne, %sign3A_1323, %sign3A_1330 : i32
      %rem3A_1332 = arith.remsi %add3A_1242, %jit3A_1315 : i32
      %ne3A_1333 = arith.constant 0 : i32
      %ne3A_1334 = arith.cmpi ne, %rem3A_1332, %ne3A_1333 : i32
      %and3A_1335 = arith.andi %ne3A_1331, %ne3A_1334 : i1
      %sub3A_1336 = arith.constant 1 : i32
      %sub3A_1337 = arith.subi %div3A_1316, %sub3A_1336 : i32
      %select_n3A_1338 = arith.select %and3A_1335, %sub3A_1337, %div3A_1316 : i32
      %jit3A_1339 = arith.constant 2 : i32
      %eq3A_1340 = arith.constant 0 : i32
      %eq3A_1341 = arith.cmpi eq, %jit3A_1339, %eq3A_1340 : i32
      %jit3A_1342 = arith.constant 1 : i32
      %select_n3A_1343 = arith.select %eq3A_1341, %jit3A_1342, %jit3A_1339 : i32
      %rem3A_1344 = arith.remsi %select_n3A_1338, %select_n3A_1343 : i32
      %ne3A_1345 = arith.constant 0 : i32
      %ne3A_1346 = arith.cmpi ne, %rem3A_1344, %ne3A_1345 : i32
      %lt3A_1347 = arith.constant 0 : i32
      %lt3A_1348 = arith.cmpi slt, %rem3A_1344, %lt3A_1347 : i32
      %lt3A_1349 = arith.constant 0 : i32
      %lt3A_1350 = arith.cmpi slt, %select_n3A_1343, %lt3A_1349 : i32
      %ne3A_1351 = arith.xori %lt3A_1348, %lt3A_1350 : i1
      %and3A_1352 = arith.andi %ne3A_1351, %ne3A_1346 : i1
      %add3A_1353 = arith.addi %rem3A_1344, %select_n3A_1343 : i32
      %select_n3A_1354 = arith.select %and3A_1352, %add3A_1353, %rem3A_1344 : i32
      %mul3A_1355 = arith.constant 2 : i32
      %mul3A_1356 = arith.muli %select_n3A_1354, %mul3A_1355 : i32
      %add3A_1357 = arith.constant 1 : i32
      %add3A_1358 = arith.addi %mul3A_1356, %add3A_1357 : i32
      %jit3A_1359 = arith.constant 25 : i32
      %eq3A_1360 = arith.constant 0 : i32
      %eq3A_1361 = arith.cmpi eq, %jit3A_1359, %eq3A_1360 : i32
      %jit3A_1362 = arith.constant 1 : i32
      %select_n3A_1363 = arith.select %eq3A_1361, %jit3A_1362, %jit3A_1359 : i32
      %rem3A_1364 = arith.remsi %add3A_1242, %select_n3A_1363 : i32
      %ne3A_1365 = arith.constant 0 : i32
      %ne3A_1366 = arith.cmpi ne, %rem3A_1364, %ne3A_1365 : i32
      %lt3A_1367 = arith.constant 0 : i32
      %lt3A_1368 = arith.cmpi slt, %rem3A_1364, %lt3A_1367 : i32
      %lt3A_1369 = arith.constant 0 : i32
      %lt3A_1370 = arith.cmpi slt, %select_n3A_1363, %lt3A_1369 : i32
      %ne3A_1371 = arith.xori %lt3A_1368, %lt3A_1370 : i1
      %and3A_1372 = arith.andi %ne3A_1371, %ne3A_1366 : i1
      %add3A_1373 = arith.addi %rem3A_1364, %select_n3A_1363 : i32
      %select_n3A_1374 = arith.select %and3A_1372, %add3A_1373, %rem3A_1364 : i32
      %dma_start3A_1375 = arith.constant 2 : i32
      %dma_start3A_1376 = arith.constant 2 : i32
      %dma_start3A_1377 = arith.constant 0 : i32
      %dma_start3A_1378 = arith.constant 0 : i32
      %dma_start3A_1379 = tpu.memref_slice %arg7[%dma_start3A_1375, %dma_start3A_1377, %dma_start3A_1378] : memref<3x80x128xf32, #tpu.memory_space<vmem>> -> memref<1x80x128xf32, #tpu.memory_space<vmem>>
      %dma_start3A_1380 = tpu.memref_squeeze %dma_start3A_1379 : memref<1x80x128xf32, #tpu.memory_space<vmem>> -> memref<80x128xf32, #tpu.memory_space<vmem>>
      %dma_start3A_1381 = arith.constant 0 : i32
      %dma_start3A_1382 = tpu.memref_slice %arg6[%add3A_1358, %select_n3A_1374, %dma_start3A_1381] : memref<4x25x80xi32, #tpu.memory_space<vmem>> -> memref<1x1x80xi32, #tpu.memory_space<vmem>>
      %dma_start3A_1383 = tpu.memref_squeeze %dma_start3A_1382 : memref<1x1x80xi32, #tpu.memory_space<vmem>> -> memref<80xi32, #tpu.memory_space<vmem>>
      %dma_start3A_1384 = arith.constant 0 : i32
      %dma_start3A_1385 = arith.constant 0 : i32
      %dma_start3A_1386 = tpu.memref_slice %arg8[%dma_start3A_1384, %dma_start3A_1385] : memref<10000x128xf32, #tpu.memory_space<vmem_shared>> -> memref<10000x128xf32, #tpu.memory_space<vmem_shared>>
      %dma_start3A_1387 = tpu.memref_slice %arg10[%dma_start3A_1376] : memref<3x!tpu.dma_semaphore, #tpu.memory_space<semaphore_mem>> -> memref<1x!tpu.dma_semaphore, #tpu.memory_space<semaphore_mem>>
      %dma_start3A_1388 = tpu.memref_squeeze %dma_start3A_1387 : memref<1x!tpu.dma_semaphore, #tpu.memory_space<semaphore_mem>> -> memref<!tpu.dma_semaphore, #tpu.memory_space<semaphore_mem>>
      tpu.enqueue_indirect_dma source(%dma_start3A_1380 : memref<80x128xf32, #tpu.memory_space<vmem>>) target(%dma_start3A_1386 : memref<10000x128xf32, #tpu.memory_space<vmem_shared>>) offsets(%dma_start3A_1383 : memref<80xi32, #tpu.memory_space<vmem>>) semaphore(%dma_start3A_1388 : memref<!tpu.dma_semaphore, #tpu.memory_space<semaphore_mem>>) {add = true}
      %ge3A_1389 = arith.constant 1 : i32
      %ge3A_1390 = arith.cmpi sge, %add3A_1242, %ge3A_1389 : i32
      %convert_element_type3A_1391 = arith.extui %ge3A_1390 : i1 to i32
      %cond3A_1392 = arith.constant 0 : i32
      %cond3A_1393 = arith.cmpi ne, %convert_element_type3A_1391, %cond3A_1392 : i32
      scf.if %cond3A_1393 {
        %sub3A_1502 = arith.constant 1 : i32
        %sub3A_1503 = arith.subi %add3A_1242, %sub3A_1502 : i32
        %jit3A_1504 = arith.constant 25 : i32
        %div3A_1505 = arith.divsi %sub3A_1503, %jit3A_1504 : i32
        %sign3A_1506 = arith.constant 0 : i32
        %sign3A_1507 = arith.cmpi sgt, %sub3A_1503, %sign3A_1506 : i32
        %sign3A_1508 = arith.extui %sign3A_1507 : i1 to i32
        %sign3A_1509 = arith.constant 0 : i32
        %sign3A_1510 = arith.cmpi slt, %sub3A_1503, %sign3A_1509 : i32
        %sign3A_1511 = arith.extui %sign3A_1510 : i1 to i32
        %sign3A_1512 = arith.subi %sign3A_1508, %sign3A_1511 : i32
        %sign3A_1513 = arith.constant 0 : i32
        %sign3A_1514 = arith.cmpi sgt, %jit3A_1504, %sign3A_1513 : i32
        %sign3A_1515 = arith.extui %sign3A_1514 : i1 to i32
        %sign3A_1516 = arith.constant 0 : i32
        %sign3A_1517 = arith.cmpi slt, %jit3A_1504, %sign3A_1516 : i32
        %sign3A_1518 = arith.extui %sign3A_1517 : i1 to i32
        %sign3A_1519 = arith.subi %sign3A_1515, %sign3A_1518 : i32
        %ne3A_1520 = arith.cmpi ne, %sign3A_1512, %sign3A_1519 : i32
        %rem3A_1521 = arith.remsi %sub3A_1503, %jit3A_1504 : i32
        %ne3A_1522 = arith.constant 0 : i32
        %ne3A_1523 = arith.cmpi ne, %rem3A_1521, %ne3A_1522 : i32
        %and3A_1524 = arith.andi %ne3A_1520, %ne3A_1523 : i1
        %sub3A_1525 = arith.constant 1 : i32
        %sub3A_1526 = arith.subi %div3A_1505, %sub3A_1525 : i32
        %select_n3A_1527 = arith.select %and3A_1524, %sub3A_1526, %div3A_1505 : i32
        %jit3A_1528 = arith.constant 2 : i32
        %eq3A_1529 = arith.constant 0 : i32
        %eq3A_1530 = arith.cmpi eq, %jit3A_1528, %eq3A_1529 : i32
        %jit3A_1531 = arith.constant 1 : i32
        %select_n3A_1532 = arith.select %eq3A_1530, %jit3A_1531, %jit3A_1528 : i32
        %rem3A_1533 = arith.remsi %select_n3A_1527, %select_n3A_1532 : i32
        %ne3A_1534 = arith.constant 0 : i32
        %ne3A_1535 = arith.cmpi ne, %rem3A_1533, %ne3A_1534 : i32
        %lt3A_1536 = arith.constant 0 : i32
        %lt3A_1537 = arith.cmpi slt, %rem3A_1533, %lt3A_1536 : i32
        %lt3A_1538 = arith.constant 0 : i32
        %lt3A_1539 = arith.cmpi slt, %select_n3A_1532, %lt3A_1538 : i32
        %ne3A_1540 = arith.xori %lt3A_1537, %lt3A_1539 : i1
        %and3A_1541 = arith.andi %ne3A_1540, %ne3A_1535 : i1
        %add3A_1542 = arith.addi %rem3A_1533, %select_n3A_1532 : i32
        %select_n3A_1543 = arith.select %and3A_1541, %add3A_1542, %rem3A_1533 : i32
        %mul3A_1544 = arith.constant 2 : i32
        %mul3A_1545 = arith.muli %select_n3A_1543, %mul3A_1544 : i32
        %add3A_1546 = arith.constant 1 : i32
        %add3A_1547 = arith.addi %mul3A_1545, %add3A_1546 : i32
        %jit3A_1548 = arith.constant 25 : i32
        %eq3A_1549 = arith.constant 0 : i32
        %eq3A_1550 = arith.cmpi eq, %jit3A_1548, %eq3A_1549 : i32
        %jit3A_1551 = arith.constant 1 : i32
        %select_n3A_1552 = arith.select %eq3A_1550, %jit3A_1551, %jit3A_1548 : i32
        %rem3A_1553 = arith.remsi %sub3A_1503, %select_n3A_1552 : i32
        %ne3A_1554 = arith.constant 0 : i32
        %ne3A_1555 = arith.cmpi ne, %rem3A_1553, %ne3A_1554 : i32
        %lt3A_1556 = arith.constant 0 : i32
        %lt3A_1557 = arith.cmpi slt, %rem3A_1553, %lt3A_1556 : i32
        %lt3A_1558 = arith.constant 0 : i32
        %lt3A_1559 = arith.cmpi slt, %select_n3A_1552, %lt3A_1558 : i32
        %ne3A_1560 = arith.xori %lt3A_1557, %lt3A_1559 : i1
        %and3A_1561 = arith.andi %ne3A_1560, %ne3A_1555 : i1
        %add3A_1562 = arith.addi %rem3A_1553, %select_n3A_1552 : i32
        %select_n3A_1563 = arith.select %and3A_1561, %add3A_1562, %rem3A_1553 : i32
        %dma_wait3A_1564 = arith.constant 1 : i32
        %dma_wait3A_1565 = arith.constant 1 : i32
        %dma_wait3A_1566 = arith.constant 0 : i32
        %dma_wait3A_1567 = arith.constant 0 : i32
        %dma_wait3A_1568 = tpu.memref_slice %arg7[%dma_wait3A_1564, %dma_wait3A_1566, %dma_wait3A_1567] : memref<3x80x128xf32, #tpu.memory_space<vmem>> -> memref<1x80x128xf32, #tpu.memory_space<vmem>>
        %dma_wait3A_1569 = tpu.memref_squeeze %dma_wait3A_1568 : memref<1x80x128xf32, #tpu.memory_space<vmem>> -> memref<80x128xf32, #tpu.memory_space<vmem>>
        %dma_wait3A_1570 = arith.constant 0 : i32
        %dma_wait3A_1571 = tpu.memref_slice %arg6[%add3A_1547, %select_n3A_1563, %dma_wait3A_1570] : memref<4x25x80xi32, #tpu.memory_space<vmem>> -> memref<1x1x80xi32, #tpu.memory_space<vmem>>
        %dma_wait3A_1572 = tpu.memref_squeeze %dma_wait3A_1571 : memref<1x1x80xi32, #tpu.memory_space<vmem>> -> memref<80xi32, #tpu.memory_space<vmem>>
        %dma_wait3A_1573 = arith.constant 0 : i32
        %dma_wait3A_1574 = arith.constant 0 : i32
        %dma_wait3A_1575 = tpu.memref_slice %arg8[%dma_wait3A_1573, %dma_wait3A_1574] : memref<10000x128xf32, #tpu.memory_space<vmem_shared>> -> memref<10000x128xf32, #tpu.memory_space<vmem_shared>>
        %dma_wait3A_1576 = tpu.memref_slice %arg10[%dma_wait3A_1565] : memref<3x!tpu.dma_semaphore, #tpu.memory_space<semaphore_mem>> -> memref<1x!tpu.dma_semaphore, #tpu.memory_space<semaphore_mem>>
        %dma_wait3A_1577 = tpu.memref_squeeze %dma_wait3A_1576 : memref<1x!tpu.dma_semaphore, #tpu.memory_space<semaphore_mem>> -> memref<!tpu.dma_semaphore, #tpu.memory_space<semaphore_mem>>
        tpu.wait_indirect_dma semaphore(%dma_wait3A_1577 : memref<!tpu.dma_semaphore, #tpu.memory_space<semaphore_mem>>) src(%dma_wait3A_1569 : memref<80x128xf32, #tpu.memory_space<vmem>>) dst(%dma_wait3A_1575 : memref<10000x128xf32, #tpu.memory_space<vmem_shared>>)
      } else {
      }
      %add3A_1394 = arith.constant 3 : i32
      %add3A_1395 = arith.addi %add3A_1242, %add3A_1394 : i32
      %sub3A_1396 = arith.constant 1 : i32
      %sub3A_1397 = arith.subi %add3A_1395, %sub3A_1396 : i32
      %jit3A_1398 = arith.constant 25 : i32
      %eq3A_1399 = arith.constant 0 : i32
      %eq3A_1400 = arith.cmpi eq, %jit3A_1398, %eq3A_1399 : i32
      %jit3A_1401 = arith.constant 1 : i32
      %select_n3A_1402 = arith.select %eq3A_1400, %jit3A_1401, %jit3A_1398 : i32
      %rem3A_1403 = arith.remsi %sub3A_1397, %select_n3A_1402 : i32
      %ne3A_1404 = arith.constant 0 : i32
      %ne3A_1405 = arith.cmpi ne, %rem3A_1403, %ne3A_1404 : i32
      %lt3A_1406 = arith.constant 0 : i32
      %lt3A_1407 = arith.cmpi slt, %rem3A_1403, %lt3A_1406 : i32
      %lt3A_1408 = arith.constant 0 : i32
      %lt3A_1409 = arith.cmpi slt, %select_n3A_1402, %lt3A_1408 : i32
      %ne3A_1410 = arith.xori %lt3A_1407, %lt3A_1409 : i1
      %and3A_1411 = arith.andi %ne3A_1410, %ne3A_1405 : i1
      %add3A_1412 = arith.addi %rem3A_1403, %select_n3A_1402 : i32
      %select_n3A_1413 = arith.select %and3A_1411, %add3A_1412, %rem3A_1403 : i32
      %eq3A_1414 = arith.constant 0 : i32
      %eq3A_1415 = arith.cmpi eq, %select_n3A_1413, %eq3A_1414 : i32
      %lt3A_1416 = arith.constant 125 : i32
      %lt3A_1417 = arith.cmpi slt, %sub3A_1397, %lt3A_1416 : i32
      %and3A_1418 = arith.andi %eq3A_1415, %lt3A_1417 : i1
      %convert_element_type3A_1419 = arith.extui %and3A_1418 : i1 to i32
      %cond3A_1420 = arith.constant 0 : i32
      %cond3A_1421 = arith.cmpi ne, %convert_element_type3A_1419, %cond3A_1420 : i32
      scf.if %cond3A_1421 {
        %jit3A_1502 = arith.constant 25 : i32
        %div3A_1503 = arith.divsi %sub3A_1397, %jit3A_1502 : i32
        %sign3A_1504 = arith.constant 0 : i32
        %sign3A_1505 = arith.cmpi sgt, %sub3A_1397, %sign3A_1504 : i32
        %sign3A_1506 = arith.extui %sign3A_1505 : i1 to i32
        %sign3A_1507 = arith.constant 0 : i32
        %sign3A_1508 = arith.cmpi slt, %sub3A_1397, %sign3A_1507 : i32
        %sign3A_1509 = arith.extui %sign3A_1508 : i1 to i32
        %sign3A_1510 = arith.subi %sign3A_1506, %sign3A_1509 : i32
        %sign3A_1511 = arith.constant 0 : i32
        %sign3A_1512 = arith.cmpi sgt, %jit3A_1502, %sign3A_1511 : i32
        %sign3A_1513 = arith.extui %sign3A_1512 : i1 to i32
        %sign3A_1514 = arith.constant 0 : i32
        %sign3A_1515 = arith.cmpi slt, %jit3A_1502, %sign3A_1514 : i32
        %sign3A_1516 = arith.extui %sign3A_1515 : i1 to i32
        %sign3A_1517 = arith.subi %sign3A_1513, %sign3A_1516 : i32
        %ne3A_1518 = arith.cmpi ne, %sign3A_1510, %sign3A_1517 : i32
        %rem3A_1519 = arith.remsi %sub3A_1397, %jit3A_1502 : i32
        %ne3A_1520 = arith.constant 0 : i32
        %ne3A_1521 = arith.cmpi ne, %rem3A_1519, %ne3A_1520 : i32
        %and3A_1522 = arith.andi %ne3A_1518, %ne3A_1521 : i1
        %sub3A_1523 = arith.constant 1 : i32
        %sub3A_1524 = arith.subi %div3A_1503, %sub3A_1523 : i32
        %select_n3A_1525 = arith.select %and3A_1522, %sub3A_1524, %div3A_1503 : i32
        %mul3A_1526 = arith.constant 5 : i32
        %mul3A_1527 = arith.muli %add3A, %mul3A_1526 : i32
        %add3A_1528 = arith.addi %mul3A_1527, %select_n3A_1525 : i32
        %mul3A_1529 = arith.constant 2 : i32
        %mul3A_1530 = arith.muli %add3A_1528, %mul3A_1529 : i32
        %jit3A_1531 = arith.constant 2 : i32
        %eq3A_1532 = arith.constant 0 : i32
        %eq3A_1533 = arith.cmpi eq, %jit3A_1531, %eq3A_1532 : i32
        %jit3A_1534 = arith.constant 1 : i32
        %select_n3A_1535 = arith.select %eq3A_1533, %jit3A_1534, %jit3A_1531 : i32
        %rem3A_1536 = arith.remsi %select_n3A_1525, %select_n3A_1535 : i32
        %ne3A_1537 = arith.constant 0 : i32
        %ne3A_1538 = arith.cmpi ne, %rem3A_1536, %ne3A_1537 : i32
        %lt3A_1539 = arith.constant 0 : i32
        %lt3A_1540 = arith.cmpi slt, %rem3A_1536, %lt3A_1539 : i32
        %lt3A_1541 = arith.constant 0 : i32
        %lt3A_1542 = arith.cmpi slt, %select_n3A_1535, %lt3A_1541 : i32
        %ne3A_1543 = arith.xori %lt3A_1540, %lt3A_1542 : i1
        %and3A_1544 = arith.andi %ne3A_1543, %ne3A_1538 : i1
        %add3A_1545 = arith.addi %rem3A_1536, %select_n3A_1535 : i32
        %select_n3A_1546 = arith.select %and3A_1544, %add3A_1545, %rem3A_1536 : i32
        %mul3A_1547 = arith.constant 2 : i32
        %mul3A_1548 = arith.muli %select_n3A_1546, %mul3A_1547 : i32
        %dma_wait3A_1549 = arith.constant 0 : i32
        %dma_wait3A_1550 = arith.constant 0 : i32
        %dma_wait3A_1551 = tpu.memref_slice %arg6[%mul3A_1548, %dma_wait3A_1549, %dma_wait3A_1550] : memref<4x25x80xi32, #tpu.memory_space<vmem>> -> memref<1x25x80xi32, #tpu.memory_space<vmem>>
        %dma_wait3A_1552 = tpu.memref_squeeze %dma_wait3A_1551 : memref<1x25x80xi32, #tpu.memory_space<vmem>> -> memref<25x80xi32, #tpu.memory_space<vmem>>
        %dma_wait3A_1553 = arith.constant 0 : i32
        %dma_wait3A_1554 = arith.constant 0 : i32
        %dma_wait3A_1555 = tpu.memref_slice %arg3[%mul3A_1530, %dma_wait3A_1553, %dma_wait3A_1554] : memref<320x25x80xi32, #tpu.memory_space<hbm>> -> memref<1x25x80xi32, #tpu.memory_space<hbm>>
        %dma_wait3A_1556 = tpu.memref_squeeze %dma_wait3A_1555 : memref<1x25x80xi32, #tpu.memory_space<hbm>> -> memref<25x80xi32, #tpu.memory_space<hbm>>
        %dma_wait3A_1557 = arith.constant 0 : i32
        %dma_wait3A_1558 = arith.constant 0 : i32
        %dma_wait3A_1559 = tpu.memref_slice %arg6[%mul3A_1548, %dma_wait3A_1557, %dma_wait3A_1558] : memref<4x25x80xi32, #tpu.memory_space<vmem>> -> memref<1x25x80xi32, #tpu.memory_space<vmem>>
        %dma_wait3A_1560 = tpu.memref_squeeze %dma_wait3A_1559 : memref<1x25x80xi32, #tpu.memory_space<vmem>> -> memref<25x80xi32, #tpu.memory_space<vmem>>
        %dma_wait3A_1561 = arith.constant 0 : i32
        %dma_wait3A_1562 = arith.constant 0 : i32
        %dma_wait3A_1563 = tpu.memref_slice %arg3[%mul3A_1530, %dma_wait3A_1561, %dma_wait3A_1562] : memref<320x25x80xi32, #tpu.memory_space<hbm>> -> memref<1x25x80xi32, #tpu.memory_space<hbm>>
        %dma_wait3A_1564 = tpu.memref_squeeze %dma_wait3A_1563 : memref<1x25x80xi32, #tpu.memory_space<hbm>> -> memref<25x80xi32, #tpu.memory_space<hbm>>
        tpu.wait_dma2 semaphore(%arg11 : memref<!tpu.dma_semaphore, #tpu.memory_space<semaphore_mem>>) src(%dma_wait3A_1564 : memref<25x80xi32, #tpu.memory_space<hbm>>) dst(%dma_wait3A_1560 : memref<25x80xi32, #tpu.memory_space<vmem>>)
        %add3A_1565 = arith.constant 1 : i32
        %add3A_1566 = arith.addi %mul3A_1530, %add3A_1565 : i32
        %add3A_1567 = arith.constant 1 : i32
        %add3A_1568 = arith.addi %mul3A_1548, %add3A_1567 : i32
        %dma_wait3A_1569 = arith.constant 0 : i32
        %dma_wait3A_1570 = arith.constant 0 : i32
        %dma_wait3A_1571 = tpu.memref_slice %arg6[%add3A_1568, %dma_wait3A_1569, %dma_wait3A_1570] : memref<4x25x80xi32, #tpu.memory_space<vmem>> -> memref<1x25x80xi32, #tpu.memory_space<vmem>>
        %dma_wait3A_1572 = tpu.memref_squeeze %dma_wait3A_1571 : memref<1x25x80xi32, #tpu.memory_space<vmem>> -> memref<25x80xi32, #tpu.memory_space<vmem>>
        %dma_wait3A_1573 = arith.constant 0 : i32
        %dma_wait3A_1574 = arith.constant 0 : i32
        %dma_wait3A_1575 = tpu.memref_slice %arg3[%add3A_1566, %dma_wait3A_1573, %dma_wait3A_1574] : memref<320x25x80xi32, #tpu.memory_space<hbm>> -> memref<1x25x80xi32, #tpu.memory_space<hbm>>
        %dma_wait3A_1576 = tpu.memref_squeeze %dma_wait3A_1575 : memref<1x25x80xi32, #tpu.memory_space<hbm>> -> memref<25x80xi32, #tpu.memory_space<hbm>>
        %dma_wait3A_1577 = arith.constant 0 : i32
        %dma_wait3A_1578 = arith.constant 0 : i32
        %dma_wait3A_1579 = tpu.memref_slice %arg6[%add3A_1568, %dma_wait3A_1577, %dma_wait3A_1578] : memref<4x25x80xi32, #tpu.memory_space<vmem>> -> memref<1x25x80xi32, #tpu.memory_space<vmem>>
        %dma_wait3A_1580 = tpu.memref_squeeze %dma_wait3A_1579 : memref<1x25x80xi32, #tpu.memory_space<vmem>> -> memref<25x80xi32, #tpu.memory_space<vmem>>
        %dma_wait3A_1581 = arith.constant 0 : i32
        %dma_wait3A_1582 = arith.constant 0 : i32
        %dma_wait3A_1583 = tpu.memref_slice %arg3[%add3A_1566, %dma_wait3A_1581, %dma_wait3A_1582] : memref<320x25x80xi32, #tpu.memory_space<hbm>> -> memref<1x25x80xi32, #tpu.memory_space<hbm>>
        %dma_wait3A_1584 = tpu.memref_squeeze %dma_wait3A_1583 : memref<1x25x80xi32, #tpu.memory_space<hbm>> -> memref<25x80xi32, #tpu.memory_space<hbm>>
        tpu.wait_dma2 semaphore(%arg11 : memref<!tpu.dma_semaphore, #tpu.memory_space<semaphore_mem>>) src(%dma_wait3A_1584 : memref<25x80xi32, #tpu.memory_space<hbm>>) dst(%dma_wait3A_1580 : memref<25x80xi32, #tpu.memory_space<vmem>>)
      } else {
      }
      %lt3A_1422 = arith.constant 125 : i32
      %lt3A_1423 = arith.cmpi slt, %sub3A_1397, %lt3A_1422 : i32
      %convert_element_type3A_1424 = arith.extui %lt3A_1423 : i1 to i32
      %cond3A_1425 = arith.constant 0 : i32
      %cond3A_1426 = arith.cmpi ne, %convert_element_type3A_1424, %cond3A_1425 : i32
      scf.if %cond3A_1426 {
        %jit3A_1502 = arith.constant 25 : i32
        %div3A_1503 = arith.divsi %sub3A_1397, %jit3A_1502 : i32
        %sign3A_1504 = arith.constant 0 : i32
        %sign3A_1505 = arith.cmpi sgt, %sub3A_1397, %sign3A_1504 : i32
        %sign3A_1506 = arith.extui %sign3A_1505 : i1 to i32
        %sign3A_1507 = arith.constant 0 : i32
        %sign3A_1508 = arith.cmpi slt, %sub3A_1397, %sign3A_1507 : i32
        %sign3A_1509 = arith.extui %sign3A_1508 : i1 to i32
        %sign3A_1510 = arith.subi %sign3A_1506, %sign3A_1509 : i32
        %sign3A_1511 = arith.constant 0 : i32
        %sign3A_1512 = arith.cmpi sgt, %jit3A_1502, %sign3A_1511 : i32
        %sign3A_1513 = arith.extui %sign3A_1512 : i1 to i32
        %sign3A_1514 = arith.constant 0 : i32
        %sign3A_1515 = arith.cmpi slt, %jit3A_1502, %sign3A_1514 : i32
        %sign3A_1516 = arith.extui %sign3A_1515 : i1 to i32
        %sign3A_1517 = arith.subi %sign3A_1513, %sign3A_1516 : i32
        %ne3A_1518 = arith.cmpi ne, %sign3A_1510, %sign3A_1517 : i32
        %rem3A_1519 = arith.remsi %sub3A_1397, %jit3A_1502 : i32
        %ne3A_1520 = arith.constant 0 : i32
        %ne3A_1521 = arith.cmpi ne, %rem3A_1519, %ne3A_1520 : i32
        %and3A_1522 = arith.andi %ne3A_1518, %ne3A_1521 : i1
        %sub3A_1523 = arith.constant 1 : i32
        %sub3A_1524 = arith.subi %div3A_1503, %sub3A_1523 : i32
        %select_n3A_1525 = arith.select %and3A_1522, %sub3A_1524, %div3A_1503 : i32
        %jit3A_1526 = arith.constant 2 : i32
        %eq3A_1527 = arith.constant 0 : i32
        %eq3A_1528 = arith.cmpi eq, %jit3A_1526, %eq3A_1527 : i32
        %jit3A_1529 = arith.constant 1 : i32
        %select_n3A_1530 = arith.select %eq3A_1528, %jit3A_1529, %jit3A_1526 : i32
        %rem3A_1531 = arith.remsi %select_n3A_1525, %select_n3A_1530 : i32
        %ne3A_1532 = arith.constant 0 : i32
        %ne3A_1533 = arith.cmpi ne, %rem3A_1531, %ne3A_1532 : i32
        %lt3A_1534 = arith.constant 0 : i32
        %lt3A_1535 = arith.cmpi slt, %rem3A_1531, %lt3A_1534 : i32
        %lt3A_1536 = arith.constant 0 : i32
        %lt3A_1537 = arith.cmpi slt, %select_n3A_1530, %lt3A_1536 : i32
        %ne3A_1538 = arith.xori %lt3A_1535, %lt3A_1537 : i1
        %and3A_1539 = arith.andi %ne3A_1538, %ne3A_1533 : i1
        %add3A_1540 = arith.addi %rem3A_1531, %select_n3A_1530 : i32
        %select_n3A_1541 = arith.select %and3A_1539, %add3A_1540, %rem3A_1531 : i32
        %mul3A_1542 = arith.constant 2 : i32
        %mul3A_1543 = arith.muli %select_n3A_1541, %mul3A_1542 : i32
        %jit3A_1544 = arith.constant 25 : i32
        %eq3A_1545 = arith.constant 0 : i32
        %eq3A_1546 = arith.cmpi eq, %jit3A_1544, %eq3A_1545 : i32
        %jit3A_1547 = arith.constant 1 : i32
        %select_n3A_1548 = arith.select %eq3A_1546, %jit3A_1547, %jit3A_1544 : i32
        %rem3A_1549 = arith.remsi %sub3A_1397, %select_n3A_1548 : i32
        %ne3A_1550 = arith.constant 0 : i32
        %ne3A_1551 = arith.cmpi ne, %rem3A_1549, %ne3A_1550 : i32
        %lt3A_1552 = arith.constant 0 : i32
        %lt3A_1553 = arith.cmpi slt, %rem3A_1549, %lt3A_1552 : i32
        %lt3A_1554 = arith.constant 0 : i32
        %lt3A_1555 = arith.cmpi slt, %select_n3A_1548, %lt3A_1554 : i32
        %ne3A_1556 = arith.xori %lt3A_1553, %lt3A_1555 : i1
        %and3A_1557 = arith.andi %ne3A_1556, %ne3A_1551 : i1
        %add3A_1558 = arith.addi %rem3A_1549, %select_n3A_1548 : i32
        %select_n3A_1559 = arith.select %and3A_1557, %add3A_1558, %rem3A_1549 : i32
        %dma_start3A_1560 = arith.constant 1 : i32
        %dma_start3A_1561 = arith.constant 1 : i32
        %dma_start3A_1562 = arith.constant 0 : i32
        %dma_start3A_1563 = arith.constant 0 : i32
        %dma_start3A_1564 = tpu.memref_slice %arg7[%dma_start3A_1560, %dma_start3A_1562, %dma_start3A_1563] : memref<3x80x128xf32, #tpu.memory_space<vmem>> -> memref<1x80x128xf32, #tpu.memory_space<vmem>>
        %dma_start3A_1565 = tpu.memref_squeeze %dma_start3A_1564 : memref<1x80x128xf32, #tpu.memory_space<vmem>> -> memref<80x128xf32, #tpu.memory_space<vmem>>
        %dma_start3A_1566 = arith.constant 0 : i32
        %dma_start3A_1567 = tpu.memref_slice %arg6[%mul3A_1543, %select_n3A_1559, %dma_start3A_1566] : memref<4x25x80xi32, #tpu.memory_space<vmem>> -> memref<1x1x80xi32, #tpu.memory_space<vmem>>
        %dma_start3A_1568 = tpu.memref_squeeze %dma_start3A_1567 : memref<1x1x80xi32, #tpu.memory_space<vmem>> -> memref<80xi32, #tpu.memory_space<vmem>>
        %dma_start3A_1569 = arith.constant 0 : i32
        %dma_start3A_1570 = arith.constant 0 : i32
        %dma_start3A_1571 = tpu.memref_slice %arg2[%dma_start3A_1569, %dma_start3A_1570] : memref<10000x128xf32, #tpu.memory_space<hbm>> -> memref<10000x128xf32, #tpu.memory_space<hbm>>
        %dma_start3A_1572 = tpu.memref_slice %arg9[%dma_start3A_1561] : memref<3x!tpu.dma_semaphore, #tpu.memory_space<semaphore_mem>> -> memref<1x!tpu.dma_semaphore, #tpu.memory_space<semaphore_mem>>
        %dma_start3A_1573 = tpu.memref_squeeze %dma_start3A_1572 : memref<1x!tpu.dma_semaphore, #tpu.memory_space<semaphore_mem>> -> memref<!tpu.dma_semaphore, #tpu.memory_space<semaphore_mem>>
        tpu.enqueue_indirect_dma source(%dma_start3A_1571 : memref<10000x128xf32, #tpu.memory_space<hbm>>) target(%dma_start3A_1565 : memref<80x128xf32, #tpu.memory_space<vmem>>) offsets(%dma_start3A_1568 : memref<80xi32, #tpu.memory_space<vmem>>) semaphore(%dma_start3A_1573 : memref<!tpu.dma_semaphore, #tpu.memory_space<semaphore_mem>>)
      } else {
      }
      %jit3A_1427 = arith.constant 25 : i32
      %eq3A_1428 = arith.constant 0 : i32
      %eq3A_1429 = arith.cmpi eq, %jit3A_1427, %eq3A_1428 : i32
      %jit3A_1430 = arith.constant 1 : i32
      %select_n3A_1431 = arith.select %eq3A_1429, %jit3A_1430, %jit3A_1427 : i32
      %rem3A_1432 = arith.remsi %add3A_1242, %select_n3A_1431 : i32
      %ne3A_1433 = arith.constant 0 : i32
      %ne3A_1434 = arith.cmpi ne, %rem3A_1432, %ne3A_1433 : i32
      %lt3A_1435 = arith.constant 0 : i32
      %lt3A_1436 = arith.cmpi slt, %rem3A_1432, %lt3A_1435 : i32
      %lt3A_1437 = arith.constant 0 : i32
      %lt3A_1438 = arith.cmpi slt, %select_n3A_1431, %lt3A_1437 : i32
      %ne3A_1439 = arith.xori %lt3A_1436, %lt3A_1438 : i1
      %and3A_1440 = arith.andi %ne3A_1439, %ne3A_1434 : i1
      %add3A_1441 = arith.addi %rem3A_1432, %select_n3A_1431 : i32
      %select_n3A_1442 = arith.select %and3A_1440, %add3A_1441, %rem3A_1432 : i32
      %eq3A_1443 = arith.constant 1 : i32
      %eq3A_1444 = arith.cmpi eq, %select_n3A_1442, %eq3A_1443 : i32
      %jit3A_1445 = arith.constant 25 : i32
      %div3A_1446 = arith.divsi %add3A_1242, %jit3A_1445 : i32
      %sign3A_1447 = arith.constant 0 : i32
      %sign3A_1448 = arith.cmpi sgt, %add3A_1242, %sign3A_1447 : i32
      %sign3A_1449 = arith.extui %sign3A_1448 : i1 to i32
      %sign3A_1450 = arith.constant 0 : i32
      %sign3A_1451 = arith.cmpi slt, %add3A_1242, %sign3A_1450 : i32
      %sign3A_1452 = arith.extui %sign3A_1451 : i1 to i32
      %sign3A_1453 = arith.subi %sign3A_1449, %sign3A_1452 : i32
      %sign3A_1454 = arith.constant 0 : i32
      %sign3A_1455 = arith.cmpi sgt, %jit3A_1445, %sign3A_1454 : i32
      %sign3A_1456 = arith.extui %sign3A_1455 : i1 to i32
      %sign3A_1457 = arith.constant 0 : i32
      %sign3A_1458 = arith.cmpi slt, %jit3A_1445, %sign3A_1457 : i32
      %sign3A_1459 = arith.extui %sign3A_1458 : i1 to i32
      %sign3A_1460 = arith.subi %sign3A_1456, %sign3A_1459 : i32
      %ne3A_1461 = arith.cmpi ne, %sign3A_1453, %sign3A_1460 : i32
      %rem3A_1462 = arith.remsi %add3A_1242, %jit3A_1445 : i32
      %ne3A_1463 = arith.constant 0 : i32
      %ne3A_1464 = arith.cmpi ne, %rem3A_1462, %ne3A_1463 : i32
      %and3A_1465 = arith.andi %ne3A_1461, %ne3A_1464 : i1
      %sub3A_1466 = arith.constant 1 : i32
      %sub3A_1467 = arith.subi %div3A_1446, %sub3A_1466 : i32
      %select_n3A_1468 = arith.select %and3A_1465, %sub3A_1467, %div3A_1446 : i32
      %ge3A_1469 = arith.constant 1 : i32
      %ge3A_1470 = arith.cmpi sge, %select_n3A_1468, %ge3A_1469 : i32
      %jit3A_1471 = arith.constant 25 : i32
      %div3A_1472 = arith.divsi %add3A_1242, %jit3A_1471 : i32
      %sign3A_1473 = arith.constant 0 : i32
      %sign3A_1474 = arith.cmpi sgt, %add3A_1242, %sign3A_1473 : i32
      %sign3A_1475 = arith.extui %sign3A_1474 : i1 to i32
      %sign3A_1476 = arith.constant 0 : i32
      %sign3A_1477 = arith.cmpi slt, %add3A_1242, %sign3A_1476 : i32
      %sign3A_1478 = arith.extui %sign3A_1477 : i1 to i32
      %sign3A_1479 = arith.subi %sign3A_1475, %sign3A_1478 : i32
      %sign3A_1480 = arith.constant 0 : i32
      %sign3A_1481 = arith.cmpi sgt, %jit3A_1471, %sign3A_1480 : i32
      %sign3A_1482 = arith.extui %sign3A_1481 : i1 to i32
      %sign3A_1483 = arith.constant 0 : i32
      %sign3A_1484 = arith.cmpi slt, %jit3A_1471, %sign3A_1483 : i32
      %sign3A_1485 = arith.extui %sign3A_1484 : i1 to i32
      %sign3A_1486 = arith.subi %sign3A_1482, %sign3A_1485 : i32
      %ne3A_1487 = arith.cmpi ne, %sign3A_1479, %sign3A_1486 : i32
      %rem3A_1488 = arith.remsi %add3A_1242, %jit3A_1471 : i32
      %ne3A_1489 = arith.constant 0 : i32
      %ne3A_1490 = arith.cmpi ne, %rem3A_1488, %ne3A_1489 : i32
      %and3A_1491 = arith.andi %ne3A_1487, %ne3A_1490 : i1
      %sub3A_1492 = arith.constant 1 : i32
      %sub3A_1493 = arith.subi %div3A_1472, %sub3A_1492 : i32
      %select_n3A_1494 = arith.select %and3A_1491, %sub3A_1493, %div3A_1472 : i32
      %le3A_1495 = arith.constant 3 : i32
      %le3A_1496 = arith.cmpi sle, %select_n3A_1494, %le3A_1495 : i32
      %and3A_1497 = arith.andi %ge3A_1470, %le3A_1496 : i1
      %and3A_1498 = arith.andi %eq3A_1444, %and3A_1497 : i1
      %convert_element_type3A_1499 = arith.extui %and3A_1498 : i1 to i32
      %cond3A_1500 = arith.constant 0 : i32
      %cond3A_1501 = arith.cmpi ne, %convert_element_type3A_1499, %cond3A_1500 : i32
      scf.if %cond3A_1501 {
        %jit3A_1502 = arith.constant 25 : i32
        %div3A_1503 = arith.divsi %add3A_1242, %jit3A_1502 : i32
        %sign3A_1504 = arith.constant 0 : i32
        %sign3A_1505 = arith.cmpi sgt, %add3A_1242, %sign3A_1504 : i32
        %sign3A_1506 = arith.extui %sign3A_1505 : i1 to i32
        %sign3A_1507 = arith.constant 0 : i32
        %sign3A_1508 = arith.cmpi slt, %add3A_1242, %sign3A_1507 : i32
        %sign3A_1509 = arith.extui %sign3A_1508 : i1 to i32
        %sign3A_1510 = arith.subi %sign3A_1506, %sign3A_1509 : i32
        %sign3A_1511 = arith.constant 0 : i32
        %sign3A_1512 = arith.cmpi sgt, %jit3A_1502, %sign3A_1511 : i32
        %sign3A_1513 = arith.extui %sign3A_1512 : i1 to i32
        %sign3A_1514 = arith.constant 0 : i32
        %sign3A_1515 = arith.cmpi slt, %jit3A_1502, %sign3A_1514 : i32
        %sign3A_1516 = arith.extui %sign3A_1515 : i1 to i32
        %sign3A_1517 = arith.subi %sign3A_1513, %sign3A_1516 : i32
        %ne3A_1518 = arith.cmpi ne, %sign3A_1510, %sign3A_1517 : i32
        %rem3A_1519 = arith.remsi %add3A_1242, %jit3A_1502 : i32
        %ne3A_1520 = arith.constant 0 : i32
        %ne3A_1521 = arith.cmpi ne, %rem3A_1519, %ne3A_1520 : i32
        %and3A_1522 = arith.andi %ne3A_1518, %ne3A_1521 : i1
        %sub3A_1523 = arith.constant 1 : i32
        %sub3A_1524 = arith.subi %div3A_1503, %sub3A_1523 : i32
        %select_n3A_1525 = arith.select %and3A_1522, %sub3A_1524, %div3A_1503 : i32
        %add3A_1526 = arith.constant 1 : i32
        %add3A_1527 = arith.addi %select_n3A_1525, %add3A_1526 : i32
        %mul3A_1528 = arith.constant 5 : i32
        %mul3A_1529 = arith.muli %add3A, %mul3A_1528 : i32
        %add3A_1530 = arith.addi %mul3A_1529, %add3A_1527 : i32
        %mul3A_1531 = arith.constant 2 : i32
        %mul3A_1532 = arith.muli %add3A_1530, %mul3A_1531 : i32
        %jit3A_1533 = arith.constant 2 : i32
        %eq3A_1534 = arith.constant 0 : i32
        %eq3A_1535 = arith.cmpi eq, %jit3A_1533, %eq3A_1534 : i32
        %jit3A_1536 = arith.constant 1 : i32
        %select_n3A_1537 = arith.select %eq3A_1535, %jit3A_1536, %jit3A_1533 : i32
        %rem3A_1538 = arith.remsi %add3A_1527, %select_n3A_1537 : i32
        %ne3A_1539 = arith.constant 0 : i32
        %ne3A_1540 = arith.cmpi ne, %rem3A_1538, %ne3A_1539 : i32
        %lt3A_1541 = arith.constant 0 : i32
        %lt3A_1542 = arith.cmpi slt, %rem3A_1538, %lt3A_1541 : i32
        %lt3A_1543 = arith.constant 0 : i32
        %lt3A_1544 = arith.cmpi slt, %select_n3A_1537, %lt3A_1543 : i32
        %ne3A_1545 = arith.xori %lt3A_1542, %lt3A_1544 : i1
        %and3A_1546 = arith.andi %ne3A_1545, %ne3A_1540 : i1
        %add3A_1547 = arith.addi %rem3A_1538, %select_n3A_1537 : i32
        %select_n3A_1548 = arith.select %and3A_1546, %add3A_1547, %rem3A_1538 : i32
        %mul3A_1549 = arith.constant 2 : i32
        %mul3A_1550 = arith.muli %select_n3A_1548, %mul3A_1549 : i32
        %dma_start3A_1551 = arith.constant 0 : i32
        %dma_start3A_1552 = arith.constant 0 : i32
        %dma_start3A_1553 = tpu.memref_slice %arg6[%mul3A_1550, %dma_start3A_1551, %dma_start3A_1552] : memref<4x25x80xi32, #tpu.memory_space<vmem>> -> memref<1x25x80xi32, #tpu.memory_space<vmem>>
        %dma_start3A_1554 = tpu.memref_squeeze %dma_start3A_1553 : memref<1x25x80xi32, #tpu.memory_space<vmem>> -> memref<25x80xi32, #tpu.memory_space<vmem>>
        %dma_start3A_1555 = arith.constant 0 : i32
        %dma_start3A_1556 = arith.constant 0 : i32
        %dma_start3A_1557 = tpu.memref_slice %arg3[%mul3A_1532, %dma_start3A_1555, %dma_start3A_1556] : memref<320x25x80xi32, #tpu.memory_space<hbm>> -> memref<1x25x80xi32, #tpu.memory_space<hbm>>
        %dma_start3A_1558 = tpu.memref_squeeze %dma_start3A_1557 : memref<1x25x80xi32, #tpu.memory_space<hbm>> -> memref<25x80xi32, #tpu.memory_space<hbm>>
        %dma_start3A_1559 = arith.constant 0 : i32
        %dma_start3A_1560 = arith.constant 0 : i32
        %dma_start3A_1561 = tpu.memref_slice %arg6[%mul3A_1550, %dma_start3A_1559, %dma_start3A_1560] : memref<4x25x80xi32, #tpu.memory_space<vmem>> -> memref<1x25x80xi32, #tpu.memory_space<vmem>>
        %dma_start3A_1562 = tpu.memref_squeeze %dma_start3A_1561 : memref<1x25x80xi32, #tpu.memory_space<vmem>> -> memref<25x80xi32, #tpu.memory_space<vmem>>
        %dma_start3A_1563 = arith.constant 0 : i32
        %dma_start3A_1564 = arith.constant 0 : i32
        %dma_start3A_1565 = tpu.memref_slice %arg3[%mul3A_1532, %dma_start3A_1563, %dma_start3A_1564] : memref<320x25x80xi32, #tpu.memory_space<hbm>> -> memref<1x25x80xi32, #tpu.memory_space<hbm>>
        %dma_start3A_1566 = tpu.memref_squeeze %dma_start3A_1565 : memref<1x25x80xi32, #tpu.memory_space<hbm>> -> memref<25x80xi32, #tpu.memory_space<hbm>>
        tpu.enqueue_dma source(%dma_start3A_1566 : memref<25x80xi32, #tpu.memory_space<hbm>>) target(%dma_start3A_1562 : memref<25x80xi32, #tpu.memory_space<vmem>>) target_semaphore(%arg11 : memref<!tpu.dma_semaphore, #tpu.memory_space<semaphore_mem>>)
        %add3A_1567 = arith.constant 1 : i32
        %add3A_1568 = arith.addi %mul3A_1532, %add3A_1567 : i32
        %add3A_1569 = arith.constant 1 : i32
        %add3A_1570 = arith.addi %mul3A_1550, %add3A_1569 : i32
        %dma_start3A_1571 = arith.constant 0 : i32
        %dma_start3A_1572 = arith.constant 0 : i32
        %dma_start3A_1573 = tpu.memref_slice %arg6[%add3A_1570, %dma_start3A_1571, %dma_start3A_1572] : memref<4x25x80xi32, #tpu.memory_space<vmem>> -> memref<1x25x80xi32, #tpu.memory_space<vmem>>
        %dma_start3A_1574 = tpu.memref_squeeze %dma_start3A_1573 : memref<1x25x80xi32, #tpu.memory_space<vmem>> -> memref<25x80xi32, #tpu.memory_space<vmem>>
        %dma_start3A_1575 = arith.constant 0 : i32
        %dma_start3A_1576 = arith.constant 0 : i32
        %dma_start3A_1577 = tpu.memref_slice %arg3[%add3A_1568, %dma_start3A_1575, %dma_start3A_1576] : memref<320x25x80xi32, #tpu.memory_space<hbm>> -> memref<1x25x80xi32, #tpu.memory_space<hbm>>
        %dma_start3A_1578 = tpu.memref_squeeze %dma_start3A_1577 : memref<1x25x80xi32, #tpu.memory_space<hbm>> -> memref<25x80xi32, #tpu.memory_space<hbm>>
        %dma_start3A_1579 = arith.constant 0 : i32
        %dma_start3A_1580 = arith.constant 0 : i32
        %dma_start3A_1581 = tpu.memref_slice %arg6[%add3A_1570, %dma_start3A_1579, %dma_start3A_1580] : memref<4x25x80xi32, #tpu.memory_space<vmem>> -> memref<1x25x80xi32, #tpu.memory_space<vmem>>
        %dma_start3A_1582 = tpu.memref_squeeze %dma_start3A_1581 : memref<1x25x80xi32, #tpu.memory_space<vmem>> -> memref<25x80xi32, #tpu.memory_space<vmem>>
        %dma_start3A_1583 = arith.constant 0 : i32
        %dma_start3A_1584 = arith.constant 0 : i32
        %dma_start3A_1585 = tpu.memref_slice %arg3[%add3A_1568, %dma_start3A_1583, %dma_start3A_1584] : memref<320x25x80xi32, #tpu.memory_space<hbm>> -> memref<1x25x80xi32, #tpu.memory_space<hbm>>
        %dma_start3A_1586 = tpu.memref_squeeze %dma_start3A_1585 : memref<1x25x80xi32, #tpu.memory_space<hbm>> -> memref<25x80xi32, #tpu.memory_space<hbm>>
        tpu.enqueue_dma source(%dma_start3A_1586 : memref<25x80xi32, #tpu.memory_space<hbm>>) target(%dma_start3A_1582 : memref<25x80xi32, #tpu.memory_space<vmem>>) target_semaphore(%arg11 : memref<!tpu.dma_semaphore, #tpu.memory_space<semaphore_mem>>)
      } else {
      }
    }
    %scan3A_101 = arith.constant 41 : i32
    %jit3A = arith.constant 123 : i32
    %jit3A_102 = arith.constant 25 : i32
    %div3A = arith.divsi %jit3A, %jit3A_102 : i32
    %sign3A = arith.constant 0 : i32
    %sign3A_103 = arith.cmpi sgt, %jit3A, %sign3A : i32
    %sign3A_104 = arith.extui %sign3A_103 : i1 to i32
    %sign3A_105 = arith.constant 0 : i32
    %sign3A_106 = arith.cmpi slt, %jit3A, %sign3A_105 : i32
    %sign3A_107 = arith.extui %sign3A_106 : i1 to i32
    %sign3A_108 = arith.subi %sign3A_104, %sign3A_107 : i32
    %sign3A_109 = arith.constant 0 : i32
    %sign3A_110 = arith.cmpi sgt, %jit3A_102, %sign3A_109 : i32
    %sign3A_111 = arith.extui %sign3A_110 : i1 to i32
    %sign3A_112 = arith.constant 0 : i32
    %sign3A_113 = arith.cmpi slt, %jit3A_102, %sign3A_112 : i32
    %sign3A_114 = arith.extui %sign3A_113 : i1 to i32
    %sign3A_115 = arith.subi %sign3A_111, %sign3A_114 : i32
    %ne3A = arith.cmpi ne, %sign3A_108, %sign3A_115 : i32
    %rem3A = arith.remsi %jit3A, %jit3A_102 : i32
    %ne3A_116 = arith.constant 0 : i32
    %ne3A_117 = arith.cmpi ne, %rem3A, %ne3A_116 : i32
    %and3A = arith.andi %ne3A, %ne3A_117 : i1
    %sub3A = arith.constant 1 : i32
    %sub3A_118 = arith.subi %div3A, %sub3A : i32
    %select_n3A = arith.select %and3A, %sub3A_118, %div3A : i32
    %jit3A_119 = arith.constant 2 : i32
    %eq3A_120 = arith.constant 0 : i32
    %eq3A_121 = arith.cmpi eq, %jit3A_119, %eq3A_120 : i32
    %jit3A_122 = arith.constant 1 : i32
    %select_n3A_123 = arith.select %eq3A_121, %jit3A_122, %jit3A_119 : i32
    %rem3A_124 = arith.remsi %select_n3A, %select_n3A_123 : i32
    %ne3A_125 = arith.constant 0 : i32
    %ne3A_126 = arith.cmpi ne, %rem3A_124, %ne3A_125 : i32
    %lt3A = arith.constant 0 : i32
    %lt3A_127 = arith.cmpi slt, %rem3A_124, %lt3A : i32
    %lt3A_128 = arith.constant 0 : i32
    %lt3A_129 = arith.cmpi slt, %select_n3A_123, %lt3A_128 : i32
    %ne3A_130 = arith.xori %lt3A_127, %lt3A_129 : i1
    %and3A_131 = arith.andi %ne3A_130, %ne3A_126 : i1
    %add3A_132 = arith.addi %rem3A_124, %select_n3A_123 : i32
    %select_n3A_133 = arith.select %and3A_131, %add3A_132, %rem3A_124 : i32
    %mul3A_134 = arith.constant 2 : i32
    %mul3A_135 = arith.muli %select_n3A_133, %mul3A_134 : i32
    %jit3A_136 = arith.constant 123 : i32
    %jit3A_137 = arith.constant 25 : i32
    %eq3A_138 = arith.constant 0 : i32
    %eq3A_139 = arith.cmpi eq, %jit3A_137, %eq3A_138 : i32
    %jit3A_140 = arith.constant 1 : i32
    %select_n3A_141 = arith.select %eq3A_139, %jit3A_140, %jit3A_137 : i32
    %rem3A_142 = arith.remsi %jit3A_136, %select_n3A_141 : i32
    %ne3A_143 = arith.constant 0 : i32
    %ne3A_144 = arith.cmpi ne, %rem3A_142, %ne3A_143 : i32
    %lt3A_145 = arith.constant 0 : i32
    %lt3A_146 = arith.cmpi slt, %rem3A_142, %lt3A_145 : i32
    %lt3A_147 = arith.constant 0 : i32
    %lt3A_148 = arith.cmpi slt, %select_n3A_141, %lt3A_147 : i32
    %ne3A_149 = arith.xori %lt3A_146, %lt3A_148 : i1
    %and3A_150 = arith.andi %ne3A_149, %ne3A_144 : i1
    %add3A_151 = arith.addi %rem3A_142, %select_n3A_141 : i32
    %select_n3A_152 = arith.select %and3A_150, %add3A_151, %rem3A_142 : i32
    %dma_wait3A = arith.constant 0 : i32
    %dma_wait3A_153 = arith.constant 0 : i32
    %dma_wait3A_154 = arith.constant 0 : i32
    %dma_wait3A_155 = arith.constant 0 : i32
    %dma_wait3A_156 = tpu.memref_slice %arg7[%dma_wait3A, %dma_wait3A_154, %dma_wait3A_155] : memref<3x80x128xf32, #tpu.memory_space<vmem>> -> memref<1x80x128xf32, #tpu.memory_space<vmem>>
    %dma_wait3A_157 = tpu.memref_squeeze %dma_wait3A_156 : memref<1x80x128xf32, #tpu.memory_space<vmem>> -> memref<80x128xf32, #tpu.memory_space<vmem>>
    %dma_wait3A_158 = arith.constant 0 : i32
    %dma_wait3A_159 = tpu.memref_slice %arg6[%mul3A_135, %select_n3A_152, %dma_wait3A_158] : memref<4x25x80xi32, #tpu.memory_space<vmem>> -> memref<1x1x80xi32, #tpu.memory_space<vmem>>
    %dma_wait3A_160 = tpu.memref_squeeze %dma_wait3A_159 : memref<1x1x80xi32, #tpu.memory_space<vmem>> -> memref<80xi32, #tpu.memory_space<vmem>>
    %dma_wait3A_161 = arith.constant 0 : i32
    %dma_wait3A_162 = arith.constant 0 : i32
    %dma_wait3A_163 = tpu.memref_slice %arg2[%dma_wait3A_161, %dma_wait3A_162] : memref<10000x128xf32, #tpu.memory_space<hbm>> -> memref<10000x128xf32, #tpu.memory_space<hbm>>
    %dma_wait3A_164 = tpu.memref_slice %arg9[%dma_wait3A_153] : memref<3x!tpu.dma_semaphore, #tpu.memory_space<semaphore_mem>> -> memref<1x!tpu.dma_semaphore, #tpu.memory_space<semaphore_mem>>
    %dma_wait3A_165 = tpu.memref_squeeze %dma_wait3A_164 : memref<1x!tpu.dma_semaphore, #tpu.memory_space<semaphore_mem>> -> memref<!tpu.dma_semaphore, #tpu.memory_space<semaphore_mem>>
    tpu.wait_indirect_dma semaphore(%dma_wait3A_165 : memref<!tpu.dma_semaphore, #tpu.memory_space<semaphore_mem>>) src(%dma_wait3A_163 : memref<10000x128xf32, #tpu.memory_space<hbm>>) dst(%dma_wait3A_157 : memref<80x128xf32, #tpu.memory_space<vmem>>)
    %jit3A_166 = arith.constant 123 : i32
    %jit3A_167 = arith.constant 25 : i32
    %div3A_168 = arith.divsi %jit3A_166, %jit3A_167 : i32
    %sign3A_169 = arith.constant 0 : i32
    %sign3A_170 = arith.cmpi sgt, %jit3A_166, %sign3A_169 : i32
    %sign3A_171 = arith.extui %sign3A_170 : i1 to i32
    %sign3A_172 = arith.constant 0 : i32
    %sign3A_173 = arith.cmpi slt, %jit3A_166, %sign3A_172 : i32
    %sign3A_174 = arith.extui %sign3A_173 : i1 to i32
    %sign3A_175 = arith.subi %sign3A_171, %sign3A_174 : i32
    %sign3A_176 = arith.constant 0 : i32
    %sign3A_177 = arith.cmpi sgt, %jit3A_167, %sign3A_176 : i32
    %sign3A_178 = arith.extui %sign3A_177 : i1 to i32
    %sign3A_179 = arith.constant 0 : i32
    %sign3A_180 = arith.cmpi slt, %jit3A_167, %sign3A_179 : i32
    %sign3A_181 = arith.extui %sign3A_180 : i1 to i32
    %sign3A_182 = arith.subi %sign3A_178, %sign3A_181 : i32
    %ne3A_183 = arith.cmpi ne, %sign3A_175, %sign3A_182 : i32
    %rem3A_184 = arith.remsi %jit3A_166, %jit3A_167 : i32
    %ne3A_185 = arith.constant 0 : i32
    %ne3A_186 = arith.cmpi ne, %rem3A_184, %ne3A_185 : i32
    %and3A_187 = arith.andi %ne3A_183, %ne3A_186 : i1
    %sub3A_188 = arith.constant 1 : i32
    %sub3A_189 = arith.subi %div3A_168, %sub3A_188 : i32
    %select_n3A_190 = arith.select %and3A_187, %sub3A_189, %div3A_168 : i32
    %jit3A_191 = arith.constant 2 : i32
    %eq3A_192 = arith.constant 0 : i32
    %eq3A_193 = arith.cmpi eq, %jit3A_191, %eq3A_192 : i32
    %jit3A_194 = arith.constant 1 : i32
    %select_n3A_195 = arith.select %eq3A_193, %jit3A_194, %jit3A_191 : i32
    %rem3A_196 = arith.remsi %select_n3A_190, %select_n3A_195 : i32
    %ne3A_197 = arith.constant 0 : i32
    %ne3A_198 = arith.cmpi ne, %rem3A_196, %ne3A_197 : i32
    %lt3A_199 = arith.constant 0 : i32
    %lt3A_200 = arith.cmpi slt, %rem3A_196, %lt3A_199 : i32
    %lt3A_201 = arith.constant 0 : i32
    %lt3A_202 = arith.cmpi slt, %select_n3A_195, %lt3A_201 : i32
    %ne3A_203 = arith.xori %lt3A_200, %lt3A_202 : i1
    %and3A_204 = arith.andi %ne3A_203, %ne3A_198 : i1
    %add3A_205 = arith.addi %rem3A_196, %select_n3A_195 : i32
    %select_n3A_206 = arith.select %and3A_204, %add3A_205, %rem3A_196 : i32
    %mul3A_207 = arith.constant 2 : i32
    %mul3A_208 = arith.muli %select_n3A_206, %mul3A_207 : i32
    %add3A_209 = arith.constant 1 : i32
    %add3A_210 = arith.addi %mul3A_208, %add3A_209 : i32
    %jit3A_211 = arith.constant 123 : i32
    %jit3A_212 = arith.constant 25 : i32
    %eq3A_213 = arith.constant 0 : i32
    %eq3A_214 = arith.cmpi eq, %jit3A_212, %eq3A_213 : i32
    %jit3A_215 = arith.constant 1 : i32
    %select_n3A_216 = arith.select %eq3A_214, %jit3A_215, %jit3A_212 : i32
    %rem3A_217 = arith.remsi %jit3A_211, %select_n3A_216 : i32
    %ne3A_218 = arith.constant 0 : i32
    %ne3A_219 = arith.cmpi ne, %rem3A_217, %ne3A_218 : i32
    %lt3A_220 = arith.constant 0 : i32
    %lt3A_221 = arith.cmpi slt, %rem3A_217, %lt3A_220 : i32
    %lt3A_222 = arith.constant 0 : i32
    %lt3A_223 = arith.cmpi slt, %select_n3A_216, %lt3A_222 : i32
    %ne3A_224 = arith.xori %lt3A_221, %lt3A_223 : i1
    %and3A_225 = arith.andi %ne3A_224, %ne3A_219 : i1
    %add3A_226 = arith.addi %rem3A_217, %select_n3A_216 : i32
    %select_n3A_227 = arith.select %and3A_225, %add3A_226, %rem3A_217 : i32
    %dma_start3A_228 = arith.constant 0 : i32
    %dma_start3A_229 = arith.constant 0 : i32
    %dma_start3A_230 = arith.constant 0 : i32
    %dma_start3A_231 = arith.constant 0 : i32
    %dma_start3A_232 = tpu.memref_slice %arg7[%dma_start3A_228, %dma_start3A_230, %dma_start3A_231] : memref<3x80x128xf32, #tpu.memory_space<vmem>> -> memref<1x80x128xf32, #tpu.memory_space<vmem>>
    %dma_start3A_233 = tpu.memref_squeeze %dma_start3A_232 : memref<1x80x128xf32, #tpu.memory_space<vmem>> -> memref<80x128xf32, #tpu.memory_space<vmem>>
    %dma_start3A_234 = arith.constant 0 : i32
    %dma_start3A_235 = tpu.memref_slice %arg6[%add3A_210, %select_n3A_227, %dma_start3A_234] : memref<4x25x80xi32, #tpu.memory_space<vmem>> -> memref<1x1x80xi32, #tpu.memory_space<vmem>>
    %dma_start3A_236 = tpu.memref_squeeze %dma_start3A_235 : memref<1x1x80xi32, #tpu.memory_space<vmem>> -> memref<80xi32, #tpu.memory_space<vmem>>
    %dma_start3A_237 = arith.constant 0 : i32
    %dma_start3A_238 = arith.constant 0 : i32
    %dma_start3A_239 = tpu.memref_slice %arg8[%dma_start3A_237, %dma_start3A_238] : memref<10000x128xf32, #tpu.memory_space<vmem_shared>> -> memref<10000x128xf32, #tpu.memory_space<vmem_shared>>
    %dma_start3A_240 = tpu.memref_slice %arg10[%dma_start3A_229] : memref<3x!tpu.dma_semaphore, #tpu.memory_space<semaphore_mem>> -> memref<1x!tpu.dma_semaphore, #tpu.memory_space<semaphore_mem>>
    %dma_start3A_241 = tpu.memref_squeeze %dma_start3A_240 : memref<1x!tpu.dma_semaphore, #tpu.memory_space<semaphore_mem>> -> memref<!tpu.dma_semaphore, #tpu.memory_space<semaphore_mem>>
    tpu.enqueue_indirect_dma source(%dma_start3A_233 : memref<80x128xf32, #tpu.memory_space<vmem>>) target(%dma_start3A_239 : memref<10000x128xf32, #tpu.memory_space<vmem_shared>>) offsets(%dma_start3A_236 : memref<80xi32, #tpu.memory_space<vmem>>) semaphore(%dma_start3A_241 : memref<!tpu.dma_semaphore, #tpu.memory_space<semaphore_mem>>) {add = true}
    %ge3A = arith.constant 123 : i32
    %ge3A_242 = arith.constant 1 : i32
    %ge3A_243 = arith.cmpi sge, %ge3A, %ge3A_242 : i32
    %convert_element_type3A_244 = arith.extui %ge3A_243 : i1 to i32
    %cond3A_245 = arith.constant 123 : i32
    %cond3A_246 = arith.constant 0 : i32
    %cond3A_247 = arith.cmpi ne, %convert_element_type3A_244, %cond3A_246 : i32
    scf.if %cond3A_247 {
      %sub3A_712 = arith.constant 1 : i32
      %sub3A_713 = arith.subi %cond3A_245, %sub3A_712 : i32
      %jit3A_714 = arith.constant 25 : i32
      %div3A_715 = arith.divsi %sub3A_713, %jit3A_714 : i32
      %sign3A_716 = arith.constant 0 : i32
      %sign3A_717 = arith.cmpi sgt, %sub3A_713, %sign3A_716 : i32
      %sign3A_718 = arith.extui %sign3A_717 : i1 to i32
      %sign3A_719 = arith.constant 0 : i32
      %sign3A_720 = arith.cmpi slt, %sub3A_713, %sign3A_719 : i32
      %sign3A_721 = arith.extui %sign3A_720 : i1 to i32
      %sign3A_722 = arith.subi %sign3A_718, %sign3A_721 : i32
      %sign3A_723 = arith.constant 0 : i32
      %sign3A_724 = arith.cmpi sgt, %jit3A_714, %sign3A_723 : i32
      %sign3A_725 = arith.extui %sign3A_724 : i1 to i32
      %sign3A_726 = arith.constant 0 : i32
      %sign3A_727 = arith.cmpi slt, %jit3A_714, %sign3A_726 : i32
      %sign3A_728 = arith.extui %sign3A_727 : i1 to i32
      %sign3A_729 = arith.subi %sign3A_725, %sign3A_728 : i32
      %ne3A_730 = arith.cmpi ne, %sign3A_722, %sign3A_729 : i32
      %rem3A_731 = arith.remsi %sub3A_713, %jit3A_714 : i32
      %ne3A_732 = arith.constant 0 : i32
      %ne3A_733 = arith.cmpi ne, %rem3A_731, %ne3A_732 : i32
      %and3A_734 = arith.andi %ne3A_730, %ne3A_733 : i1
      %sub3A_735 = arith.constant 1 : i32
      %sub3A_736 = arith.subi %div3A_715, %sub3A_735 : i32
      %select_n3A_737 = arith.select %and3A_734, %sub3A_736, %div3A_715 : i32
      %jit3A_738 = arith.constant 2 : i32
      %eq3A_739 = arith.constant 0 : i32
      %eq3A_740 = arith.cmpi eq, %jit3A_738, %eq3A_739 : i32
      %jit3A_741 = arith.constant 1 : i32
      %select_n3A_742 = arith.select %eq3A_740, %jit3A_741, %jit3A_738 : i32
      %rem3A_743 = arith.remsi %select_n3A_737, %select_n3A_742 : i32
      %ne3A_744 = arith.constant 0 : i32
      %ne3A_745 = arith.cmpi ne, %rem3A_743, %ne3A_744 : i32
      %lt3A_746 = arith.constant 0 : i32
      %lt3A_747 = arith.cmpi slt, %rem3A_743, %lt3A_746 : i32
      %lt3A_748 = arith.constant 0 : i32
      %lt3A_749 = arith.cmpi slt, %select_n3A_742, %lt3A_748 : i32
      %ne3A_750 = arith.xori %lt3A_747, %lt3A_749 : i1
      %and3A_751 = arith.andi %ne3A_750, %ne3A_745 : i1
      %add3A_752 = arith.addi %rem3A_743, %select_n3A_742 : i32
      %select_n3A_753 = arith.select %and3A_751, %add3A_752, %rem3A_743 : i32
      %mul3A_754 = arith.constant 2 : i32
      %mul3A_755 = arith.muli %select_n3A_753, %mul3A_754 : i32
      %add3A_756 = arith.constant 1 : i32
      %add3A_757 = arith.addi %mul3A_755, %add3A_756 : i32
      %jit3A_758 = arith.constant 25 : i32
      %eq3A_759 = arith.constant 0 : i32
      %eq3A_760 = arith.cmpi eq, %jit3A_758, %eq3A_759 : i32
      %jit3A_761 = arith.constant 1 : i32
      %select_n3A_762 = arith.select %eq3A_760, %jit3A_761, %jit3A_758 : i32
      %rem3A_763 = arith.remsi %sub3A_713, %select_n3A_762 : i32
      %ne3A_764 = arith.constant 0 : i32
      %ne3A_765 = arith.cmpi ne, %rem3A_763, %ne3A_764 : i32
      %lt3A_766 = arith.constant 0 : i32
      %lt3A_767 = arith.cmpi slt, %rem3A_763, %lt3A_766 : i32
      %lt3A_768 = arith.constant 0 : i32
      %lt3A_769 = arith.cmpi slt, %select_n3A_762, %lt3A_768 : i32
      %ne3A_770 = arith.xori %lt3A_767, %lt3A_769 : i1
      %and3A_771 = arith.andi %ne3A_770, %ne3A_765 : i1
      %add3A_772 = arith.addi %rem3A_763, %select_n3A_762 : i32
      %select_n3A_773 = arith.select %and3A_771, %add3A_772, %rem3A_763 : i32
      %dma_wait3A_774 = arith.constant 2 : i32
      %dma_wait3A_775 = arith.constant 2 : i32
      %dma_wait3A_776 = arith.constant 0 : i32
      %dma_wait3A_777 = arith.constant 0 : i32
      %dma_wait3A_778 = tpu.memref_slice %arg7[%dma_wait3A_774, %dma_wait3A_776, %dma_wait3A_777] : memref<3x80x128xf32, #tpu.memory_space<vmem>> -> memref<1x80x128xf32, #tpu.memory_space<vmem>>
      %dma_wait3A_779 = tpu.memref_squeeze %dma_wait3A_778 : memref<1x80x128xf32, #tpu.memory_space<vmem>> -> memref<80x128xf32, #tpu.memory_space<vmem>>
      %dma_wait3A_780 = arith.constant 0 : i32
      %dma_wait3A_781 = tpu.memref_slice %arg6[%add3A_757, %select_n3A_773, %dma_wait3A_780] : memref<4x25x80xi32, #tpu.memory_space<vmem>> -> memref<1x1x80xi32, #tpu.memory_space<vmem>>
      %dma_wait3A_782 = tpu.memref_squeeze %dma_wait3A_781 : memref<1x1x80xi32, #tpu.memory_space<vmem>> -> memref<80xi32, #tpu.memory_space<vmem>>
      %dma_wait3A_783 = arith.constant 0 : i32
      %dma_wait3A_784 = arith.constant 0 : i32
      %dma_wait3A_785 = tpu.memref_slice %arg8[%dma_wait3A_783, %dma_wait3A_784] : memref<10000x128xf32, #tpu.memory_space<vmem_shared>> -> memref<10000x128xf32, #tpu.memory_space<vmem_shared>>
      %dma_wait3A_786 = tpu.memref_slice %arg10[%dma_wait3A_775] : memref<3x!tpu.dma_semaphore, #tpu.memory_space<semaphore_mem>> -> memref<1x!tpu.dma_semaphore, #tpu.memory_space<semaphore_mem>>
      %dma_wait3A_787 = tpu.memref_squeeze %dma_wait3A_786 : memref<1x!tpu.dma_semaphore, #tpu.memory_space<semaphore_mem>> -> memref<!tpu.dma_semaphore, #tpu.memory_space<semaphore_mem>>
      tpu.wait_indirect_dma semaphore(%dma_wait3A_787 : memref<!tpu.dma_semaphore, #tpu.memory_space<semaphore_mem>>) src(%dma_wait3A_779 : memref<80x128xf32, #tpu.memory_space<vmem>>) dst(%dma_wait3A_785 : memref<10000x128xf32, #tpu.memory_space<vmem_shared>>)
    } else {
    }
    %add3A_248 = arith.constant 123 : i32
    %add3A_249 = arith.constant 3 : i32
    %add3A_250 = arith.addi %add3A_248, %add3A_249 : i32
    %sub3A_251 = arith.constant 1 : i32
    %sub3A_252 = arith.subi %add3A_250, %sub3A_251 : i32
    %jit3A_253 = arith.constant 25 : i32
    %eq3A_254 = arith.constant 0 : i32
    %eq3A_255 = arith.cmpi eq, %jit3A_253, %eq3A_254 : i32
    %jit3A_256 = arith.constant 1 : i32
    %select_n3A_257 = arith.select %eq3A_255, %jit3A_256, %jit3A_253 : i32
    %rem3A_258 = arith.remsi %sub3A_252, %select_n3A_257 : i32
    %ne3A_259 = arith.constant 0 : i32
    %ne3A_260 = arith.cmpi ne, %rem3A_258, %ne3A_259 : i32
    %lt3A_261 = arith.constant 0 : i32
    %lt3A_262 = arith.cmpi slt, %rem3A_258, %lt3A_261 : i32
    %lt3A_263 = arith.constant 0 : i32
    %lt3A_264 = arith.cmpi slt, %select_n3A_257, %lt3A_263 : i32
    %ne3A_265 = arith.xori %lt3A_262, %lt3A_264 : i1
    %and3A_266 = arith.andi %ne3A_265, %ne3A_260 : i1
    %add3A_267 = arith.addi %rem3A_258, %select_n3A_257 : i32
    %select_n3A_268 = arith.select %and3A_266, %add3A_267, %rem3A_258 : i32
    %eq3A_269 = arith.constant 0 : i32
    %eq3A_270 = arith.cmpi eq, %select_n3A_268, %eq3A_269 : i32
    %lt3A_271 = arith.constant 125 : i32
    %lt3A_272 = arith.cmpi slt, %sub3A_252, %lt3A_271 : i32
    %and3A_273 = arith.andi %eq3A_270, %lt3A_272 : i1
    %convert_element_type3A_274 = arith.extui %and3A_273 : i1 to i32
    %cond3A_275 = arith.constant 0 : i32
    %cond3A_276 = arith.cmpi ne, %convert_element_type3A_274, %cond3A_275 : i32
    scf.if %cond3A_276 {
      %jit3A_712 = arith.constant 25 : i32
      %div3A_713 = arith.divsi %sub3A_252, %jit3A_712 : i32
      %sign3A_714 = arith.constant 0 : i32
      %sign3A_715 = arith.cmpi sgt, %sub3A_252, %sign3A_714 : i32
      %sign3A_716 = arith.extui %sign3A_715 : i1 to i32
      %sign3A_717 = arith.constant 0 : i32
      %sign3A_718 = arith.cmpi slt, %sub3A_252, %sign3A_717 : i32
      %sign3A_719 = arith.extui %sign3A_718 : i1 to i32
      %sign3A_720 = arith.subi %sign3A_716, %sign3A_719 : i32
      %sign3A_721 = arith.constant 0 : i32
      %sign3A_722 = arith.cmpi sgt, %jit3A_712, %sign3A_721 : i32
      %sign3A_723 = arith.extui %sign3A_722 : i1 to i32
      %sign3A_724 = arith.constant 0 : i32
      %sign3A_725 = arith.cmpi slt, %jit3A_712, %sign3A_724 : i32
      %sign3A_726 = arith.extui %sign3A_725 : i1 to i32
      %sign3A_727 = arith.subi %sign3A_723, %sign3A_726 : i32
      %ne3A_728 = arith.cmpi ne, %sign3A_720, %sign3A_727 : i32
      %rem3A_729 = arith.remsi %sub3A_252, %jit3A_712 : i32
      %ne3A_730 = arith.constant 0 : i32
      %ne3A_731 = arith.cmpi ne, %rem3A_729, %ne3A_730 : i32
      %and3A_732 = arith.andi %ne3A_728, %ne3A_731 : i1
      %sub3A_733 = arith.constant 1 : i32
      %sub3A_734 = arith.subi %div3A_713, %sub3A_733 : i32
      %select_n3A_735 = arith.select %and3A_732, %sub3A_734, %div3A_713 : i32
      %mul3A_736 = arith.constant 5 : i32
      %mul3A_737 = arith.muli %add3A, %mul3A_736 : i32
      %add3A_738 = arith.addi %mul3A_737, %select_n3A_735 : i32
      %mul3A_739 = arith.constant 2 : i32
      %mul3A_740 = arith.muli %add3A_738, %mul3A_739 : i32
      %jit3A_741 = arith.constant 2 : i32
      %eq3A_742 = arith.constant 0 : i32
      %eq3A_743 = arith.cmpi eq, %jit3A_741, %eq3A_742 : i32
      %jit3A_744 = arith.constant 1 : i32
      %select_n3A_745 = arith.select %eq3A_743, %jit3A_744, %jit3A_741 : i32
      %rem3A_746 = arith.remsi %select_n3A_735, %select_n3A_745 : i32
      %ne3A_747 = arith.constant 0 : i32
      %ne3A_748 = arith.cmpi ne, %rem3A_746, %ne3A_747 : i32
      %lt3A_749 = arith.constant 0 : i32
      %lt3A_750 = arith.cmpi slt, %rem3A_746, %lt3A_749 : i32
      %lt3A_751 = arith.constant 0 : i32
      %lt3A_752 = arith.cmpi slt, %select_n3A_745, %lt3A_751 : i32
      %ne3A_753 = arith.xori %lt3A_750, %lt3A_752 : i1
      %and3A_754 = arith.andi %ne3A_753, %ne3A_748 : i1
      %add3A_755 = arith.addi %rem3A_746, %select_n3A_745 : i32
      %select_n3A_756 = arith.select %and3A_754, %add3A_755, %rem3A_746 : i32
      %mul3A_757 = arith.constant 2 : i32
      %mul3A_758 = arith.muli %select_n3A_756, %mul3A_757 : i32
      %dma_wait3A_759 = arith.constant 0 : i32
      %dma_wait3A_760 = arith.constant 0 : i32
      %dma_wait3A_761 = tpu.memref_slice %arg6[%mul3A_758, %dma_wait3A_759, %dma_wait3A_760] : memref<4x25x80xi32, #tpu.memory_space<vmem>> -> memref<1x25x80xi32, #tpu.memory_space<vmem>>
      %dma_wait3A_762 = tpu.memref_squeeze %dma_wait3A_761 : memref<1x25x80xi32, #tpu.memory_space<vmem>> -> memref<25x80xi32, #tpu.memory_space<vmem>>
      %dma_wait3A_763 = arith.constant 0 : i32
      %dma_wait3A_764 = arith.constant 0 : i32
      %dma_wait3A_765 = tpu.memref_slice %arg3[%mul3A_740, %dma_wait3A_763, %dma_wait3A_764] : memref<320x25x80xi32, #tpu.memory_space<hbm>> -> memref<1x25x80xi32, #tpu.memory_space<hbm>>
      %dma_wait3A_766 = tpu.memref_squeeze %dma_wait3A_765 : memref<1x25x80xi32, #tpu.memory_space<hbm>> -> memref<25x80xi32, #tpu.memory_space<hbm>>
      %dma_wait3A_767 = arith.constant 0 : i32
      %dma_wait3A_768 = arith.constant 0 : i32
      %dma_wait3A_769 = tpu.memref_slice %arg6[%mul3A_758, %dma_wait3A_767, %dma_wait3A_768] : memref<4x25x80xi32, #tpu.memory_space<vmem>> -> memref<1x25x80xi32, #tpu.memory_space<vmem>>
      %dma_wait3A_770 = tpu.memref_squeeze %dma_wait3A_769 : memref<1x25x80xi32, #tpu.memory_space<vmem>> -> memref<25x80xi32, #tpu.memory_space<vmem>>
      %dma_wait3A_771 = arith.constant 0 : i32
      %dma_wait3A_772 = arith.constant 0 : i32
      %dma_wait3A_773 = tpu.memref_slice %arg3[%mul3A_740, %dma_wait3A_771, %dma_wait3A_772] : memref<320x25x80xi32, #tpu.memory_space<hbm>> -> memref<1x25x80xi32, #tpu.memory_space<hbm>>
      %dma_wait3A_774 = tpu.memref_squeeze %dma_wait3A_773 : memref<1x25x80xi32, #tpu.memory_space<hbm>> -> memref<25x80xi32, #tpu.memory_space<hbm>>
      tpu.wait_dma2 semaphore(%arg11 : memref<!tpu.dma_semaphore, #tpu.memory_space<semaphore_mem>>) src(%dma_wait3A_774 : memref<25x80xi32, #tpu.memory_space<hbm>>) dst(%dma_wait3A_770 : memref<25x80xi32, #tpu.memory_space<vmem>>)
      %add3A_775 = arith.constant 1 : i32
      %add3A_776 = arith.addi %mul3A_740, %add3A_775 : i32
      %add3A_777 = arith.constant 1 : i32
      %add3A_778 = arith.addi %mul3A_758, %add3A_777 : i32
      %dma_wait3A_779 = arith.constant 0 : i32
      %dma_wait3A_780 = arith.constant 0 : i32
      %dma_wait3A_781 = tpu.memref_slice %arg6[%add3A_778, %dma_wait3A_779, %dma_wait3A_780] : memref<4x25x80xi32, #tpu.memory_space<vmem>> -> memref<1x25x80xi32, #tpu.memory_space<vmem>>
      %dma_wait3A_782 = tpu.memref_squeeze %dma_wait3A_781 : memref<1x25x80xi32, #tpu.memory_space<vmem>> -> memref<25x80xi32, #tpu.memory_space<vmem>>
      %dma_wait3A_783 = arith.constant 0 : i32
      %dma_wait3A_784 = arith.constant 0 : i32
      %dma_wait3A_785 = tpu.memref_slice %arg3[%add3A_776, %dma_wait3A_783, %dma_wait3A_784] : memref<320x25x80xi32, #tpu.memory_space<hbm>> -> memref<1x25x80xi32, #tpu.memory_space<hbm>>
      %dma_wait3A_786 = tpu.memref_squeeze %dma_wait3A_785 : memref<1x25x80xi32, #tpu.memory_space<hbm>> -> memref<25x80xi32, #tpu.memory_space<hbm>>
      %dma_wait3A_787 = arith.constant 0 : i32
      %dma_wait3A_788 = arith.constant 0 : i32
      %dma_wait3A_789 = tpu.memref_slice %arg6[%add3A_778, %dma_wait3A_787, %dma_wait3A_788] : memref<4x25x80xi32, #tpu.memory_space<vmem>> -> memref<1x25x80xi32, #tpu.memory_space<vmem>>
      %dma_wait3A_790 = tpu.memref_squeeze %dma_wait3A_789 : memref<1x25x80xi32, #tpu.memory_space<vmem>> -> memref<25x80xi32, #tpu.memory_space<vmem>>
      %dma_wait3A_791 = arith.constant 0 : i32
      %dma_wait3A_792 = arith.constant 0 : i32
      %dma_wait3A_793 = tpu.memref_slice %arg3[%add3A_776, %dma_wait3A_791, %dma_wait3A_792] : memref<320x25x80xi32, #tpu.memory_space<hbm>> -> memref<1x25x80xi32, #tpu.memory_space<hbm>>
      %dma_wait3A_794 = tpu.memref_squeeze %dma_wait3A_793 : memref<1x25x80xi32, #tpu.memory_space<hbm>> -> memref<25x80xi32, #tpu.memory_space<hbm>>
      tpu.wait_dma2 semaphore(%arg11 : memref<!tpu.dma_semaphore, #tpu.memory_space<semaphore_mem>>) src(%dma_wait3A_794 : memref<25x80xi32, #tpu.memory_space<hbm>>) dst(%dma_wait3A_790 : memref<25x80xi32, #tpu.memory_space<vmem>>)
    } else {
    }
    %lt3A_277 = arith.constant 125 : i32
    %lt3A_278 = arith.cmpi slt, %sub3A_252, %lt3A_277 : i32
    %convert_element_type3A_279 = arith.extui %lt3A_278 : i1 to i32
    %cond3A_280 = arith.constant 0 : i32
    %cond3A_281 = arith.cmpi ne, %convert_element_type3A_279, %cond3A_280 : i32
    scf.if %cond3A_281 {
      %jit3A_712 = arith.constant 25 : i32
      %div3A_713 = arith.divsi %sub3A_252, %jit3A_712 : i32
      %sign3A_714 = arith.constant 0 : i32
      %sign3A_715 = arith.cmpi sgt, %sub3A_252, %sign3A_714 : i32
      %sign3A_716 = arith.extui %sign3A_715 : i1 to i32
      %sign3A_717 = arith.constant 0 : i32
      %sign3A_718 = arith.cmpi slt, %sub3A_252, %sign3A_717 : i32
      %sign3A_719 = arith.extui %sign3A_718 : i1 to i32
      %sign3A_720 = arith.subi %sign3A_716, %sign3A_719 : i32
      %sign3A_721 = arith.constant 0 : i32
      %sign3A_722 = arith.cmpi sgt, %jit3A_712, %sign3A_721 : i32
      %sign3A_723 = arith.extui %sign3A_722 : i1 to i32
      %sign3A_724 = arith.constant 0 : i32
      %sign3A_725 = arith.cmpi slt, %jit3A_712, %sign3A_724 : i32
      %sign3A_726 = arith.extui %sign3A_725 : i1 to i32
      %sign3A_727 = arith.subi %sign3A_723, %sign3A_726 : i32
      %ne3A_728 = arith.cmpi ne, %sign3A_720, %sign3A_727 : i32
      %rem3A_729 = arith.remsi %sub3A_252, %jit3A_712 : i32
      %ne3A_730 = arith.constant 0 : i32
      %ne3A_731 = arith.cmpi ne, %rem3A_729, %ne3A_730 : i32
      %and3A_732 = arith.andi %ne3A_728, %ne3A_731 : i1
      %sub3A_733 = arith.constant 1 : i32
      %sub3A_734 = arith.subi %div3A_713, %sub3A_733 : i32
      %select_n3A_735 = arith.select %and3A_732, %sub3A_734, %div3A_713 : i32
      %jit3A_736 = arith.constant 2 : i32
      %eq3A_737 = arith.constant 0 : i32
      %eq3A_738 = arith.cmpi eq, %jit3A_736, %eq3A_737 : i32
      %jit3A_739 = arith.constant 1 : i32
      %select_n3A_740 = arith.select %eq3A_738, %jit3A_739, %jit3A_736 : i32
      %rem3A_741 = arith.remsi %select_n3A_735, %select_n3A_740 : i32
      %ne3A_742 = arith.constant 0 : i32
      %ne3A_743 = arith.cmpi ne, %rem3A_741, %ne3A_742 : i32
      %lt3A_744 = arith.constant 0 : i32
      %lt3A_745 = arith.cmpi slt, %rem3A_741, %lt3A_744 : i32
      %lt3A_746 = arith.constant 0 : i32
      %lt3A_747 = arith.cmpi slt, %select_n3A_740, %lt3A_746 : i32
      %ne3A_748 = arith.xori %lt3A_745, %lt3A_747 : i1
      %and3A_749 = arith.andi %ne3A_748, %ne3A_743 : i1
      %add3A_750 = arith.addi %rem3A_741, %select_n3A_740 : i32
      %select_n3A_751 = arith.select %and3A_749, %add3A_750, %rem3A_741 : i32
      %mul3A_752 = arith.constant 2 : i32
      %mul3A_753 = arith.muli %select_n3A_751, %mul3A_752 : i32
      %jit3A_754 = arith.constant 25 : i32
      %eq3A_755 = arith.constant 0 : i32
      %eq3A_756 = arith.cmpi eq, %jit3A_754, %eq3A_755 : i32
      %jit3A_757 = arith.constant 1 : i32
      %select_n3A_758 = arith.select %eq3A_756, %jit3A_757, %jit3A_754 : i32
      %rem3A_759 = arith.remsi %sub3A_252, %select_n3A_758 : i32
      %ne3A_760 = arith.constant 0 : i32
      %ne3A_761 = arith.cmpi ne, %rem3A_759, %ne3A_760 : i32
      %lt3A_762 = arith.constant 0 : i32
      %lt3A_763 = arith.cmpi slt, %rem3A_759, %lt3A_762 : i32
      %lt3A_764 = arith.constant 0 : i32
      %lt3A_765 = arith.cmpi slt, %select_n3A_758, %lt3A_764 : i32
      %ne3A_766 = arith.xori %lt3A_763, %lt3A_765 : i1
      %and3A_767 = arith.andi %ne3A_766, %ne3A_761 : i1
      %add3A_768 = arith.addi %rem3A_759, %select_n3A_758 : i32
      %select_n3A_769 = arith.select %and3A_767, %add3A_768, %rem3A_759 : i32
      %dma_start3A_770 = arith.constant 2 : i32
      %dma_start3A_771 = arith.constant 2 : i32
      %dma_start3A_772 = arith.constant 0 : i32
      %dma_start3A_773 = arith.constant 0 : i32
      %dma_start3A_774 = tpu.memref_slice %arg7[%dma_start3A_770, %dma_start3A_772, %dma_start3A_773] : memref<3x80x128xf32, #tpu.memory_space<vmem>> -> memref<1x80x128xf32, #tpu.memory_space<vmem>>
      %dma_start3A_775 = tpu.memref_squeeze %dma_start3A_774 : memref<1x80x128xf32, #tpu.memory_space<vmem>> -> memref<80x128xf32, #tpu.memory_space<vmem>>
      %dma_start3A_776 = arith.constant 0 : i32
      %dma_start3A_777 = tpu.memref_slice %arg6[%mul3A_753, %select_n3A_769, %dma_start3A_776] : memref<4x25x80xi32, #tpu.memory_space<vmem>> -> memref<1x1x80xi32, #tpu.memory_space<vmem>>
      %dma_start3A_778 = tpu.memref_squeeze %dma_start3A_777 : memref<1x1x80xi32, #tpu.memory_space<vmem>> -> memref<80xi32, #tpu.memory_space<vmem>>
      %dma_start3A_779 = arith.constant 0 : i32
      %dma_start3A_780 = arith.constant 0 : i32
      %dma_start3A_781 = tpu.memref_slice %arg2[%dma_start3A_779, %dma_start3A_780] : memref<10000x128xf32, #tpu.memory_space<hbm>> -> memref<10000x128xf32, #tpu.memory_space<hbm>>
      %dma_start3A_782 = tpu.memref_slice %arg9[%dma_start3A_771] : memref<3x!tpu.dma_semaphore, #tpu.memory_space<semaphore_mem>> -> memref<1x!tpu.dma_semaphore, #tpu.memory_space<semaphore_mem>>
      %dma_start3A_783 = tpu.memref_squeeze %dma_start3A_782 : memref<1x!tpu.dma_semaphore, #tpu.memory_space<semaphore_mem>> -> memref<!tpu.dma_semaphore, #tpu.memory_space<semaphore_mem>>
      tpu.enqueue_indirect_dma source(%dma_start3A_781 : memref<10000x128xf32, #tpu.memory_space<hbm>>) target(%dma_start3A_775 : memref<80x128xf32, #tpu.memory_space<vmem>>) offsets(%dma_start3A_778 : memref<80xi32, #tpu.memory_space<vmem>>) semaphore(%dma_start3A_783 : memref<!tpu.dma_semaphore, #tpu.memory_space<semaphore_mem>>)
    } else {
    }
    %jit3A_282 = arith.constant 123 : i32
    %jit3A_283 = arith.constant 25 : i32
    %eq3A_284 = arith.constant 0 : i32
    %eq3A_285 = arith.cmpi eq, %jit3A_283, %eq3A_284 : i32
    %jit3A_286 = arith.constant 1 : i32
    %select_n3A_287 = arith.select %eq3A_285, %jit3A_286, %jit3A_283 : i32
    %rem3A_288 = arith.remsi %jit3A_282, %select_n3A_287 : i32
    %ne3A_289 = arith.constant 0 : i32
    %ne3A_290 = arith.cmpi ne, %rem3A_288, %ne3A_289 : i32
    %lt3A_291 = arith.constant 0 : i32
    %lt3A_292 = arith.cmpi slt, %rem3A_288, %lt3A_291 : i32
    %lt3A_293 = arith.constant 0 : i32
    %lt3A_294 = arith.cmpi slt, %select_n3A_287, %lt3A_293 : i32
    %ne3A_295 = arith.xori %lt3A_292, %lt3A_294 : i1
    %and3A_296 = arith.andi %ne3A_295, %ne3A_290 : i1
    %add3A_297 = arith.addi %rem3A_288, %select_n3A_287 : i32
    %select_n3A_298 = arith.select %and3A_296, %add3A_297, %rem3A_288 : i32
    %eq3A_299 = arith.constant 1 : i32
    %eq3A_300 = arith.cmpi eq, %select_n3A_298, %eq3A_299 : i32
    %jit3A_301 = arith.constant 123 : i32
    %jit3A_302 = arith.constant 25 : i32
    %div3A_303 = arith.divsi %jit3A_301, %jit3A_302 : i32
    %sign3A_304 = arith.constant 0 : i32
    %sign3A_305 = arith.cmpi sgt, %jit3A_301, %sign3A_304 : i32
    %sign3A_306 = arith.extui %sign3A_305 : i1 to i32
    %sign3A_307 = arith.constant 0 : i32
    %sign3A_308 = arith.cmpi slt, %jit3A_301, %sign3A_307 : i32
    %sign3A_309 = arith.extui %sign3A_308 : i1 to i32
    %sign3A_310 = arith.subi %sign3A_306, %sign3A_309 : i32
    %sign3A_311 = arith.constant 0 : i32
    %sign3A_312 = arith.cmpi sgt, %jit3A_302, %sign3A_311 : i32
    %sign3A_313 = arith.extui %sign3A_312 : i1 to i32
    %sign3A_314 = arith.constant 0 : i32
    %sign3A_315 = arith.cmpi slt, %jit3A_302, %sign3A_314 : i32
    %sign3A_316 = arith.extui %sign3A_315 : i1 to i32
    %sign3A_317 = arith.subi %sign3A_313, %sign3A_316 : i32
    %ne3A_318 = arith.cmpi ne, %sign3A_310, %sign3A_317 : i32
    %rem3A_319 = arith.remsi %jit3A_301, %jit3A_302 : i32
    %ne3A_320 = arith.constant 0 : i32
    %ne3A_321 = arith.cmpi ne, %rem3A_319, %ne3A_320 : i32
    %and3A_322 = arith.andi %ne3A_318, %ne3A_321 : i1
    %sub3A_323 = arith.constant 1 : i32
    %sub3A_324 = arith.subi %div3A_303, %sub3A_323 : i32
    %select_n3A_325 = arith.select %and3A_322, %sub3A_324, %div3A_303 : i32
    %ge3A_326 = arith.constant 1 : i32
    %ge3A_327 = arith.cmpi sge, %select_n3A_325, %ge3A_326 : i32
    %jit3A_328 = arith.constant 123 : i32
    %jit3A_329 = arith.constant 25 : i32
    %div3A_330 = arith.divsi %jit3A_328, %jit3A_329 : i32
    %sign3A_331 = arith.constant 0 : i32
    %sign3A_332 = arith.cmpi sgt, %jit3A_328, %sign3A_331 : i32
    %sign3A_333 = arith.extui %sign3A_332 : i1 to i32
    %sign3A_334 = arith.constant 0 : i32
    %sign3A_335 = arith.cmpi slt, %jit3A_328, %sign3A_334 : i32
    %sign3A_336 = arith.extui %sign3A_335 : i1 to i32
    %sign3A_337 = arith.subi %sign3A_333, %sign3A_336 : i32
    %sign3A_338 = arith.constant 0 : i32
    %sign3A_339 = arith.cmpi sgt, %jit3A_329, %sign3A_338 : i32
    %sign3A_340 = arith.extui %sign3A_339 : i1 to i32
    %sign3A_341 = arith.constant 0 : i32
    %sign3A_342 = arith.cmpi slt, %jit3A_329, %sign3A_341 : i32
    %sign3A_343 = arith.extui %sign3A_342 : i1 to i32
    %sign3A_344 = arith.subi %sign3A_340, %sign3A_343 : i32
    %ne3A_345 = arith.cmpi ne, %sign3A_337, %sign3A_344 : i32
    %rem3A_346 = arith.remsi %jit3A_328, %jit3A_329 : i32
    %ne3A_347 = arith.constant 0 : i32
    %ne3A_348 = arith.cmpi ne, %rem3A_346, %ne3A_347 : i32
    %and3A_349 = arith.andi %ne3A_345, %ne3A_348 : i1
    %sub3A_350 = arith.constant 1 : i32
    %sub3A_351 = arith.subi %div3A_330, %sub3A_350 : i32
    %select_n3A_352 = arith.select %and3A_349, %sub3A_351, %div3A_330 : i32
    %le3A = arith.constant 3 : i32
    %le3A_353 = arith.cmpi sle, %select_n3A_352, %le3A : i32
    %and3A_354 = arith.andi %ge3A_327, %le3A_353 : i1
    %and3A_355 = arith.andi %eq3A_300, %and3A_354 : i1
    %convert_element_type3A_356 = arith.extui %and3A_355 : i1 to i32
    %cond3A_357 = arith.constant 123 : i32
    %cond3A_358 = arith.constant 0 : i32
    %cond3A_359 = arith.cmpi ne, %convert_element_type3A_356, %cond3A_358 : i32
    scf.if %cond3A_359 {
      %jit3A_712 = arith.constant 25 : i32
      %div3A_713 = arith.divsi %cond3A_357, %jit3A_712 : i32
      %sign3A_714 = arith.constant 0 : i32
      %sign3A_715 = arith.cmpi sgt, %cond3A_357, %sign3A_714 : i32
      %sign3A_716 = arith.extui %sign3A_715 : i1 to i32
      %sign3A_717 = arith.constant 0 : i32
      %sign3A_718 = arith.cmpi slt, %cond3A_357, %sign3A_717 : i32
      %sign3A_719 = arith.extui %sign3A_718 : i1 to i32
      %sign3A_720 = arith.subi %sign3A_716, %sign3A_719 : i32
      %sign3A_721 = arith.constant 0 : i32
      %sign3A_722 = arith.cmpi sgt, %jit3A_712, %sign3A_721 : i32
      %sign3A_723 = arith.extui %sign3A_722 : i1 to i32
      %sign3A_724 = arith.constant 0 : i32
      %sign3A_725 = arith.cmpi slt, %jit3A_712, %sign3A_724 : i32
      %sign3A_726 = arith.extui %sign3A_725 : i1 to i32
      %sign3A_727 = arith.subi %sign3A_723, %sign3A_726 : i32
      %ne3A_728 = arith.cmpi ne, %sign3A_720, %sign3A_727 : i32
      %rem3A_729 = arith.remsi %cond3A_357, %jit3A_712 : i32
      %ne3A_730 = arith.constant 0 : i32
      %ne3A_731 = arith.cmpi ne, %rem3A_729, %ne3A_730 : i32
      %and3A_732 = arith.andi %ne3A_728, %ne3A_731 : i1
      %sub3A_733 = arith.constant 1 : i32
      %sub3A_734 = arith.subi %div3A_713, %sub3A_733 : i32
      %select_n3A_735 = arith.select %and3A_732, %sub3A_734, %div3A_713 : i32
      %add3A_736 = arith.constant 1 : i32
      %add3A_737 = arith.addi %select_n3A_735, %add3A_736 : i32
      %mul3A_738 = arith.constant 5 : i32
      %mul3A_739 = arith.muli %add3A, %mul3A_738 : i32
      %add3A_740 = arith.addi %mul3A_739, %add3A_737 : i32
      %mul3A_741 = arith.constant 2 : i32
      %mul3A_742 = arith.muli %add3A_740, %mul3A_741 : i32
      %jit3A_743 = arith.constant 2 : i32
      %eq3A_744 = arith.constant 0 : i32
      %eq3A_745 = arith.cmpi eq, %jit3A_743, %eq3A_744 : i32
      %jit3A_746 = arith.constant 1 : i32
      %select_n3A_747 = arith.select %eq3A_745, %jit3A_746, %jit3A_743 : i32
      %rem3A_748 = arith.remsi %add3A_737, %select_n3A_747 : i32
      %ne3A_749 = arith.constant 0 : i32
      %ne3A_750 = arith.cmpi ne, %rem3A_748, %ne3A_749 : i32
      %lt3A_751 = arith.constant 0 : i32
      %lt3A_752 = arith.cmpi slt, %rem3A_748, %lt3A_751 : i32
      %lt3A_753 = arith.constant 0 : i32
      %lt3A_754 = arith.cmpi slt, %select_n3A_747, %lt3A_753 : i32
      %ne3A_755 = arith.xori %lt3A_752, %lt3A_754 : i1
      %and3A_756 = arith.andi %ne3A_755, %ne3A_750 : i1
      %add3A_757 = arith.addi %rem3A_748, %select_n3A_747 : i32
      %select_n3A_758 = arith.select %and3A_756, %add3A_757, %rem3A_748 : i32
      %mul3A_759 = arith.constant 2 : i32
      %mul3A_760 = arith.muli %select_n3A_758, %mul3A_759 : i32
      %dma_start3A_761 = arith.constant 0 : i32
      %dma_start3A_762 = arith.constant 0 : i32
      %dma_start3A_763 = tpu.memref_slice %arg6[%mul3A_760, %dma_start3A_761, %dma_start3A_762] : memref<4x25x80xi32, #tpu.memory_space<vmem>> -> memref<1x25x80xi32, #tpu.memory_space<vmem>>
      %dma_start3A_764 = tpu.memref_squeeze %dma_start3A_763 : memref<1x25x80xi32, #tpu.memory_space<vmem>> -> memref<25x80xi32, #tpu.memory_space<vmem>>
      %dma_start3A_765 = arith.constant 0 : i32
      %dma_start3A_766 = arith.constant 0 : i32
      %dma_start3A_767 = tpu.memref_slice %arg3[%mul3A_742, %dma_start3A_765, %dma_start3A_766] : memref<320x25x80xi32, #tpu.memory_space<hbm>> -> memref<1x25x80xi32, #tpu.memory_space<hbm>>
      %dma_start3A_768 = tpu.memref_squeeze %dma_start3A_767 : memref<1x25x80xi32, #tpu.memory_space<hbm>> -> memref<25x80xi32, #tpu.memory_space<hbm>>
      %dma_start3A_769 = arith.constant 0 : i32
      %dma_start3A_770 = arith.constant 0 : i32
      %dma_start3A_771 = tpu.memref_slice %arg6[%mul3A_760, %dma_start3A_769, %dma_start3A_770] : memref<4x25x80xi32, #tpu.memory_space<vmem>> -> memref<1x25x80xi32, #tpu.memory_space<vmem>>
      %dma_start3A_772 = tpu.memref_squeeze %dma_start3A_771 : memref<1x25x80xi32, #tpu.memory_space<vmem>> -> memref<25x80xi32, #tpu.memory_space<vmem>>
      %dma_start3A_773 = arith.constant 0 : i32
      %dma_start3A_774 = arith.constant 0 : i32
      %dma_start3A_775 = tpu.memref_slice %arg3[%mul3A_742, %dma_start3A_773, %dma_start3A_774] : memref<320x25x80xi32, #tpu.memory_space<hbm>> -> memref<1x25x80xi32, #tpu.memory_space<hbm>>
      %dma_start3A_776 = tpu.memref_squeeze %dma_start3A_775 : memref<1x25x80xi32, #tpu.memory_space<hbm>> -> memref<25x80xi32, #tpu.memory_space<hbm>>
      tpu.enqueue_dma source(%dma_start3A_776 : memref<25x80xi32, #tpu.memory_space<hbm>>) target(%dma_start3A_772 : memref<25x80xi32, #tpu.memory_space<vmem>>) target_semaphore(%arg11 : memref<!tpu.dma_semaphore, #tpu.memory_space<semaphore_mem>>)
      %add3A_777 = arith.constant 1 : i32
      %add3A_778 = arith.addi %mul3A_742, %add3A_777 : i32
      %add3A_779 = arith.constant 1 : i32
      %add3A_780 = arith.addi %mul3A_760, %add3A_779 : i32
      %dma_start3A_781 = arith.constant 0 : i32
      %dma_start3A_782 = arith.constant 0 : i32
      %dma_start3A_783 = tpu.memref_slice %arg6[%add3A_780, %dma_start3A_781, %dma_start3A_782] : memref<4x25x80xi32, #tpu.memory_space<vmem>> -> memref<1x25x80xi32, #tpu.memory_space<vmem>>
      %dma_start3A_784 = tpu.memref_squeeze %dma_start3A_783 : memref<1x25x80xi32, #tpu.memory_space<vmem>> -> memref<25x80xi32, #tpu.memory_space<vmem>>
      %dma_start3A_785 = arith.constant 0 : i32
      %dma_start3A_786 = arith.constant 0 : i32
      %dma_start3A_787 = tpu.memref_slice %arg3[%add3A_778, %dma_start3A_785, %dma_start3A_786] : memref<320x25x80xi32, #tpu.memory_space<hbm>> -> memref<1x25x80xi32, #tpu.memory_space<hbm>>
      %dma_start3A_788 = tpu.memref_squeeze %dma_start3A_787 : memref<1x25x80xi32, #tpu.memory_space<hbm>> -> memref<25x80xi32, #tpu.memory_space<hbm>>
      %dma_start3A_789 = arith.constant 0 : i32
      %dma_start3A_790 = arith.constant 0 : i32
      %dma_start3A_791 = tpu.memref_slice %arg6[%add3A_780, %dma_start3A_789, %dma_start3A_790] : memref<4x25x80xi32, #tpu.memory_space<vmem>> -> memref<1x25x80xi32, #tpu.memory_space<vmem>>
      %dma_start3A_792 = tpu.memref_squeeze %dma_start3A_791 : memref<1x25x80xi32, #tpu.memory_space<vmem>> -> memref<25x80xi32, #tpu.memory_space<vmem>>
      %dma_start3A_793 = arith.constant 0 : i32
      %dma_start3A_794 = arith.constant 0 : i32
      %dma_start3A_795 = tpu.memref_slice %arg3[%add3A_778, %dma_start3A_793, %dma_start3A_794] : memref<320x25x80xi32, #tpu.memory_space<hbm>> -> memref<1x25x80xi32, #tpu.memory_space<hbm>>
      %dma_start3A_796 = tpu.memref_squeeze %dma_start3A_795 : memref<1x25x80xi32, #tpu.memory_space<hbm>> -> memref<25x80xi32, #tpu.memory_space<hbm>>
      tpu.enqueue_dma source(%dma_start3A_796 : memref<25x80xi32, #tpu.memory_space<hbm>>) target(%dma_start3A_792 : memref<25x80xi32, #tpu.memory_space<vmem>>) target_semaphore(%arg11 : memref<!tpu.dma_semaphore, #tpu.memory_space<semaphore_mem>>)
    } else {
    }
    %jit3A_360 = arith.constant 124 : i32
    %jit3A_361 = arith.constant 25 : i32
    %div3A_362 = arith.divsi %jit3A_360, %jit3A_361 : i32
    %sign3A_363 = arith.constant 0 : i32
    %sign3A_364 = arith.cmpi sgt, %jit3A_360, %sign3A_363 : i32
    %sign3A_365 = arith.extui %sign3A_364 : i1 to i32
    %sign3A_366 = arith.constant 0 : i32
    %sign3A_367 = arith.cmpi slt, %jit3A_360, %sign3A_366 : i32
    %sign3A_368 = arith.extui %sign3A_367 : i1 to i32
    %sign3A_369 = arith.subi %sign3A_365, %sign3A_368 : i32
    %sign3A_370 = arith.constant 0 : i32
    %sign3A_371 = arith.cmpi sgt, %jit3A_361, %sign3A_370 : i32
    %sign3A_372 = arith.extui %sign3A_371 : i1 to i32
    %sign3A_373 = arith.constant 0 : i32
    %sign3A_374 = arith.cmpi slt, %jit3A_361, %sign3A_373 : i32
    %sign3A_375 = arith.extui %sign3A_374 : i1 to i32
    %sign3A_376 = arith.subi %sign3A_372, %sign3A_375 : i32
    %ne3A_377 = arith.cmpi ne, %sign3A_369, %sign3A_376 : i32
    %rem3A_378 = arith.remsi %jit3A_360, %jit3A_361 : i32
    %ne3A_379 = arith.constant 0 : i32
    %ne3A_380 = arith.cmpi ne, %rem3A_378, %ne3A_379 : i32
    %and3A_381 = arith.andi %ne3A_377, %ne3A_380 : i1
    %sub3A_382 = arith.constant 1 : i32
    %sub3A_383 = arith.subi %div3A_362, %sub3A_382 : i32
    %select_n3A_384 = arith.select %and3A_381, %sub3A_383, %div3A_362 : i32
    %jit3A_385 = arith.constant 2 : i32
    %eq3A_386 = arith.constant 0 : i32
    %eq3A_387 = arith.cmpi eq, %jit3A_385, %eq3A_386 : i32
    %jit3A_388 = arith.constant 1 : i32
    %select_n3A_389 = arith.select %eq3A_387, %jit3A_388, %jit3A_385 : i32
    %rem3A_390 = arith.remsi %select_n3A_384, %select_n3A_389 : i32
    %ne3A_391 = arith.constant 0 : i32
    %ne3A_392 = arith.cmpi ne, %rem3A_390, %ne3A_391 : i32
    %lt3A_393 = arith.constant 0 : i32
    %lt3A_394 = arith.cmpi slt, %rem3A_390, %lt3A_393 : i32
    %lt3A_395 = arith.constant 0 : i32
    %lt3A_396 = arith.cmpi slt, %select_n3A_389, %lt3A_395 : i32
    %ne3A_397 = arith.xori %lt3A_394, %lt3A_396 : i1
    %and3A_398 = arith.andi %ne3A_397, %ne3A_392 : i1
    %add3A_399 = arith.addi %rem3A_390, %select_n3A_389 : i32
    %select_n3A_400 = arith.select %and3A_398, %add3A_399, %rem3A_390 : i32
    %mul3A_401 = arith.constant 2 : i32
    %mul3A_402 = arith.muli %select_n3A_400, %mul3A_401 : i32
    %jit3A_403 = arith.constant 124 : i32
    %jit3A_404 = arith.constant 25 : i32
    %eq3A_405 = arith.constant 0 : i32
    %eq3A_406 = arith.cmpi eq, %jit3A_404, %eq3A_405 : i32
    %jit3A_407 = arith.constant 1 : i32
    %select_n3A_408 = arith.select %eq3A_406, %jit3A_407, %jit3A_404 : i32
    %rem3A_409 = arith.remsi %jit3A_403, %select_n3A_408 : i32
    %ne3A_410 = arith.constant 0 : i32
    %ne3A_411 = arith.cmpi ne, %rem3A_409, %ne3A_410 : i32
    %lt3A_412 = arith.constant 0 : i32
    %lt3A_413 = arith.cmpi slt, %rem3A_409, %lt3A_412 : i32
    %lt3A_414 = arith.constant 0 : i32
    %lt3A_415 = arith.cmpi slt, %select_n3A_408, %lt3A_414 : i32
    %ne3A_416 = arith.xori %lt3A_413, %lt3A_415 : i1
    %and3A_417 = arith.andi %ne3A_416, %ne3A_411 : i1
    %add3A_418 = arith.addi %rem3A_409, %select_n3A_408 : i32
    %select_n3A_419 = arith.select %and3A_417, %add3A_418, %rem3A_409 : i32
    %dma_wait3A_420 = arith.constant 1 : i32
    %dma_wait3A_421 = arith.constant 1 : i32
    %dma_wait3A_422 = arith.constant 0 : i32
    %dma_wait3A_423 = arith.constant 0 : i32
    %dma_wait3A_424 = tpu.memref_slice %arg7[%dma_wait3A_420, %dma_wait3A_422, %dma_wait3A_423] : memref<3x80x128xf32, #tpu.memory_space<vmem>> -> memref<1x80x128xf32, #tpu.memory_space<vmem>>
    %dma_wait3A_425 = tpu.memref_squeeze %dma_wait3A_424 : memref<1x80x128xf32, #tpu.memory_space<vmem>> -> memref<80x128xf32, #tpu.memory_space<vmem>>
    %dma_wait3A_426 = arith.constant 0 : i32
    %dma_wait3A_427 = tpu.memref_slice %arg6[%mul3A_402, %select_n3A_419, %dma_wait3A_426] : memref<4x25x80xi32, #tpu.memory_space<vmem>> -> memref<1x1x80xi32, #tpu.memory_space<vmem>>
    %dma_wait3A_428 = tpu.memref_squeeze %dma_wait3A_427 : memref<1x1x80xi32, #tpu.memory_space<vmem>> -> memref<80xi32, #tpu.memory_space<vmem>>
    %dma_wait3A_429 = arith.constant 0 : i32
    %dma_wait3A_430 = arith.constant 0 : i32
    %dma_wait3A_431 = tpu.memref_slice %arg2[%dma_wait3A_429, %dma_wait3A_430] : memref<10000x128xf32, #tpu.memory_space<hbm>> -> memref<10000x128xf32, #tpu.memory_space<hbm>>
    %dma_wait3A_432 = tpu.memref_slice %arg9[%dma_wait3A_421] : memref<3x!tpu.dma_semaphore, #tpu.memory_space<semaphore_mem>> -> memref<1x!tpu.dma_semaphore, #tpu.memory_space<semaphore_mem>>
    %dma_wait3A_433 = tpu.memref_squeeze %dma_wait3A_432 : memref<1x!tpu.dma_semaphore, #tpu.memory_space<semaphore_mem>> -> memref<!tpu.dma_semaphore, #tpu.memory_space<semaphore_mem>>
    tpu.wait_indirect_dma semaphore(%dma_wait3A_433 : memref<!tpu.dma_semaphore, #tpu.memory_space<semaphore_mem>>) src(%dma_wait3A_431 : memref<10000x128xf32, #tpu.memory_space<hbm>>) dst(%dma_wait3A_425 : memref<80x128xf32, #tpu.memory_space<vmem>>)
    %jit3A_434 = arith.constant 124 : i32
    %jit3A_435 = arith.constant 25 : i32
    %div3A_436 = arith.divsi %jit3A_434, %jit3A_435 : i32
    %sign3A_437 = arith.constant 0 : i32
    %sign3A_438 = arith.cmpi sgt, %jit3A_434, %sign3A_437 : i32
    %sign3A_439 = arith.extui %sign3A_438 : i1 to i32
    %sign3A_440 = arith.constant 0 : i32
    %sign3A_441 = arith.cmpi slt, %jit3A_434, %sign3A_440 : i32
    %sign3A_442 = arith.extui %sign3A_441 : i1 to i32
    %sign3A_443 = arith.subi %sign3A_439, %sign3A_442 : i32
    %sign3A_444 = arith.constant 0 : i32
    %sign3A_445 = arith.cmpi sgt, %jit3A_435, %sign3A_444 : i32
    %sign3A_446 = arith.extui %sign3A_445 : i1 to i32
    %sign3A_447 = arith.constant 0 : i32
    %sign3A_448 = arith.cmpi slt, %jit3A_435, %sign3A_447 : i32
    %sign3A_449 = arith.extui %sign3A_448 : i1 to i32
    %sign3A_450 = arith.subi %sign3A_446, %sign3A_449 : i32
    %ne3A_451 = arith.cmpi ne, %sign3A_443, %sign3A_450 : i32
    %rem3A_452 = arith.remsi %jit3A_434, %jit3A_435 : i32
    %ne3A_453 = arith.constant 0 : i32
    %ne3A_454 = arith.cmpi ne, %rem3A_452, %ne3A_453 : i32
    %and3A_455 = arith.andi %ne3A_451, %ne3A_454 : i1
    %sub3A_456 = arith.constant 1 : i32
    %sub3A_457 = arith.subi %div3A_436, %sub3A_456 : i32
    %select_n3A_458 = arith.select %and3A_455, %sub3A_457, %div3A_436 : i32
    %jit3A_459 = arith.constant 2 : i32
    %eq3A_460 = arith.constant 0 : i32
    %eq3A_461 = arith.cmpi eq, %jit3A_459, %eq3A_460 : i32
    %jit3A_462 = arith.constant 1 : i32
    %select_n3A_463 = arith.select %eq3A_461, %jit3A_462, %jit3A_459 : i32
    %rem3A_464 = arith.remsi %select_n3A_458, %select_n3A_463 : i32
    %ne3A_465 = arith.constant 0 : i32
    %ne3A_466 = arith.cmpi ne, %rem3A_464, %ne3A_465 : i32
    %lt3A_467 = arith.constant 0 : i32
    %lt3A_468 = arith.cmpi slt, %rem3A_464, %lt3A_467 : i32
    %lt3A_469 = arith.constant 0 : i32
    %lt3A_470 = arith.cmpi slt, %select_n3A_463, %lt3A_469 : i32
    %ne3A_471 = arith.xori %lt3A_468, %lt3A_470 : i1
    %and3A_472 = arith.andi %ne3A_471, %ne3A_466 : i1
    %add3A_473 = arith.addi %rem3A_464, %select_n3A_463 : i32
    %select_n3A_474 = arith.select %and3A_472, %add3A_473, %rem3A_464 : i32
    %mul3A_475 = arith.constant 2 : i32
    %mul3A_476 = arith.muli %select_n3A_474, %mul3A_475 : i32
    %add3A_477 = arith.constant 1 : i32
    %add3A_478 = arith.addi %mul3A_476, %add3A_477 : i32
    %jit3A_479 = arith.constant 124 : i32
    %jit3A_480 = arith.constant 25 : i32
    %eq3A_481 = arith.constant 0 : i32
    %eq3A_482 = arith.cmpi eq, %jit3A_480, %eq3A_481 : i32
    %jit3A_483 = arith.constant 1 : i32
    %select_n3A_484 = arith.select %eq3A_482, %jit3A_483, %jit3A_480 : i32
    %rem3A_485 = arith.remsi %jit3A_479, %select_n3A_484 : i32
    %ne3A_486 = arith.constant 0 : i32
    %ne3A_487 = arith.cmpi ne, %rem3A_485, %ne3A_486 : i32
    %lt3A_488 = arith.constant 0 : i32
    %lt3A_489 = arith.cmpi slt, %rem3A_485, %lt3A_488 : i32
    %lt3A_490 = arith.constant 0 : i32
    %lt3A_491 = arith.cmpi slt, %select_n3A_484, %lt3A_490 : i32
    %ne3A_492 = arith.xori %lt3A_489, %lt3A_491 : i1
    %and3A_493 = arith.andi %ne3A_492, %ne3A_487 : i1
    %add3A_494 = arith.addi %rem3A_485, %select_n3A_484 : i32
    %select_n3A_495 = arith.select %and3A_493, %add3A_494, %rem3A_485 : i32
    %dma_start3A_496 = arith.constant 1 : i32
    %dma_start3A_497 = arith.constant 1 : i32
    %dma_start3A_498 = arith.constant 0 : i32
    %dma_start3A_499 = arith.constant 0 : i32
    %dma_start3A_500 = tpu.memref_slice %arg7[%dma_start3A_496, %dma_start3A_498, %dma_start3A_499] : memref<3x80x128xf32, #tpu.memory_space<vmem>> -> memref<1x80x128xf32, #tpu.memory_space<vmem>>
    %dma_start3A_501 = tpu.memref_squeeze %dma_start3A_500 : memref<1x80x128xf32, #tpu.memory_space<vmem>> -> memref<80x128xf32, #tpu.memory_space<vmem>>
    %dma_start3A_502 = arith.constant 0 : i32
    %dma_start3A_503 = tpu.memref_slice %arg6[%add3A_478, %select_n3A_495, %dma_start3A_502] : memref<4x25x80xi32, #tpu.memory_space<vmem>> -> memref<1x1x80xi32, #tpu.memory_space<vmem>>
    %dma_start3A_504 = tpu.memref_squeeze %dma_start3A_503 : memref<1x1x80xi32, #tpu.memory_space<vmem>> -> memref<80xi32, #tpu.memory_space<vmem>>
    %dma_start3A_505 = arith.constant 0 : i32
    %dma_start3A_506 = arith.constant 0 : i32
    %dma_start3A_507 = tpu.memref_slice %arg8[%dma_start3A_505, %dma_start3A_506] : memref<10000x128xf32, #tpu.memory_space<vmem_shared>> -> memref<10000x128xf32, #tpu.memory_space<vmem_shared>>
    %dma_start3A_508 = tpu.memref_slice %arg10[%dma_start3A_497] : memref<3x!tpu.dma_semaphore, #tpu.memory_space<semaphore_mem>> -> memref<1x!tpu.dma_semaphore, #tpu.memory_space<semaphore_mem>>
    %dma_start3A_509 = tpu.memref_squeeze %dma_start3A_508 : memref<1x!tpu.dma_semaphore, #tpu.memory_space<semaphore_mem>> -> memref<!tpu.dma_semaphore, #tpu.memory_space<semaphore_mem>>
    tpu.enqueue_indirect_dma source(%dma_start3A_501 : memref<80x128xf32, #tpu.memory_space<vmem>>) target(%dma_start3A_507 : memref<10000x128xf32, #tpu.memory_space<vmem_shared>>) offsets(%dma_start3A_504 : memref<80xi32, #tpu.memory_space<vmem>>) semaphore(%dma_start3A_509 : memref<!tpu.dma_semaphore, #tpu.memory_space<semaphore_mem>>) {add = true}
    %ge3A_510 = arith.constant 124 : i32
    %ge3A_511 = arith.constant 1 : i32
    %ge3A_512 = arith.cmpi sge, %ge3A_510, %ge3A_511 : i32
    %convert_element_type3A_513 = arith.extui %ge3A_512 : i1 to i32
    %cond3A_514 = arith.constant 124 : i32
    %cond3A_515 = arith.constant 0 : i32
    %cond3A_516 = arith.cmpi ne, %convert_element_type3A_513, %cond3A_515 : i32
    scf.if %cond3A_516 {
      %sub3A_712 = arith.constant 1 : i32
      %sub3A_713 = arith.subi %cond3A_514, %sub3A_712 : i32
      %jit3A_714 = arith.constant 25 : i32
      %div3A_715 = arith.divsi %sub3A_713, %jit3A_714 : i32
      %sign3A_716 = arith.constant 0 : i32
      %sign3A_717 = arith.cmpi sgt, %sub3A_713, %sign3A_716 : i32
      %sign3A_718 = arith.extui %sign3A_717 : i1 to i32
      %sign3A_719 = arith.constant 0 : i32
      %sign3A_720 = arith.cmpi slt, %sub3A_713, %sign3A_719 : i32
      %sign3A_721 = arith.extui %sign3A_720 : i1 to i32
      %sign3A_722 = arith.subi %sign3A_718, %sign3A_721 : i32
      %sign3A_723 = arith.constant 0 : i32
      %sign3A_724 = arith.cmpi sgt, %jit3A_714, %sign3A_723 : i32
      %sign3A_725 = arith.extui %sign3A_724 : i1 to i32
      %sign3A_726 = arith.constant 0 : i32
      %sign3A_727 = arith.cmpi slt, %jit3A_714, %sign3A_726 : i32
      %sign3A_728 = arith.extui %sign3A_727 : i1 to i32
      %sign3A_729 = arith.subi %sign3A_725, %sign3A_728 : i32
      %ne3A_730 = arith.cmpi ne, %sign3A_722, %sign3A_729 : i32
      %rem3A_731 = arith.remsi %sub3A_713, %jit3A_714 : i32
      %ne3A_732 = arith.constant 0 : i32
      %ne3A_733 = arith.cmpi ne, %rem3A_731, %ne3A_732 : i32
      %and3A_734 = arith.andi %ne3A_730, %ne3A_733 : i1
      %sub3A_735 = arith.constant 1 : i32
      %sub3A_736 = arith.subi %div3A_715, %sub3A_735 : i32
      %select_n3A_737 = arith.select %and3A_734, %sub3A_736, %div3A_715 : i32
      %jit3A_738 = arith.constant 2 : i32
      %eq3A_739 = arith.constant 0 : i32
      %eq3A_740 = arith.cmpi eq, %jit3A_738, %eq3A_739 : i32
      %jit3A_741 = arith.constant 1 : i32
      %select_n3A_742 = arith.select %eq3A_740, %jit3A_741, %jit3A_738 : i32
      %rem3A_743 = arith.remsi %select_n3A_737, %select_n3A_742 : i32
      %ne3A_744 = arith.constant 0 : i32
      %ne3A_745 = arith.cmpi ne, %rem3A_743, %ne3A_744 : i32
      %lt3A_746 = arith.constant 0 : i32
      %lt3A_747 = arith.cmpi slt, %rem3A_743, %lt3A_746 : i32
      %lt3A_748 = arith.constant 0 : i32
      %lt3A_749 = arith.cmpi slt, %select_n3A_742, %lt3A_748 : i32
      %ne3A_750 = arith.xori %lt3A_747, %lt3A_749 : i1
      %and3A_751 = arith.andi %ne3A_750, %ne3A_745 : i1
      %add3A_752 = arith.addi %rem3A_743, %select_n3A_742 : i32
      %select_n3A_753 = arith.select %and3A_751, %add3A_752, %rem3A_743 : i32
      %mul3A_754 = arith.constant 2 : i32
      %mul3A_755 = arith.muli %select_n3A_753, %mul3A_754 : i32
      %add3A_756 = arith.constant 1 : i32
      %add3A_757 = arith.addi %mul3A_755, %add3A_756 : i32
      %jit3A_758 = arith.constant 25 : i32
      %eq3A_759 = arith.constant 0 : i32
      %eq3A_760 = arith.cmpi eq, %jit3A_758, %eq3A_759 : i32
      %jit3A_761 = arith.constant 1 : i32
      %select_n3A_762 = arith.select %eq3A_760, %jit3A_761, %jit3A_758 : i32
      %rem3A_763 = arith.remsi %sub3A_713, %select_n3A_762 : i32
      %ne3A_764 = arith.constant 0 : i32
      %ne3A_765 = arith.cmpi ne, %rem3A_763, %ne3A_764 : i32
      %lt3A_766 = arith.constant 0 : i32
      %lt3A_767 = arith.cmpi slt, %rem3A_763, %lt3A_766 : i32
      %lt3A_768 = arith.constant 0 : i32
      %lt3A_769 = arith.cmpi slt, %select_n3A_762, %lt3A_768 : i32
      %ne3A_770 = arith.xori %lt3A_767, %lt3A_769 : i1
      %and3A_771 = arith.andi %ne3A_770, %ne3A_765 : i1
      %add3A_772 = arith.addi %rem3A_763, %select_n3A_762 : i32
      %select_n3A_773 = arith.select %and3A_771, %add3A_772, %rem3A_763 : i32
      %dma_wait3A_774 = arith.constant 0 : i32
      %dma_wait3A_775 = arith.constant 0 : i32
      %dma_wait3A_776 = arith.constant 0 : i32
      %dma_wait3A_777 = arith.constant 0 : i32
      %dma_wait3A_778 = tpu.memref_slice %arg7[%dma_wait3A_774, %dma_wait3A_776, %dma_wait3A_777] : memref<3x80x128xf32, #tpu.memory_space<vmem>> -> memref<1x80x128xf32, #tpu.memory_space<vmem>>
      %dma_wait3A_779 = tpu.memref_squeeze %dma_wait3A_778 : memref<1x80x128xf32, #tpu.memory_space<vmem>> -> memref<80x128xf32, #tpu.memory_space<vmem>>
      %dma_wait3A_780 = arith.constant 0 : i32
      %dma_wait3A_781 = tpu.memref_slice %arg6[%add3A_757, %select_n3A_773, %dma_wait3A_780] : memref<4x25x80xi32, #tpu.memory_space<vmem>> -> memref<1x1x80xi32, #tpu.memory_space<vmem>>
      %dma_wait3A_782 = tpu.memref_squeeze %dma_wait3A_781 : memref<1x1x80xi32, #tpu.memory_space<vmem>> -> memref<80xi32, #tpu.memory_space<vmem>>
      %dma_wait3A_783 = arith.constant 0 : i32
      %dma_wait3A_784 = arith.constant 0 : i32
      %dma_wait3A_785 = tpu.memref_slice %arg8[%dma_wait3A_783, %dma_wait3A_784] : memref<10000x128xf32, #tpu.memory_space<vmem_shared>> -> memref<10000x128xf32, #tpu.memory_space<vmem_shared>>
      %dma_wait3A_786 = tpu.memref_slice %arg10[%dma_wait3A_775] : memref<3x!tpu.dma_semaphore, #tpu.memory_space<semaphore_mem>> -> memref<1x!tpu.dma_semaphore, #tpu.memory_space<semaphore_mem>>
      %dma_wait3A_787 = tpu.memref_squeeze %dma_wait3A_786 : memref<1x!tpu.dma_semaphore, #tpu.memory_space<semaphore_mem>> -> memref<!tpu.dma_semaphore, #tpu.memory_space<semaphore_mem>>
      tpu.wait_indirect_dma semaphore(%dma_wait3A_787 : memref<!tpu.dma_semaphore, #tpu.memory_space<semaphore_mem>>) src(%dma_wait3A_779 : memref<80x128xf32, #tpu.memory_space<vmem>>) dst(%dma_wait3A_785 : memref<10000x128xf32, #tpu.memory_space<vmem_shared>>)
    } else {
    }
    %add3A_517 = arith.constant 124 : i32
    %add3A_518 = arith.constant 3 : i32
    %add3A_519 = arith.addi %add3A_517, %add3A_518 : i32
    %sub3A_520 = arith.constant 1 : i32
    %sub3A_521 = arith.subi %add3A_519, %sub3A_520 : i32
    %jit3A_522 = arith.constant 25 : i32
    %eq3A_523 = arith.constant 0 : i32
    %eq3A_524 = arith.cmpi eq, %jit3A_522, %eq3A_523 : i32
    %jit3A_525 = arith.constant 1 : i32
    %select_n3A_526 = arith.select %eq3A_524, %jit3A_525, %jit3A_522 : i32
    %rem3A_527 = arith.remsi %sub3A_521, %select_n3A_526 : i32
    %ne3A_528 = arith.constant 0 : i32
    %ne3A_529 = arith.cmpi ne, %rem3A_527, %ne3A_528 : i32
    %lt3A_530 = arith.constant 0 : i32
    %lt3A_531 = arith.cmpi slt, %rem3A_527, %lt3A_530 : i32
    %lt3A_532 = arith.constant 0 : i32
    %lt3A_533 = arith.cmpi slt, %select_n3A_526, %lt3A_532 : i32
    %ne3A_534 = arith.xori %lt3A_531, %lt3A_533 : i1
    %and3A_535 = arith.andi %ne3A_534, %ne3A_529 : i1
    %add3A_536 = arith.addi %rem3A_527, %select_n3A_526 : i32
    %select_n3A_537 = arith.select %and3A_535, %add3A_536, %rem3A_527 : i32
    %eq3A_538 = arith.constant 0 : i32
    %eq3A_539 = arith.cmpi eq, %select_n3A_537, %eq3A_538 : i32
    %lt3A_540 = arith.constant 125 : i32
    %lt3A_541 = arith.cmpi slt, %sub3A_521, %lt3A_540 : i32
    %and3A_542 = arith.andi %eq3A_539, %lt3A_541 : i1
    %convert_element_type3A_543 = arith.extui %and3A_542 : i1 to i32
    %cond3A_544 = arith.constant 0 : i32
    %cond3A_545 = arith.cmpi ne, %convert_element_type3A_543, %cond3A_544 : i32
    scf.if %cond3A_545 {
      %jit3A_712 = arith.constant 25 : i32
      %div3A_713 = arith.divsi %sub3A_521, %jit3A_712 : i32
      %sign3A_714 = arith.constant 0 : i32
      %sign3A_715 = arith.cmpi sgt, %sub3A_521, %sign3A_714 : i32
      %sign3A_716 = arith.extui %sign3A_715 : i1 to i32
      %sign3A_717 = arith.constant 0 : i32
      %sign3A_718 = arith.cmpi slt, %sub3A_521, %sign3A_717 : i32
      %sign3A_719 = arith.extui %sign3A_718 : i1 to i32
      %sign3A_720 = arith.subi %sign3A_716, %sign3A_719 : i32
      %sign3A_721 = arith.constant 0 : i32
      %sign3A_722 = arith.cmpi sgt, %jit3A_712, %sign3A_721 : i32
      %sign3A_723 = arith.extui %sign3A_722 : i1 to i32
      %sign3A_724 = arith.constant 0 : i32
      %sign3A_725 = arith.cmpi slt, %jit3A_712, %sign3A_724 : i32
      %sign3A_726 = arith.extui %sign3A_725 : i1 to i32
      %sign3A_727 = arith.subi %sign3A_723, %sign3A_726 : i32
      %ne3A_728 = arith.cmpi ne, %sign3A_720, %sign3A_727 : i32
      %rem3A_729 = arith.remsi %sub3A_521, %jit3A_712 : i32
      %ne3A_730 = arith.constant 0 : i32
      %ne3A_731 = arith.cmpi ne, %rem3A_729, %ne3A_730 : i32
      %and3A_732 = arith.andi %ne3A_728, %ne3A_731 : i1
      %sub3A_733 = arith.constant 1 : i32
      %sub3A_734 = arith.subi %div3A_713, %sub3A_733 : i32
      %select_n3A_735 = arith.select %and3A_732, %sub3A_734, %div3A_713 : i32
      %mul3A_736 = arith.constant 5 : i32
      %mul3A_737 = arith.muli %add3A, %mul3A_736 : i32
      %add3A_738 = arith.addi %mul3A_737, %select_n3A_735 : i32
      %mul3A_739 = arith.constant 2 : i32
      %mul3A_740 = arith.muli %add3A_738, %mul3A_739 : i32
      %jit3A_741 = arith.constant 2 : i32
      %eq3A_742 = arith.constant 0 : i32
      %eq3A_743 = arith.cmpi eq, %jit3A_741, %eq3A_742 : i32
      %jit3A_744 = arith.constant 1 : i32
      %select_n3A_745 = arith.select %eq3A_743, %jit3A_744, %jit3A_741 : i32
      %rem3A_746 = arith.remsi %select_n3A_735, %select_n3A_745 : i32
      %ne3A_747 = arith.constant 0 : i32
      %ne3A_748 = arith.cmpi ne, %rem3A_746, %ne3A_747 : i32
      %lt3A_749 = arith.constant 0 : i32
      %lt3A_750 = arith.cmpi slt, %rem3A_746, %lt3A_749 : i32
      %lt3A_751 = arith.constant 0 : i32
      %lt3A_752 = arith.cmpi slt, %select_n3A_745, %lt3A_751 : i32
      %ne3A_753 = arith.xori %lt3A_750, %lt3A_752 : i1
      %and3A_754 = arith.andi %ne3A_753, %ne3A_748 : i1
      %add3A_755 = arith.addi %rem3A_746, %select_n3A_745 : i32
      %select_n3A_756 = arith.select %and3A_754, %add3A_755, %rem3A_746 : i32
      %mul3A_757 = arith.constant 2 : i32
      %mul3A_758 = arith.muli %select_n3A_756, %mul3A_757 : i32
      %dma_wait3A_759 = arith.constant 0 : i32
      %dma_wait3A_760 = arith.constant 0 : i32
      %dma_wait3A_761 = tpu.memref_slice %arg6[%mul3A_758, %dma_wait3A_759, %dma_wait3A_760] : memref<4x25x80xi32, #tpu.memory_space<vmem>> -> memref<1x25x80xi32, #tpu.memory_space<vmem>>
      %dma_wait3A_762 = tpu.memref_squeeze %dma_wait3A_761 : memref<1x25x80xi32, #tpu.memory_space<vmem>> -> memref<25x80xi32, #tpu.memory_space<vmem>>
      %dma_wait3A_763 = arith.constant 0 : i32
      %dma_wait3A_764 = arith.constant 0 : i32
      %dma_wait3A_765 = tpu.memref_slice %arg3[%mul3A_740, %dma_wait3A_763, %dma_wait3A_764] : memref<320x25x80xi32, #tpu.memory_space<hbm>> -> memref<1x25x80xi32, #tpu.memory_space<hbm>>
      %dma_wait3A_766 = tpu.memref_squeeze %dma_wait3A_765 : memref<1x25x80xi32, #tpu.memory_space<hbm>> -> memref<25x80xi32, #tpu.memory_space<hbm>>
      %dma_wait3A_767 = arith.constant 0 : i32
      %dma_wait3A_768 = arith.constant 0 : i32
      %dma_wait3A_769 = tpu.memref_slice %arg6[%mul3A_758, %dma_wait3A_767, %dma_wait3A_768] : memref<4x25x80xi32, #tpu.memory_space<vmem>> -> memref<1x25x80xi32, #tpu.memory_space<vmem>>
      %dma_wait3A_770 = tpu.memref_squeeze %dma_wait3A_769 : memref<1x25x80xi32, #tpu.memory_space<vmem>> -> memref<25x80xi32, #tpu.memory_space<vmem>>
      %dma_wait3A_771 = arith.constant 0 : i32
      %dma_wait3A_772 = arith.constant 0 : i32
      %dma_wait3A_773 = tpu.memref_slice %arg3[%mul3A_740, %dma_wait3A_771, %dma_wait3A_772] : memref<320x25x80xi32, #tpu.memory_space<hbm>> -> memref<1x25x80xi32, #tpu.memory_space<hbm>>
      %dma_wait3A_774 = tpu.memref_squeeze %dma_wait3A_773 : memref<1x25x80xi32, #tpu.memory_space<hbm>> -> memref<25x80xi32, #tpu.memory_space<hbm>>
      tpu.wait_dma2 semaphore(%arg11 : memref<!tpu.dma_semaphore, #tpu.memory_space<semaphore_mem>>) src(%dma_wait3A_774 : memref<25x80xi32, #tpu.memory_space<hbm>>) dst(%dma_wait3A_770 : memref<25x80xi32, #tpu.memory_space<vmem>>)
      %add3A_775 = arith.constant 1 : i32
      %add3A_776 = arith.addi %mul3A_740, %add3A_775 : i32
      %add3A_777 = arith.constant 1 : i32
      %add3A_778 = arith.addi %mul3A_758, %add3A_777 : i32
      %dma_wait3A_779 = arith.constant 0 : i32
      %dma_wait3A_780 = arith.constant 0 : i32
      %dma_wait3A_781 = tpu.memref_slice %arg6[%add3A_778, %dma_wait3A_779, %dma_wait3A_780] : memref<4x25x80xi32, #tpu.memory_space<vmem>> -> memref<1x25x80xi32, #tpu.memory_space<vmem>>
      %dma_wait3A_782 = tpu.memref_squeeze %dma_wait3A_781 : memref<1x25x80xi32, #tpu.memory_space<vmem>> -> memref<25x80xi32, #tpu.memory_space<vmem>>
      %dma_wait3A_783 = arith.constant 0 : i32
      %dma_wait3A_784 = arith.constant 0 : i32
      %dma_wait3A_785 = tpu.memref_slice %arg3[%add3A_776, %dma_wait3A_783, %dma_wait3A_784] : memref<320x25x80xi32, #tpu.memory_space<hbm>> -> memref<1x25x80xi32, #tpu.memory_space<hbm>>
      %dma_wait3A_786 = tpu.memref_squeeze %dma_wait3A_785 : memref<1x25x80xi32, #tpu.memory_space<hbm>> -> memref<25x80xi32, #tpu.memory_space<hbm>>
      %dma_wait3A_787 = arith.constant 0 : i32
      %dma_wait3A_788 = arith.constant 0 : i32
      %dma_wait3A_789 = tpu.memref_slice %arg6[%add3A_778, %dma_wait3A_787, %dma_wait3A_788] : memref<4x25x80xi32, #tpu.memory_space<vmem>> -> memref<1x25x80xi32, #tpu.memory_space<vmem>>
      %dma_wait3A_790 = tpu.memref_squeeze %dma_wait3A_789 : memref<1x25x80xi32, #tpu.memory_space<vmem>> -> memref<25x80xi32, #tpu.memory_space<vmem>>
      %dma_wait3A_791 = arith.constant 0 : i32
      %dma_wait3A_792 = arith.constant 0 : i32
      %dma_wait3A_793 = tpu.memref_slice %arg3[%add3A_776, %dma_wait3A_791, %dma_wait3A_792] : memref<320x25x80xi32, #tpu.memory_space<hbm>> -> memref<1x25x80xi32, #tpu.memory_space<hbm>>
      %dma_wait3A_794 = tpu.memref_squeeze %dma_wait3A_793 : memref<1x25x80xi32, #tpu.memory_space<hbm>> -> memref<25x80xi32, #tpu.memory_space<hbm>>
      tpu.wait_dma2 semaphore(%arg11 : memref<!tpu.dma_semaphore, #tpu.memory_space<semaphore_mem>>) src(%dma_wait3A_794 : memref<25x80xi32, #tpu.memory_space<hbm>>) dst(%dma_wait3A_790 : memref<25x80xi32, #tpu.memory_space<vmem>>)
    } else {
    }
    %lt3A_546 = arith.constant 125 : i32
    %lt3A_547 = arith.cmpi slt, %sub3A_521, %lt3A_546 : i32
    %convert_element_type3A_548 = arith.extui %lt3A_547 : i1 to i32
    %cond3A_549 = arith.constant 0 : i32
    %cond3A_550 = arith.cmpi ne, %convert_element_type3A_548, %cond3A_549 : i32
    scf.if %cond3A_550 {
      %jit3A_712 = arith.constant 25 : i32
      %div3A_713 = arith.divsi %sub3A_521, %jit3A_712 : i32
      %sign3A_714 = arith.constant 0 : i32
      %sign3A_715 = arith.cmpi sgt, %sub3A_521, %sign3A_714 : i32
      %sign3A_716 = arith.extui %sign3A_715 : i1 to i32
      %sign3A_717 = arith.constant 0 : i32
      %sign3A_718 = arith.cmpi slt, %sub3A_521, %sign3A_717 : i32
      %sign3A_719 = arith.extui %sign3A_718 : i1 to i32
      %sign3A_720 = arith.subi %sign3A_716, %sign3A_719 : i32
      %sign3A_721 = arith.constant 0 : i32
      %sign3A_722 = arith.cmpi sgt, %jit3A_712, %sign3A_721 : i32
      %sign3A_723 = arith.extui %sign3A_722 : i1 to i32
      %sign3A_724 = arith.constant 0 : i32
      %sign3A_725 = arith.cmpi slt, %jit3A_712, %sign3A_724 : i32
      %sign3A_726 = arith.extui %sign3A_725 : i1 to i32
      %sign3A_727 = arith.subi %sign3A_723, %sign3A_726 : i32
      %ne3A_728 = arith.cmpi ne, %sign3A_720, %sign3A_727 : i32
      %rem3A_729 = arith.remsi %sub3A_521, %jit3A_712 : i32
      %ne3A_730 = arith.constant 0 : i32
      %ne3A_731 = arith.cmpi ne, %rem3A_729, %ne3A_730 : i32
      %and3A_732 = arith.andi %ne3A_728, %ne3A_731 : i1
      %sub3A_733 = arith.constant 1 : i32
      %sub3A_734 = arith.subi %div3A_713, %sub3A_733 : i32
      %select_n3A_735 = arith.select %and3A_732, %sub3A_734, %div3A_713 : i32
      %jit3A_736 = arith.constant 2 : i32
      %eq3A_737 = arith.constant 0 : i32
      %eq3A_738 = arith.cmpi eq, %jit3A_736, %eq3A_737 : i32
      %jit3A_739 = arith.constant 1 : i32
      %select_n3A_740 = arith.select %eq3A_738, %jit3A_739, %jit3A_736 : i32
      %rem3A_741 = arith.remsi %select_n3A_735, %select_n3A_740 : i32
      %ne3A_742 = arith.constant 0 : i32
      %ne3A_743 = arith.cmpi ne, %rem3A_741, %ne3A_742 : i32
      %lt3A_744 = arith.constant 0 : i32
      %lt3A_745 = arith.cmpi slt, %rem3A_741, %lt3A_744 : i32
      %lt3A_746 = arith.constant 0 : i32
      %lt3A_747 = arith.cmpi slt, %select_n3A_740, %lt3A_746 : i32
      %ne3A_748 = arith.xori %lt3A_745, %lt3A_747 : i1
      %and3A_749 = arith.andi %ne3A_748, %ne3A_743 : i1
      %add3A_750 = arith.addi %rem3A_741, %select_n3A_740 : i32
      %select_n3A_751 = arith.select %and3A_749, %add3A_750, %rem3A_741 : i32
      %mul3A_752 = arith.constant 2 : i32
      %mul3A_753 = arith.muli %select_n3A_751, %mul3A_752 : i32
      %jit3A_754 = arith.constant 25 : i32
      %eq3A_755 = arith.constant 0 : i32
      %eq3A_756 = arith.cmpi eq, %jit3A_754, %eq3A_755 : i32
      %jit3A_757 = arith.constant 1 : i32
      %select_n3A_758 = arith.select %eq3A_756, %jit3A_757, %jit3A_754 : i32
      %rem3A_759 = arith.remsi %sub3A_521, %select_n3A_758 : i32
      %ne3A_760 = arith.constant 0 : i32
      %ne3A_761 = arith.cmpi ne, %rem3A_759, %ne3A_760 : i32
      %lt3A_762 = arith.constant 0 : i32
      %lt3A_763 = arith.cmpi slt, %rem3A_759, %lt3A_762 : i32
      %lt3A_764 = arith.constant 0 : i32
      %lt3A_765 = arith.cmpi slt, %select_n3A_758, %lt3A_764 : i32
      %ne3A_766 = arith.xori %lt3A_763, %lt3A_765 : i1
      %and3A_767 = arith.andi %ne3A_766, %ne3A_761 : i1
      %add3A_768 = arith.addi %rem3A_759, %select_n3A_758 : i32
      %select_n3A_769 = arith.select %and3A_767, %add3A_768, %rem3A_759 : i32
      %dma_start3A_770 = arith.constant 0 : i32
      %dma_start3A_771 = arith.constant 0 : i32
      %dma_start3A_772 = arith.constant 0 : i32
      %dma_start3A_773 = arith.constant 0 : i32
      %dma_start3A_774 = tpu.memref_slice %arg7[%dma_start3A_770, %dma_start3A_772, %dma_start3A_773] : memref<3x80x128xf32, #tpu.memory_space<vmem>> -> memref<1x80x128xf32, #tpu.memory_space<vmem>>
      %dma_start3A_775 = tpu.memref_squeeze %dma_start3A_774 : memref<1x80x128xf32, #tpu.memory_space<vmem>> -> memref<80x128xf32, #tpu.memory_space<vmem>>
      %dma_start3A_776 = arith.constant 0 : i32
      %dma_start3A_777 = tpu.memref_slice %arg6[%mul3A_753, %select_n3A_769, %dma_start3A_776] : memref<4x25x80xi32, #tpu.memory_space<vmem>> -> memref<1x1x80xi32, #tpu.memory_space<vmem>>
      %dma_start3A_778 = tpu.memref_squeeze %dma_start3A_777 : memref<1x1x80xi32, #tpu.memory_space<vmem>> -> memref<80xi32, #tpu.memory_space<vmem>>
      %dma_start3A_779 = arith.constant 0 : i32
      %dma_start3A_780 = arith.constant 0 : i32
      %dma_start3A_781 = tpu.memref_slice %arg2[%dma_start3A_779, %dma_start3A_780] : memref<10000x128xf32, #tpu.memory_space<hbm>> -> memref<10000x128xf32, #tpu.memory_space<hbm>>
      %dma_start3A_782 = tpu.memref_slice %arg9[%dma_start3A_771] : memref<3x!tpu.dma_semaphore, #tpu.memory_space<semaphore_mem>> -> memref<1x!tpu.dma_semaphore, #tpu.memory_space<semaphore_mem>>
      %dma_start3A_783 = tpu.memref_squeeze %dma_start3A_782 : memref<1x!tpu.dma_semaphore, #tpu.memory_space<semaphore_mem>> -> memref<!tpu.dma_semaphore, #tpu.memory_space<semaphore_mem>>
      tpu.enqueue_indirect_dma source(%dma_start3A_781 : memref<10000x128xf32, #tpu.memory_space<hbm>>) target(%dma_start3A_775 : memref<80x128xf32, #tpu.memory_space<vmem>>) offsets(%dma_start3A_778 : memref<80xi32, #tpu.memory_space<vmem>>) semaphore(%dma_start3A_783 : memref<!tpu.dma_semaphore, #tpu.memory_space<semaphore_mem>>)
    } else {
    }
    %jit3A_551 = arith.constant 124 : i32
    %jit3A_552 = arith.constant 25 : i32
    %eq3A_553 = arith.constant 0 : i32
    %eq3A_554 = arith.cmpi eq, %jit3A_552, %eq3A_553 : i32
    %jit3A_555 = arith.constant 1 : i32
    %select_n3A_556 = arith.select %eq3A_554, %jit3A_555, %jit3A_552 : i32
    %rem3A_557 = arith.remsi %jit3A_551, %select_n3A_556 : i32
    %ne3A_558 = arith.constant 0 : i32
    %ne3A_559 = arith.cmpi ne, %rem3A_557, %ne3A_558 : i32
    %lt3A_560 = arith.constant 0 : i32
    %lt3A_561 = arith.cmpi slt, %rem3A_557, %lt3A_560 : i32
    %lt3A_562 = arith.constant 0 : i32
    %lt3A_563 = arith.cmpi slt, %select_n3A_556, %lt3A_562 : i32
    %ne3A_564 = arith.xori %lt3A_561, %lt3A_563 : i1
    %and3A_565 = arith.andi %ne3A_564, %ne3A_559 : i1
    %add3A_566 = arith.addi %rem3A_557, %select_n3A_556 : i32
    %select_n3A_567 = arith.select %and3A_565, %add3A_566, %rem3A_557 : i32
    %eq3A_568 = arith.constant 1 : i32
    %eq3A_569 = arith.cmpi eq, %select_n3A_567, %eq3A_568 : i32
    %jit3A_570 = arith.constant 124 : i32
    %jit3A_571 = arith.constant 25 : i32
    %div3A_572 = arith.divsi %jit3A_570, %jit3A_571 : i32
    %sign3A_573 = arith.constant 0 : i32
    %sign3A_574 = arith.cmpi sgt, %jit3A_570, %sign3A_573 : i32
    %sign3A_575 = arith.extui %sign3A_574 : i1 to i32
    %sign3A_576 = arith.constant 0 : i32
    %sign3A_577 = arith.cmpi slt, %jit3A_570, %sign3A_576 : i32
    %sign3A_578 = arith.extui %sign3A_577 : i1 to i32
    %sign3A_579 = arith.subi %sign3A_575, %sign3A_578 : i32
    %sign3A_580 = arith.constant 0 : i32
    %sign3A_581 = arith.cmpi sgt, %jit3A_571, %sign3A_580 : i32
    %sign3A_582 = arith.extui %sign3A_581 : i1 to i32
    %sign3A_583 = arith.constant 0 : i32
    %sign3A_584 = arith.cmpi slt, %jit3A_571, %sign3A_583 : i32
    %sign3A_585 = arith.extui %sign3A_584 : i1 to i32
    %sign3A_586 = arith.subi %sign3A_582, %sign3A_585 : i32
    %ne3A_587 = arith.cmpi ne, %sign3A_579, %sign3A_586 : i32
    %rem3A_588 = arith.remsi %jit3A_570, %jit3A_571 : i32
    %ne3A_589 = arith.constant 0 : i32
    %ne3A_590 = arith.cmpi ne, %rem3A_588, %ne3A_589 : i32
    %and3A_591 = arith.andi %ne3A_587, %ne3A_590 : i1
    %sub3A_592 = arith.constant 1 : i32
    %sub3A_593 = arith.subi %div3A_572, %sub3A_592 : i32
    %select_n3A_594 = arith.select %and3A_591, %sub3A_593, %div3A_572 : i32
    %ge3A_595 = arith.constant 1 : i32
    %ge3A_596 = arith.cmpi sge, %select_n3A_594, %ge3A_595 : i32
    %jit3A_597 = arith.constant 124 : i32
    %jit3A_598 = arith.constant 25 : i32
    %div3A_599 = arith.divsi %jit3A_597, %jit3A_598 : i32
    %sign3A_600 = arith.constant 0 : i32
    %sign3A_601 = arith.cmpi sgt, %jit3A_597, %sign3A_600 : i32
    %sign3A_602 = arith.extui %sign3A_601 : i1 to i32
    %sign3A_603 = arith.constant 0 : i32
    %sign3A_604 = arith.cmpi slt, %jit3A_597, %sign3A_603 : i32
    %sign3A_605 = arith.extui %sign3A_604 : i1 to i32
    %sign3A_606 = arith.subi %sign3A_602, %sign3A_605 : i32
    %sign3A_607 = arith.constant 0 : i32
    %sign3A_608 = arith.cmpi sgt, %jit3A_598, %sign3A_607 : i32
    %sign3A_609 = arith.extui %sign3A_608 : i1 to i32
    %sign3A_610 = arith.constant 0 : i32
    %sign3A_611 = arith.cmpi slt, %jit3A_598, %sign3A_610 : i32
    %sign3A_612 = arith.extui %sign3A_611 : i1 to i32
    %sign3A_613 = arith.subi %sign3A_609, %sign3A_612 : i32
    %ne3A_614 = arith.cmpi ne, %sign3A_606, %sign3A_613 : i32
    %rem3A_615 = arith.remsi %jit3A_597, %jit3A_598 : i32
    %ne3A_616 = arith.constant 0 : i32
    %ne3A_617 = arith.cmpi ne, %rem3A_615, %ne3A_616 : i32
    %and3A_618 = arith.andi %ne3A_614, %ne3A_617 : i1
    %sub3A_619 = arith.constant 1 : i32
    %sub3A_620 = arith.subi %div3A_599, %sub3A_619 : i32
    %select_n3A_621 = arith.select %and3A_618, %sub3A_620, %div3A_599 : i32
    %le3A_622 = arith.constant 3 : i32
    %le3A_623 = arith.cmpi sle, %select_n3A_621, %le3A_622 : i32
    %and3A_624 = arith.andi %ge3A_596, %le3A_623 : i1
    %and3A_625 = arith.andi %eq3A_569, %and3A_624 : i1
    %convert_element_type3A_626 = arith.extui %and3A_625 : i1 to i32
    %cond3A_627 = arith.constant 124 : i32
    %cond3A_628 = arith.constant 0 : i32
    %cond3A_629 = arith.cmpi ne, %convert_element_type3A_626, %cond3A_628 : i32
    scf.if %cond3A_629 {
      %jit3A_712 = arith.constant 25 : i32
      %div3A_713 = arith.divsi %cond3A_627, %jit3A_712 : i32
      %sign3A_714 = arith.constant 0 : i32
      %sign3A_715 = arith.cmpi sgt, %cond3A_627, %sign3A_714 : i32
      %sign3A_716 = arith.extui %sign3A_715 : i1 to i32
      %sign3A_717 = arith.constant 0 : i32
      %sign3A_718 = arith.cmpi slt, %cond3A_627, %sign3A_717 : i32
      %sign3A_719 = arith.extui %sign3A_718 : i1 to i32
      %sign3A_720 = arith.subi %sign3A_716, %sign3A_719 : i32
      %sign3A_721 = arith.constant 0 : i32
      %sign3A_722 = arith.cmpi sgt, %jit3A_712, %sign3A_721 : i32
      %sign3A_723 = arith.extui %sign3A_722 : i1 to i32
      %sign3A_724 = arith.constant 0 : i32
      %sign3A_725 = arith.cmpi slt, %jit3A_712, %sign3A_724 : i32
      %sign3A_726 = arith.extui %sign3A_725 : i1 to i32
      %sign3A_727 = arith.subi %sign3A_723, %sign3A_726 : i32
      %ne3A_728 = arith.cmpi ne, %sign3A_720, %sign3A_727 : i32
      %rem3A_729 = arith.remsi %cond3A_627, %jit3A_712 : i32
      %ne3A_730 = arith.constant 0 : i32
      %ne3A_731 = arith.cmpi ne, %rem3A_729, %ne3A_730 : i32
      %and3A_732 = arith.andi %ne3A_728, %ne3A_731 : i1
      %sub3A_733 = arith.constant 1 : i32
      %sub3A_734 = arith.subi %div3A_713, %sub3A_733 : i32
      %select_n3A_735 = arith.select %and3A_732, %sub3A_734, %div3A_713 : i32
      %add3A_736 = arith.constant 1 : i32
      %add3A_737 = arith.addi %select_n3A_735, %add3A_736 : i32
      %mul3A_738 = arith.constant 5 : i32
      %mul3A_739 = arith.muli %add3A, %mul3A_738 : i32
      %add3A_740 = arith.addi %mul3A_739, %add3A_737 : i32
      %mul3A_741 = arith.constant 2 : i32
      %mul3A_742 = arith.muli %add3A_740, %mul3A_741 : i32
      %jit3A_743 = arith.constant 2 : i32
      %eq3A_744 = arith.constant 0 : i32
      %eq3A_745 = arith.cmpi eq, %jit3A_743, %eq3A_744 : i32
      %jit3A_746 = arith.constant 1 : i32
      %select_n3A_747 = arith.select %eq3A_745, %jit3A_746, %jit3A_743 : i32
      %rem3A_748 = arith.remsi %add3A_737, %select_n3A_747 : i32
      %ne3A_749 = arith.constant 0 : i32
      %ne3A_750 = arith.cmpi ne, %rem3A_748, %ne3A_749 : i32
      %lt3A_751 = arith.constant 0 : i32
      %lt3A_752 = arith.cmpi slt, %rem3A_748, %lt3A_751 : i32
      %lt3A_753 = arith.constant 0 : i32
      %lt3A_754 = arith.cmpi slt, %select_n3A_747, %lt3A_753 : i32
      %ne3A_755 = arith.xori %lt3A_752, %lt3A_754 : i1
      %and3A_756 = arith.andi %ne3A_755, %ne3A_750 : i1
      %add3A_757 = arith.addi %rem3A_748, %select_n3A_747 : i32
      %select_n3A_758 = arith.select %and3A_756, %add3A_757, %rem3A_748 : i32
      %mul3A_759 = arith.constant 2 : i32
      %mul3A_760 = arith.muli %select_n3A_758, %mul3A_759 : i32
      %dma_start3A_761 = arith.constant 0 : i32
      %dma_start3A_762 = arith.constant 0 : i32
      %dma_start3A_763 = tpu.memref_slice %arg6[%mul3A_760, %dma_start3A_761, %dma_start3A_762] : memref<4x25x80xi32, #tpu.memory_space<vmem>> -> memref<1x25x80xi32, #tpu.memory_space<vmem>>
      %dma_start3A_764 = tpu.memref_squeeze %dma_start3A_763 : memref<1x25x80xi32, #tpu.memory_space<vmem>> -> memref<25x80xi32, #tpu.memory_space<vmem>>
      %dma_start3A_765 = arith.constant 0 : i32
      %dma_start3A_766 = arith.constant 0 : i32
      %dma_start3A_767 = tpu.memref_slice %arg3[%mul3A_742, %dma_start3A_765, %dma_start3A_766] : memref<320x25x80xi32, #tpu.memory_space<hbm>> -> memref<1x25x80xi32, #tpu.memory_space<hbm>>
      %dma_start3A_768 = tpu.memref_squeeze %dma_start3A_767 : memref<1x25x80xi32, #tpu.memory_space<hbm>> -> memref<25x80xi32, #tpu.memory_space<hbm>>
      %dma_start3A_769 = arith.constant 0 : i32
      %dma_start3A_770 = arith.constant 0 : i32
      %dma_start3A_771 = tpu.memref_slice %arg6[%mul3A_760, %dma_start3A_769, %dma_start3A_770] : memref<4x25x80xi32, #tpu.memory_space<vmem>> -> memref<1x25x80xi32, #tpu.memory_space<vmem>>
      %dma_start3A_772 = tpu.memref_squeeze %dma_start3A_771 : memref<1x25x80xi32, #tpu.memory_space<vmem>> -> memref<25x80xi32, #tpu.memory_space<vmem>>
      %dma_start3A_773 = arith.constant 0 : i32
      %dma_start3A_774 = arith.constant 0 : i32
      %dma_start3A_775 = tpu.memref_slice %arg3[%mul3A_742, %dma_start3A_773, %dma_start3A_774] : memref<320x25x80xi32, #tpu.memory_space<hbm>> -> memref<1x25x80xi32, #tpu.memory_space<hbm>>
      %dma_start3A_776 = tpu.memref_squeeze %dma_start3A_775 : memref<1x25x80xi32, #tpu.memory_space<hbm>> -> memref<25x80xi32, #tpu.memory_space<hbm>>
      tpu.enqueue_dma source(%dma_start3A_776 : memref<25x80xi32, #tpu.memory_space<hbm>>) target(%dma_start3A_772 : memref<25x80xi32, #tpu.memory_space<vmem>>) target_semaphore(%arg11 : memref<!tpu.dma_semaphore, #tpu.memory_space<semaphore_mem>>)
      %add3A_777 = arith.constant 1 : i32
      %add3A_778 = arith.addi %mul3A_742, %add3A_777 : i32
      %add3A_779 = arith.constant 1 : i32
      %add3A_780 = arith.addi %mul3A_760, %add3A_779 : i32
      %dma_start3A_781 = arith.constant 0 : i32
      %dma_start3A_782 = arith.constant 0 : i32
      %dma_start3A_783 = tpu.memref_slice %arg6[%add3A_780, %dma_start3A_781, %dma_start3A_782] : memref<4x25x80xi32, #tpu.memory_space<vmem>> -> memref<1x25x80xi32, #tpu.memory_space<vmem>>
      %dma_start3A_784 = tpu.memref_squeeze %dma_start3A_783 : memref<1x25x80xi32, #tpu.memory_space<vmem>> -> memref<25x80xi32, #tpu.memory_space<vmem>>
      %dma_start3A_785 = arith.constant 0 : i32
      %dma_start3A_786 = arith.constant 0 : i32
      %dma_start3A_787 = tpu.memref_slice %arg3[%add3A_778, %dma_start3A_785, %dma_start3A_786] : memref<320x25x80xi32, #tpu.memory_space<hbm>> -> memref<1x25x80xi32, #tpu.memory_space<hbm>>
      %dma_start3A_788 = tpu.memref_squeeze %dma_start3A_787 : memref<1x25x80xi32, #tpu.memory_space<hbm>> -> memref<25x80xi32, #tpu.memory_space<hbm>>
      %dma_start3A_789 = arith.constant 0 : i32
      %dma_start3A_790 = arith.constant 0 : i32
      %dma_start3A_791 = tpu.memref_slice %arg6[%add3A_780, %dma_start3A_789, %dma_start3A_790] : memref<4x25x80xi32, #tpu.memory_space<vmem>> -> memref<1x25x80xi32, #tpu.memory_space<vmem>>
      %dma_start3A_792 = tpu.memref_squeeze %dma_start3A_791 : memref<1x25x80xi32, #tpu.memory_space<vmem>> -> memref<25x80xi32, #tpu.memory_space<vmem>>
      %dma_start3A_793 = arith.constant 0 : i32
      %dma_start3A_794 = arith.constant 0 : i32
      %dma_start3A_795 = tpu.memref_slice %arg3[%add3A_778, %dma_start3A_793, %dma_start3A_794] : memref<320x25x80xi32, #tpu.memory_space<hbm>> -> memref<1x25x80xi32, #tpu.memory_space<hbm>>
      %dma_start3A_796 = tpu.memref_squeeze %dma_start3A_795 : memref<1x25x80xi32, #tpu.memory_space<hbm>> -> memref<25x80xi32, #tpu.memory_space<hbm>>
      tpu.enqueue_dma source(%dma_start3A_796 : memref<25x80xi32, #tpu.memory_space<hbm>>) target(%dma_start3A_792 : memref<25x80xi32, #tpu.memory_space<vmem>>) target_semaphore(%arg11 : memref<!tpu.dma_semaphore, #tpu.memory_space<semaphore_mem>>)
    } else {
    }
    %jit3A_630 = arith.constant 124 : i32
    %jit3A_631 = arith.constant 25 : i32
    %div3A_632 = arith.divsi %jit3A_630, %jit3A_631 : i32
    %sign3A_633 = arith.constant 0 : i32
    %sign3A_634 = arith.cmpi sgt, %jit3A_630, %sign3A_633 : i32
    %sign3A_635 = arith.extui %sign3A_634 : i1 to i32
    %sign3A_636 = arith.constant 0 : i32
    %sign3A_637 = arith.cmpi slt, %jit3A_630, %sign3A_636 : i32
    %sign3A_638 = arith.extui %sign3A_637 : i1 to i32
    %sign3A_639 = arith.subi %sign3A_635, %sign3A_638 : i32
    %sign3A_640 = arith.constant 0 : i32
    %sign3A_641 = arith.cmpi sgt, %jit3A_631, %sign3A_640 : i32
    %sign3A_642 = arith.extui %sign3A_641 : i1 to i32
    %sign3A_643 = arith.constant 0 : i32
    %sign3A_644 = arith.cmpi slt, %jit3A_631, %sign3A_643 : i32
    %sign3A_645 = arith.extui %sign3A_644 : i1 to i32
    %sign3A_646 = arith.subi %sign3A_642, %sign3A_645 : i32
    %ne3A_647 = arith.cmpi ne, %sign3A_639, %sign3A_646 : i32
    %rem3A_648 = arith.remsi %jit3A_630, %jit3A_631 : i32
    %ne3A_649 = arith.constant 0 : i32
    %ne3A_650 = arith.cmpi ne, %rem3A_648, %ne3A_649 : i32
    %and3A_651 = arith.andi %ne3A_647, %ne3A_650 : i1
    %sub3A_652 = arith.constant 1 : i32
    %sub3A_653 = arith.subi %div3A_632, %sub3A_652 : i32
    %select_n3A_654 = arith.select %and3A_651, %sub3A_653, %div3A_632 : i32
    %jit3A_655 = arith.constant 2 : i32
    %eq3A_656 = arith.constant 0 : i32
    %eq3A_657 = arith.cmpi eq, %jit3A_655, %eq3A_656 : i32
    %jit3A_658 = arith.constant 1 : i32
    %select_n3A_659 = arith.select %eq3A_657, %jit3A_658, %jit3A_655 : i32
    %rem3A_660 = arith.remsi %select_n3A_654, %select_n3A_659 : i32
    %ne3A_661 = arith.constant 0 : i32
    %ne3A_662 = arith.cmpi ne, %rem3A_660, %ne3A_661 : i32
    %lt3A_663 = arith.constant 0 : i32
    %lt3A_664 = arith.cmpi slt, %rem3A_660, %lt3A_663 : i32
    %lt3A_665 = arith.constant 0 : i32
    %lt3A_666 = arith.cmpi slt, %select_n3A_659, %lt3A_665 : i32
    %ne3A_667 = arith.xori %lt3A_664, %lt3A_666 : i1
    %and3A_668 = arith.andi %ne3A_667, %ne3A_662 : i1
    %add3A_669 = arith.addi %rem3A_660, %select_n3A_659 : i32
    %select_n3A_670 = arith.select %and3A_668, %add3A_669, %rem3A_660 : i32
    %mul3A_671 = arith.constant 2 : i32
    %mul3A_672 = arith.muli %select_n3A_670, %mul3A_671 : i32
    %add3A_673 = arith.constant 1 : i32
    %add3A_674 = arith.addi %mul3A_672, %add3A_673 : i32
    %jit3A_675 = arith.constant 124 : i32
    %jit3A_676 = arith.constant 25 : i32
    %eq3A_677 = arith.constant 0 : i32
    %eq3A_678 = arith.cmpi eq, %jit3A_676, %eq3A_677 : i32
    %jit3A_679 = arith.constant 1 : i32
    %select_n3A_680 = arith.select %eq3A_678, %jit3A_679, %jit3A_676 : i32
    %rem3A_681 = arith.remsi %jit3A_675, %select_n3A_680 : i32
    %ne3A_682 = arith.constant 0 : i32
    %ne3A_683 = arith.cmpi ne, %rem3A_681, %ne3A_682 : i32
    %lt3A_684 = arith.constant 0 : i32
    %lt3A_685 = arith.cmpi slt, %rem3A_681, %lt3A_684 : i32
    %lt3A_686 = arith.constant 0 : i32
    %lt3A_687 = arith.cmpi slt, %select_n3A_680, %lt3A_686 : i32
    %ne3A_688 = arith.xori %lt3A_685, %lt3A_687 : i1
    %and3A_689 = arith.andi %ne3A_688, %ne3A_683 : i1
    %add3A_690 = arith.addi %rem3A_681, %select_n3A_680 : i32
    %select_n3A_691 = arith.select %and3A_689, %add3A_690, %rem3A_681 : i32
    %dma_wait3A_692 = arith.constant 1 : i32
    %dma_wait3A_693 = arith.constant 1 : i32
    %dma_wait3A_694 = arith.constant 0 : i32
    %dma_wait3A_695 = arith.constant 0 : i32
    %dma_wait3A_696 = tpu.memref_slice %arg7[%dma_wait3A_692, %dma_wait3A_694, %dma_wait3A_695] : memref<3x80x128xf32, #tpu.memory_space<vmem>> -> memref<1x80x128xf32, #tpu.memory_space<vmem>>
    %dma_wait3A_697 = tpu.memref_squeeze %dma_wait3A_696 : memref<1x80x128xf32, #tpu.memory_space<vmem>> -> memref<80x128xf32, #tpu.memory_space<vmem>>
    %dma_wait3A_698 = arith.constant 0 : i32
    %dma_wait3A_699 = tpu.memref_slice %arg6[%add3A_674, %select_n3A_691, %dma_wait3A_698] : memref<4x25x80xi32, #tpu.memory_space<vmem>> -> memref<1x1x80xi32, #tpu.memory_space<vmem>>
    %dma_wait3A_700 = tpu.memref_squeeze %dma_wait3A_699 : memref<1x1x80xi32, #tpu.memory_space<vmem>> -> memref<80xi32, #tpu.memory_space<vmem>>
    %dma_wait3A_701 = arith.constant 0 : i32
    %dma_wait3A_702 = arith.constant 0 : i32
    %dma_wait3A_703 = tpu.memref_slice %arg8[%dma_wait3A_701, %dma_wait3A_702] : memref<10000x128xf32, #tpu.memory_space<vmem_shared>> -> memref<10000x128xf32, #tpu.memory_space<vmem_shared>>
    %dma_wait3A_704 = tpu.memref_slice %arg10[%dma_wait3A_693] : memref<3x!tpu.dma_semaphore, #tpu.memory_space<semaphore_mem>> -> memref<1x!tpu.dma_semaphore, #tpu.memory_space<semaphore_mem>>
    %dma_wait3A_705 = tpu.memref_squeeze %dma_wait3A_704 : memref<1x!tpu.dma_semaphore, #tpu.memory_space<semaphore_mem>> -> memref<!tpu.dma_semaphore, #tpu.memory_space<semaphore_mem>>
    tpu.wait_indirect_dma semaphore(%dma_wait3A_705 : memref<!tpu.dma_semaphore, #tpu.memory_space<semaphore_mem>>) src(%dma_wait3A_697 : memref<80x128xf32, #tpu.memory_space<vmem>>) dst(%dma_wait3A_703 : memref<10000x128xf32, #tpu.memory_space<vmem_shared>>)
    %barrier3A_706 = arith.constant 0 : index
    tpu.barrier barrier_id(%barrier3A_706)
    "tpu.region"() ({
      %run_scoped3A_712 = tpu.sem_alloc : memref<!tpu.dma_semaphore, #tpu.memory_space<semaphore_mem>>
      %dma_start3A_713 = arith.constant 0 : i32
      %dma_start3A_714 = tpu.memref_slice %arg5[%arg0, %mul3A_2, %dma_start3A_713] : memref<2x10000x128xf32, #tpu.memory_space<hbm>> -> memref<1x624x128xf32, #tpu.memory_space<hbm>>
      %dma_start3A_715 = tpu.memref_squeeze %dma_start3A_714 : memref<1x624x128xf32, #tpu.memory_space<hbm>> -> memref<624x128xf32, #tpu.memory_space<hbm>>
      %dma_start3A_716 = arith.constant 0 : i32
      %dma_start3A_717 = tpu.memref_slice %arg8[%mul3A_2, %dma_start3A_716] : memref<10000x128xf32, #tpu.memory_space<vmem_shared>> -> memref<624x128xf32, #tpu.memory_space<vmem_shared>>
      tpu.enqueue_dma source(%dma_start3A_717 : memref<624x128xf32, #tpu.memory_space<vmem_shared>>) target(%dma_start3A_715 : memref<624x128xf32, #tpu.memory_space<hbm>>) target_semaphore(%run_scoped3A_712 : memref<!tpu.dma_semaphore, #tpu.memory_space<semaphore_mem>>)
      %dma_wait3A_718 = arith.constant 0 : i32
      %dma_wait3A_719 = tpu.memref_slice %arg5[%arg0, %mul3A_2, %dma_wait3A_718] : memref<2x10000x128xf32, #tpu.memory_space<hbm>> -> memref<1x624x128xf32, #tpu.memory_space<hbm>>
      %dma_wait3A_720 = tpu.memref_squeeze %dma_wait3A_719 : memref<1x624x128xf32, #tpu.memory_space<hbm>> -> memref<624x128xf32, #tpu.memory_space<hbm>>
      %dma_wait3A_721 = arith.constant 0 : i32
      %dma_wait3A_722 = tpu.memref_slice %arg8[%mul3A_2, %dma_wait3A_721] : memref<10000x128xf32, #tpu.memory_space<vmem_shared>> -> memref<624x128xf32, #tpu.memory_space<vmem_shared>>
      tpu.wait_dma2 semaphore(%run_scoped3A_712 : memref<!tpu.dma_semaphore, #tpu.memory_space<semaphore_mem>>) src(%dma_wait3A_722 : memref<624x128xf32, #tpu.memory_space<vmem_shared>>) dst(%dma_wait3A_720 : memref<624x128xf32, #tpu.memory_space<hbm>>)
      tpu.yield
    }) : () -> ()
    %eq3A_707 = arith.constant 0 : i32
    %eq3A_708 = arith.cmpi eq, %arg1, %eq3A_707 : i32
    %convert_element_type3A_709 = arith.extui %eq3A_708 : i1 to i32
    %cond3A_710 = arith.constant 0 : i32
    %cond3A_711 = arith.cmpi ne, %convert_element_type3A_709, %cond3A_710 : i32
    scf.if %cond3A_711 {
      "tpu.region"() ({
        %run_scoped3A_712 = tpu.sem_alloc : memref<!tpu.dma_semaphore, #tpu.memory_space<semaphore_mem>>
        %dma_start3A_713 = arith.constant 9984 : i32
        %dma_start3A_714 = arith.constant 0 : i32
        %dma_start3A_715 = tpu.memref_slice %arg5[%arg0, %dma_start3A_713, %dma_start3A_714] : memref<2x10000x128xf32, #tpu.memory_space<hbm>> -> memref<1x16x128xf32, #tpu.memory_space<hbm>>
        %dma_start3A_716 = tpu.memref_squeeze %dma_start3A_715 : memref<1x16x128xf32, #tpu.memory_space<hbm>> -> memref<16x128xf32, #tpu.memory_space<hbm>>
        %dma_start3A_717 = arith.constant 9984 : i32
        %dma_start3A_718 = arith.constant 0 : i32
        %dma_start3A_719 = tpu.memref_slice %arg8[%dma_start3A_717, %dma_start3A_718] : memref<10000x128xf32, #tpu.memory_space<vmem_shared>> -> memref<16x128xf32, #tpu.memory_space<vmem_shared>>
        tpu.enqueue_dma source(%dma_start3A_719 : memref<16x128xf32, #tpu.memory_space<vmem_shared>>) target(%dma_start3A_716 : memref<16x128xf32, #tpu.memory_space<hbm>>) target_semaphore(%run_scoped3A_712 : memref<!tpu.dma_semaphore, #tpu.memory_space<semaphore_mem>>)
        %dma_wait3A_720 = arith.constant 9984 : i32
        %dma_wait3A_721 = arith.constant 0 : i32
        %dma_wait3A_722 = tpu.memref_slice %arg5[%arg0, %dma_wait3A_720, %dma_wait3A_721] : memref<2x10000x128xf32, #tpu.memory_space<hbm>> -> memref<1x16x128xf32, #tpu.memory_space<hbm>>
        %dma_wait3A_723 = tpu.memref_squeeze %dma_wait3A_722 : memref<1x16x128xf32, #tpu.memory_space<hbm>> -> memref<16x128xf32, #tpu.memory_space<hbm>>
        %dma_wait3A_724 = arith.constant 9984 : i32
        %dma_wait3A_725 = arith.constant 0 : i32
        %dma_wait3A_726 = tpu.memref_slice %arg8[%dma_wait3A_724, %dma_wait3A_725] : memref<10000x128xf32, #tpu.memory_space<vmem_shared>> -> memref<16x128xf32, #tpu.memory_space<vmem_shared>>
        tpu.wait_dma2 semaphore(%run_scoped3A_712 : memref<!tpu.dma_semaphore, #tpu.memory_space<semaphore_mem>>) src(%dma_wait3A_726 : memref<16x128xf32, #tpu.memory_space<vmem_shared>>) dst(%dma_wait3A_723 : memref<16x128xf32, #tpu.memory_space<hbm>>)
        tpu.yield
      }) : () -> ()
    } else {
    }
    return
  }
}

module attributes {stable_mosaic.version = 14 : i64} {
  func.func @_enc_body(%arg0: memref<10000x128xf32, #tpu.memory_space<vmem>>, %arg1: memref<128x128xf32, #tpu.memory_space<vmem>>, %arg2: memref<1x128xf32, #tpu.memory_space<vmem>>, %arg3: memref<32x10000xf32, #tpu.memory_space<vmem>>, %arg4: memref<10000x128xf32, #tpu.memory_space<vmem>>, %arg5: memref<10000x1xf32, #tpu.memory_space<vmem>>) attributes {dimension_semantics = [], scalar_prefetch = 0 : i64, scratch_operands = 0 : i64, tpu.core_type = #tpu.core_type<tc>} {
    %get3A = arith.constant 0 : index
    %get3A_0 = arith.constant 0 : index
    %get3A_1 = vector.load %arg3[%get3A, %get3A_0] : memref<32x10000xf32, #tpu.memory_space<vmem>>, vector<32x10000xf32>
    %reduce_sum3A = arith.constant dense<0.000000e+00> : vector<10000xf32>
    %reduce_sum3A_2 = vector.multi_reduction <add>, %get3A_1, %reduce_sum3A [0] : vector<32x10000xf32> to vector<10000xf32>
    %add3A = arith.constant 1.000000e+00 : f32
    %add3A_3 = vector.broadcast %add3A : f32 to vector<10000xf32>
    %add3A_4 = arith.addf %reduce_sum3A_2, %add3A_3 : vector<10000xf32>
    %pow3A = arith.constant -5.000000e-01 : f32
    %pow3A_5 = vector.broadcast %pow3A : f32 to vector<10000xf32>
    %pow3A_6 = math.powf %add3A_4, %pow3A_5 : vector<10000xf32>
    %get3A_7 = arith.constant 0 : index
    %get3A_8 = arith.constant 0 : index
    %get3A_9 = vector.load %arg0[%get3A_7, %get3A_8] : memref<10000x128xf32, #tpu.memory_space<vmem>>, vector<10000x128xf32>
    %get3A_10 = arith.constant 0 : index
    %get3A_11 = arith.constant 0 : index
    %get3A_12 = vector.load %arg1[%get3A_10, %get3A_11] : memref<128x128xf32, #tpu.memory_space<vmem>>, vector<128x128xf32>
    %dot_general3A = arith.constant dense<0.000000e+00> : vector<10000x128xf32>
    %dot_general3A_13 = tpu.matmul %get3A_9, %get3A_12, %dot_general3A {dimension_numbers = #tpu.dot_dimension_numbers<[1], [1], [0], [0], [0, 0, 1, 0], [], []>, precision = #tpu.contract_precision<fp32>, transpose_lhs_hint = false} : vector<10000x128xf32>, vector<128x128xf32>, vector<10000x128xf32> -> vector<10000x128xf32>
    %get3A_14 = arith.constant 0 : index
    %get3A_15 = arith.constant 0 : index
    %get3A_16 = vector.load %arg2[%get3A_14, %get3A_15] : memref<1x128xf32, #tpu.memory_space<vmem>>, vector<1x128xf32>
    %add3A_17 = vector.broadcast %get3A_16 : vector<1x128xf32> to vector<10000x128xf32>
    %add3A_18 = arith.addf %dot_general3A_13, %add3A_17 : vector<10000x128xf32>
    %max3A = arith.constant 0.000000e+00 : f32
    %max3A_19 = vector.broadcast %max3A : f32 to vector<10000x128xf32>
    %max3A_20 = arith.maximumf %add3A_18, %max3A_19 : vector<10000x128xf32>
    %broadcast_in_dim3A = vector.shape_cast %pow3A_6 : vector<10000xf32> to vector<10000x1xf32>
    %mul3A = vector.broadcast %broadcast_in_dim3A : vector<10000x1xf32> to vector<10000x128xf32>
    %mul3A_21 = arith.mulf %max3A_20, %mul3A : vector<10000x128xf32>
    %swap3A = arith.constant 0 : index
    %swap3A_22 = arith.constant 0 : index
    %swap3A_23 = vector.load %arg4[%swap3A, %swap3A_22] : memref<10000x128xf32, #tpu.memory_space<vmem>>, vector<10000x128xf32>
    tpu.vector_store %arg4[%swap3A, %swap3A_22], %mul3A_21 {strides = array<i32>} : memref<10000x128xf32, #tpu.memory_space<vmem>>, vector<10000x128xf32>,
    %broadcast_in_dim3A_24 = vector.shape_cast %pow3A_6 : vector<10000xf32> to vector<10000x1xf32>
    %swap3A_25 = arith.constant 0 : index
    %swap3A_26 = arith.constant 0 : index
    %swap3A_27 = vector.load %arg5[%swap3A_25, %swap3A_26] : memref<10000x1xf32, #tpu.memory_space<vmem>>, vector<10000x1xf32>
    tpu.vector_store %arg5[%swap3A_25, %swap3A_26], %broadcast_in_dim3A_24 {strides = array<i32>} : memref<10000x1xf32, #tpu.memory_space<vmem>>, vector<10000x1xf32>,
    return
  }
}

module attributes {stable_mosaic.version = 14 : i64} {
  func.func @_dec_body(%arg0: memref<2x10000x128xf32, #tpu.memory_space<vmem>>, %arg1: memref<10000x128xf32, #tpu.memory_space<vmem>>, %arg2: memref<10000x1xf32, #tpu.memory_space<vmem>>, %arg3: memref<1x128xf32, #tpu.memory_space<vmem>>, %arg4: memref<128x128xf32, #tpu.memory_space<vmem>>, %arg5: memref<1x128xf32, #tpu.memory_space<vmem>>, %arg6: memref<10000x128xf32, #tpu.memory_space<vmem>>) attributes {dimension_semantics = [], scalar_prefetch = 0 : i64, scratch_operands = 0 : i64, tpu.core_type = #tpu.core_type<tc>} {
    %get3A = arith.constant 0 : index
    %get3A_0 = arith.constant 0 : index
    %get3A_1 = arith.constant 0 : index
    %get3A_2 = vector.load %arg0[%get3A, %get3A_0, %get3A_1] : memref<2x10000x128xf32, #tpu.memory_space<vmem>>, vector<1x10000x128xf32>
    %get3A_3 = vector.shape_cast %get3A_2 : vector<1x10000x128xf32> to vector<10000x128xf32>
    %get3A_4 = arith.constant 1 : index
    %get3A_5 = arith.constant 0 : index
    %get3A_6 = arith.constant 0 : index
    %get3A_7 = vector.load %arg0[%get3A_4, %get3A_5, %get3A_6] : memref<2x10000x128xf32, #tpu.memory_space<vmem>>, vector<1x10000x128xf32>
    %get3A_8 = vector.shape_cast %get3A_7 : vector<1x10000x128xf32> to vector<10000x128xf32>
    %add3A = arith.addf %get3A_3, %get3A_8 : vector<10000x128xf32>
    %get3A_9 = arith.constant 0 : index
    %get3A_10 = arith.constant 0 : index
    %get3A_11 = vector.load %arg1[%get3A_9, %get3A_10] : memref<10000x128xf32, #tpu.memory_space<vmem>>, vector<10000x128xf32>
    %add3A_12 = arith.addf %add3A, %get3A_11 : vector<10000x128xf32>
    %get3A_13 = arith.constant 0 : index
    %get3A_14 = arith.constant 0 : index
    %get3A_15 = vector.load %arg2[%get3A_13, %get3A_14] : memref<10000x1xf32, #tpu.memory_space<vmem>>, vector<10000x1xf32>
    %mul3A = vector.broadcast %get3A_15 : vector<10000x1xf32> to vector<10000x128xf32>
    %mul3A_16 = arith.mulf %add3A_12, %mul3A : vector<10000x128xf32>
    %get3A_17 = arith.constant 0 : index
    %get3A_18 = arith.constant 0 : index
    %get3A_19 = vector.load %arg3[%get3A_17, %get3A_18] : memref<1x128xf32, #tpu.memory_space<vmem>>, vector<1x128xf32>
    %add3A_20 = vector.broadcast %get3A_19 : vector<1x128xf32> to vector<10000x128xf32>
    %add3A_21 = arith.addf %mul3A_16, %add3A_20 : vector<10000x128xf32>
    %get3A_22 = arith.constant 0 : index
    %get3A_23 = arith.constant 0 : index
    %get3A_24 = vector.load %arg4[%get3A_22, %get3A_23] : memref<128x128xf32, #tpu.memory_space<vmem>>, vector<128x128xf32>
    %dot_general3A = arith.constant dense<0.000000e+00> : vector<10000x128xf32>
    %dot_general3A_25 = tpu.matmul %add3A_21, %get3A_24, %dot_general3A {dimension_numbers = #tpu.dot_dimension_numbers<[1], [1], [0], [0], [0, 0, 1, 0], [], []>, precision = #tpu.contract_precision<fp32>, transpose_lhs_hint = false} : vector<10000x128xf32>, vector<128x128xf32>, vector<10000x128xf32> -> vector<10000x128xf32>
    %get3A_26 = arith.constant 0 : index
    %get3A_27 = arith.constant 0 : index
    %get3A_28 = vector.load %arg5[%get3A_26, %get3A_27] : memref<1x128xf32, #tpu.memory_space<vmem>>, vector<1x128xf32>
    %add3A_29 = vector.broadcast %get3A_28 : vector<1x128xf32> to vector<10000x128xf32>
    %add3A_30 = arith.addf %dot_general3A_25, %add3A_29 : vector<10000x128xf32>
    %logistic3A = arith.negf %add3A_30 : vector<10000x128xf32>
    %logistic3A_31 = math.exp %logistic3A : vector<10000x128xf32>
    %logistic3A_32 = arith.constant 1.000000e+00 : f32
    %logistic3A_33 = vector.broadcast %logistic3A_32 : f32 to vector<10000x128xf32>
    %logistic3A_34 = arith.addf %logistic3A_33, %logistic3A_31 : vector<10000x128xf32>
    %logistic3A_35 = arith.divf %logistic3A_33, %logistic3A_34 : vector<10000x128xf32>
    %swap3A = arith.constant 0 : index
    %swap3A_36 = arith.constant 0 : index
    %swap3A_37 = vector.load %arg6[%swap3A, %swap3A_36] : memref<10000x128xf32, #tpu.memory_space<vmem>>, vector<10000x128xf32>
    tpu.vector_store %arg6[%swap3A, %swap3A_36], %logistic3A_35 {strides = array<i32>} : memref<10000x128xf32, #tpu.memory_space<vmem>>, vector<10000x128xf32>,
    return
  }
}

</mosaic_0001>

<sc_bundles>
// kernel: kernel.6.cloned.1.call-start
scs
__scs_entry_jumppad:
0x0: {  	(pc) =	sbr.rel $0x88, $3  }
0x1: {  	(tag) =	ssettag $0x0;
	lr =	simm.s32 $0x1  }
0x2: {  	[smem:$0x3F9A] =	sst lr;
	_ =	strace $0xD0000000  }
0x3: {  	_ = 	snop  }
0x4: {  	_ = 	snop  }
0x5: {  	_ = 	snop  }
0x6: {  	_ = 	snop  }
0x7: {  	_ = 	snop  }
__scs_overlays_trampoline_lowered:
0x8: {  	[smem:$0x3FA9] =	sst s0  }
0x9: {  	[smem:$0x3FAA] =	sst s1  }
0xa: {  	[smem:$0x3FAB] =	sst s2  }
0xb: {  	[smem:$0x3FAC] =	sst s3  }
0xc: {  	[smem:$0x3FAD] =	sst s4  }
0xd: {  	[smem:$0x3FAE] =	sst s5  }
0xe: {  	[smem:$0x3FAF] =	sst s6  }
0xf: {  	[smem:$0x3FB0] =	sst s7  }
0x10: {  	[smem:$0x3FB1] =	sst s8  }
0x11: {  	[smem:$0x3FB2] =	sst s9;
	s0 =	simm.s32 @!p0 $0x0  }
0x12: {  	s1 =	sld [smem:$0x3F98];
	s0 =	simm.s32 @p0 $0x1  }
0x13: {  	[smem:$0x3FB3] =	sst s0;
	s0 =	simm.s32 @!p1 $0x0  }
0x14: {  	s2 =	sld [smem:$0x3F97];
	s0 =	simm.s32 @p1 $0x1  }
0x15: {  	[smem:$0x3FB4] =	sst s0;
	s0 =	simm.s32 @!p2 $0x0  }
0x16: {  	s3 =	sld [smem:$0x3FDB];
	s0 =	simm.s32 @p2 $0x1  }
0x17: {  	s4 =	simm.s32 $0x1BF5;
	[smem:$0x3FB6] =	sst s0  }
0x18: {  	s0 =	sld [smem:$0x3F99];
	_ =	swait.ge [sflag:s4], $0x0  }
0x19: {  	s7 =	sld [smem:$0x3F9A]  }
0x1a: {  	s8 =	sadd.s32 $0xFFFFE003, lr  }
0x1b: {  	s9 =	sadd.s32 $0xFFFFFEF7, lr;
	s5 =	simm.s32 $0xFFFFFFFF;
	p2 =	slt.u32 s8, $0xFFFFF086  }
0x1c: {  	p1 =	slt.u32 s9, $0xF7A;
	s5 =	simm.s32 @!p2 $0x0  }
0x1d: {  	s5 =	simm.s32 @p1 $0x1;
	p0 =	seq.s32 s7, s2  }
0x1e: {  	s7 =	smul.u32 @!p0 $0xF7A, s2;
	p2 =	seq.s32 @!p0 s5, $0x0  }
0x1f: {  	s9 =	smul.u32 $0xF7A, s1;
	s8 =	simm.s32 @!p0 $0x1BF5;
	p2 =	por !p2, p0  }
0x20: {  	[sflag:s8] =	ssyncset.s32 @!p0 $0xFFFFF086;
	s6 =	sadd.s32 @!p0 s3, s7;
	s7 =	simm.s32 @!p0 $0x108  }
0x21: {  	s3 =	sadd.s32 s3, s9;
	s6 =	sadd.s32 @!p0 $0x88, s6;
	s7 =	simm.s32 @p2 $0x1082  }
0x22: {  	[simem:s7], [sflag:s8] =	dma.local @!p0 [hbm:s6], $0xF7A  }
0x23: {  	s9 =	sor.u32 $0xD0000000, s2;
	s6 =	simm.s32 $0x108;
	_ =	swait.ge @!p0 [sflag:s8], $0x0  }
0x24: {  	s3 =	sadd.s32 $0x88, s3;
	s6 =	simm.s32 @!p1 $0x1082;
	[sflag:s4] =	ssyncset.s32 $0xFFFFF086  }
0x25: {  	[simem:s6], [sflag:s4] =	dma.local [hbm:s3], $0xF7A  }
0x26: {  	[smem:$0x3F9A] =	sst s1;
	(tag) =	ssettag s2;
	_ =	strace s9  }
0x27: {  	s1 =	sld [smem:$0x3FAA]  }
0x28: {  	s2 =	sld [smem:$0x3FAB]  }
0x29: {  	s4 =	sld [smem:$0x3FAD]  }
0x2a: {  	p0 =	seq.s32 s5, $0x0;
	s5 =	sld [smem:$0x3FAE]  }
0x2b: {  	s6 =	sld [smem:$0x3FAF]  }
0x2c: {  	s7 =	sld [smem:$0x3FB0]  }
0x2d: {  	s3 =	simm.s32 $0x108;
	s8 =	sld [smem:$0x3FB1]  }
0x2e: {  	s3 =	simm.s32 @!p0 $0x1082;
	s9 =	sld [smem:$0x3FB2]  }
0x2f: {  	lr =	sadd.s32 s0, s3;
	s0 =	sld [smem:$0x3FA9]  }
0x30: {  	s3 =	sld [smem:$0x3FAC]  }
0x31: {  	[smem:$0x3FB5] =	sst s10  }
0x32: {  	s10 =	sld [smem:$0x3FB3];
	_ =	sdelay $0x3  }
0x33: {  	p0 =	seq.s32 s10, $0x1;
	s10 =	sld [smem:$0x3FB5];
	_ =	sdelay $0x3  }
0x34: {  	[smem:$0x3FB5] =	sst s10  }
0x35: {  	s10 =	sld [smem:$0x3FB4];
	_ =	sdelay $0x3  }
0x36: {  	p1 =	seq.s32 s10, $0x1;
	s10 =	sld [smem:$0x3FB5];
	_ =	sdelay $0x3  }
0x37: {  	[smem:$0x3FB5] =	sst s10  }
0x38: {  	s10 =	sld [smem:$0x3FB6]  }
0x39: {  	_ = 	snop;
	(pc) =	sbr.ind lr, $3  }
0x3a: {  	_ = 	snop  }
0x3b: {  	_ = 	snop  }
0x3c: {  	p2 =	seq.s32 s10, $0x1;
	s10 =	sld [smem:$0x3FB5]  }
0x3d: {  	_ =	shalt  }
0x3e: {  	_ =	shalt  }
0x3f: {  	_ =	shalt  }
0x40: {  	_ =	shalt  }
0x41: {  	_ =	shalt  }
0x42: {  	_ =	shalt  }
0x43: {  	_ =	shalt  }
0x44: {  	_ =	shalt  }
0x45: {  	_ =	shalt  }
0x46: {  	_ =	shalt  }
0x47: {  	_ =	shalt  }
0x48: {  	_ =	shalt  }
0x49: {  	_ =	shalt  }
0x4a: {  	_ =	shalt  }
0x4b: {  	_ =	shalt  }
0x4c: {  	_ =	shalt  }
0x4d: {  	_ =	shalt  }
0x4e: {  	_ =	shalt  }
0x4f: {  	_ =	shalt  }
0x50: {  	_ =	shalt  }
0x51: {  	_ =	shalt  }
0x52: {  	_ =	shalt  }
0x53: {  	_ =	shalt  }
0x54: {  	_ =	shalt  }
0x55: {  	_ =	shalt  }
0x56: {  	_ =	shalt  }
0x57: {  	_ =	shalt  }
0x58: {  	_ =	shalt  }
0x59: {  	_ =	shalt  }
0x5a: {  	_ =	shalt  }
0x5b: {  	_ =	shalt  }
0x5c: {  	_ =	shalt  }
0x5d: {  	_ =	shalt  }
0x5e: {  	_ =	shalt  }
0x5f: {  	_ =	shalt  }
0x60: {  	_ =	shalt  }
0x61: {  	_ =	shalt  }
0x62: {  	_ =	shalt  }
0x63: {  	_ =	shalt  }
0x64: {  	_ =	shalt  }
0x65: {  	_ =	shalt  }
0x66: {  	_ =	shalt  }
0x67: {  	_ =	shalt  }
0x68: {  	_ =	shalt  }
0x69: {  	_ =	shalt  }
0x6a: {  	_ =	shalt  }
0x6b: {  	_ =	shalt  }
0x6c: {  	_ =	shalt  }
0x6d: {  	_ =	shalt  }
0x6e: {  	_ =	shalt  }
0x6f: {  	_ =	shalt  }
0x70: {  	_ =	shalt  }
0x71: {  	_ =	shalt  }
0x72: {  	_ =	shalt  }
0x73: {  	_ =	shalt  }
0x74: {  	_ =	shalt  }
0x75: {  	_ =	shalt  }
0x76: {  	_ =	shalt  }
0x77: {  	_ =	shalt  }
0x78: {  	_ =	shalt  }
0x79: {  	_ =	shalt  }
0x7a: {  	_ =	shalt  }
0x7b: {  	_ =	shalt  }
0x7c: {  	_ =	shalt  }
0x7d: {  	_ =	shalt  }
0x7e: {  	_ =	shalt  }
0x7f: {  	_ =	shalt  }
0x80: {  	_ =	shalt  }
0x81: {  	_ =	shalt  }
0x82: {  	_ =	shalt  }
0x83: {  	_ =	shalt  }
0x84: {  	_ =	shalt  }
0x85: {  	_ =	shalt  }
0x86: {  	_ =	shalt  }
0x87: {  	_ =	shalt  }
.Lfunc_end0:
.L_simem_size_0:
called_computation_lowered:
.L_overlay_start_0:
0x88: {  	s2 =	sld [smem:$0x3FD9]  }
0x89: {  	s3 =	sld [smem:$0x3FFE];
	_ =	sdelay $0x1  }
0x8a: {  	s1 =	srdreg.scid  }
0x8b: {  	s0 =	sand.u32 $0x1, s1  }
0x8c: {  	s17 =	sshll.u32 s0, $0xA;
	s2 =	sadd.s32 s3, s2  }
0x8d: {  	s2 =	sadd.s32 s2, s17  }
0x8e: {  	[smem:$0x3FC1] =	sst s2  }
0x8f: {  	_ = 	snop  }
0x90: {  	s2 =	sld [smem:$0x3FD0];
	(tm) =	ssettm $0x1  }
0x91: {  	s18 =	sld [smem:$0x3FFB];
	_ =	sdelay $0x3  }
0x92: {  	_ =	strace s18  }
0x93: {  	s3 =	sld [smem:$0x3FFC];
	_ =	sdelay $0x3  }
0x94: {  	_ =	strace s3  }
0x95: {  	s3 =	sld [smem:$0x3FFD];
	_ =	sdelay $0x3  }
0x96: {  	_ =	strace s3  }
0x97: {  	_ =	strace $0x8FFFFFFF  }
0x98: {  	s19 =	sld [smem:$0x3FDB];
	_ =	sdelay $0x1  }
0x99: {  	s4 =	simm.s32 $_scs_section_size  }
0x9a: {  	s5 =	simm.s32 $_size__tile_overlayer_lowered;
	s6 =	simm.s32 $_tile_overlayer_lowered  }
0x9b: {  	s22 =	simm.s32 $0x1BFF;
	s21 =	sshll.u32 s6, $0x1;
	s3 =	sadd.s32 s4, s19  }
0x9c: {  	s7 =	simm.s32 $0x0;
	s20 =	sshll.u32 s5, $0x1;
	s5 =	sadd.s32 s21, s3  }
0x9d: {  	[timem:s7], [sflag:s22] =	dma.local [hbm:s5], s20  }
0x9e: {  	_ =	swait.ge [sflag:s22], s20  }
0x9f: {  	s4 =	ssub.s32 $0x0, s20;
	[sflag:s22] =	ssyncset.done $0x0  }
0xa0: {  	[sflag:s22] =	ssyncadd.s32 s4;
	_ =	sdelay $0x1  }
0xa1: {  	s23 =	simm.s32 $0x1B8B  }
0xa2: {  	_ =	swait.ge [sflag:s23], $0x1  }
0xa3: {  	[sflag:s23] =	ssyncset.done $0x0  }
0xa4: {  	s25 =	simm.s32 $0x1B8E;
	s24 =	sld [smem:$0x3FFE];
	[sflag:s23] =	ssyncadd.s32 $0xFFFFFFFF  }
0xa5: {  	s26 =	simm.s32 $execute0_lowered;
	[smem:$0x3FD2] =	sst s25  }
0xa6: {  	s5 =	sshll.u32 s26, $0x1;
	_ =	strace $0x80000046;
	[dreg:$0x1] =	wrdreg $0xFFFFFFFF  }
0xa7: {  	s28 =	simm.s32 $_size_execute0_lowered;
	s3 =	sadd.s32 s3, s5;
	[dreg:$0x0] =	wrdreg $0x0  }
0xa8: {  	s5 =	sshll.u32 s28, $0x1;
	[dreg:$0x2] =	wrdreg s3  }
0xa9: {  	[dreg:$0x3] =	wrdreg s5  }
0xaa: {  	[dreg:$0x4] =	wrdreg $0xC0  }
0xab: {  	_ =	task [dreg:s7], $0x5FFFF  }
0xac: {  	[dreg:$0x1] =	wrdreg $0xFFFFFFFF  }
0xad: {  	[dreg:$0x0] =	wrdreg $0x60  }
0xae: {  	[dreg:$0x2] =	wrdreg s2  }
0xaf: {  	[dreg:$0x3] =	wrdreg s24  }
0xb0: {  	[dreg:$0x4] =	wrdreg $0x9  }
0xb1: {  	_ =	task.clear_ibuf [dreg:s7], $0x5FFFF;
	_ =	strace $0x90000046  }
0xb2: {  	s29 =	simm.s32 $0x9;
	_ =	strace $0x80000048  }
0xb3: {  	_ =	swait.ge [sflag:s29], $0x1  }
0xb4: {  	[sflag:s29] =	ssyncadd.s32 $0xFFFFFFFF  }
0xb5: {  	_ =	strace $0x90000048  }
0xb6: {  	_ =	sfence  }
0xb7: {  	s30 =	sld [smem:$0x0];
	_ =	sdelay $0x2  }
0xb8: {  	s31 =	sshll.u32 s1, $0xD;
	s1 =	sshrl.u32 s1, $0x2  }
0xb9: {  	s3 =	sand.u32 $0x4000, s31;
	s1 =	sadd.s32 s1, s30  }
0xba: {  	s0 =	sor.u32 s3, s0;
	s1 =	sshll.u32 s1, $0x11  }
0xbb: {  	s0 =	sor.u32 s1, s0  }
0xbc: {  	s0 =	sadd.s32 $0x8F2B, s0  }
0xbd: {  	[sflag:s0] =	ssyncadd.remote.s32 $0x1  }
0xbe: {  	_ =	sfence.sel $0xFFFF  }
0xbf: {  	[dreg:$0x0] =	wrdreg $0xFFFFFFFF;
	(pc) =	sbr.abs _section_cstart, $3  }
0xc0: {  	[dreg:$0x1] =	wrdreg $0xFFFFFFFF  }
0xc1: {  	_ =	task.clear_ibuf [dreg:s7], $0x2FFFF;
	_ =	strace $0x9FFFFFFF  }
0xc2: {  	(tm) =	ssettm $0x7FFFFFFF  }
0xc3: {  	_ =	shalt  }
tec
execute0_lowered:
.L_overlay_start_1:
0x0: {  	(tag) =	ssettag $0x1  }
0x1: {  	s0 =	srdreg.scid  }
0x2: {  	s3 =	sand.u32 $0x1, s0  }
0x3: {  	s4 =	rddreg [dreg:$0x0];
	s0 =	stileid.u32;
	s1 =	sshll.u32 s3, $0x4  }
0x4: {  	s6 =	rddreg [dreg:$0x1];
	s2 =	simm.s32 $0x0;
	s1 =	sor.u32 s0, s1  }
0x5: {  	s8 =	simm.s32 $0x1;
	s9 =	simm.s32 $0x2780;
	s1 =	sshrl.u32 s1, $0x3  }
0x6: {  	s10 =	simm.s32 $0x0;
	s30 =	sshll.u32 s0, $0x7;
	s5 =	smul.u32 $0x13C00, s1  }
0x7: {  	[smem:$0x7FF] =	sst s2;
	s3 =	ssub.s32 $0x2, s3;
	s7 =	sand.u32 $0x380, s30  }
0x8: {  	s31 =	sshrl.u32 s3, $0x1;
	s1 =	rddreg [dreg:$0x2];
	s5 =	sor.u32 s7, s5  }
0x9: {  	_ =	strace $0x80000047;
	s7 =	ssub.s32 s3, s31;
	s5 =	sshrl.u32 s5, $0x3  }
0xa: {  	s6 =	sadd.s32 s5, s6;
	s3 =	sadd.s32 s4, s5;
	s5 =	smax.u32 s7, $0x1  }
0xb: {  	v0 =	vimm.f32 $0.0e+00;
	v1 =	vimm.f32 $1.000000000e+00;
	s7 =	simm.s32 $0x400;
	s4 =	sadd.s32 $0x2200, s6;
	s6 =	simm.s32 $0x80  }
.LBB2_1:
0xc: {  	[tilespmem:s2], [sflag:$0x1] =	stream.strided.gather [hbm4b:s3+s6], $0x2780, s7, s6, $0x38;
	[tilespmem:$0x4F00] =	vst v63  }
0xd: {  	_ =	swait.ge [sflag:s8], $0x2780  }
0xe: {  	[sflag:s8] =	ssyncset.done $0x0  }
0xf: {  	s11 =	simm.s32 $0x0;
	[sflag:s8] =	ssyncadd.s32 $0xFFFFD880  }
.LBB2_2:
0x10: {  	p0 =	sne.s32 s11, $0x9C00  }
.Ltmp0:
0x11: {  	_ = 	snop;
	(pc) =	sbr.rel @p0 .LBB2_2-.Ltmp0, $3  }
0x12: {  	_ =	sdelay $0x1  }
0x13: {  	s12 =	sshra.s32 s11, $0x2  }
0x14: {  	s11 =	sadd.s32 $0x40, s11;
	[tilespmem:s12+$0x2780] =	vst v0  }
0x15: {  	s12 =	simm.s32 $0x0;
	s11 =	simm.s32 $0x40  }
.LBB2_4:
0x16: {  	p0 =	sne.s32 s11, $0x9C00;
	v2 =	vld [tilespmem:s12+$0x0];
	_ =	sdelay $0x3  }
.Ltmp1:
0x17: {  	(pc) =	sbr.rel @p0 .LBB2_4-.Ltmp1, $2  }
0x18: {  	_ =	sdelay $0x2  }
0x19: {  	s12 =	sshra.s32 s11, $0x2;
	s11 =	sadd.s32 $0x40, s11;
	[tilespmem:v2+s9+$0x0] =	vst.idx.add.f32.msk $0xffff, v1  }
0x1a: {  	v2 =	vld [tilespmem:s12+$0x0];
	_ =	sdelay $0x5  }
0x1b: {  	s10 =	sadd.s32 $0x1, s10  }
0x1c: {  	p0 =	sne.s32 s10, s5  }
.Ltmp2:
0x1d: {  	[tilespmem:v2+s9+$0x0] =	vst.idx.add.f32.msk $0xffff, v1;
	(pc) =	sbr.rel @p0 .LBB2_1-.Ltmp2, $4  }
0x1e: {  	[hbm4b:s4+s6] =	stream.strided.scatter [tilespmem:s9], [sflag:$0x1], $0x2780, s7, s6, $0x38;
	[tilespmem:$0x4F00] =	vst v63  }
0x1f: {  	_ =	swait.ge [sflag:s8], $0x2780  }
0x20: {  	[sflag:s8] =	ssyncset.done $0x0  }
0x21: {  	[sflag:s8] =	ssyncadd.s32 $0xFFFFD880  }
0x22: {  	_ =	sfence.sel $0x180000  }
0x23: {  	[bflag:$0x0] =	sbarrier.arrive $0xFFFF  }
0x24: {  	p0 =	sne.s32 s0, $0x0;
	_ =	strace $0x90000047  }
0x25: {  	s0 =	sadd.s32 @!p0 $0x100000, s1;
	[bflag:$0x2] =	sbarrier.arrive $0xFFFF  }
0x26: {  	[sflag:s0] =	ssyncadd.tile.s32 @!p0 $0x1;
	_ =	shalt  }
.Lfunc_end2:
_tile_overlayer_lowered:
.L_overlay_start_2:
0x27: {  	(tag) =	ssettag $0x2  }
0x28: {  	s0 =	rddreg [dreg:$0x0];
	s2 =	stileid.u32  }
0x29: {  	s1 =	rddreg [dreg:$0x1];
	p0 =	sne.s32 s2, $0x0  }
0x2a: {  	s3 =	rddreg [dreg:$0x2];
	[bflag:$0x3] =	sbarrier.arrive $0xFFFF;
	s2 =	simm.s32 @!p0 $0x1C01  }
0x2b: {  	[timem:s3], [sflag:s2] =	dma.local @!p0 [hbm:s0], s1  }
0x2c: {  	s0 =	simm.s32 @!p0 $0x1  }
0x2d: {  	_ =	swait.ge @!p0 [sflag:s0], s1  }
0x2e: {  	s1 =	ssub.s32 @!p0 $0x0, s1;
	[sflag:s0] =	ssyncset.done @!p0 $0x0  }
0x2f: {  	[sflag:s0] =	ssyncadd.s32 @!p0 s1  }
0x30: {  	[bflag:$0x3] =	sbarrier.arrive $0xFFFF  }
0x31: {  	_ =	shalt  }

// kernel: kernel.9.cloned.1.call-start
scs
__scs_entry_jumppad:
0x0: {  	(pc) =	sbr.rel $0x88, $3  }
0x1: {  	(tag) =	ssettag $0x0;
	lr =	simm.s32 $0x1  }
0x2: {  	[smem:$0x3F9A] =	sst lr;
	_ =	strace $0xD0000000  }
0x3: {  	_ = 	snop  }
0x4: {  	_ = 	snop  }
0x5: {  	_ = 	snop  }
0x6: {  	_ = 	snop  }
0x7: {  	_ = 	snop  }
__scs_overlays_trampoline_lowered:
0x8: {  	[smem:$0x3FA9] =	sst s0  }
0x9: {  	[smem:$0x3FAA] =	sst s1  }
0xa: {  	[smem:$0x3FAB] =	sst s2  }
0xb: {  	[smem:$0x3FAC] =	sst s3  }
0xc: {  	[smem:$0x3FAD] =	sst s4  }
0xd: {  	[smem:$0x3FAE] =	sst s5  }
0xe: {  	[smem:$0x3FAF] =	sst s6  }
0xf: {  	[smem:$0x3FB0] =	sst s7  }
0x10: {  	[smem:$0x3FB1] =	sst s8  }
0x11: {  	[smem:$0x3FB2] =	sst s9;
	s0 =	simm.s32 @!p0 $0x0  }
0x12: {  	s1 =	sld [smem:$0x3F98];
	s0 =	simm.s32 @p0 $0x1  }
0x13: {  	[smem:$0x3FB3] =	sst s0;
	s0 =	simm.s32 @!p1 $0x0  }
0x14: {  	s2 =	sld [smem:$0x3F97];
	s0 =	simm.s32 @p1 $0x1  }
0x15: {  	[smem:$0x3FB4] =	sst s0;
	s0 =	simm.s32 @!p2 $0x0  }
0x16: {  	s3 =	sld [smem:$0x3FDB];
	s0 =	simm.s32 @p2 $0x1  }
0x17: {  	s4 =	simm.s32 $0x1BF5;
	[smem:$0x3FB6] =	sst s0  }
0x18: {  	s0 =	sld [smem:$0x3F99];
	_ =	swait.ge [sflag:s4], $0x0  }
0x19: {  	s7 =	sld [smem:$0x3F9A]  }
0x1a: {  	s8 =	sadd.s32 $0xFFFFE003, lr  }
0x1b: {  	s9 =	sadd.s32 $0xFFFFFEF7, lr;
	s5 =	simm.s32 $0xFFFFFFFF;
	p2 =	slt.u32 s8, $0xFFFFF086  }
0x1c: {  	p1 =	slt.u32 s9, $0xF7A;
	s5 =	simm.s32 @!p2 $0x0  }
0x1d: {  	s5 =	simm.s32 @p1 $0x1;
	p0 =	seq.s32 s7, s2  }
0x1e: {  	s7 =	smul.u32 @!p0 $0xF7A, s2;
	p2 =	seq.s32 @!p0 s5, $0x0  }
0x1f: {  	s9 =	smul.u32 $0xF7A, s1;
	s8 =	simm.s32 @!p0 $0x1BF5;
	p2 =	por !p2, p0  }
0x20: {  	[sflag:s8] =	ssyncset.s32 @!p0 $0xFFFFF086;
	s6 =	sadd.s32 @!p0 s3, s7;
	s7 =	simm.s32 @!p0 $0x108  }
0x21: {  	s3 =	sadd.s32 s3, s9;
	s6 =	sadd.s32 @!p0 $0x88, s6;
	s7 =	simm.s32 @p2 $0x1082  }
0x22: {  	[simem:s7], [sflag:s8] =	dma.local @!p0 [hbm:s6], $0xF7A  }
0x23: {  	s9 =	sor.u32 $0xD0000000, s2;
	s6 =	simm.s32 $0x108;
	_ =	swait.ge @!p0 [sflag:s8], $0x0  }
0x24: {  	s3 =	sadd.s32 $0x88, s3;
	s6 =	simm.s32 @!p1 $0x1082;
	[sflag:s4] =	ssyncset.s32 $0xFFFFF086  }
0x25: {  	[simem:s6], [sflag:s4] =	dma.local [hbm:s3], $0xF7A  }
0x26: {  	[smem:$0x3F9A] =	sst s1;
	(tag) =	ssettag s2;
	_ =	strace s9  }
0x27: {  	s1 =	sld [smem:$0x3FAA]  }
0x28: {  	s2 =	sld [smem:$0x3FAB]  }
0x29: {  	s4 =	sld [smem:$0x3FAD]  }
0x2a: {  	p0 =	seq.s32 s5, $0x0;
	s5 =	sld [smem:$0x3FAE]  }
0x2b: {  	s6 =	sld [smem:$0x3FAF]  }
0x2c: {  	s7 =	sld [smem:$0x3FB0]  }
0x2d: {  	s3 =	simm.s32 $0x108;
	s8 =	sld [smem:$0x3FB1]  }
0x2e: {  	s3 =	simm.s32 @!p0 $0x1082;
	s9 =	sld [smem:$0x3FB2]  }
0x2f: {  	lr =	sadd.s32 s0, s3;
	s0 =	sld [smem:$0x3FA9]  }
0x30: {  	s3 =	sld [smem:$0x3FAC]  }
0x31: {  	[smem:$0x3FB5] =	sst s10  }
0x32: {  	s10 =	sld [smem:$0x3FB3];
	_ =	sdelay $0x3  }
0x33: {  	p0 =	seq.s32 s10, $0x1;
	s10 =	sld [smem:$0x3FB5];
	_ =	sdelay $0x3  }
0x34: {  	[smem:$0x3FB5] =	sst s10  }
0x35: {  	s10 =	sld [smem:$0x3FB4];
	_ =	sdelay $0x3  }
0x36: {  	p1 =	seq.s32 s10, $0x1;
	s10 =	sld [smem:$0x3FB5];
	_ =	sdelay $0x3  }
0x37: {  	[smem:$0x3FB5] =	sst s10  }
0x38: {  	s10 =	sld [smem:$0x3FB6]  }
0x39: {  	_ = 	snop;
	(pc) =	sbr.ind lr, $3  }
0x3a: {  	_ = 	snop  }
0x3b: {  	_ = 	snop  }
0x3c: {  	p2 =	seq.s32 s10, $0x1;
	s10 =	sld [smem:$0x3FB5]  }
0x3d: {  	_ =	shalt  }
0x3e: {  	_ =	shalt  }
0x3f: {  	_ =	shalt  }
0x40: {  	_ =	shalt  }
0x41: {  	_ =	shalt  }
0x42: {  	_ =	shalt  }
0x43: {  	_ =	shalt  }
0x44: {  	_ =	shalt  }
0x45: {  	_ =	shalt  }
0x46: {  	_ =	shalt  }
0x47: {  	_ =	shalt  }
0x48: {  	_ =	shalt  }
0x49: {  	_ =	shalt  }
0x4a: {  	_ =	shalt  }
0x4b: {  	_ =	shalt  }
0x4c: {  	_ =	shalt  }
0x4d: {  	_ =	shalt  }
0x4e: {  	_ =	shalt  }
0x4f: {  	_ =	shalt  }
0x50: {  	_ =	shalt  }
0x51: {  	_ =	shalt  }
0x52: {  	_ =	shalt  }
0x53: {  	_ =	shalt  }
0x54: {  	_ =	shalt  }
0x55: {  	_ =	shalt  }
0x56: {  	_ =	shalt  }
0x57: {  	_ =	shalt  }
0x58: {  	_ =	shalt  }
0x59: {  	_ =	shalt  }
0x5a: {  	_ =	shalt  }
0x5b: {  	_ =	shalt  }
0x5c: {  	_ =	shalt  }
0x5d: {  	_ =	shalt  }
0x5e: {  	_ =	shalt  }
0x5f: {  	_ =	shalt  }
0x60: {  	_ =	shalt  }
0x61: {  	_ =	shalt  }
0x62: {  	_ =	shalt  }
0x63: {  	_ =	shalt  }
0x64: {  	_ =	shalt  }
0x65: {  	_ =	shalt  }
0x66: {  	_ =	shalt  }
0x67: {  	_ =	shalt  }
0x68: {  	_ =	shalt  }
0x69: {  	_ =	shalt  }
0x6a: {  	_ =	shalt  }
0x6b: {  	_ =	shalt  }
0x6c: {  	_ =	shalt  }
0x6d: {  	_ =	shalt  }
0x6e: {  	_ =	shalt  }
0x6f: {  	_ =	shalt  }
0x70: {  	_ =	shalt  }
0x71: {  	_ =	shalt  }
0x72: {  	_ =	shalt  }
0x73: {  	_ =	shalt  }
0x74: {  	_ =	shalt  }
0x75: {  	_ =	shalt  }
0x76: {  	_ =	shalt  }
0x77: {  	_ =	shalt  }
0x78: {  	_ =	shalt  }
0x79: {  	_ =	shalt  }
0x7a: {  	_ =	shalt  }
0x7b: {  	_ =	shalt  }
0x7c: {  	_ =	shalt  }
0x7d: {  	_ =	shalt  }
0x7e: {  	_ =	shalt  }
0x7f: {  	_ =	shalt  }
0x80: {  	_ =	shalt  }
0x81: {  	_ =	shalt  }
0x82: {  	_ =	shalt  }
0x83: {  	_ =	shalt  }
0x84: {  	_ =	shalt  }
0x85: {  	_ =	shalt  }
0x86: {  	_ =	shalt  }
0x87: {  	_ =	shalt  }
.Lfunc_end0:
.L_simem_size_0:
called_computation.1_lowered:
.L_overlay_start_0:
0x88: {  	s2 =	sld [smem:$0x3FD9]  }
0x89: {  	s3 =	sld [smem:$0x3FFE];
	_ =	sdelay $0x1  }
0x8a: {  	s1 =	srdreg.scid  }
0x8b: {  	s0 =	sand.u32 $0x1, s1  }
0x8c: {  	s17 =	sshll.u32 s0, $0xA;
	s2 =	sadd.s32 s3, s2  }
0x8d: {  	s2 =	sadd.s32 s2, s17  }
0x8e: {  	[smem:$0x3FC1] =	sst s2  }
0x8f: {  	_ = 	snop  }
0x90: {  	s2 =	sld [smem:$0x3FD0];
	(tm) =	ssettm $0x1  }
0x91: {  	s18 =	sld [smem:$0x3FFB];
	_ =	sdelay $0x3  }
0x92: {  	_ =	strace s18  }
0x93: {  	s3 =	sld [smem:$0x3FFC];
	_ =	sdelay $0x3  }
0x94: {  	_ =	strace s3  }
0x95: {  	s3 =	sld [smem:$0x3FFD];
	_ =	sdelay $0x3  }
0x96: {  	_ =	strace s3  }
0x97: {  	_ =	strace $0x8FFFFFFF  }
0x98: {  	s19 =	sld [smem:$0x3FDB];
	_ =	sdelay $0x1  }
0x99: {  	s4 =	simm.s32 $_scs_section_size  }
0x9a: {  	s5 =	simm.s32 $_size__tile_overlayer_lowered;
	s6 =	simm.s32 $_tile_overlayer_lowered  }
0x9b: {  	s22 =	simm.s32 $0x1BFF;
	s21 =	sshll.u32 s6, $0x1;
	s3 =	sadd.s32 s4, s19  }
0x9c: {  	s7 =	simm.s32 $0x0;
	s20 =	sshll.u32 s5, $0x1;
	s5 =	sadd.s32 s21, s3  }
0x9d: {  	[timem:s7], [sflag:s22] =	dma.local [hbm:s5], s20  }
0x9e: {  	_ =	swait.ge [sflag:s22], s20  }
0x9f: {  	s4 =	ssub.s32 $0x0, s20;
	[sflag:s22] =	ssyncset.done $0x0  }
0xa0: {  	[sflag:s22] =	ssyncadd.s32 s4;
	_ =	sdelay $0x1  }
0xa1: {  	s23 =	simm.s32 $0x1B8B  }
0xa2: {  	_ =	swait.ge [sflag:s23], $0x1  }
0xa3: {  	[sflag:s23] =	ssyncset.done $0x0  }
0xa4: {  	s25 =	simm.s32 $0x1B8E;
	s24 =	sld [smem:$0x3FFE];
	[sflag:s23] =	ssyncadd.s32 $0xFFFFFFFF  }
0xa5: {  	s26 =	simm.s32 $execute0_lowered;
	[smem:$0x3FD2] =	sst s25  }
0xa6: {  	s5 =	sshll.u32 s26, $0x1;
	_ =	strace $0x80000049;
	[dreg:$0x1] =	wrdreg $0xFFFFFFFF  }
0xa7: {  	s28 =	simm.s32 $_size_execute0_lowered;
	s3 =	sadd.s32 s3, s5;
	[dreg:$0x0] =	wrdreg $0x0  }
0xa8: {  	s5 =	sshll.u32 s28, $0x1;
	[dreg:$0x2] =	wrdreg s3  }
0xa9: {  	[dreg:$0x3] =	wrdreg s5  }
0xaa: {  	[dreg:$0x4] =	wrdreg $0xC0  }
0xab: {  	_ =	task [dreg:s7], $0x5FFFF  }
0xac: {  	[dreg:$0x1] =	wrdreg $0xFFFFFFFF  }
0xad: {  	[dreg:$0x0] =	wrdreg $0x60  }
0xae: {  	[dreg:$0x2] =	wrdreg s2  }
0xaf: {  	[dreg:$0x3] =	wrdreg s24  }
0xb0: {  	[dreg:$0x4] =	wrdreg $0xB8000  }
0xb1: {  	[dreg:$0x5] =	wrdreg $0x9  }
0xb2: {  	_ =	task.clear_ibuf [dreg:s7], $0x6FFFF;
	_ =	strace $0x90000049  }
0xb3: {  	s29 =	simm.s32 $0x9;
	_ =	strace $0x8000004B  }
0xb4: {  	_ =	swait.ge [sflag:s29], $0x1  }
0xb5: {  	[sflag:s29] =	ssyncadd.s32 $0xFFFFFFFF  }
0xb6: {  	_ =	strace $0x9000004B  }
0xb7: {  	_ =	sfence  }
0xb8: {  	s30 =	sld [smem:$0x0];
	_ =	sdelay $0x2  }
0xb9: {  	s31 =	sshll.u32 s1, $0xD;
	s1 =	sshrl.u32 s1, $0x2  }
0xba: {  	s3 =	sand.u32 $0x4000, s31;
	s1 =	sadd.s32 s1, s30  }
0xbb: {  	s0 =	sor.u32 s3, s0;
	s1 =	sshll.u32 s1, $0x11  }
0xbc: {  	s0 =	sor.u32 s1, s0  }
0xbd: {  	s0 =	sadd.s32 $0x8F2B, s0  }
0xbe: {  	[sflag:s0] =	ssyncadd.remote.s32 $0x1  }
0xbf: {  	_ =	sfence.sel $0xFFFF  }
0xc0: {  	[dreg:$0x0] =	wrdreg $0xFFFFFFFF;
	(pc) =	sbr.abs _section_cstart, $3  }
0xc1: {  	[dreg:$0x1] =	wrdreg $0xFFFFFFFF  }
0xc2: {  	_ =	task.clear_ibuf [dreg:s7], $0x2FFFF;
	_ =	strace $0x9FFFFFFF  }
0xc3: {  	(tm) =	ssettm $0x7FFFFFFF  }
tec
execute0_lowered:
.L_overlay_start_1:
0x0: {  	(tag) =	ssettag $0x1  }
0x1: {  	s0 =	rddreg [dreg:$0x1]  }
0x2: {  	s1 =	rddreg [dreg:$0x2];
	s3 =	srdreg.scid;
	s2 =	simm.s32 $0x0  }
0x3: {  	s12 =	stileid.u32;
	s3 =	sand.u32 $0x1, s3;
	[smem:$0x7FF] =	sst s2  }
0x4: {  	s5 =	sadd.s32 $0xC000, s0;
	s29 =	sadd.s32 $0x2200, s0;
	s11 =	smul.u32 $0x4E000, s12  }
0x5: {  	s10 =	sadd.s32 $0x34000, s0;
	s16 =	smul.u32 $0x13800, s12;
	s4 =	sshll.u32 s3, $0x4  }
0x6: {  	_ =	strace $0x8000004A;
	s13 =	smul.u32 $0x138800, s3;
	s4 =	sor.u32 s12, s4  }
0x7: {  	s8 =	ssub.s32 $0x2, s3;
	[dreg:$0x4] =	wrdreg s29;
	s7 =	smul.u32 $0x1400, s4  }
0x8: {  	s9 =	sshrl.u32 s8, $0x1;
	s17 =	sshrl.u32 s11, $0x2;
	s6 =	smul.u32 $0x5, s4  }
0x9: {  	s11 =	sadd.s32 $0x138000, s1;
	s4 =	smul.u32 $0xA000, s4;
	s8 =	ssub.s32 s8, s9  }
0xa: {  	s9 =	sadd.s32 $0xC200, s0;
	[dreg:$0xb] =	wrdreg s11;
	s22 =	smax.u32 s8, $0x1  }
0xb: {  	s0 =	sshrl.u32 s13, $0x3;
	s14 =	sadd.s32 s7, s9;
	[dreg:$0xe] =	wrdreg s22  }
0xc: {  	s0 =	sadd.s32 s10, s0;
	s30 =	sadd.s32 s5, s7;
	[dreg:$0x6] =	wrdreg s14  }
0xd: {  	s15 =	sshrl.u32 s4, $0x3;
	s0 =	sadd.s32 $0x27000, s0;
	[dreg:$0x5] =	wrdreg s30  }
0xe: {  	s2 =	sadd.s32 $0x400, s30;
	s3 =	sadd.s32 s5, s15;
	[dreg:$0xd] =	wrdreg s0  }
0xf: {  	p1 =	sne.s32 s12, $0x0;
	[dreg:$0x7] =	wrdreg s2;
	s18 =	sadd.s32 $0x600, s3  }
0x10: {  	s0 =	simm.s32 @!p1 $0x0;
	s2 =	sadd.s32 s17, s1;
	[dreg:$0x8] =	wrdreg s18  }
0x11: {  	s19 =	sadd.s32 s16, s13;
	s0 =	simm.s32 @p1 $0x1;
	[dreg:$0x9] =	wrdreg s2  }
0x12: {  	s3 =	sshrl.u32 s19, $0x3;
	s20 =	sadd.s32 $0x11800, s2;
	[smem:$0x7FD] =	sst s0  }
0x13: {  	s21 =	sadd.s32 s10, s3;
	[dreg:$0xa] =	wrdreg s20  }
0x14: {  	s23 =	sadd.s32 $0x2800, s2;
	[dreg:$0xc] =	wrdreg s21  }
0x15: {  	s24 =	sadd.s32 $0x5000, s2;
	[dreg:$0xf] =	wrdreg s23  }
0x16: {  	s25 =	sadd.s32 $0x7800, s2;
	[dreg:$0x10] =	wrdreg s24  }
0x17: {  	s31 =	simm.s32 $0x50;
	s26 =	sadd.s32 $0xA000, s2;
	[dreg:$0x11] =	wrdreg s25  }
0x18: {  	s28 =	simm.s32 $0x2;
	s29 =	sadd.s32 $0xC800, s2;
	[dreg:$0x12] =	wrdreg s26  }
0x19: {  	s13 =	simm.s32 $0x6800;
	s30 =	sadd.s32 $0xF000, s2;
	[dreg:$0x13] =	wrdreg s29  }
0x1a: {  	s4 =	simm.s32 $0x8;
	s3 =	simm.s32 $0x0;
	[dreg:$0x14] =	wrdreg s30  }
.LBB2_1:
0x1b: {  	[dreg:$0x15] =	wrdreg s3  }
0x1c: {  	s1 =	simm.s32 $0x0;
	s0 =	rddreg [dreg:$0x4];
	s29 =	simm.s32 $0x9000  }
0x1d: {  	[tilespmem:s29], [sflag:$0x8] =	stream.linear.gather [hbm4b:s0+s1], $0x2800, $0x38;
	[tilespmem:$0x1F080] =	vst v63  }
0x1e: {  	_ =	swait.ge [sflag:s4], $0x2800  }
0x1f: {  	[sflag:s4] =	ssyncset.done $0x0  }
0x20: {  	s30 =	rddreg [dreg:$0x5];
	[sflag:s4] =	ssyncadd.s32 $0xFFFFD800  }
0x21: {  	[tilespmem:s1], [sflag:$0x8] =	stream.linear.gather [hbm4b:s30+s1], $0xC80, $0x38;
	[tilespmem:$0x1F080] =	vst v63  }
0x22: {  	_ =	swait.ge [sflag:s4], $0xC80  }
0x23: {  	[sflag:s4] =	ssyncset.done $0x0  }
0x24: {  	s8 =	simm.s32 $0x1000;
	s7 =	rddreg [dreg:$0x6];
	[sflag:s4] =	ssyncadd.s32 $0xFFFFF380  }
0x25: {  	[tilespmem:s8], [sflag:$0x8] =	stream.linear.gather [hbm4b:s7+s1], $0xC80, $0x38;
	[tilespmem:$0x1F080] =	vst v63  }
0x26: {  	_ =	swait.ge [sflag:s4], $0xC80  }
0x27: {  	[sflag:s4] =	ssyncset.done $0x0  }
0x28: {  	s12 =	simm.s32 $0x2000;
	s10 =	rddreg [dreg:$0x7];
	[sflag:s4] =	ssyncadd.s32 $0xFFFFF380  }
0x29: {  	[tilespmem:s12], [sflag:$0x7] =	stream.linear.gather [hbm4b:s10+s1], $0xC80, $0x38;
	[tilespmem:$0x1F080] =	vst v63  }
0x2a: {  	s15 =	simm.s32 $0x3000;
	s14 =	rddreg [dreg:$0x8]  }
0x2b: {  	[tilespmem:s15], [sflag:$0x7] =	stream.linear.gather [hbm4b:s14+s1], $0xC80, $0x38;
	[tilespmem:$0x1F080] =	vst v63  }
0x2c: {  	s7 =	simm.s32 $0x4000;
	s16 =	rddreg [dreg:$0x0]  }
0x2d: {  	[tilespmem:s7], [sflag:$0x1] =	stream.indirect.gather [hbm4b:s16+s31], $0x80, s1, s31, $0xb8;
	[tilespmem:$0x1F080] =	vst v63  }
0x2e: {  	s17 =	simm.s32 $0x80  }
0x2f: {  	[tilespmem:s13], [sflag:$0x2] =	stream.indirect.gather [hbm4b:s16+s31], $0x80, s17, s31, $0xb8;
	[tilespmem:$0x1F080] =	vst v63  }
0x30: {  	_ = 	snop  }
0x31: {  	[spmem:s2] =	stream.linear.scatter [tilespmem:s29], [sflag:$0x8], $0x2800, $0x38;
	[tilespmem:$0x1F080] =	vst v63  }
0x32: {  	_ =	swait.ge [sflag:s4], $0x2800  }
0x33: {  	[sflag:s4] =	ssyncset.done $0x0  }
0x34: {  	s18 =	rddreg [dreg:$0xf];
	[sflag:s4] =	ssyncadd.s32 $0xFFFFD800  }
0x35: {  	[spmem:s18] =	stream.linear.scatter [tilespmem:s29], [sflag:$0x8], $0x2800, $0x38;
	[tilespmem:$0x1F080] =	vst v63  }
0x36: {  	_ =	swait.ge [sflag:s4], $0x2800  }
0x37: {  	[sflag:s4] =	ssyncset.done $0x0  }
0x38: {  	s19 =	rddreg [dreg:$0x10];
	[sflag:s4] =	ssyncadd.s32 $0xFFFFD800  }
0x39: {  	[spmem:s19] =	stream.linear.scatter [tilespmem:s29], [sflag:$0x8], $0x2800, $0x38;
	[tilespmem:$0x1F080] =	vst v63  }
0x3a: {  	_ =	swait.ge [sflag:s4], $0x2800  }
0x3b: {  	[sflag:s4] =	ssyncset.done $0x0  }
0x3c: {  	s20 =	rddreg [dreg:$0x11];
	[sflag:s4] =	ssyncadd.s32 $0xFFFFD800  }
0x3d: {  	[spmem:s20] =	stream.linear.scatter [tilespmem:s29], [sflag:$0x8], $0x2800, $0x38;
	[tilespmem:$0x1F080] =	vst v63  }
0x3e: {  	_ =	swait.ge [sflag:s4], $0x2800  }
0x3f: {  	[sflag:s4] =	ssyncset.done $0x0  }
0x40: {  	s21 =	rddreg [dreg:$0x12];
	[sflag:s4] =	ssyncadd.s32 $0xFFFFD800  }
0x41: {  	[spmem:s21] =	stream.linear.scatter [tilespmem:s29], [sflag:$0x8], $0x2800, $0x38;
	[tilespmem:$0x1F080] =	vst v63  }
0x42: {  	_ =	swait.ge [sflag:s4], $0x2800  }
0x43: {  	[sflag:s4] =	ssyncset.done $0x0  }
0x44: {  	s22 =	rddreg [dreg:$0x13];
	[sflag:s4] =	ssyncadd.s32 $0xFFFFD800  }
0x45: {  	[spmem:s22] =	stream.linear.scatter [tilespmem:s29], [sflag:$0x8], $0x2800, $0x38;
	[tilespmem:$0x1F080] =	vst v63  }
0x46: {  	p0 =	por $0x1, $0x1;
	_ =	swait.ge [sflag:s4], $0x2800  }
0x47: {  	s0 =	simm.s32 @!p1 $0x9000;
	s25 =	sand.u32 $0xFF, s1;
	[sflag:s4] =	ssyncset.done $0x0  }
0x48: {  	s14 =	simm.s32 $0x3;
	s23 =	rddreg [dreg:$0x14];
	[sflag:s4] =	ssyncadd.s32 $0xFFFFD800  }
0x49: {  	[spmem:s23] =	stream.linear.scatter [tilespmem:s29], [sflag:$0x8], $0x2800, $0x38;
	[tilespmem:$0x1F080] =	vst v63  }
0x4a: {  	s3 =	simm.s32 @!p0 $0x2;
	s15 =	sand.u32 $0xFF, s14;
	_ =	swait.ge [sflag:s4], $0x2800  }
0x4b: {  	s8 =	simm.s32 @!p1 $0x8;
	s15 =	smul.u32 $0x29, s15;
	[sflag:s4] =	ssyncset.done $0x0  }
0x4c: {  	s16 =	simm.s32 $0x1;
	s24 =	rddreg [dreg:$0xa];
	[sflag:s4] =	ssyncadd.s32 $0xFFFFD800  }
0x4d: {  	[spmem:s24] =	stream.linear.scatter [tilespmem:s29], [sflag:$0x8], $0x2000, $0x38;
	[tilespmem:$0x1F080] =	vst v63  }
0x4e: {  	s10 =	simm.s32 $0x1;
	s16 =	sand.u32 $0xFF, s16;
	_ =	swait.ge [sflag:s4], $0x2000  }
0x4f: {  	s15 =	sshrl.u32 s15, $0xA;
	s30 =	smul.u32 $0x29, s16;
	[sflag:s4] =	ssyncset.done $0x0  }
0x50: {  	s19 =	simm.s32 @!p0 $0x6;
	s23 =	smul.u32 $0x19, s15;
	[sflag:s4] =	ssyncadd.s32 $0xFFFFE000  }
0x51: {  	[spmem:s11] =	stream.linear.scatter @!p1 [tilespmem:s0], [sflag:$0x8], $0x800, $0x38;
	[tilespmem:$0x1F080] =	vst v63  }
0x52: {  	s0 =	smul.u32 $0x29, s25;
	s11 =	sand.u32 @!p0 $0xFF, s3;
	s3 =	simm.s32 @p0 $0x2  }
0x53: {  	s25 =	ssub.s32 $0x3, s23;
	_ =	swait.ge @!p1 [sflag:s8], $0x800;
	s11 =	smul.u32 @!p0 $0x29, s11  }
0x54: {  	s3 =	sand.u32 $0xFF, s3;
	[sflag:s8] =	ssyncset.done @!p1 $0x0;
	s12 =	sshrl.u32 s0, $0xA  }
0x55: {  	s0 =	sshll.u32 s0, $0x3;
	s3 =	smul.u32 $0x29, s3;
	[sflag:s8] =	ssyncadd.s32 @!p1 $0xFFFFF800  }
0x56: {  	s26 =	smul.u32 $0x19, s12;
	s11 =	sshrl.u32 @!p0 s11, $0xA;
	s0 =	sand.u32 $0x2000, s0  }
0x57: {  	s11 =	smul.u32 @!p0 $0x19, s11;
	s2 =	sshll.u32 s3, $0x3;
	s3 =	sshrl.u32 s3, $0xA  }
0x58: {  	[bflag:$0x0] =	sbarrier.arrive $0xFFFF;
	s8 =	ssub.s32 $0x0, s26;
	s18 =	sadd.s32 $0xFFFFFFFF, s3  }
0x59: {  	s16 =	sand.u32 $0x2000, s2;
	s29 =	sand.u32 $0xDF, s8;
	s11 =	ssub.s32 @!p0 $0x2, s11  }
0x5a: {  	s17 =	sand.u32 $0xFF, s8;
	s8 =	sshrl.u32 s30, $0xA;
	s13 =	sshll.u32 s29, $0x7  }
0x5b: {  	s11 =	sand.u32 @!p0 $0xFF, s11;
	p3 =	sne.s32 s17, $0x1;
	s4 =	smul.u32 $0x19, s8  }
0x5c: {  	s29 =	sshll.u32 s15, $0xD;
	p1 =	sne.s32 @!p0 s11, $0x0;
	s0 =	sor.u32 s13, s0  }
0x5d: {  	s13 =	sshll.u32 s30, $0x3;
	s15 =	sand.u32 $0x2000, s29;
	p2 =	por !p1, p0  }
0x5e: {  	s20 =	ssub.s32 $0x1, s4;
	s13 =	sand.u32 $0x2000, s13;
	s0 =	sor.u32 $0x1000, s0  }
0x5f: {  	p5 =	por p1, p0;
	s11 =	simm.s32 @p2 $0x0;
	s17 =	sand.u32 $0xDF, s20  }
0x60: {  	s24 =	sand.u32 $0xFF, s20;
	s11 =	simm.s32 @p0 $0x2;
	s22 =	sshll.u32 s17, $0x7  }
0x61: {  	p2 =	sne.s32 s11, $0x1;
	s11 =	sshll.u32 s11, $0x9;
	s22 =	sor.u32 s22, s13  }
0x62: {  	s13 =	simm.s32 @!p5 $0x7;
	p4 =	sgt.u32 @!p2 s18, $0x2;
	s11 =	sshrl.u32 s11, $0x2  }
0x63: {  	s18 =	sadd.s32 $0xFFFFFFFF, s12;
	s1 =	simm.s32 @!p4 $0x0;
	s17 =	sadd.s32 s11, s16  }
0x64: {  	s11 =	sand.u32 $0xFF, s25;
	s1 =	simm.s32 @p4 $0x1;
	p4 =	sgt.u32 @!p3 s18, $0x2  }
0x65: {  	s18 =	simm.s32 $0x4;
	s26 =	sshll.u32 s11, $0x7;
	[smem:$0x7FC] =	sst s1  }
0x66: {  	p3 =	por p4, p3;
	p4 =	sne.s32 s24, $0x1;
	_ =	swait.ge [sflag:s10], $0x2800  }
0x67: {  	s12 =	sadd.s32 @!p3 $0x1, s12;
	s25 =	simm.s32 @!p3 $0x0;
	[sflag:s10] =	ssyncset.done $0x0  }
0x68: {  	s21 =	sadd.s32 @!p3 s6, s12;
	s12 =	sshll.u32 @!p3 s12, $0xD;
	[sflag:s10] =	ssyncadd.s32 $0xFFFFD800  }
0x69: {  	s21 =	sshll.u32 @!p3 s21, $0xA;
	s20 =	sand.u32 @!p3 $0x2000, s12;
	s1 =	rddreg [dreg:$0x2]  }
0x6a: {  	[spmem:s1] =	stream.indirect.scatter.add.f32 [tilespmem:s7], [sflag:$0x4], $0x80, s0, s31, $0xb8;
	[tilespmem:$0x1F080] =	vst v63  }
0x6b: {  	s12 =	sor.u32 @!p3 $0x1000, s20;
	s23 =	sadd.s32 @!p3 s5, s21;
	_ =	swait.ge @!p0 [sflag:s19], $0x2800  }
0x6c: {  	s0 =	sadd.s32 $0xFFFFFFFF, s8;
	[sflag:s19] =	ssyncset.done @!p0 $0x0;
	s30 =	sld [smem:$0x7FC]  }
0x6d: {  	p6 =	sgt.u32 @!p4 s0, $0x2;
	s0 =	sadd.s32 @!p3 s21, s9;
	[sflag:s19] =	ssyncadd.s32 @!p0 $0xFFFFD800  }
0x6e: {  	s21 =	sand.u32 $0xFF, s18;
	p0 =	sne.s32 s11, $0x0;
	_ =	swait.ge @!p5 [sflag:s13], $0xC80  }
0x6f: {  	s11 =	sadd.s32 s26, s15;
	p1 =	seq.s32 s30, $0x1;
	[sflag:s13] =	ssyncset.done @!p5 $0x0  }
0x70: {  	s15 =	simm.s32 @!p0 $0x7;
	p1 =	por p1, p2;
	[sflag:s13] =	ssyncadd.s32 @!p5 $0xFFFFF380  }
0x71: {  	s16 =	simm.s32 @!p1 $0x0;
	s3 =	sadd.s32 @!p1 $0x1, s3;
	_ =	swait.ge @!p5 [sflag:s13], $0xC80  }
.LBB2_2:
0x72: {  	s26 =	sand.u32 $0xFF, s14;
	[sflag:s13] =	ssyncset.done @!p5 $0x0  }
0x73: {  	s19 =	smov.u32 s14;
	s7 =	smul.u32 $0x29, s21;
	s4 =	simm.s32 $0x9000  }
0x74: {  	s22 =	sor.u32 $0x1000, s22;
	[sflag:s13] =	ssyncadd.s32 @!p5 $0xFFFFF380;
	s10 =	smul.u32 $0x29, s26  }
0x75: {  	p2 =	seq.s32 s19, $0x0;
	s30 =	rddreg [dreg:$0x0];
	s13 =	sshrl.u32 s7, $0xA  }
0x76: {  	[tilespmem:s4], [sflag:$0x3] =	stream.indirect.gather [hbm4b:s30+s31], $0x80, s17, s31, $0xb8;
	[tilespmem:$0x1F080] =	vst v63  }
0x77: {  	s21 =	sadd.s32 @!p2 $0x2, s19;
	s26 =	smul.u32 $0x19, s13;
	s7 =	sshll.u32 s10, $0x3  }
0x78: {  	[tilespmem:s20], [sflag:$0x7] =	stream.linear.gather @!p3 [hbm4b:s23+s25], $0xC80, $0x38;
	[tilespmem:$0x1F080] =	vst v63  }
0x79: {  	s20 =	sshrl.u32 s10, $0xA;
	s2 =	ssub.s32 s18, s26;
	s10 =	simm.s32 $0x6800  }
0x7a: {  	s23 =	sand.u32 $0x2000, s7;
	s1 =	smul.u32 $0x19, s20;
	s26 =	sand.u32 $0xFF, s2  }
0x7b: {  	[tilespmem:s12], [sflag:$0x7] =	stream.linear.gather @!p3 [hbm4b:s0+s25], $0xC80, $0x38;
	[tilespmem:$0x1F080] =	vst v63  }
0x7c: {  	s0 =	sand.u32 @!p2 $0xFF, s21;
	p3 =	por p6, p4;
	_ =	swait.ge [sflag:s28], $0x2800  }
0x7d: {  	s29 =	ssub.s32 s19, s1;
	s1 =	simm.s32 $0x4;
	s0 =	smul.u32 @!p2 $0x29, s0  }
0x7e: {  	s8 =	sadd.s32 @!p3 $0x1, s8;
	[sflag:s28] =	ssyncset.done $0x0;
	s25 =	sand.u32 $0xDF, s29  }
0x7f: {  	[sflag:s28] =	ssyncadd.s32 $0xFFFFD800;
	s0 =	sshrl.u32 @!p2 s0, $0xA;
	s2 =	sshll.u32 s25, $0x7  }
0x80: {  	s28 =	rddreg [dreg:$0x2];
	s25 =	smul.u32 @!p2 $0x19, s0;
	s0 =	sadd.s32 $0x1000, s17  }
0x81: {  	[spmem:s28] =	stream.indirect.scatter.add.f32 [tilespmem:s10], [sflag:$0x5], $0x80, s22, s31, $0xb8;
	[tilespmem:$0x1F080] =	vst v63  }
0x82: {  	s23 =	sor.u32 s2, s23;
	s22 =	smov.u32 s21;
	_ =	swait.ge [sflag:s1], $0x2800  }
0x83: {  	s22 =	simm.s32 @p2 $0x2;
	s17 =	ssub.s32 @!p2 s21, s25;
	[sflag:s1] =	ssyncset.done $0x0  }
0x84: {  	s7 =	sand.u32 $0xFF, s22;
	s17 =	sand.u32 @!p2 $0xFF, s17;
	[sflag:s1] =	ssyncadd.s32 $0xFFFFD800  }
0x85: {  	s1 =	simm.s32 @!p3 $0x0;
	s21 =	smul.u32 $0x29, s7;
	p4 =	sne.s32 @!p2 s17, $0x0  }
0x86: {  	s7 =	simm.s32 $0x4000;
	_ =	swait.ge @!p0 [sflag:s15], $0xC80;
	s2 =	simm.s32 @!p4 $0x0  }
0x87: {  	[sflag:s15] =	ssyncset.done @!p0 $0x0;
	s2 =	simm.s32 @p4 $0x1;
	s12 =	sshll.u32 s21, $0x3  }
0x88: {  	p4 =	por !p4, p2;
	[sflag:s15] =	ssyncadd.s32 @!p0 $0xFFFFF380;
	[smem:$0x7F9] =	sst s2  }
0x89: {  	s21 =	sshrl.u32 s21, $0xA;
	s2 =	sshll.u32 @!p3 s8, $0xD;
	_ =	swait.ge @!p0 [sflag:s15], $0xC80  }
0x8a: {  	s8 =	sadd.s32 @!p3 s6, s8;
	s17 =	simm.s32 @p4 $0x0;
	[sflag:s15] =	ssyncset.done @!p0 $0x0  }
0x8b: {  	s17 =	simm.s32 @p2 $0x2;
	s8 =	sshll.u32 @!p3 s8, $0xA;
	[sflag:s15] =	ssyncadd.s32 @!p0 $0xFFFFF380  }
0x8c: {  	[tilespmem:s7], [sflag:$0x1] =	stream.indirect.gather [hbm4b:s30+s31], $0x80, s11, s31, $0xb8;
	[tilespmem:$0x1F080] =	vst v63  }
0x8d: {  	p0 =	sne.s32 s17, $0x1;
	s11 =	sand.u32 $0xFF, s29;
	s29 =	sadd.s32 $0xFFFFFFFF, s21  }
0x8e: {  	s2 =	sand.u32 @!p3 $0x2000, s2;
	s15 =	sadd.s32 @!p3 s5, s8;
	p5 =	sgt.u32 @!p0 s29, $0x2  }
0x8f: {  	[tilespmem:s2], [sflag:$0x7] =	stream.linear.gather @!p3 [hbm4b:s15+s1], $0xC80, $0x38;
	[tilespmem:$0x1F080] =	vst v63  }
0x90: {  	p6 =	sne.s32 s11, $0x1;
	s11 =	simm.s32 @!p5 $0x0  }
0x91: {  	s8 =	sadd.s32 @!p3 s8, s9;
	s11 =	simm.s32 @p5 $0x1  }
0x92: {  	s29 =	simm.s32 $0x3;
	s2 =	sor.u32 @!p3 $0x1000, s2;
	[smem:$0x7FA] =	sst s11  }
0x93: {  	[tilespmem:s2], [sflag:$0x7] =	stream.linear.gather @!p3 [hbm4b:s8+s1], $0xC80, $0x38;
	[tilespmem:$0x1F080] =	vst v63  }
0x94: {  	s24 =	sshll.u32 @!p1 s3, $0xD;
	s14 =	sadd.s32 $0x3, s14;
	_ =	swait.ge [sflag:s29], $0x2800  }
0x95: {  	s3 =	sadd.s32 @!p1 s6, s3;
	s18 =	sand.u32 $0xFF, s14;
	[sflag:s29] =	ssyncset.done $0x0  }
0x96: {  	s25 =	sadd.s32 $0x1, s19;
	s22 =	sshll.u32 @!p1 s3, $0xA;
	[sflag:s29] =	ssyncadd.s32 $0xFFFFD800  }
0x97: {  	[spmem:s28] =	stream.indirect.scatter.add.f32 [tilespmem:s4], [sflag:$0x6], $0x80, s0, s31, $0xb8;
	[tilespmem:$0x1F080] =	vst v63  }
0x98: {  	s3 =	sadd.s32 @!p1 s5, s22;
	s22 =	sadd.s32 @!p1 s22, s9;
	s4 =	simm.s32 $0x5  }
0x99: {  	p4 =	sne.s32 s26, $0x0;
	s15 =	sshll.u32 s13, $0xD;
	_ =	swait.ge [sflag:s4], $0x2800  }
0x9a: {  	s13 =	simm.s32 @!p4 $0x7;
	s8 =	sand.u32 $0xFF, s25;
	[sflag:s4] =	ssyncset.done $0x0  }
0x9b: {  	p5 =	sne.s32 s14, $0x7B;
	s1 =	smul.u32 $0x29, s8;
	[sflag:s4] =	ssyncadd.s32 $0xFFFFD800  }
0x9c: {  	s8 =	sshll.u32 s26, $0x7;
	s4 =	simm.s32 @!p5 $0x0;
	_ =	swait.ge @!p4 [sflag:s13], $0xC80  }
0x9d: {  	s26 =	sand.u32 $0x2000, s15;
	s4 =	simm.s32 @p5 $0x1;
	[sflag:s13] =	ssyncset.done @!p4 $0x0  }
0x9e: {  	s15 =	sadd.s32 $0xFFFFFFFF, s20;
	[smem:$0x7FB] =	sst s4;
	[sflag:s13] =	ssyncadd.s32 @!p4 $0xFFFFF380  }
0x9f: {  	s2 =	sand.u32 @!p1 $0x2000, s24;
	p3 =	sgt.u32 @!p6 s15, $0x2;
	_ =	swait.ge @!p4 [sflag:s13], $0xC80  }
0xa0: {  	s15 =	sor.u32 @!p1 $0x1000, s2;
	p3 =	por p3, p6;
	[sflag:s13] =	ssyncset.done @!p4 $0x0  }
0xa1: {  	s0 =	sadd.s32 s8, s26;
	s4 =	smul.u32 $0x29, s18;
	[sflag:s13] =	ssyncadd.s32 @!p4 $0xFFFFF380  }
0xa2: {  	[tilespmem:s10], [sflag:$0x2] =	stream.indirect.gather [hbm4b:s30+s31], $0x80, s0, s31, $0xb8;
	[tilespmem:$0x1F080] =	vst v63  }
0xa3: {  	s20 =	sadd.s32 @!p3 $0x1, s20;
	s18 =	sadd.s32 $0x4, s19;
	s19 =	sshrl.u32 s4, $0xA  }
0xa4: {  	[tilespmem:s2], [sflag:$0x7] =	stream.linear.gather @!p1 [hbm4b:s3+s16], $0xC80, $0x38;
	[tilespmem:$0x1F080] =	vst v63  }
0xa5: {  	s4 =	simm.s32 $0x1;
	s13 =	sshll.u32 @!p3 s20, $0xD;
	s10 =	sand.u32 $0x2000, s12  }
0xa6: {  	[tilespmem:s15], [sflag:$0x7] =	stream.linear.gather @!p1 [hbm4b:s22+s16], $0xC80, $0x38;
	[tilespmem:$0x1F080] =	vst v63  }
0xa7: {  	s12 =	sadd.s32 @!p3 s6, s20;
	s20 =	sshll.u32 s17, $0x9;
	_ =	swait.ge [sflag:s4], $0x2800  }
0xa8: {  	s11 =	simm.s32 @!p2 $0x6;
	s2 =	sshrl.u32 s20, $0x2;
	[sflag:s4] =	ssyncset.done $0x0  }
0xa9: {  	s20 =	sand.u32 @!p3 $0x2000, s13;
	s13 =	sor.u32 $0x1000, s23;
	[sflag:s4] =	ssyncadd.s32 $0xFFFFD800  }
0xaa: {  	[spmem:s28] =	stream.indirect.scatter.add.f32 [tilespmem:s7], [sflag:$0x4], $0x80, s13, s31, $0xb8;
	[tilespmem:$0x1F080] =	vst v63  }
0xab: {  	s8 =	sshrl.u32 s1, $0xA;
	_ =	swait.ge @!p2 [sflag:s11], $0x2800  }
0xac: {  	s30 =	smul.u32 $0x19, s19;
	s16 =	sshll.u32 s19, $0xD;
	s19 =	sld [smem:$0x7F9]  }
0xad: {  	s26 =	smul.u32 $0x19, s8;
	_ =	sdelay $0x1  }
0xae: {  	s24 =	ssub.s32 s25, s26;
	p5 =	seq.s32 s19, $0x1  }
0xaf: {  	s25 =	sand.u32 $0xDF, s24;
	[sflag:s11] =	ssyncset.done @!p2 $0x0;
	p5 =	por p5, p2  }
0xb0: {  	s17 =	sadd.s32 s2, s10;
	[sflag:s11] =	ssyncadd.s32 @!p2 $0xFFFFD800;
	s13 =	simm.s32 @!p5 $0x7  }
0xb1: {  	s2 =	sand.u32 $0xFF, s24;
	s24 =	sld [smem:$0x7FA];
	_ =	swait.ge @!p5 [sflag:s13], $0xC80  }
0xb2: {  	[sflag:s13] =	ssyncset.done @!p5 $0x0  }
0xb3: {  	[sflag:s13] =	ssyncadd.s32 @!p5 $0xFFFFF380  }
0xb4: {  	s1 =	sshll.u32 s1, $0x3;
	_ =	swait.ge @!p5 [sflag:s13], $0xC80  }
0xb5: {  	s1 =	sand.u32 $0x2000, s1;
	s10 =	ssub.s32 s14, s30;
	s30 =	sld [smem:$0x7FB]  }
0xb6: {  	s26 =	sshll.u32 s25, $0x7;
	s25 =	simm.s32 @!p3 $0x0;
	s0 =	sadd.s32 $0xFFFFFFFF, s8  }
0xb7: {  	s3 =	sshll.u32 @!p3 s12, $0xA;
	s12 =	sor.u32 @!p3 $0x1000, s20;
	p2 =	seq.s32 s24, $0x1  }
0xb8: {  	s22 =	sor.u32 s26, s1;
	p1 =	por p2, p0;
	p2 =	seq.s32 s30, $0x1  }
.Ltmp0:
0xb9: {  	p4 =	sne.s32 s2, $0x1;
	s1 =	sand.u32 $0xFF, s10;
	(pc) =	sbr.rel @p2 .LBB2_2-.Ltmp0, $4  }
0xba: {  	s23 =	sadd.s32 @!p3 s5, s3;
	p6 =	sgt.u32 @!p4 s0, $0x2;
	s15 =	sshll.u32 s1, $0x7  }
0xbb: {  	s26 =	sand.u32 $0x2000, s16;
	s0 =	sadd.s32 @!p3 s3, s9;
	s28 =	simm.s32 $0x2  }
0xbc: {  	s11 =	sadd.s32 s15, s26;
	p0 =	sne.s32 s1, $0x0;
	s16 =	simm.s32 @!p1 $0x0  }
0xbd: {  	s3 =	sadd.s32 @!p1 $0x1, s21;
	s15 =	simm.s32 @!p0 $0x7;
	s21 =	sand.u32 $0xFF, s18  }
0xbe: {  	[sflag:s13] =	ssyncset.done @!p5 $0x0  }
0xbf: {  	[sflag:s13] =	ssyncadd.s32 @!p5 $0xFFFFF380  }
0xc0: {  	s4 =	simm.s32 $0x9000;
	s13 =	rddreg [dreg:$0x0]  }
0xc1: {  	[tilespmem:s4], [sflag:$0x3] =	stream.indirect.gather [hbm4b:s13+s31], $0x80, s17, s31, $0xb8;
	[tilespmem:$0x1F080] =	vst v63  }
0xc2: {  	_ = 	snop  }
0xc3: {  	[tilespmem:s20], [sflag:$0x7] =	stream.linear.gather @!p3 [hbm4b:s23+s25], $0xC80, $0x38;
	[tilespmem:$0x1F080] =	vst v63  }
0xc4: {  	_ = 	snop  }
0xc5: {  	[tilespmem:s12], [sflag:$0x7] =	stream.linear.gather @!p3 [hbm4b:s0+s25], $0xC80, $0x38;
	[tilespmem:$0x1F080] =	vst v63  }
0xc6: {  	_ =	swait.ge [sflag:s28], $0x2800  }
0xc7: {  	[sflag:s28] =	ssyncset.done $0x0  }
0xc8: {  	s10 =	simm.s32 $0x6800;
	[sflag:s28] =	ssyncadd.s32 $0xFFFFD800  }
0xc9: {  	s14 =	simm.s32 $0x4;
	s25 =	sor.u32 $0x1000, s22;
	s26 =	rddreg [dreg:$0x2]  }
0xca: {  	[spmem:s26] =	stream.indirect.scatter.add.f32 [tilespmem:s10], [sflag:$0x5], $0x80, s25, s31, $0xb8;
	[tilespmem:$0x1F080] =	vst v63  }
0xcb: {  	_ =	swait.ge [sflag:s14], $0x2800  }
0xcc: {  	[sflag:s14] =	ssyncset.done $0x0  }
0xcd: {  	[sflag:s14] =	ssyncadd.s32 $0xFFFFD800  }
0xce: {  	_ =	swait.ge @!p0 [sflag:s15], $0xC80  }
0xcf: {  	[sflag:s15] =	ssyncset.done @!p0 $0x0  }
0xd0: {  	p2 =	por p6, p4;
	[sflag:s15] =	ssyncadd.s32 @!p0 $0xFFFFF380  }
0xd1: {  	s7 =	simm.s32 $0x4000;
	s0 =	sadd.s32 @!p2 $0x1, s8;
	_ =	swait.ge @!p0 [sflag:s15], $0xC80  }
0xd2: {  	s30 =	smul.u32 $0x29, s21;
	s1 =	sadd.s32 @!p2 s6, s0;
	[sflag:s15] =	ssyncset.done @!p0 $0x0  }
0xd3: {  	s0 =	sshll.u32 @!p2 s0, $0xD;
	s1 =	sshll.u32 @!p2 s1, $0xA;
	[sflag:s15] =	ssyncadd.s32 @!p0 $0xFFFFF380  }
0xd4: {  	[tilespmem:s7], [sflag:$0x1] =	stream.indirect.gather [hbm4b:s13+s31], $0x80, s11, s31, $0xb8;
	[tilespmem:$0x1F080] =	vst v63  }
0xd5: {  	s2 =	simm.s32 @!p2 $0x0;
	s0 =	sand.u32 @!p2 $0x2000, s0;
	s8 =	sadd.s32 @!p2 s5, s1  }
0xd6: {  	[tilespmem:s0], [sflag:$0x7] =	stream.linear.gather @!p2 [hbm4b:s8+s2], $0xC80, $0x38;
	[tilespmem:$0x1F080] =	vst v63  }
0xd7: {  	s1 =	sadd.s32 @!p2 s1, s9;
	s11 =	sshrl.u32 s30, $0xA;
	s0 =	sor.u32 @!p2 $0x1000, s0  }
0xd8: {  	[tilespmem:s0], [sflag:$0x7] =	stream.linear.gather @!p2 [hbm4b:s1+s2], $0xC80, $0x38;
	[tilespmem:$0x1F080] =	vst v63  }
0xd9: {  	s15 =	smul.u32 $0x19, s11;
	_ =	swait.ge [sflag:s29], $0x2800  }
0xda: {  	s17 =	sadd.s32 $0x1000, s17;
	[sflag:s29] =	ssyncset.done $0x0  }
0xdb: {  	s1 =	ssub.s32 s18, s15;
	s18 =	simm.s32 $0x5;
	[sflag:s29] =	ssyncadd.s32 $0xFFFFD800  }
0xdc: {  	[spmem:s26] =	stream.indirect.scatter.add.f32 [tilespmem:s4], [sflag:$0x6], $0x80, s17, s31, $0xb8;
	[tilespmem:$0x1F080] =	vst v63  }
0xdd: {  	s1 =	sand.u32 $0xFF, s1;
	_ =	swait.ge [sflag:s18], $0x2800  }
0xde: {  	p0 =	sne.s32 s1, $0x0;
	[sflag:s18] =	ssyncset.done $0x0  }
0xdf: {  	s2 =	simm.s32 @!p0 $0x7;
	[sflag:s18] =	ssyncadd.s32 $0xFFFFD800  }
0xe0: {  	_ =	swait.ge @!p0 [sflag:s2], $0xC80  }
0xe1: {  	[sflag:s2] =	ssyncset.done @!p0 $0x0  }
0xe2: {  	s0 =	sshll.u32 s11, $0xD;
	[sflag:s2] =	ssyncadd.s32 @!p0 $0xFFFFF380  }
0xe3: {  	s0 =	sand.u32 $0x2000, s0;
	s1 =	sshll.u32 s1, $0x7;
	_ =	swait.ge @!p0 [sflag:s2], $0xC80  }
0xe4: {  	s0 =	sadd.s32 s1, s0;
	s1 =	sadd.s32 @!p1 s6, s3;
	[sflag:s2] =	ssyncset.done @!p0 $0x0  }
0xe5: {  	s1 =	sshll.u32 @!p1 s1, $0xA;
	[sflag:s2] =	ssyncadd.s32 @!p0 $0xFFFFF380;
	s2 =	sshll.u32 @!p1 s3, $0xD  }
0xe6: {  	[tilespmem:s10], [sflag:$0x2] =	stream.indirect.gather [hbm4b:s13+s31], $0x80, s0, s31, $0xb8;
	[tilespmem:$0x1F080] =	vst v63  }
0xe7: {  	s0 =	sadd.s32 @!p1 s5, s1;
	s2 =	sand.u32 @!p1 $0x2000, s2  }
0xe8: {  	[tilespmem:s2], [sflag:$0x7] =	stream.linear.gather @!p1 [hbm4b:s0+s16], $0xC80, $0x38;
	[tilespmem:$0x1F080] =	vst v63  }
0xe9: {  	s19 =	simm.s32 $0x1;
	s0 =	sadd.s32 @!p1 s1, s9;
	s1 =	sor.u32 @!p1 $0x1000, s2  }
0xea: {  	[tilespmem:s1], [sflag:$0x7] =	stream.linear.gather @!p1 [hbm4b:s0+s16], $0xC80, $0x38;
	[tilespmem:$0x1F080] =	vst v63  }
0xeb: {  	_ =	swait.ge [sflag:s19], $0x2800  }
0xec: {  	[sflag:s19] =	ssyncset.done $0x0  }
0xed: {  	s21 =	simm.s32 $0x6;
	s20 =	simm.s32 $0x1B80;
	[sflag:s19] =	ssyncadd.s32 $0xFFFFD800  }
0xee: {  	[spmem:s26] =	stream.indirect.scatter.add.f32 [tilespmem:s7], [sflag:$0x4], $0x80, s20, s31, $0xb8;
	[tilespmem:$0x1F080] =	vst v63  }
0xef: {  	_ =	swait.ge [sflag:s21], $0x2800  }
0xf0: {  	[sflag:s21] =	ssyncset.done $0x0  }
0xf1: {  	[sflag:s21] =	ssyncadd.s32 $0xFFFFD800  }
0xf2: {  	_ =	swait.ge [sflag:s28], $0x2800  }
0xf3: {  	[sflag:s28] =	ssyncset.done $0x0  }
0xf4: {  	s22 =	simm.s32 $0x1C00;
	[sflag:s28] =	ssyncadd.s32 $0xFFFFD800  }
0xf5: {  	[spmem:s26] =	stream.indirect.scatter.add.f32 [tilespmem:s10], [sflag:$0x5], $0x80, s22, s31, $0xb8;
	[tilespmem:$0x1F080] =	vst v63  }
0xf6: {  	_ =	swait.ge [sflag:s14], $0x2800  }
0xf7: {  	[sflag:s14] =	ssyncset.done $0x0  }
0xf8: {  	[sflag:s14] =	ssyncadd.s32 $0xFFFFD800  }
0xf9: {  	_ =	swait.ge [sflag:s18], $0x2800  }
0xfa: {  	[sflag:s18] =	ssyncset.done $0x0  }
0xfb: {  	[sflag:s18] =	ssyncadd.s32 $0xFFFFD800  }
0xfc: {  	s23 =	stileid.u32;
	[bflag:$0x0] =	sbarrier.arrive $0xFFFF  }
0xfd: {  	s4 =	simm.s32 $0x8;
	s0 =	sshll.u32 s23, $0x6;
	s2 =	rddreg [dreg:$0x9]  }
0xfe: {  	s0 =	sor.u32 $0x1C08, s0;
	s25 =	rddreg [dreg:$0xc];
	s24 =	sshrl.u32 s2, $0x3  }
0xff: {  	[hbm:s25], [sflag:s0] =	dma.local [spmem:s24], $0x2700  }
0x100: {  	_ =	swait.ge [sflag:s4], $0x2700  }
0x101: {  	s26 =	sld [smem:$0x7FD];
	_ =	sdelay $0x2  }
0x102: {  	[sflag:s4] =	ssyncset.done $0x0;
	s11 =	rddreg [dreg:$0xb];
	p1 =	seq.s32 s26, $0x1  }
0x103: {  	s3 =	rddreg [dreg:$0xd];
	[sflag:s4] =	ssyncadd.s32 $0xFFFFD900;
	s1 =	sshrl.u32 @!p1 s11, $0x3  }
0x104: {  	[hbm:s3], [sflag:s0] =	dma.local @!p1 [spmem:s1], $0x100  }
0x105: {  	s0 =	simm.s32 @!p1 $0x8  }
0x106: {  	_ =	swait.ge @!p1 [sflag:s0], $0x100  }
0x107: {  	s29 =	rddreg [dreg:$0x15]  }
0x108: {  	s30 =	rddreg [dreg:$0xe];
	s3 =	sadd.s32 $0x1, s29  }
0x109: {  	p0 =	sne.s32 s3, s30  }
.Ltmp1:
0x10a: {  	_ = 	snop;
	(pc) =	sbr.rel @p0 .LBB2_1-.Ltmp1, $3  }
0x10b: {  	_ =	sdelay $0x1  }
0x10c: {  	[sflag:s0] =	ssyncset.done @!p1 $0x0  }
0x10d: {  	s13 =	simm.s32 $0x6800;
	[sflag:s0] =	ssyncadd.s32 @!p1 $0xFFFFFF00  }
0x10e: {  	_ =	sfence.sel $0x180000  }
0x10f: {  	[bflag:$0x0] =	sbarrier.arrive $0xFFFF  }
0x110: {  	_ =	strace $0x9000004A  }
0x111: {  	[bflag:$0x2] =	sbarrier.arrive $0xFFFF  }
0x112: {  	s0 =	rddreg [dreg:$0x3]  }
0x113: {  	s0 =	sadd.s32 @!p1 $0x100000, s0  }
0x114: {  	[sflag:s0] =	ssyncadd.tile.s32 @!p1 $0x1;
	_ =	shalt  }
.Lfunc_end2:
_tile_overlayer_lowered:
.L_overlay_start_2:
0x115: {  	(tag) =	ssettag $0x2  }
0x116: {  	s0 =	rddreg [dreg:$0x0];
	s2 =	stileid.u32  }
0x117: {  	s1 =	rddreg [dreg:$0x1];
	p0 =	sne.s32 s2, $0x0  }
0x118: {  	s3 =	rddreg [dreg:$0x2];
	[bflag:$0x3] =	sbarrier.arrive $0xFFFF;
	s2 =	simm.s32 @!p0 $0x1C08  }
0x119: {  	[timem:s3], [sflag:s2] =	dma.local @!p0 [hbm:s0], s1  }
0x11a: {  	s0 =	simm.s32 @!p0 $0x8  }
0x11b: {  	_ =	swait.ge @!p0 [sflag:s0], s1  }
0x11c: {  	s1 =	ssub.s32 @!p0 $0x0, s1;
	[sflag:s0] =	ssyncset.done @!p0 $0x0  }
0x11d: {  	[sflag:s0] =	ssyncadd.s32 @!p0 s1  }
0x11e: {  	[bflag:$0x3] =	sbarrier.arrive $0xFFFF  }
0x11f: {  	_ =	shalt  }

</sc_bundles>
